<compile_context>
chip_gen: v7x
topology: tpu7x:2x2x1
jax: 0.10.2.dev20260603
libtpu: 0.0.44.dev20260713+nightly
codegen_flags: <defaults>
</compile_context>

<pallas_src>
import functools

import jax
import jax.numpy as jnp
from jax import lax
from jax.experimental import pallas as pl
from jax.experimental.pallas import tpu as pltpu
from jax.experimental.pallas import tpu_sc as plsc

N = 10000
D = 128
H1 = 32
H2 = 16
E = 320000

NC = 2
NS = 16
NW = NC * NS
CW = 128
KPW = 80
EPAD = NW * KPW * CW
NPAD = 10240
RPT = NPAD // NS
LASTR = N - (NS - 1) * RPT
DEGW = 8
GRP = 8
KPC = NW * KPW // NS
GRP2 = 8

_mesh = plsc.VectorSubcoreMesh(core_axis_name="c", subcore_axis_name="s")


@functools.partial(
    pl.kernel,
    out_type=jax.ShapeDtypeStruct((NC, NPAD, DEGW), jnp.float32),
    mesh=_mesh,
    scratch_types=[
        pltpu.VMEM((KPW, CW), jnp.int32),
        pltpu.VMEM((CW, DEGW), jnp.float32),
        pltpu.VMEM_SHARED((NPAD, DEGW), jnp.float32),
        pltpu.SemaphoreType.DMA,
    ],
    compiler_params=pltpu.CompilerParams(use_tc_tiling_on_sc=False),
)
def _deg_kernel(dst_hbm, ones_hbm, zeros_hbm, out_hbm, idx_v, ones_v, acc, sem):
    c = lax.axis_index("c")
    sid = lax.axis_index("s")
    wid = sid * NC + c
    pltpu.sync_copy(dst_hbm.at[pl.ds(wid * KPW, KPW)], idx_v)
    pltpu.sync_copy(ones_hbm, ones_v)
    pltpu.sync_copy(zeros_hbm.at[pl.ds(sid * RPT, RPT)],
                    acc.at[pl.ds(sid * RPT, RPT)])
    plsc.subcore_barrier()

    def fire(k, carry):
        pltpu.async_copy(ones_v, acc.at[idx_v.at[k]], sem, add=True)
        return carry

    lax.fori_loop(0, KPW, fire, 0)

    def drain(k, carry):
        pltpu.make_async_copy(ones_v, acc.at[idx_v.at[0]], sem).wait()
        return carry

    lax.fori_loop(0, KPW, drain, 0)
    plsc.subcore_barrier()
    pltpu.sync_copy(acc.at[pl.ds(sid * RPT, RPT)],
                    out_hbm.at[c, pl.ds(sid * RPT, RPT)])


@functools.partial(
    pl.kernel,
    out_type=jax.ShapeDtypeStruct((NC, NPAD, H1), jnp.float32),
    mesh=_mesh,
    scratch_types=[
        pltpu.VMEM((KPW, CW), jnp.int32),
        pltpu.VMEM((KPW, CW), jnp.int32),
        pltpu.VMEM((GRP, CW, H1), jnp.float32),
        pltpu.VMEM_SHARED((NPAD, H1), jnp.float32),
        pltpu.VMEM_SHARED((NPAD, H1), jnp.float32),
        pltpu.SemaphoreType.DMA((GRP,)),
        pltpu.SemaphoreType.DMA((GRP,)),
    ],
    compiler_params=pltpu.CompilerParams(use_tc_tiling_on_sc=False),
)
def _msg_kernel(tab_hbm, src_hbm, dst_hbm, zeros_hbm, out_hbm,
                src_v, dst_v, rows_v, acc, tab_sh, gsem, ssem):
    c = lax.axis_index("c")
    sid = lax.axis_index("s")
    wid = sid * NC + c
    pltpu.sync_copy(src_hbm.at[pl.ds(wid * KPW, KPW)], src_v)
    pltpu.sync_copy(dst_hbm.at[pl.ds(wid * KPW, KPW)], dst_v)
    pltpu.sync_copy(zeros_hbm.at[pl.ds(sid * RPT, RPT)],
                    acc.at[pl.ds(sid * RPT, RPT)])
    pltpu.sync_copy(tab_hbm.at[pl.ds(sid * RPT, RPT)],
                    tab_sh.at[pl.ds(sid * RPT, RPT)])
    plsc.subcore_barrier()

    def group(g, carry):
        base = g * GRP

        for b in range(GRP):
            @pl.when(g > 0)
            def _(b=b):
                pltpu.make_async_copy(
                    rows_v.at[b], acc.at[dst_v.at[0]], ssem.at[b]).wait()

            pltpu.async_copy(
                tab_sh.at[src_v.at[base + b]], rows_v.at[b], gsem.at[b])
        for b in range(GRP):
            pltpu.make_async_copy(
                tab_sh.at[src_v.at[0]], rows_v.at[b], gsem.at[b]).wait()
            pltpu.async_copy(
                rows_v.at[b], acc.at[dst_v.at[base + b]], ssem.at[b],
                add=True)
        return carry

    lax.fori_loop(0, KPW // GRP, group, 0)
    for b in range(GRP):
        pltpu.make_async_copy(rows_v.at[b], acc.at[dst_v.at[0]],
                              ssem.at[b]).wait()
    plsc.subcore_barrier()
    pltpu.sync_copy(acc.at[pl.ds(sid * RPT, RPT)],
                    out_hbm.at[c, pl.ds(sid * RPT, RPT)])


@functools.partial(
    pl.kernel,
    out_type=(jax.ShapeDtypeStruct((N, H2), jnp.float32),
              jax.ShapeDtypeStruct((N, H2), jnp.float32)),
    mesh=_mesh,
    scratch_types=[
        pltpu.VMEM((KPC, CW), jnp.int32),
        pltpu.VMEM((KPC, CW), jnp.int32),
        pltpu.VMEM((GRP2, CW, H2), jnp.float32),
        pltpu.VMEM((RPT, H2), jnp.float32),
        pltpu.VMEM((RPT, H2), jnp.float32),
        pltpu.VMEM((RPT, H2), jnp.float32),
        pltpu.VMEM((H2,), jnp.float32),
        pltpu.VMEM_SHARED((NPAD, H2), jnp.float32),
        pltpu.VMEM_SHARED((NPAD, H2), jnp.float32),
        pltpu.SemaphoreType.DMA((GRP2,)),
        pltpu.SemaphoreType.DMA((GRP2,)),
    ],
    compiler_params=pltpu.CompilerParams(use_tc_tiling_on_sc=False),
)
def _vae_head_kernel(tab_hbm, src_hbm, dst_hbm, zeros_hbm, s_hbm, bias_hbm,
                     mu_hbm, lv_hbm, src_v, dst_v, rows_v,
                     facc_v, fout_v, fs_v, fb_v, acc, tab_sh, gsem, ssem):
    c = lax.axis_index("c")
    sid = lax.axis_index("s")
    pltpu.sync_copy(src_hbm.at[pl.ds(sid * KPC, KPC)], src_v)
    pltpu.sync_copy(dst_hbm.at[pl.ds(sid * KPC, KPC)], dst_v)
    pltpu.sync_copy(zeros_hbm.at[pl.ds(sid * RPT, RPT)],
                    acc.at[pl.ds(sid * RPT, RPT)])
    pltpu.sync_copy(tab_hbm.at[c, pl.ds(sid * RPT, RPT)],
                    tab_sh.at[pl.ds(sid * RPT, RPT)])
    plsc.subcore_barrier()

    def group(g, carry):
        base = g * GRP2

        for b in range(GRP2):
            @pl.when(g > 0)
            def _(b=b):
                pltpu.make_async_copy(
                    rows_v.at[b], acc.at[dst_v.at[0]], ssem.at[b]).wait()

            pltpu.async_copy(
                tab_sh.at[src_v.at[base + b]], rows_v.at[b], gsem.at[b])
        for b in range(GRP2):
            pltpu.make_async_copy(
                tab_sh.at[src_v.at[0]], rows_v.at[b], gsem.at[b]).wait()
            pltpu.async_copy(
                rows_v.at[b], acc.at[dst_v.at[base + b]], ssem.at[b],
                add=True)
        return carry

    lax.fori_loop(0, KPC // GRP2, group, 0)
    for b in range(GRP2):
        pltpu.make_async_copy(rows_v.at[b], acc.at[dst_v.at[0]],
                              ssem.at[b]).wait()
    plsc.subcore_barrier()
    pltpu.sync_copy(acc.at[pl.ds(sid * RPT, RPT)], facc_v)
    pltpu.sync_copy(tab_sh.at[pl.ds(sid * RPT, RPT)], fout_v)
    pltpu.sync_copy(s_hbm.at[pl.ds(sid * RPT, RPT)], fs_v)
    pltpu.sync_copy(bias_hbm.at[c], fb_v)
    bias = fb_v[...]

    def frow(r, carry):
        fout_v[r, :] = fs_v[r, :] * (facc_v[r, :] + fout_v[r, :]) + bias
        return carry

    lax.fori_loop(0, RPT, frow, 0)

    @pl.when(c == 0)
    def _():
        @pl.when(sid < NS - 1)
        def _():
            pltpu.sync_copy(fout_v, mu_hbm.at[pl.ds(sid * RPT, RPT)])

        @pl.when(sid == NS - 1)
        def _():
            pltpu.sync_copy(fout_v.at[pl.ds(0, LASTR)],
                            mu_hbm.at[pl.ds((NS - 1) * RPT, LASTR)])

    @pl.when(c == 1)
    def _():
        @pl.when(sid < NS - 1)
        def _():
            pltpu.sync_copy(fout_v, lv_hbm.at[pl.ds(sid * RPT, RPT)])

        @pl.when(sid == NS - 1)
        def _():
            pltpu.sync_copy(fout_v.at[pl.ds(0, LASTR)],
                            lv_hbm.at[pl.ds((NS - 1) * RPT, LASTR)])


def _mm_body(x_ref, w_ref, o_ref):
    o_ref[...] = jnp.dot(x_ref[...], w_ref[...],
                         preferred_element_type=jnp.float32)


def _mm(x, w):
    return pl.pallas_call(
        _mm_body,
        out_shape=jax.ShapeDtypeStruct((N, w.shape[1]), jnp.float32),
    )(x, w)


def _rsqrt_deg(deg_ref):
    d = deg_ref[0, :N, 0:1] + deg_ref[1, :N, 0:1] + 1.0
    return lax.rsqrt(d)


def _scale_body(deg_ref, h_ref, o_ref):
    o_ref[:N, :] = h_ref[...] * _rsqrt_deg(deg_ref)


def _scale(deg2, h):
    return pl.pallas_call(
        _scale_body,
        out_shape=jax.ShapeDtypeStruct((NPAD, H1), jnp.float32),
    )(deg2, h)


def _layer1_body(agg_ref, hs_ref, deg_ref, w_ref, b_ref, tab_ref, s_ref):
    s = _rsqrt_deg(deg_ref)
    h1 = (s * (agg_ref[0, :N, :] + agg_ref[1, :N, :] + hs_ref[:N, :])
          + b_ref[...])
    ts = s * jnp.dot(h1, w_ref[...], preferred_element_type=jnp.float32)
    tab_ref[0, :N, :] = ts[:, :H2]
    tab_ref[1, :N, :] = ts[:, H2:]
    s_ref[:N, :] = jnp.broadcast_to(s, (N, H2))


def _layer1(agg1, hs, deg2, wc, b1r):
    return pl.pallas_call(
        _layer1_body,
        out_shape=(jax.ShapeDtypeStruct((NC, NPAD, H2), jnp.float32),
                   jax.ShapeDtypeStruct((NPAD, H2), jnp.float32)),
    )(agg1, hs, deg2, wc, b1r)


_BM = 200


def _dec_body(z_ref, zt_ref, o_ref):
    y = jnp.dot(z_ref[...], zt_ref[...], preferred_element_type=jnp.float32)
    o_ref[...] = 1.0 / (1.0 + jnp.exp(-y))


def _decoder(z, zt):
    return pl.pallas_call(
        _dec_body,
        grid=(N // _BM,),
        in_specs=[pl.BlockSpec((_BM, H2), lambda i: (i, 0)),
                  pl.BlockSpec((H2, N), lambda i: (0, 0))],
        out_specs=pl.BlockSpec((_BM, N), lambda i: (i, 0)),
        out_shape=jax.ShapeDtypeStruct((N, N), jnp.float32),
    )(z, zt)


def kernel(x, edge_index, W1, b1, W2, b2, W3, b3):
    src = edge_index[0]
    dst = edge_index[1]
    pad = EPAD - E
    srcp = jnp.concatenate(
        [src, jnp.zeros((pad,), jnp.int32)]).reshape(NW * KPW, CW)
    dstp = jnp.concatenate(
        [dst, jnp.full((pad,), NPAD - 1, jnp.int32)]).reshape(NW * KPW, CW)
    ones_deg = jnp.ones((CW, DEGW), jnp.float32)
    zeros_deg = jnp.zeros((NPAD, DEGW), jnp.float32)
    zeros_msg = jnp.zeros((NPAD, H1), jnp.float32)

    deg2 = _deg_kernel(dstp, ones_deg, zeros_deg)
    h = _mm(x, W1)
    hs = _scale(deg2, h)
    agg1 = _msg_kernel(hs, srcp, dstp, zeros_msg)
    wc = jnp.concatenate([W2, W3], axis=1)
    tab2, s16 = _layer1(agg1, hs, deg2, wc, b1.reshape(1, H1))
    zeros16 = jnp.zeros((NPAD, H2), jnp.float32)
    bias2 = jnp.stack([b2, b3])
    mu, logvar = _vae_head_kernel(tab2, srcp, dstp, zeros16, s16, bias2)
    adj = _decoder(mu, mu.T)
    return adj, mu, logvar

# --- scband reference (transcript-rebuilt; emitter-appended) ---
"""Pipeline reference for scband-gcnmodel-vae-28905129902430 (READ-ONLY COPY).

The authoritative reference and input builder live on the scoring server;
editing this copy changes nothing except your own understanding.
"""

import jax, jax.numpy as jnp
import numpy as np

N = 10000
E = 320000
D = 128
H1 = 32
H2 = 16


def _glorot(key, fan_in, fan_out):
    limit = np.sqrt(6.0 / (fan_in + fan_out))
    return jax.random.uniform(key, (fan_in, fan_out), dtype=jnp.float32, minval=-limit, maxval=limit)


def setup_inputs(seed: int = 0) -> dict:
    key = jax.random.key(seed)
    ks = jax.random.split(key, 8)
    x = jax.random.normal(ks[0], (N, D), dtype=jnp.float32)
    edge_index = jax.random.randint(ks[1], (2, E), 0, N, dtype=jnp.int32)
    W1 = _glorot(ks[2], D, H1)
    b1 = jnp.zeros((H1,), dtype=jnp.float32)
    W2 = _glorot(ks[3], H1, H2)
    b2 = jnp.zeros((H2,), dtype=jnp.float32)
    W3 = _glorot(ks[4], H1, H2)
    b3 = jnp.zeros((H2,), dtype=jnp.float32)
    return {"x": x, "edge_index": edge_index, "W1": W1, "b1": b1, "W2": W2, "b2": b2, "W3": W3, "b3": b3}


def _gcn_norm(edge_index, num_nodes, dtype):
    # add self-loops, then symmetric normalization (PyG GCNConv default)
    src = edge_index[0]
    dst = edge_index[1]
    loop = jnp.arange(num_nodes, dtype=edge_index.dtype)
    src = jnp.concatenate([src, loop])
    dst = jnp.concatenate([dst, loop])
    deg = jax.ops.segment_sum(jnp.ones_like(src, dtype=dtype), dst, num_segments=num_nodes)
    deg_inv_sqrt = jnp.where(deg > 0, 1.0 / jnp.sqrt(deg), 0.0)
    norm = deg_inv_sqrt[src] * deg_inv_sqrt[dst]
    return src, dst, norm


def _gcn_conv(x, src, dst, norm, W, b, num_nodes):
    h = x @ W
    msg = h[src] * norm[:, None]
    out = jax.ops.segment_sum(msg, dst, num_segments=num_nodes)
    return out + b


def reference(x, edge_index, W1, b1, W2, b2, W3, b3):
    src, dst, norm = _gcn_norm(edge_index, N, x.dtype)
    hidden1 = _gcn_conv(x, src, dst, norm, W1, b1, N)
    mu = _gcn_conv(hidden1, src, dst, norm, W2, b2, N)
    logvar = _gcn_conv(hidden1, src, dst, norm, W3, b3, N)
    # eval-mode reparameterize: z = mu (no noise); dropout inactive in eval
    z = mu
    adj = jax.nn.sigmoid(z @ z.T)
    return (adj, mu, logvar)

if __name__ == "__main__":
    import jax
    _d = setup_inputs()
    print(jax.jit(kernel)(*tuple(_d.values())))

</pallas_src>

<mosaic_0001>
#map = affine_map<(d0, d1) -> (0, 0)>
#map1 = affine_map<(d0, d1) -> (0, 0, 0)>
module attributes {stable_mosaic.version = 14 : i64} {
  func.func @_deg_kernel(%arg0: i32, %arg1: i32, %arg2: memref<2560x128xi32, #tpu.memory_space<hbm>>, %arg3: memref<128x8xf32, #tpu.memory_space<hbm>>, %arg4: memref<10240x8xf32, #tpu.memory_space<hbm>>, %arg5: memref<2x10240x8xf32, #tpu.memory_space<hbm>>, %arg6: memref<80x128xi32, #tpu.memory_space<vmem>>, %arg7: memref<128x8xf32, #tpu.memory_space<vmem>>, %arg8: memref<10240x8xf32, #tpu.memory_space<vmem_shared>>, %arg9: memref<!tpu.dma_semaphore, #tpu.memory_space<semaphore_mem>>) attributes {dimension_semantics = [#tpu.dimension_semantics<core_parallel>, #tpu.dimension_semantics<subcore_parallel>], iteration_bounds = array<i64: 2, 16>, scalar_prefetch = 0 : i64, scratch_operands = 4 : i64, tpu.core_type = #tpu.core_type<sc_vector_subcore>, window_params = [{transform_indices = #map}, {transform_indices = #map}, {transform_indices = #map}, {transform_indices = #map1}]} {
    %mul3A = arith.constant 2 : i32
    %mul3A_0 = arith.muli %arg1, %mul3A : i32
    %add3A = arith.addi %mul3A_0, %arg0 : i32
    %mul3A_1 = arith.constant 80 : i32
    %mul3A_2 = arith.muli %add3A, %mul3A_1 : i32
    "tpu.region"() ({
      %run_scoped3A = tpu.sem_alloc : memref<!tpu.dma_semaphore, #tpu.memory_space<semaphore_mem>>
      %dma_start3A = arith.constant 0 : i32
      %dma_start3A_23 = tpu.memref_slice %arg2[%mul3A_2, %dma_start3A] : memref<2560x128xi32, #tpu.memory_space<hbm>> -> memref<80x128xi32, #tpu.memory_space<hbm>>
      %dma_start3A_24 = arith.constant 0 : i32
      %dma_start3A_25 = tpu.memref_slice %arg2[%mul3A_2, %dma_start3A_24] : memref<2560x128xi32, #tpu.memory_space<hbm>> -> memref<80x128xi32, #tpu.memory_space<hbm>>
      tpu.enqueue_dma source(%dma_start3A_25 : memref<80x128xi32, #tpu.memory_space<hbm>>) target(%arg6 : memref<80x128xi32, #tpu.memory_space<vmem>>) target_semaphore(%run_scoped3A : memref<!tpu.dma_semaphore, #tpu.memory_space<semaphore_mem>>)
      %dma_wait3A = arith.constant 0 : i32
      %dma_wait3A_26 = tpu.memref_slice %arg2[%mul3A_2, %dma_wait3A] : memref<2560x128xi32, #tpu.memory_space<hbm>> -> memref<80x128xi32, #tpu.memory_space<hbm>>
      %dma_wait3A_27 = arith.constant 0 : i32
      %dma_wait3A_28 = tpu.memref_slice %arg2[%mul3A_2, %dma_wait3A_27] : memref<2560x128xi32, #tpu.memory_space<hbm>> -> memref<80x128xi32, #tpu.memory_space<hbm>>
      tpu.wait_dma2 semaphore(%run_scoped3A : memref<!tpu.dma_semaphore, #tpu.memory_space<semaphore_mem>>) src(%dma_wait3A_28 : memref<80x128xi32, #tpu.memory_space<hbm>>) dst(%arg6 : memref<80x128xi32, #tpu.memory_space<vmem>>)
      tpu.yield
    }) : () -> ()
    "tpu.region"() ({
      %run_scoped3A = tpu.sem_alloc : memref<!tpu.dma_semaphore, #tpu.memory_space<semaphore_mem>>
      tpu.enqueue_dma source(%arg3 : memref<128x8xf32, #tpu.memory_space<hbm>>) target(%arg7 : memref<128x8xf32, #tpu.memory_space<vmem>>) target_semaphore(%run_scoped3A : memref<!tpu.dma_semaphore, #tpu.memory_space<semaphore_mem>>)
      tpu.wait_dma2 semaphore(%run_scoped3A : memref<!tpu.dma_semaphore, #tpu.memory_space<semaphore_mem>>) src(%arg3 : memref<128x8xf32, #tpu.memory_space<hbm>>) dst(%arg7 : memref<128x8xf32, #tpu.memory_space<vmem>>)
      tpu.yield
    }) : () -> ()
    %mul3A_3 = arith.constant 640 : i32
    %mul3A_4 = arith.muli %arg1, %mul3A_3 : i32
    %mul3A_5 = arith.constant 640 : i32
    %mul3A_6 = arith.muli %arg1, %mul3A_5 : i32
    "tpu.region"() ({
      %run_scoped3A = tpu.sem_alloc : memref<!tpu.dma_semaphore, #tpu.memory_space<semaphore_mem>>
      %dma_start3A = arith.constant 0 : i32
      %dma_start3A_23 = tpu.memref_slice %arg8[%mul3A_6, %dma_start3A] : memref<10240x8xf32, #tpu.memory_space<vmem_shared>> -> memref<640x8xf32, #tpu.memory_space<vmem_shared>>
      %dma_start3A_24 = arith.constant 0 : i32
      %dma_start3A_25 = tpu.memref_slice %arg4[%mul3A_4, %dma_start3A_24] : memref<10240x8xf32, #tpu.memory_space<hbm>> -> memref<640x8xf32, #tpu.memory_space<hbm>>
      tpu.enqueue_dma source(%dma_start3A_25 : memref<640x8xf32, #tpu.memory_space<hbm>>) target(%dma_start3A_23 : memref<640x8xf32, #tpu.memory_space<vmem_shared>>) target_semaphore(%run_scoped3A : memref<!tpu.dma_semaphore, #tpu.memory_space<semaphore_mem>>)
      %dma_wait3A = arith.constant 0 : i32
      %dma_wait3A_26 = tpu.memref_slice %arg8[%mul3A_6, %dma_wait3A] : memref<10240x8xf32, #tpu.memory_space<vmem_shared>> -> memref<640x8xf32, #tpu.memory_space<vmem_shared>>
      %dma_wait3A_27 = arith.constant 0 : i32
      %dma_wait3A_28 = tpu.memref_slice %arg4[%mul3A_4, %dma_wait3A_27] : memref<10240x8xf32, #tpu.memory_space<hbm>> -> memref<640x8xf32, #tpu.memory_space<hbm>>
      tpu.wait_dma2 semaphore(%run_scoped3A : memref<!tpu.dma_semaphore, #tpu.memory_space<semaphore_mem>>) src(%dma_wait3A_28 : memref<640x8xf32, #tpu.memory_space<hbm>>) dst(%dma_wait3A_26 : memref<640x8xf32, #tpu.memory_space<vmem_shared>>)
      tpu.yield
    }) : () -> ()
    %barrier3A = arith.constant 0 : index
    tpu.barrier barrier_id(%barrier3A)
    %scan3A = arith.constant 0 : i32
    %scan3A_7 = arith.constant 0 : i32
    %scan3A_8 = arith.constant 80 : i32
    %scan3A_9 = arith.addi %scan3A_7, %scan3A_8 : i32
    %scan3A_10 = arith.constant 1 : i32
    scf.for %scan3A_23 = %scan3A_7 to %scan3A_9 step %scan3A_10  : i32 {
      %dma_start3A = arith.constant 0 : i32
      %dma_start3A_24 = tpu.memref_slice %arg6[%scan3A_23, %dma_start3A] : memref<80x128xi32, #tpu.memory_space<vmem>> -> memref<1x128xi32, #tpu.memory_space<vmem>>
      %dma_start3A_25 = tpu.memref_squeeze %dma_start3A_24 : memref<1x128xi32, #tpu.memory_space<vmem>> -> memref<128xi32, #tpu.memory_space<vmem>>
      %dma_start3A_26 = arith.constant 0 : i32
      %dma_start3A_27 = arith.constant 0 : i32
      %dma_start3A_28 = tpu.memref_slice %arg8[%dma_start3A_26, %dma_start3A_27] : memref<10240x8xf32, #tpu.memory_space<vmem_shared>> -> memref<10240x8xf32, #tpu.memory_space<vmem_shared>>
      tpu.enqueue_indirect_dma source(%arg7 : memref<128x8xf32, #tpu.memory_space<vmem>>) target(%dma_start3A_28 : memref<10240x8xf32, #tpu.memory_space<vmem_shared>>) offsets(%dma_start3A_25 : memref<128xi32, #tpu.memory_space<vmem>>) semaphore(%arg9 : memref<!tpu.dma_semaphore, #tpu.memory_space<semaphore_mem>>) {add = true}
    }
    %scan3A_11 = arith.constant 80 : i32
    %scan3A_12 = arith.constant 0 : i32
    %scan3A_13 = arith.constant 0 : i32
    %scan3A_14 = arith.constant 80 : i32
    %scan3A_15 = arith.addi %scan3A_13, %scan3A_14 : i32
    %scan3A_16 = arith.constant 1 : i32
    scf.for %scan3A_23 = %scan3A_13 to %scan3A_15 step %scan3A_16  : i32 {
      %dma_wait3A = arith.constant 0 : i32
      %dma_wait3A_24 = arith.constant 0 : i32
      %dma_wait3A_25 = tpu.memref_slice %arg6[%dma_wait3A, %dma_wait3A_24] : memref<80x128xi32, #tpu.memory_space<vmem>> -> memref<1x128xi32, #tpu.memory_space<vmem>>
      %dma_wait3A_26 = tpu.memref_squeeze %dma_wait3A_25 : memref<1x128xi32, #tpu.memory_space<vmem>> -> memref<128xi32, #tpu.memory_space<vmem>>
      %dma_wait3A_27 = arith.constant 0 : i32
      %dma_wait3A_28 = arith.constant 0 : i32
      %dma_wait3A_29 = tpu.memref_slice %arg8[%dma_wait3A_27, %dma_wait3A_28] : memref<10240x8xf32, #tpu.memory_space<vmem_shared>> -> memref<10240x8xf32, #tpu.memory_space<vmem_shared>>
      tpu.wait_indirect_dma semaphore(%arg9 : memref<!tpu.dma_semaphore, #tpu.memory_space<semaphore_mem>>) src(%arg7 : memref<128x8xf32, #tpu.memory_space<vmem>>) dst(%dma_wait3A_29 : memref<10240x8xf32, #tpu.memory_space<vmem_shared>>)
    }
    %scan3A_17 = arith.constant 80 : i32
    %barrier3A_18 = arith.constant 0 : index
    tpu.barrier barrier_id(%barrier3A_18)
    %mul3A_19 = arith.constant 640 : i32
    %mul3A_20 = arith.muli %arg1, %mul3A_19 : i32
    %mul3A_21 = arith.constant 640 : i32
    %mul3A_22 = arith.muli %arg1, %mul3A_21 : i32
    "tpu.region"() ({
      %run_scoped3A = tpu.sem_alloc : memref<!tpu.dma_semaphore, #tpu.memory_space<semaphore_mem>>
      %dma_start3A = arith.constant 0 : i32
      %dma_start3A_23 = tpu.memref_slice %arg5[%arg0, %mul3A_22, %dma_start3A] : memref<2x10240x8xf32, #tpu.memory_space<hbm>> -> memref<1x640x8xf32, #tpu.memory_space<hbm>>
      %dma_start3A_24 = tpu.memref_squeeze %dma_start3A_23 : memref<1x640x8xf32, #tpu.memory_space<hbm>> -> memref<640x8xf32, #tpu.memory_space<hbm>>
      %dma_start3A_25 = arith.constant 0 : i32
      %dma_start3A_26 = tpu.memref_slice %arg8[%mul3A_20, %dma_start3A_25] : memref<10240x8xf32, #tpu.memory_space<vmem_shared>> -> memref<640x8xf32, #tpu.memory_space<vmem_shared>>
      tpu.enqueue_dma source(%dma_start3A_26 : memref<640x8xf32, #tpu.memory_space<vmem_shared>>) target(%dma_start3A_24 : memref<640x8xf32, #tpu.memory_space<hbm>>) target_semaphore(%run_scoped3A : memref<!tpu.dma_semaphore, #tpu.memory_space<semaphore_mem>>)
      %dma_wait3A = arith.constant 0 : i32
      %dma_wait3A_27 = tpu.memref_slice %arg5[%arg0, %mul3A_22, %dma_wait3A] : memref<2x10240x8xf32, #tpu.memory_space<hbm>> -> memref<1x640x8xf32, #tpu.memory_space<hbm>>
      %dma_wait3A_28 = tpu.memref_squeeze %dma_wait3A_27 : memref<1x640x8xf32, #tpu.memory_space<hbm>> -> memref<640x8xf32, #tpu.memory_space<hbm>>
      %dma_wait3A_29 = arith.constant 0 : i32
      %dma_wait3A_30 = tpu.memref_slice %arg8[%mul3A_20, %dma_wait3A_29] : memref<10240x8xf32, #tpu.memory_space<vmem_shared>> -> memref<640x8xf32, #tpu.memory_space<vmem_shared>>
      tpu.wait_dma2 semaphore(%run_scoped3A : memref<!tpu.dma_semaphore, #tpu.memory_space<semaphore_mem>>) src(%dma_wait3A_30 : memref<640x8xf32, #tpu.memory_space<vmem_shared>>) dst(%dma_wait3A_28 : memref<640x8xf32, #tpu.memory_space<hbm>>)
      tpu.yield
    }) : () -> ()
    return
  }
}

#map = affine_map<(d0, d1) -> (0, 0, 0)>
#map1 = affine_map<(d0, d1) -> (0, 0)>
module attributes {stable_mosaic.version = 14 : i64} {
  func.func @_vae_head_kernel(%arg0: i32, %arg1: i32, %arg2: memref<2x10240x16xf32, #tpu.memory_space<hbm>>, %arg3: memref<2560x128xi32, #tpu.memory_space<hbm>>, %arg4: memref<2560x128xi32, #tpu.memory_space<hbm>>, %arg5: memref<10240x16xf32, #tpu.memory_space<hbm>>, %arg6: memref<10240x16xf32, #tpu.memory_space<hbm>>, %arg7: memref<2x16xf32, #tpu.memory_space<hbm>>, %arg8: memref<10000x16xf32, #tpu.memory_space<hbm>>, %arg9: memref<10000x16xf32, #tpu.memory_space<hbm>>, %arg10: memref<160x128xi32, #tpu.memory_space<vmem>>, %arg11: memref<160x128xi32, #tpu.memory_space<vmem>>, %arg12: memref<8x128x16xf32, #tpu.memory_space<vmem>>, %arg13: memref<640x16xf32, #tpu.memory_space<vmem>>, %arg14: memref<640x16xf32, #tpu.memory_space<vmem>>, %arg15: memref<640x16xf32, #tpu.memory_space<vmem>>, %arg16: memref<16xf32, #tpu.memory_space<vmem>>, %arg17: memref<10240x16xf32, #tpu.memory_space<vmem_shared>>, %arg18: memref<10240x16xf32, #tpu.memory_space<vmem_shared>>, %arg19: memref<8x!tpu.dma_semaphore, #tpu.memory_space<semaphore_mem>>, %arg20: memref<8x!tpu.dma_semaphore, #tpu.memory_space<semaphore_mem>>) attributes {dimension_semantics = [#tpu.dimension_semantics<core_parallel>, #tpu.dimension_semantics<subcore_parallel>], iteration_bounds = array<i64: 2, 16>, scalar_prefetch = 0 : i64, scratch_operands = 11 : i64, tpu.core_type = #tpu.core_type<sc_vector_subcore>, window_params = [{transform_indices = #map}, {transform_indices = #map1}, {transform_indices = #map1}, {transform_indices = #map1}, {transform_indices = #map1}, {transform_indices = #map1}, {transform_indices = #map1}, {transform_indices = #map1}]} {
    %mul3A = arith.constant 160 : i32
    %mul3A_0 = arith.muli %arg1, %mul3A : i32
    "tpu.region"() ({
      %run_scoped3A = tpu.sem_alloc : memref<!tpu.dma_semaphore, #tpu.memory_space<semaphore_mem>>
      %dma_start3A = arith.constant 0 : i32
      %dma_start3A_157 = tpu.memref_slice %arg3[%mul3A_0, %dma_start3A] : memref<2560x128xi32, #tpu.memory_space<hbm>> -> memref<160x128xi32, #tpu.memory_space<hbm>>
      %dma_start3A_158 = arith.constant 0 : i32
      %dma_start3A_159 = tpu.memref_slice %arg3[%mul3A_0, %dma_start3A_158] : memref<2560x128xi32, #tpu.memory_space<hbm>> -> memref<160x128xi32, #tpu.memory_space<hbm>>
      tpu.enqueue_dma source(%dma_start3A_159 : memref<160x128xi32, #tpu.memory_space<hbm>>) target(%arg10 : memref<160x128xi32, #tpu.memory_space<vmem>>) target_semaphore(%run_scoped3A : memref<!tpu.dma_semaphore, #tpu.memory_space<semaphore_mem>>)
      %dma_wait3A_160 = arith.constant 0 : i32
      %dma_wait3A_161 = tpu.memref_slice %arg3[%mul3A_0, %dma_wait3A_160] : memref<2560x128xi32, #tpu.memory_space<hbm>> -> memref<160x128xi32, #tpu.memory_space<hbm>>
      %dma_wait3A_162 = arith.constant 0 : i32
      %dma_wait3A_163 = tpu.memref_slice %arg3[%mul3A_0, %dma_wait3A_162] : memref<2560x128xi32, #tpu.memory_space<hbm>> -> memref<160x128xi32, #tpu.memory_space<hbm>>
      tpu.wait_dma2 semaphore(%run_scoped3A : memref<!tpu.dma_semaphore, #tpu.memory_space<semaphore_mem>>) src(%dma_wait3A_163 : memref<160x128xi32, #tpu.memory_space<hbm>>) dst(%arg10 : memref<160x128xi32, #tpu.memory_space<vmem>>)
      tpu.yield
    }) : () -> ()
    %mul3A_1 = arith.constant 160 : i32
    %mul3A_2 = arith.muli %arg1, %mul3A_1 : i32
    "tpu.region"() ({
      %run_scoped3A = tpu.sem_alloc : memref<!tpu.dma_semaphore, #tpu.memory_space<semaphore_mem>>
      %dma_start3A = arith.constant 0 : i32
      %dma_start3A_157 = tpu.memref_slice %arg4[%mul3A_2, %dma_start3A] : memref<2560x128xi32, #tpu.memory_space<hbm>> -> memref<160x128xi32, #tpu.memory_space<hbm>>
      %dma_start3A_158 = arith.constant 0 : i32
      %dma_start3A_159 = tpu.memref_slice %arg4[%mul3A_2, %dma_start3A_158] : memref<2560x128xi32, #tpu.memory_space<hbm>> -> memref<160x128xi32, #tpu.memory_space<hbm>>
      tpu.enqueue_dma source(%dma_start3A_159 : memref<160x128xi32, #tpu.memory_space<hbm>>) target(%arg11 : memref<160x128xi32, #tpu.memory_space<vmem>>) target_semaphore(%run_scoped3A : memref<!tpu.dma_semaphore, #tpu.memory_space<semaphore_mem>>)
      %dma_wait3A_160 = arith.constant 0 : i32
      %dma_wait3A_161 = tpu.memref_slice %arg4[%mul3A_2, %dma_wait3A_160] : memref<2560x128xi32, #tpu.memory_space<hbm>> -> memref<160x128xi32, #tpu.memory_space<hbm>>
      %dma_wait3A_162 = arith.constant 0 : i32
      %dma_wait3A_163 = tpu.memref_slice %arg4[%mul3A_2, %dma_wait3A_162] : memref<2560x128xi32, #tpu.memory_space<hbm>> -> memref<160x128xi32, #tpu.memory_space<hbm>>
      tpu.wait_dma2 semaphore(%run_scoped3A : memref<!tpu.dma_semaphore, #tpu.memory_space<semaphore_mem>>) src(%dma_wait3A_163 : memref<160x128xi32, #tpu.memory_space<hbm>>) dst(%arg11 : memref<160x128xi32, #tpu.memory_space<vmem>>)
      tpu.yield
    }) : () -> ()
    %mul3A_3 = arith.constant 640 : i32
    %mul3A_4 = arith.muli %arg1, %mul3A_3 : i32
    %mul3A_5 = arith.constant 640 : i32
    %mul3A_6 = arith.muli %arg1, %mul3A_5 : i32
    "tpu.region"() ({
      %run_scoped3A = tpu.sem_alloc : memref<!tpu.dma_semaphore, #tpu.memory_space<semaphore_mem>>
      %dma_start3A = arith.constant 0 : i32
      %dma_start3A_157 = tpu.memref_slice %arg17[%mul3A_6, %dma_start3A] : memref<10240x16xf32, #tpu.memory_space<vmem_shared>> -> memref<640x16xf32, #tpu.memory_space<vmem_shared>>
      %dma_start3A_158 = arith.constant 0 : i32
      %dma_start3A_159 = tpu.memref_slice %arg5[%mul3A_4, %dma_start3A_158] : memref<10240x16xf32, #tpu.memory_space<hbm>> -> memref<640x16xf32, #tpu.memory_space<hbm>>
      tpu.enqueue_dma source(%dma_start3A_159 : memref<640x16xf32, #tpu.memory_space<hbm>>) target(%dma_start3A_157 : memref<640x16xf32, #tpu.memory_space<vmem_shared>>) target_semaphore(%run_scoped3A : memref<!tpu.dma_semaphore, #tpu.memory_space<semaphore_mem>>)
      %dma_wait3A_160 = arith.constant 0 : i32
      %dma_wait3A_161 = tpu.memref_slice %arg17[%mul3A_6, %dma_wait3A_160] : memref<10240x16xf32, #tpu.memory_space<vmem_shared>> -> memref<640x16xf32, #tpu.memory_space<vmem_shared>>
      %dma_wait3A_162 = arith.constant 0 : i32
      %dma_wait3A_163 = tpu.memref_slice %arg5[%mul3A_4, %dma_wait3A_162] : memref<10240x16xf32, #tpu.memory_space<hbm>> -> memref<640x16xf32, #tpu.memory_space<hbm>>
      tpu.wait_dma2 semaphore(%run_scoped3A : memref<!tpu.dma_semaphore, #tpu.memory_space<semaphore_mem>>) src(%dma_wait3A_163 : memref<640x16xf32, #tpu.memory_space<hbm>>) dst(%dma_wait3A_161 : memref<640x16xf32, #tpu.memory_space<vmem_shared>>)
      tpu.yield
    }) : () -> ()
    %mul3A_7 = arith.constant 640 : i32
    %mul3A_8 = arith.muli %arg1, %mul3A_7 : i32
    %mul3A_9 = arith.constant 640 : i32
    %mul3A_10 = arith.muli %arg1, %mul3A_9 : i32
    "tpu.region"() ({
      %run_scoped3A = tpu.sem_alloc : memref<!tpu.dma_semaphore, #tpu.memory_space<semaphore_mem>>
      %dma_start3A = arith.constant 0 : i32
      %dma_start3A_157 = tpu.memref_slice %arg18[%mul3A_10, %dma_start3A] : memref<10240x16xf32, #tpu.memory_space<vmem_shared>> -> memref<640x16xf32, #tpu.memory_space<vmem_shared>>
      %dma_start3A_158 = arith.constant 0 : i32
      %dma_start3A_159 = tpu.memref_slice %arg2[%arg0, %mul3A_8, %dma_start3A_158] : memref<2x10240x16xf32, #tpu.memory_space<hbm>> -> memref<1x640x16xf32, #tpu.memory_space<hbm>>
      %dma_start3A_160 = tpu.memref_squeeze %dma_start3A_159 : memref<1x640x16xf32, #tpu.memory_space<hbm>> -> memref<640x16xf32, #tpu.memory_space<hbm>>
      tpu.enqueue_dma source(%dma_start3A_160 : memref<640x16xf32, #tpu.memory_space<hbm>>) target(%dma_start3A_157 : memref<640x16xf32, #tpu.memory_space<vmem_shared>>) target_semaphore(%run_scoped3A : memref<!tpu.dma_semaphore, #tpu.memory_space<semaphore_mem>>)
      %dma_wait3A_161 = arith.constant 0 : i32
      %dma_wait3A_162 = tpu.memref_slice %arg18[%mul3A_10, %dma_wait3A_161] : memref<10240x16xf32, #tpu.memory_space<vmem_shared>> -> memref<640x16xf32, #tpu.memory_space<vmem_shared>>
      %dma_wait3A_163 = arith.constant 0 : i32
      %dma_wait3A_164 = tpu.memref_slice %arg2[%arg0, %mul3A_8, %dma_wait3A_163] : memref<2x10240x16xf32, #tpu.memory_space<hbm>> -> memref<1x640x16xf32, #tpu.memory_space<hbm>>
      %dma_wait3A_165 = tpu.memref_squeeze %dma_wait3A_164 : memref<1x640x16xf32, #tpu.memory_space<hbm>> -> memref<640x16xf32, #tpu.memory_space<hbm>>
      tpu.wait_dma2 semaphore(%run_scoped3A : memref<!tpu.dma_semaphore, #tpu.memory_space<semaphore_mem>>) src(%dma_wait3A_165 : memref<640x16xf32, #tpu.memory_space<hbm>>) dst(%dma_wait3A_162 : memref<640x16xf32, #tpu.memory_space<vmem_shared>>)
      tpu.yield
    }) : () -> ()
    %barrier3A = arith.constant 0 : index
    tpu.barrier barrier_id(%barrier3A)
    %scan3A = arith.constant 0 : i32
    %scan3A_11 = arith.constant 0 : i32
    %scan3A_12 = arith.constant 20 : i32
    %scan3A_13 = arith.addi %scan3A_11, %scan3A_12 : i32
    %scan3A_14 = arith.constant 1 : i32
    scf.for %scan3A_157 = %scan3A_11 to %scan3A_13 step %scan3A_14  : i32 {
      %mul3A_158 = arith.constant 8 : i32
      %mul3A_159 = arith.muli %scan3A_157, %mul3A_158 : i32
      %gt3A = arith.constant 0 : i32
      %gt3A_160 = arith.cmpi sgt, %scan3A_157, %gt3A : i32
      %convert_element_type3A_161 = arith.extui %gt3A_160 : i1 to i32
      %cond3A_162 = arith.constant 0 : i32
      %cond3A_163 = arith.cmpi ne, %convert_element_type3A_161, %cond3A_162 : i32
      scf.if %cond3A_163 {
        %dma_wait3A_573 = arith.constant 0 : i32
        %dma_wait3A_574 = arith.constant 0 : i32
        %dma_wait3A_575 = arith.constant 0 : i32
        %dma_wait3A_576 = arith.constant 0 : i32
        %dma_wait3A_577 = arith.constant 0 : i32
        %dma_wait3A_578 = tpu.memref_slice %arg12[%dma_wait3A_573, %dma_wait3A_576, %dma_wait3A_577] : memref<8x128x16xf32, #tpu.memory_space<vmem>> -> memref<1x128x16xf32, #tpu.memory_space<vmem>>
        %dma_wait3A_579 = tpu.memref_squeeze %dma_wait3A_578 : memref<1x128x16xf32, #tpu.memory_space<vmem>> -> memref<128x16xf32, #tpu.memory_space<vmem>>
        %dma_wait3A_580 = arith.constant 0 : i32
        %dma_wait3A_581 = tpu.memref_slice %arg11[%dma_wait3A_574, %dma_wait3A_580] : memref<160x128xi32, #tpu.memory_space<vmem>> -> memref<1x128xi32, #tpu.memory_space<vmem>>
        %dma_wait3A_582 = tpu.memref_squeeze %dma_wait3A_581 : memref<1x128xi32, #tpu.memory_space<vmem>> -> memref<128xi32, #tpu.memory_space<vmem>>
        %dma_wait3A_583 = arith.constant 0 : i32
        %dma_wait3A_584 = arith.constant 0 : i32
        %dma_wait3A_585 = tpu.memref_slice %arg17[%dma_wait3A_583, %dma_wait3A_584] : memref<10240x16xf32, #tpu.memory_space<vmem_shared>> -> memref<10240x16xf32, #tpu.memory_space<vmem_shared>>
        %dma_wait3A_586 = tpu.memref_slice %arg20[%dma_wait3A_575] : memref<8x!tpu.dma_semaphore, #tpu.memory_space<semaphore_mem>> -> memref<1x!tpu.dma_semaphore, #tpu.memory_space<semaphore_mem>>
        %dma_wait3A_587 = tpu.memref_squeeze %dma_wait3A_586 : memref<1x!tpu.dma_semaphore, #tpu.memory_space<semaphore_mem>> -> memref<!tpu.dma_semaphore, #tpu.memory_space<semaphore_mem>>
        tpu.wait_indirect_dma semaphore(%dma_wait3A_587 : memref<!tpu.dma_semaphore, #tpu.memory_space<semaphore_mem>>) src(%dma_wait3A_579 : memref<128x16xf32, #tpu.memory_space<vmem>>) dst(%dma_wait3A_585 : memref<10240x16xf32, #tpu.memory_space<vmem_shared>>)
      } else {
      }
      %add3A = arith.constant 0 : i32
      %add3A_164 = arith.addi %mul3A_159, %add3A : i32
      %dma_start3A = arith.constant 0 : i32
      %dma_start3A_165 = arith.constant 0 : i32
      %dma_start3A_166 = arith.constant 0 : i32
      %dma_start3A_167 = arith.constant 0 : i32
      %dma_start3A_168 = tpu.memref_slice %arg12[%dma_start3A, %dma_start3A_166, %dma_start3A_167] : memref<8x128x16xf32, #tpu.memory_space<vmem>> -> memref<1x128x16xf32, #tpu.memory_space<vmem>>
      %dma_start3A_169 = tpu.memref_squeeze %dma_start3A_168 : memref<1x128x16xf32, #tpu.memory_space<vmem>> -> memref<128x16xf32, #tpu.memory_space<vmem>>
      %dma_start3A_170 = arith.constant 0 : i32
      %dma_start3A_171 = tpu.memref_slice %arg10[%add3A_164, %dma_start3A_170] : memref<160x128xi32, #tpu.memory_space<vmem>> -> memref<1x128xi32, #tpu.memory_space<vmem>>
      %dma_start3A_172 = tpu.memref_squeeze %dma_start3A_171 : memref<1x128xi32, #tpu.memory_space<vmem>> -> memref<128xi32, #tpu.memory_space<vmem>>
      %dma_start3A_173 = arith.constant 0 : i32
      %dma_start3A_174 = arith.constant 0 : i32
      %dma_start3A_175 = tpu.memref_slice %arg18[%dma_start3A_173, %dma_start3A_174] : memref<10240x16xf32, #tpu.memory_space<vmem_shared>> -> memref<10240x16xf32, #tpu.memory_space<vmem_shared>>
      %dma_start3A_176 = tpu.memref_slice %arg19[%dma_start3A_165] : memref<8x!tpu.dma_semaphore, #tpu.memory_space<semaphore_mem>> -> memref<1x!tpu.dma_semaphore, #tpu.memory_space<semaphore_mem>>
      %dma_start3A_177 = tpu.memref_squeeze %dma_start3A_176 : memref<1x!tpu.dma_semaphore, #tpu.memory_space<semaphore_mem>> -> memref<!tpu.dma_semaphore, #tpu.memory_space<semaphore_mem>>
      tpu.enqueue_indirect_dma source(%dma_start3A_175 : memref<10240x16xf32, #tpu.memory_space<vmem_shared>>) target(%dma_start3A_169 : memref<128x16xf32, #tpu.memory_space<vmem>>) offsets(%dma_start3A_172 : memref<128xi32, #tpu.memory_space<vmem>>) semaphore(%dma_start3A_177 : memref<!tpu.dma_semaphore, #tpu.memory_space<semaphore_mem>>)
      %gt3A_178 = arith.constant 0 : i32
      %gt3A_179 = arith.cmpi sgt, %scan3A_157, %gt3A_178 : i32
      %convert_element_type3A_180 = arith.extui %gt3A_179 : i1 to i32
      %cond3A_181 = arith.constant 0 : i32
      %cond3A_182 = arith.cmpi ne, %convert_element_type3A_180, %cond3A_181 : i32
      scf.if %cond3A_182 {
        %dma_wait3A_573 = arith.constant 1 : i32
        %dma_wait3A_574 = arith.constant 0 : i32
        %dma_wait3A_575 = arith.constant 1 : i32
        %dma_wait3A_576 = arith.constant 0 : i32
        %dma_wait3A_577 = arith.constant 0 : i32
        %dma_wait3A_578 = tpu.memref_slice %arg12[%dma_wait3A_573, %dma_wait3A_576, %dma_wait3A_577] : memref<8x128x16xf32, #tpu.memory_space<vmem>> -> memref<1x128x16xf32, #tpu.memory_space<vmem>>
        %dma_wait3A_579 = tpu.memref_squeeze %dma_wait3A_578 : memref<1x128x16xf32, #tpu.memory_space<vmem>> -> memref<128x16xf32, #tpu.memory_space<vmem>>
        %dma_wait3A_580 = arith.constant 0 : i32
        %dma_wait3A_581 = tpu.memref_slice %arg11[%dma_wait3A_574, %dma_wait3A_580] : memref<160x128xi32, #tpu.memory_space<vmem>> -> memref<1x128xi32, #tpu.memory_space<vmem>>
        %dma_wait3A_582 = tpu.memref_squeeze %dma_wait3A_581 : memref<1x128xi32, #tpu.memory_space<vmem>> -> memref<128xi32, #tpu.memory_space<vmem>>
        %dma_wait3A_583 = arith.constant 0 : i32
        %dma_wait3A_584 = arith.constant 0 : i32
        %dma_wait3A_585 = tpu.memref_slice %arg17[%dma_wait3A_583, %dma_wait3A_584] : memref<10240x16xf32, #tpu.memory_space<vmem_shared>> -> memref<10240x16xf32, #tpu.memory_space<vmem_shared>>
        %dma_wait3A_586 = tpu.memref_slice %arg20[%dma_wait3A_575] : memref<8x!tpu.dma_semaphore, #tpu.memory_space<semaphore_mem>> -> memref<1x!tpu.dma_semaphore, #tpu.memory_space<semaphore_mem>>
        %dma_wait3A_587 = tpu.memref_squeeze %dma_wait3A_586 : memref<1x!tpu.dma_semaphore, #tpu.memory_space<semaphore_mem>> -> memref<!tpu.dma_semaphore, #tpu.memory_space<semaphore_mem>>
        tpu.wait_indirect_dma semaphore(%dma_wait3A_587 : memref<!tpu.dma_semaphore, #tpu.memory_space<semaphore_mem>>) src(%dma_wait3A_579 : memref<128x16xf32, #tpu.memory_space<vmem>>) dst(%dma_wait3A_585 : memref<10240x16xf32, #tpu.memory_space<vmem_shared>>)
      } else {
      }
      %add3A_183 = arith.constant 1 : i32
      %add3A_184 = arith.addi %mul3A_159, %add3A_183 : i32
      %dma_start3A_185 = arith.constant 1 : i32
      %dma_start3A_186 = arith.constant 1 : i32
      %dma_start3A_187 = arith.constant 0 : i32
      %dma_start3A_188 = arith.constant 0 : i32
      %dma_start3A_189 = tpu.memref_slice %arg12[%dma_start3A_185, %dma_start3A_187, %dma_start3A_188] : memref<8x128x16xf32, #tpu.memory_space<vmem>> -> memref<1x128x16xf32, #tpu.memory_space<vmem>>
      %dma_start3A_190 = tpu.memref_squeeze %dma_start3A_189 : memref<1x128x16xf32, #tpu.memory_space<vmem>> -> memref<128x16xf32, #tpu.memory_space<vmem>>
      %dma_start3A_191 = arith.constant 0 : i32
      %dma_start3A_192 = tpu.memref_slice %arg10[%add3A_184, %dma_start3A_191] : memref<160x128xi32, #tpu.memory_space<vmem>> -> memref<1x128xi32, #tpu.memory_space<vmem>>
      %dma_start3A_193 = tpu.memref_squeeze %dma_start3A_192 : memref<1x128xi32, #tpu.memory_space<vmem>> -> memref<128xi32, #tpu.memory_space<vmem>>
      %dma_start3A_194 = arith.constant 0 : i32
      %dma_start3A_195 = arith.constant 0 : i32
      %dma_start3A_196 = tpu.memref_slice %arg18[%dma_start3A_194, %dma_start3A_195] : memref<10240x16xf32, #tpu.memory_space<vmem_shared>> -> memref<10240x16xf32, #tpu.memory_space<vmem_shared>>
      %dma_start3A_197 = tpu.memref_slice %arg19[%dma_start3A_186] : memref<8x!tpu.dma_semaphore, #tpu.memory_space<semaphore_mem>> -> memref<1x!tpu.dma_semaphore, #tpu.memory_space<semaphore_mem>>
      %dma_start3A_198 = tpu.memref_squeeze %dma_start3A_197 : memref<1x!tpu.dma_semaphore, #tpu.memory_space<semaphore_mem>> -> memref<!tpu.dma_semaphore, #tpu.memory_space<semaphore_mem>>
      tpu.enqueue_indirect_dma source(%dma_start3A_196 : memref<10240x16xf32, #tpu.memory_space<vmem_shared>>) target(%dma_start3A_190 : memref<128x16xf32, #tpu.memory_space<vmem>>) offsets(%dma_start3A_193 : memref<128xi32, #tpu.memory_space<vmem>>) semaphore(%dma_start3A_198 : memref<!tpu.dma_semaphore, #tpu.memory_space<semaphore_mem>>)
      %gt3A_199 = arith.constant 0 : i32
      %gt3A_200 = arith.cmpi sgt, %scan3A_157, %gt3A_199 : i32
      %convert_element_type3A_201 = arith.extui %gt3A_200 : i1 to i32
      %cond3A_202 = arith.constant 0 : i32
      %cond3A_203 = arith.cmpi ne, %convert_element_type3A_201, %cond3A_202 : i32
      scf.if %cond3A_203 {
        %dma_wait3A_573 = arith.constant 2 : i32
        %dma_wait3A_574 = arith.constant 0 : i32
        %dma_wait3A_575 = arith.constant 2 : i32
        %dma_wait3A_576 = arith.constant 0 : i32
        %dma_wait3A_577 = arith.constant 0 : i32
        %dma_wait3A_578 = tpu.memref_slice %arg12[%dma_wait3A_573, %dma_wait3A_576, %dma_wait3A_577] : memref<8x128x16xf32, #tpu.memory_space<vmem>> -> memref<1x128x16xf32, #tpu.memory_space<vmem>>
        %dma_wait3A_579 = tpu.memref_squeeze %dma_wait3A_578 : memref<1x128x16xf32, #tpu.memory_space<vmem>> -> memref<128x16xf32, #tpu.memory_space<vmem>>
        %dma_wait3A_580 = arith.constant 0 : i32
        %dma_wait3A_581 = tpu.memref_slice %arg11[%dma_wait3A_574, %dma_wait3A_580] : memref<160x128xi32, #tpu.memory_space<vmem>> -> memref<1x128xi32, #tpu.memory_space<vmem>>
        %dma_wait3A_582 = tpu.memref_squeeze %dma_wait3A_581 : memref<1x128xi32, #tpu.memory_space<vmem>> -> memref<128xi32, #tpu.memory_space<vmem>>
        %dma_wait3A_583 = arith.constant 0 : i32
        %dma_wait3A_584 = arith.constant 0 : i32
        %dma_wait3A_585 = tpu.memref_slice %arg17[%dma_wait3A_583, %dma_wait3A_584] : memref<10240x16xf32, #tpu.memory_space<vmem_shared>> -> memref<10240x16xf32, #tpu.memory_space<vmem_shared>>
        %dma_wait3A_586 = tpu.memref_slice %arg20[%dma_wait3A_575] : memref<8x!tpu.dma_semaphore, #tpu.memory_space<semaphore_mem>> -> memref<1x!tpu.dma_semaphore, #tpu.memory_space<semaphore_mem>>
        %dma_wait3A_587 = tpu.memref_squeeze %dma_wait3A_586 : memref<1x!tpu.dma_semaphore, #tpu.memory_space<semaphore_mem>> -> memref<!tpu.dma_semaphore, #tpu.memory_space<semaphore_mem>>
        tpu.wait_indirect_dma semaphore(%dma_wait3A_587 : memref<!tpu.dma_semaphore, #tpu.memory_space<semaphore_mem>>) src(%dma_wait3A_579 : memref<128x16xf32, #tpu.memory_space<vmem>>) dst(%dma_wait3A_585 : memref<10240x16xf32, #tpu.memory_space<vmem_shared>>)
      } else {
      }
      %add3A_204 = arith.constant 2 : i32
      %add3A_205 = arith.addi %mul3A_159, %add3A_204 : i32
      %dma_start3A_206 = arith.constant 2 : i32
      %dma_start3A_207 = arith.constant 2 : i32
      %dma_start3A_208 = arith.constant 0 : i32
      %dma_start3A_209 = arith.constant 0 : i32
      %dma_start3A_210 = tpu.memref_slice %arg12[%dma_start3A_206, %dma_start3A_208, %dma_start3A_209] : memref<8x128x16xf32, #tpu.memory_space<vmem>> -> memref<1x128x16xf32, #tpu.memory_space<vmem>>
      %dma_start3A_211 = tpu.memref_squeeze %dma_start3A_210 : memref<1x128x16xf32, #tpu.memory_space<vmem>> -> memref<128x16xf32, #tpu.memory_space<vmem>>
      %dma_start3A_212 = arith.constant 0 : i32
      %dma_start3A_213 = tpu.memref_slice %arg10[%add3A_205, %dma_start3A_212] : memref<160x128xi32, #tpu.memory_space<vmem>> -> memref<1x128xi32, #tpu.memory_space<vmem>>
      %dma_start3A_214 = tpu.memref_squeeze %dma_start3A_213 : memref<1x128xi32, #tpu.memory_space<vmem>> -> memref<128xi32, #tpu.memory_space<vmem>>
      %dma_start3A_215 = arith.constant 0 : i32
      %dma_start3A_216 = arith.constant 0 : i32
      %dma_start3A_217 = tpu.memref_slice %arg18[%dma_start3A_215, %dma_start3A_216] : memref<10240x16xf32, #tpu.memory_space<vmem_shared>> -> memref<10240x16xf32, #tpu.memory_space<vmem_shared>>
      %dma_start3A_218 = tpu.memref_slice %arg19[%dma_start3A_207] : memref<8x!tpu.dma_semaphore, #tpu.memory_space<semaphore_mem>> -> memref<1x!tpu.dma_semaphore, #tpu.memory_space<semaphore_mem>>
      %dma_start3A_219 = tpu.memref_squeeze %dma_start3A_218 : memref<1x!tpu.dma_semaphore, #tpu.memory_space<semaphore_mem>> -> memref<!tpu.dma_semaphore, #tpu.memory_space<semaphore_mem>>
      tpu.enqueue_indirect_dma source(%dma_start3A_217 : memref<10240x16xf32, #tpu.memory_space<vmem_shared>>) target(%dma_start3A_211 : memref<128x16xf32, #tpu.memory_space<vmem>>) offsets(%dma_start3A_214 : memref<128xi32, #tpu.memory_space<vmem>>) semaphore(%dma_start3A_219 : memref<!tpu.dma_semaphore, #tpu.memory_space<semaphore_mem>>)
      %gt3A_220 = arith.constant 0 : i32
      %gt3A_221 = arith.cmpi sgt, %scan3A_157, %gt3A_220 : i32
      %convert_element_type3A_222 = arith.extui %gt3A_221 : i1 to i32
      %cond3A_223 = arith.constant 0 : i32
      %cond3A_224 = arith.cmpi ne, %convert_element_type3A_222, %cond3A_223 : i32
      scf.if %cond3A_224 {
        %dma_wait3A_573 = arith.constant 3 : i32
        %dma_wait3A_574 = arith.constant 0 : i32
        %dma_wait3A_575 = arith.constant 3 : i32
        %dma_wait3A_576 = arith.constant 0 : i32
        %dma_wait3A_577 = arith.constant 0 : i32
        %dma_wait3A_578 = tpu.memref_slice %arg12[%dma_wait3A_573, %dma_wait3A_576, %dma_wait3A_577] : memref<8x128x16xf32, #tpu.memory_space<vmem>> -> memref<1x128x16xf32, #tpu.memory_space<vmem>>
        %dma_wait3A_579 = tpu.memref_squeeze %dma_wait3A_578 : memref<1x128x16xf32, #tpu.memory_space<vmem>> -> memref<128x16xf32, #tpu.memory_space<vmem>>
        %dma_wait3A_580 = arith.constant 0 : i32
        %dma_wait3A_581 = tpu.memref_slice %arg11[%dma_wait3A_574, %dma_wait3A_580] : memref<160x128xi32, #tpu.memory_space<vmem>> -> memref<1x128xi32, #tpu.memory_space<vmem>>
        %dma_wait3A_582 = tpu.memref_squeeze %dma_wait3A_581 : memref<1x128xi32, #tpu.memory_space<vmem>> -> memref<128xi32, #tpu.memory_space<vmem>>
        %dma_wait3A_583 = arith.constant 0 : i32
        %dma_wait3A_584 = arith.constant 0 : i32
        %dma_wait3A_585 = tpu.memref_slice %arg17[%dma_wait3A_583, %dma_wait3A_584] : memref<10240x16xf32, #tpu.memory_space<vmem_shared>> -> memref<10240x16xf32, #tpu.memory_space<vmem_shared>>
        %dma_wait3A_586 = tpu.memref_slice %arg20[%dma_wait3A_575] : memref<8x!tpu.dma_semaphore, #tpu.memory_space<semaphore_mem>> -> memref<1x!tpu.dma_semaphore, #tpu.memory_space<semaphore_mem>>
        %dma_wait3A_587 = tpu.memref_squeeze %dma_wait3A_586 : memref<1x!tpu.dma_semaphore, #tpu.memory_space<semaphore_mem>> -> memref<!tpu.dma_semaphore, #tpu.memory_space<semaphore_mem>>
        tpu.wait_indirect_dma semaphore(%dma_wait3A_587 : memref<!tpu.dma_semaphore, #tpu.memory_space<semaphore_mem>>) src(%dma_wait3A_579 : memref<128x16xf32, #tpu.memory_space<vmem>>) dst(%dma_wait3A_585 : memref<10240x16xf32, #tpu.memory_space<vmem_shared>>)
      } else {
      }
      %add3A_225 = arith.constant 3 : i32
      %add3A_226 = arith.addi %mul3A_159, %add3A_225 : i32
      %dma_start3A_227 = arith.constant 3 : i32
      %dma_start3A_228 = arith.constant 3 : i32
      %dma_start3A_229 = arith.constant 0 : i32
      %dma_start3A_230 = arith.constant 0 : i32
      %dma_start3A_231 = tpu.memref_slice %arg12[%dma_start3A_227, %dma_start3A_229, %dma_start3A_230] : memref<8x128x16xf32, #tpu.memory_space<vmem>> -> memref<1x128x16xf32, #tpu.memory_space<vmem>>
      %dma_start3A_232 = tpu.memref_squeeze %dma_start3A_231 : memref<1x128x16xf32, #tpu.memory_space<vmem>> -> memref<128x16xf32, #tpu.memory_space<vmem>>
      %dma_start3A_233 = arith.constant 0 : i32
      %dma_start3A_234 = tpu.memref_slice %arg10[%add3A_226, %dma_start3A_233] : memref<160x128xi32, #tpu.memory_space<vmem>> -> memref<1x128xi32, #tpu.memory_space<vmem>>
      %dma_start3A_235 = tpu.memref_squeeze %dma_start3A_234 : memref<1x128xi32, #tpu.memory_space<vmem>> -> memref<128xi32, #tpu.memory_space<vmem>>
      %dma_start3A_236 = arith.constant 0 : i32
      %dma_start3A_237 = arith.constant 0 : i32
      %dma_start3A_238 = tpu.memref_slice %arg18[%dma_start3A_236, %dma_start3A_237] : memref<10240x16xf32, #tpu.memory_space<vmem_shared>> -> memref<10240x16xf32, #tpu.memory_space<vmem_shared>>
      %dma_start3A_239 = tpu.memref_slice %arg19[%dma_start3A_228] : memref<8x!tpu.dma_semaphore, #tpu.memory_space<semaphore_mem>> -> memref<1x!tpu.dma_semaphore, #tpu.memory_space<semaphore_mem>>
      %dma_start3A_240 = tpu.memref_squeeze %dma_start3A_239 : memref<1x!tpu.dma_semaphore, #tpu.memory_space<semaphore_mem>> -> memref<!tpu.dma_semaphore, #tpu.memory_space<semaphore_mem>>
      tpu.enqueue_indirect_dma source(%dma_start3A_238 : memref<10240x16xf32, #tpu.memory_space<vmem_shared>>) target(%dma_start3A_232 : memref<128x16xf32, #tpu.memory_space<vmem>>) offsets(%dma_start3A_235 : memref<128xi32, #tpu.memory_space<vmem>>) semaphore(%dma_start3A_240 : memref<!tpu.dma_semaphore, #tpu.memory_space<semaphore_mem>>)
      %gt3A_241 = arith.constant 0 : i32
      %gt3A_242 = arith.cmpi sgt, %scan3A_157, %gt3A_241 : i32
      %convert_element_type3A_243 = arith.extui %gt3A_242 : i1 to i32
      %cond3A_244 = arith.constant 0 : i32
      %cond3A_245 = arith.cmpi ne, %convert_element_type3A_243, %cond3A_244 : i32
      scf.if %cond3A_245 {
        %dma_wait3A_573 = arith.constant 4 : i32
        %dma_wait3A_574 = arith.constant 0 : i32
        %dma_wait3A_575 = arith.constant 4 : i32
        %dma_wait3A_576 = arith.constant 0 : i32
        %dma_wait3A_577 = arith.constant 0 : i32
        %dma_wait3A_578 = tpu.memref_slice %arg12[%dma_wait3A_573, %dma_wait3A_576, %dma_wait3A_577] : memref<8x128x16xf32, #tpu.memory_space<vmem>> -> memref<1x128x16xf32, #tpu.memory_space<vmem>>
        %dma_wait3A_579 = tpu.memref_squeeze %dma_wait3A_578 : memref<1x128x16xf32, #tpu.memory_space<vmem>> -> memref<128x16xf32, #tpu.memory_space<vmem>>
        %dma_wait3A_580 = arith.constant 0 : i32
        %dma_wait3A_581 = tpu.memref_slice %arg11[%dma_wait3A_574, %dma_wait3A_580] : memref<160x128xi32, #tpu.memory_space<vmem>> -> memref<1x128xi32, #tpu.memory_space<vmem>>
        %dma_wait3A_582 = tpu.memref_squeeze %dma_wait3A_581 : memref<1x128xi32, #tpu.memory_space<vmem>> -> memref<128xi32, #tpu.memory_space<vmem>>
        %dma_wait3A_583 = arith.constant 0 : i32
        %dma_wait3A_584 = arith.constant 0 : i32
        %dma_wait3A_585 = tpu.memref_slice %arg17[%dma_wait3A_583, %dma_wait3A_584] : memref<10240x16xf32, #tpu.memory_space<vmem_shared>> -> memref<10240x16xf32, #tpu.memory_space<vmem_shared>>
        %dma_wait3A_586 = tpu.memref_slice %arg20[%dma_wait3A_575] : memref<8x!tpu.dma_semaphore, #tpu.memory_space<semaphore_mem>> -> memref<1x!tpu.dma_semaphore, #tpu.memory_space<semaphore_mem>>
        %dma_wait3A_587 = tpu.memref_squeeze %dma_wait3A_586 : memref<1x!tpu.dma_semaphore, #tpu.memory_space<semaphore_mem>> -> memref<!tpu.dma_semaphore, #tpu.memory_space<semaphore_mem>>
        tpu.wait_indirect_dma semaphore(%dma_wait3A_587 : memref<!tpu.dma_semaphore, #tpu.memory_space<semaphore_mem>>) src(%dma_wait3A_579 : memref<128x16xf32, #tpu.memory_space<vmem>>) dst(%dma_wait3A_585 : memref<10240x16xf32, #tpu.memory_space<vmem_shared>>)
      } else {
      }
      %add3A_246 = arith.constant 4 : i32
      %add3A_247 = arith.addi %mul3A_159, %add3A_246 : i32
      %dma_start3A_248 = arith.constant 4 : i32
      %dma_start3A_249 = arith.constant 4 : i32
      %dma_start3A_250 = arith.constant 0 : i32
      %dma_start3A_251 = arith.constant 0 : i32
      %dma_start3A_252 = tpu.memref_slice %arg12[%dma_start3A_248, %dma_start3A_250, %dma_start3A_251] : memref<8x128x16xf32, #tpu.memory_space<vmem>> -> memref<1x128x16xf32, #tpu.memory_space<vmem>>
      %dma_start3A_253 = tpu.memref_squeeze %dma_start3A_252 : memref<1x128x16xf32, #tpu.memory_space<vmem>> -> memref<128x16xf32, #tpu.memory_space<vmem>>
      %dma_start3A_254 = arith.constant 0 : i32
      %dma_start3A_255 = tpu.memref_slice %arg10[%add3A_247, %dma_start3A_254] : memref<160x128xi32, #tpu.memory_space<vmem>> -> memref<1x128xi32, #tpu.memory_space<vmem>>
      %dma_start3A_256 = tpu.memref_squeeze %dma_start3A_255 : memref<1x128xi32, #tpu.memory_space<vmem>> -> memref<128xi32, #tpu.memory_space<vmem>>
      %dma_start3A_257 = arith.constant 0 : i32
      %dma_start3A_258 = arith.constant 0 : i32
      %dma_start3A_259 = tpu.memref_slice %arg18[%dma_start3A_257, %dma_start3A_258] : memref<10240x16xf32, #tpu.memory_space<vmem_shared>> -> memref<10240x16xf32, #tpu.memory_space<vmem_shared>>
      %dma_start3A_260 = tpu.memref_slice %arg19[%dma_start3A_249] : memref<8x!tpu.dma_semaphore, #tpu.memory_space<semaphore_mem>> -> memref<1x!tpu.dma_semaphore, #tpu.memory_space<semaphore_mem>>
      %dma_start3A_261 = tpu.memref_squeeze %dma_start3A_260 : memref<1x!tpu.dma_semaphore, #tpu.memory_space<semaphore_mem>> -> memref<!tpu.dma_semaphore, #tpu.memory_space<semaphore_mem>>
      tpu.enqueue_indirect_dma source(%dma_start3A_259 : memref<10240x16xf32, #tpu.memory_space<vmem_shared>>) target(%dma_start3A_253 : memref<128x16xf32, #tpu.memory_space<vmem>>) offsets(%dma_start3A_256 : memref<128xi32, #tpu.memory_space<vmem>>) semaphore(%dma_start3A_261 : memref<!tpu.dma_semaphore, #tpu.memory_space<semaphore_mem>>)
      %gt3A_262 = arith.constant 0 : i32
      %gt3A_263 = arith.cmpi sgt, %scan3A_157, %gt3A_262 : i32
      %convert_element_type3A_264 = arith.extui %gt3A_263 : i1 to i32
      %cond3A_265 = arith.constant 0 : i32
      %cond3A_266 = arith.cmpi ne, %convert_element_type3A_264, %cond3A_265 : i32
      scf.if %cond3A_266 {
        %dma_wait3A_573 = arith.constant 5 : i32
        %dma_wait3A_574 = arith.constant 0 : i32
        %dma_wait3A_575 = arith.constant 5 : i32
        %dma_wait3A_576 = arith.constant 0 : i32
        %dma_wait3A_577 = arith.constant 0 : i32
        %dma_wait3A_578 = tpu.memref_slice %arg12[%dma_wait3A_573, %dma_wait3A_576, %dma_wait3A_577] : memref<8x128x16xf32, #tpu.memory_space<vmem>> -> memref<1x128x16xf32, #tpu.memory_space<vmem>>
        %dma_wait3A_579 = tpu.memref_squeeze %dma_wait3A_578 : memref<1x128x16xf32, #tpu.memory_space<vmem>> -> memref<128x16xf32, #tpu.memory_space<vmem>>
        %dma_wait3A_580 = arith.constant 0 : i32
        %dma_wait3A_581 = tpu.memref_slice %arg11[%dma_wait3A_574, %dma_wait3A_580] : memref<160x128xi32, #tpu.memory_space<vmem>> -> memref<1x128xi32, #tpu.memory_space<vmem>>
        %dma_wait3A_582 = tpu.memref_squeeze %dma_wait3A_581 : memref<1x128xi32, #tpu.memory_space<vmem>> -> memref<128xi32, #tpu.memory_space<vmem>>
        %dma_wait3A_583 = arith.constant 0 : i32
        %dma_wait3A_584 = arith.constant 0 : i32
        %dma_wait3A_585 = tpu.memref_slice %arg17[%dma_wait3A_583, %dma_wait3A_584] : memref<10240x16xf32, #tpu.memory_space<vmem_shared>> -> memref<10240x16xf32, #tpu.memory_space<vmem_shared>>
        %dma_wait3A_586 = tpu.memref_slice %arg20[%dma_wait3A_575] : memref<8x!tpu.dma_semaphore, #tpu.memory_space<semaphore_mem>> -> memref<1x!tpu.dma_semaphore, #tpu.memory_space<semaphore_mem>>
        %dma_wait3A_587 = tpu.memref_squeeze %dma_wait3A_586 : memref<1x!tpu.dma_semaphore, #tpu.memory_space<semaphore_mem>> -> memref<!tpu.dma_semaphore, #tpu.memory_space<semaphore_mem>>
        tpu.wait_indirect_dma semaphore(%dma_wait3A_587 : memref<!tpu.dma_semaphore, #tpu.memory_space<semaphore_mem>>) src(%dma_wait3A_579 : memref<128x16xf32, #tpu.memory_space<vmem>>) dst(%dma_wait3A_585 : memref<10240x16xf32, #tpu.memory_space<vmem_shared>>)
      } else {
      }
      %add3A_267 = arith.constant 5 : i32
      %add3A_268 = arith.addi %mul3A_159, %add3A_267 : i32
      %dma_start3A_269 = arith.constant 5 : i32
      %dma_start3A_270 = arith.constant 5 : i32
      %dma_start3A_271 = arith.constant 0 : i32
      %dma_start3A_272 = arith.constant 0 : i32
      %dma_start3A_273 = tpu.memref_slice %arg12[%dma_start3A_269, %dma_start3A_271, %dma_start3A_272] : memref<8x128x16xf32, #tpu.memory_space<vmem>> -> memref<1x128x16xf32, #tpu.memory_space<vmem>>
      %dma_start3A_274 = tpu.memref_squeeze %dma_start3A_273 : memref<1x128x16xf32, #tpu.memory_space<vmem>> -> memref<128x16xf32, #tpu.memory_space<vmem>>
      %dma_start3A_275 = arith.constant 0 : i32
      %dma_start3A_276 = tpu.memref_slice %arg10[%add3A_268, %dma_start3A_275] : memref<160x128xi32, #tpu.memory_space<vmem>> -> memref<1x128xi32, #tpu.memory_space<vmem>>
      %dma_start3A_277 = tpu.memref_squeeze %dma_start3A_276 : memref<1x128xi32, #tpu.memory_space<vmem>> -> memref<128xi32, #tpu.memory_space<vmem>>
      %dma_start3A_278 = arith.constant 0 : i32
      %dma_start3A_279 = arith.constant 0 : i32
      %dma_start3A_280 = tpu.memref_slice %arg18[%dma_start3A_278, %dma_start3A_279] : memref<10240x16xf32, #tpu.memory_space<vmem_shared>> -> memref<10240x16xf32, #tpu.memory_space<vmem_shared>>
      %dma_start3A_281 = tpu.memref_slice %arg19[%dma_start3A_270] : memref<8x!tpu.dma_semaphore, #tpu.memory_space<semaphore_mem>> -> memref<1x!tpu.dma_semaphore, #tpu.memory_space<semaphore_mem>>
      %dma_start3A_282 = tpu.memref_squeeze %dma_start3A_281 : memref<1x!tpu.dma_semaphore, #tpu.memory_space<semaphore_mem>> -> memref<!tpu.dma_semaphore, #tpu.memory_space<semaphore_mem>>
      tpu.enqueue_indirect_dma source(%dma_start3A_280 : memref<10240x16xf32, #tpu.memory_space<vmem_shared>>) target(%dma_start3A_274 : memref<128x16xf32, #tpu.memory_space<vmem>>) offsets(%dma_start3A_277 : memref<128xi32, #tpu.memory_space<vmem>>) semaphore(%dma_start3A_282 : memref<!tpu.dma_semaphore, #tpu.memory_space<semaphore_mem>>)
      %gt3A_283 = arith.constant 0 : i32
      %gt3A_284 = arith.cmpi sgt, %scan3A_157, %gt3A_283 : i32
      %convert_element_type3A_285 = arith.extui %gt3A_284 : i1 to i32
      %cond3A_286 = arith.constant 0 : i32
      %cond3A_287 = arith.cmpi ne, %convert_element_type3A_285, %cond3A_286 : i32
      scf.if %cond3A_287 {
        %dma_wait3A_573 = arith.constant 6 : i32
        %dma_wait3A_574 = arith.constant 0 : i32
        %dma_wait3A_575 = arith.constant 6 : i32
        %dma_wait3A_576 = arith.constant 0 : i32
        %dma_wait3A_577 = arith.constant 0 : i32
        %dma_wait3A_578 = tpu.memref_slice %arg12[%dma_wait3A_573, %dma_wait3A_576, %dma_wait3A_577] : memref<8x128x16xf32, #tpu.memory_space<vmem>> -> memref<1x128x16xf32, #tpu.memory_space<vmem>>
        %dma_wait3A_579 = tpu.memref_squeeze %dma_wait3A_578 : memref<1x128x16xf32, #tpu.memory_space<vmem>> -> memref<128x16xf32, #tpu.memory_space<vmem>>
        %dma_wait3A_580 = arith.constant 0 : i32
        %dma_wait3A_581 = tpu.memref_slice %arg11[%dma_wait3A_574, %dma_wait3A_580] : memref<160x128xi32, #tpu.memory_space<vmem>> -> memref<1x128xi32, #tpu.memory_space<vmem>>
        %dma_wait3A_582 = tpu.memref_squeeze %dma_wait3A_581 : memref<1x128xi32, #tpu.memory_space<vmem>> -> memref<128xi32, #tpu.memory_space<vmem>>
        %dma_wait3A_583 = arith.constant 0 : i32
        %dma_wait3A_584 = arith.constant 0 : i32
        %dma_wait3A_585 = tpu.memref_slice %arg17[%dma_wait3A_583, %dma_wait3A_584] : memref<10240x16xf32, #tpu.memory_space<vmem_shared>> -> memref<10240x16xf32, #tpu.memory_space<vmem_shared>>
        %dma_wait3A_586 = tpu.memref_slice %arg20[%dma_wait3A_575] : memref<8x!tpu.dma_semaphore, #tpu.memory_space<semaphore_mem>> -> memref<1x!tpu.dma_semaphore, #tpu.memory_space<semaphore_mem>>
        %dma_wait3A_587 = tpu.memref_squeeze %dma_wait3A_586 : memref<1x!tpu.dma_semaphore, #tpu.memory_space<semaphore_mem>> -> memref<!tpu.dma_semaphore, #tpu.memory_space<semaphore_mem>>
        tpu.wait_indirect_dma semaphore(%dma_wait3A_587 : memref<!tpu.dma_semaphore, #tpu.memory_space<semaphore_mem>>) src(%dma_wait3A_579 : memref<128x16xf32, #tpu.memory_space<vmem>>) dst(%dma_wait3A_585 : memref<10240x16xf32, #tpu.memory_space<vmem_shared>>)
      } else {
      }
      %add3A_288 = arith.constant 6 : i32
      %add3A_289 = arith.addi %mul3A_159, %add3A_288 : i32
      %dma_start3A_290 = arith.constant 6 : i32
      %dma_start3A_291 = arith.constant 6 : i32
      %dma_start3A_292 = arith.constant 0 : i32
      %dma_start3A_293 = arith.constant 0 : i32
      %dma_start3A_294 = tpu.memref_slice %arg12[%dma_start3A_290, %dma_start3A_292, %dma_start3A_293] : memref<8x128x16xf32, #tpu.memory_space<vmem>> -> memref<1x128x16xf32, #tpu.memory_space<vmem>>
      %dma_start3A_295 = tpu.memref_squeeze %dma_start3A_294 : memref<1x128x16xf32, #tpu.memory_space<vmem>> -> memref<128x16xf32, #tpu.memory_space<vmem>>
      %dma_start3A_296 = arith.constant 0 : i32
      %dma_start3A_297 = tpu.memref_slice %arg10[%add3A_289, %dma_start3A_296] : memref<160x128xi32, #tpu.memory_space<vmem>> -> memref<1x128xi32, #tpu.memory_space<vmem>>
      %dma_start3A_298 = tpu.memref_squeeze %dma_start3A_297 : memref<1x128xi32, #tpu.memory_space<vmem>> -> memref<128xi32, #tpu.memory_space<vmem>>
      %dma_start3A_299 = arith.constant 0 : i32
      %dma_start3A_300 = arith.constant 0 : i32
      %dma_start3A_301 = tpu.memref_slice %arg18[%dma_start3A_299, %dma_start3A_300] : memref<10240x16xf32, #tpu.memory_space<vmem_shared>> -> memref<10240x16xf32, #tpu.memory_space<vmem_shared>>
      %dma_start3A_302 = tpu.memref_slice %arg19[%dma_start3A_291] : memref<8x!tpu.dma_semaphore, #tpu.memory_space<semaphore_mem>> -> memref<1x!tpu.dma_semaphore, #tpu.memory_space<semaphore_mem>>
      %dma_start3A_303 = tpu.memref_squeeze %dma_start3A_302 : memref<1x!tpu.dma_semaphore, #tpu.memory_space<semaphore_mem>> -> memref<!tpu.dma_semaphore, #tpu.memory_space<semaphore_mem>>
      tpu.enqueue_indirect_dma source(%dma_start3A_301 : memref<10240x16xf32, #tpu.memory_space<vmem_shared>>) target(%dma_start3A_295 : memref<128x16xf32, #tpu.memory_space<vmem>>) offsets(%dma_start3A_298 : memref<128xi32, #tpu.memory_space<vmem>>) semaphore(%dma_start3A_303 : memref<!tpu.dma_semaphore, #tpu.memory_space<semaphore_mem>>)
      %gt3A_304 = arith.constant 0 : i32
      %gt3A_305 = arith.cmpi sgt, %scan3A_157, %gt3A_304 : i32
      %convert_element_type3A_306 = arith.extui %gt3A_305 : i1 to i32
      %cond3A_307 = arith.constant 0 : i32
      %cond3A_308 = arith.cmpi ne, %convert_element_type3A_306, %cond3A_307 : i32
      scf.if %cond3A_308 {
        %dma_wait3A_573 = arith.constant 7 : i32
        %dma_wait3A_574 = arith.constant 0 : i32
        %dma_wait3A_575 = arith.constant 7 : i32
        %dma_wait3A_576 = arith.constant 0 : i32
        %dma_wait3A_577 = arith.constant 0 : i32
        %dma_wait3A_578 = tpu.memref_slice %arg12[%dma_wait3A_573, %dma_wait3A_576, %dma_wait3A_577] : memref<8x128x16xf32, #tpu.memory_space<vmem>> -> memref<1x128x16xf32, #tpu.memory_space<vmem>>
        %dma_wait3A_579 = tpu.memref_squeeze %dma_wait3A_578 : memref<1x128x16xf32, #tpu.memory_space<vmem>> -> memref<128x16xf32, #tpu.memory_space<vmem>>
        %dma_wait3A_580 = arith.constant 0 : i32
        %dma_wait3A_581 = tpu.memref_slice %arg11[%dma_wait3A_574, %dma_wait3A_580] : memref<160x128xi32, #tpu.memory_space<vmem>> -> memref<1x128xi32, #tpu.memory_space<vmem>>
        %dma_wait3A_582 = tpu.memref_squeeze %dma_wait3A_581 : memref<1x128xi32, #tpu.memory_space<vmem>> -> memref<128xi32, #tpu.memory_space<vmem>>
        %dma_wait3A_583 = arith.constant 0 : i32
        %dma_wait3A_584 = arith.constant 0 : i32
        %dma_wait3A_585 = tpu.memref_slice %arg17[%dma_wait3A_583, %dma_wait3A_584] : memref<10240x16xf32, #tpu.memory_space<vmem_shared>> -> memref<10240x16xf32, #tpu.memory_space<vmem_shared>>
        %dma_wait3A_586 = tpu.memref_slice %arg20[%dma_wait3A_575] : memref<8x!tpu.dma_semaphore, #tpu.memory_space<semaphore_mem>> -> memref<1x!tpu.dma_semaphore, #tpu.memory_space<semaphore_mem>>
        %dma_wait3A_587 = tpu.memref_squeeze %dma_wait3A_586 : memref<1x!tpu.dma_semaphore, #tpu.memory_space<semaphore_mem>> -> memref<!tpu.dma_semaphore, #tpu.memory_space<semaphore_mem>>
        tpu.wait_indirect_dma semaphore(%dma_wait3A_587 : memref<!tpu.dma_semaphore, #tpu.memory_space<semaphore_mem>>) src(%dma_wait3A_579 : memref<128x16xf32, #tpu.memory_space<vmem>>) dst(%dma_wait3A_585 : memref<10240x16xf32, #tpu.memory_space<vmem_shared>>)
      } else {
      }
      %add3A_309 = arith.constant 7 : i32
      %add3A_310 = arith.addi %mul3A_159, %add3A_309 : i32
      %dma_start3A_311 = arith.constant 7 : i32
      %dma_start3A_312 = arith.constant 7 : i32
      %dma_start3A_313 = arith.constant 0 : i32
      %dma_start3A_314 = arith.constant 0 : i32
      %dma_start3A_315 = tpu.memref_slice %arg12[%dma_start3A_311, %dma_start3A_313, %dma_start3A_314] : memref<8x128x16xf32, #tpu.memory_space<vmem>> -> memref<1x128x16xf32, #tpu.memory_space<vmem>>
      %dma_start3A_316 = tpu.memref_squeeze %dma_start3A_315 : memref<1x128x16xf32, #tpu.memory_space<vmem>> -> memref<128x16xf32, #tpu.memory_space<vmem>>
      %dma_start3A_317 = arith.constant 0 : i32
      %dma_start3A_318 = tpu.memref_slice %arg10[%add3A_310, %dma_start3A_317] : memref<160x128xi32, #tpu.memory_space<vmem>> -> memref<1x128xi32, #tpu.memory_space<vmem>>
      %dma_start3A_319 = tpu.memref_squeeze %dma_start3A_318 : memref<1x128xi32, #tpu.memory_space<vmem>> -> memref<128xi32, #tpu.memory_space<vmem>>
      %dma_start3A_320 = arith.constant 0 : i32
      %dma_start3A_321 = arith.constant 0 : i32
      %dma_start3A_322 = tpu.memref_slice %arg18[%dma_start3A_320, %dma_start3A_321] : memref<10240x16xf32, #tpu.memory_space<vmem_shared>> -> memref<10240x16xf32, #tpu.memory_space<vmem_shared>>
      %dma_start3A_323 = tpu.memref_slice %arg19[%dma_start3A_312] : memref<8x!tpu.dma_semaphore, #tpu.memory_space<semaphore_mem>> -> memref<1x!tpu.dma_semaphore, #tpu.memory_space<semaphore_mem>>
      %dma_start3A_324 = tpu.memref_squeeze %dma_start3A_323 : memref<1x!tpu.dma_semaphore, #tpu.memory_space<semaphore_mem>> -> memref<!tpu.dma_semaphore, #tpu.memory_space<semaphore_mem>>
      tpu.enqueue_indirect_dma source(%dma_start3A_322 : memref<10240x16xf32, #tpu.memory_space<vmem_shared>>) target(%dma_start3A_316 : memref<128x16xf32, #tpu.memory_space<vmem>>) offsets(%dma_start3A_319 : memref<128xi32, #tpu.memory_space<vmem>>) semaphore(%dma_start3A_324 : memref<!tpu.dma_semaphore, #tpu.memory_space<semaphore_mem>>)
      %dma_wait3A_325 = arith.constant 0 : i32
      %dma_wait3A_326 = arith.constant 0 : i32
      %dma_wait3A_327 = arith.constant 0 : i32
      %dma_wait3A_328 = arith.constant 0 : i32
      %dma_wait3A_329 = arith.constant 0 : i32
      %dma_wait3A_330 = tpu.memref_slice %arg12[%dma_wait3A_326, %dma_wait3A_328, %dma_wait3A_329] : memref<8x128x16xf32, #tpu.memory_space<vmem>> -> memref<1x128x16xf32, #tpu.memory_space<vmem>>
      %dma_wait3A_331 = tpu.memref_squeeze %dma_wait3A_330 : memref<1x128x16xf32, #tpu.memory_space<vmem>> -> memref<128x16xf32, #tpu.memory_space<vmem>>
      %dma_wait3A_332 = arith.constant 0 : i32
      %dma_wait3A_333 = tpu.memref_slice %arg10[%dma_wait3A_325, %dma_wait3A_332] : memref<160x128xi32, #tpu.memory_space<vmem>> -> memref<1x128xi32, #tpu.memory_space<vmem>>
      %dma_wait3A_334 = tpu.memref_squeeze %dma_wait3A_333 : memref<1x128xi32, #tpu.memory_space<vmem>> -> memref<128xi32, #tpu.memory_space<vmem>>
      %dma_wait3A_335 = arith.constant 0 : i32
      %dma_wait3A_336 = arith.constant 0 : i32
      %dma_wait3A_337 = tpu.memref_slice %arg18[%dma_wait3A_335, %dma_wait3A_336] : memref<10240x16xf32, #tpu.memory_space<vmem_shared>> -> memref<10240x16xf32, #tpu.memory_space<vmem_shared>>
      %dma_wait3A_338 = tpu.memref_slice %arg19[%dma_wait3A_327] : memref<8x!tpu.dma_semaphore, #tpu.memory_space<semaphore_mem>> -> memref<1x!tpu.dma_semaphore, #tpu.memory_space<semaphore_mem>>
      %dma_wait3A_339 = tpu.memref_squeeze %dma_wait3A_338 : memref<1x!tpu.dma_semaphore, #tpu.memory_space<semaphore_mem>> -> memref<!tpu.dma_semaphore, #tpu.memory_space<semaphore_mem>>
      tpu.wait_indirect_dma semaphore(%dma_wait3A_339 : memref<!tpu.dma_semaphore, #tpu.memory_space<semaphore_mem>>) src(%dma_wait3A_337 : memref<10240x16xf32, #tpu.memory_space<vmem_shared>>) dst(%dma_wait3A_331 : memref<128x16xf32, #tpu.memory_space<vmem>>)
      %add3A_340 = arith.constant 0 : i32
      %add3A_341 = arith.addi %mul3A_159, %add3A_340 : i32
      %dma_start3A_342 = arith.constant 0 : i32
      %dma_start3A_343 = arith.constant 0 : i32
      %dma_start3A_344 = arith.constant 0 : i32
      %dma_start3A_345 = arith.constant 0 : i32
      %dma_start3A_346 = tpu.memref_slice %arg12[%dma_start3A_342, %dma_start3A_344, %dma_start3A_345] : memref<8x128x16xf32, #tpu.memory_space<vmem>> -> memref<1x128x16xf32, #tpu.memory_space<vmem>>
      %dma_start3A_347 = tpu.memref_squeeze %dma_start3A_346 : memref<1x128x16xf32, #tpu.memory_space<vmem>> -> memref<128x16xf32, #tpu.memory_space<vmem>>
      %dma_start3A_348 = arith.constant 0 : i32
      %dma_start3A_349 = tpu.memref_slice %arg11[%add3A_341, %dma_start3A_348] : memref<160x128xi32, #tpu.memory_space<vmem>> -> memref<1x128xi32, #tpu.memory_space<vmem>>
      %dma_start3A_350 = tpu.memref_squeeze %dma_start3A_349 : memref<1x128xi32, #tpu.memory_space<vmem>> -> memref<128xi32, #tpu.memory_space<vmem>>
      %dma_start3A_351 = arith.constant 0 : i32
      %dma_start3A_352 = arith.constant 0 : i32
      %dma_start3A_353 = tpu.memref_slice %arg17[%dma_start3A_351, %dma_start3A_352] : memref<10240x16xf32, #tpu.memory_space<vmem_shared>> -> memref<10240x16xf32, #tpu.memory_space<vmem_shared>>
      %dma_start3A_354 = tpu.memref_slice %arg20[%dma_start3A_343] : memref<8x!tpu.dma_semaphore, #tpu.memory_space<semaphore_mem>> -> memref<1x!tpu.dma_semaphore, #tpu.memory_space<semaphore_mem>>
      %dma_start3A_355 = tpu.memref_squeeze %dma_start3A_354 : memref<1x!tpu.dma_semaphore, #tpu.memory_space<semaphore_mem>> -> memref<!tpu.dma_semaphore, #tpu.memory_space<semaphore_mem>>
      tpu.enqueue_indirect_dma source(%dma_start3A_347 : memref<128x16xf32, #tpu.memory_space<vmem>>) target(%dma_start3A_353 : memref<10240x16xf32, #tpu.memory_space<vmem_shared>>) offsets(%dma_start3A_350 : memref<128xi32, #tpu.memory_space<vmem>>) semaphore(%dma_start3A_355 : memref<!tpu.dma_semaphore, #tpu.memory_space<semaphore_mem>>) {add = true}
      %dma_wait3A_356 = arith.constant 0 : i32
      %dma_wait3A_357 = arith.constant 1 : i32
      %dma_wait3A_358 = arith.constant 1 : i32
      %dma_wait3A_359 = arith.constant 0 : i32
      %dma_wait3A_360 = arith.constant 0 : i32
      %dma_wait3A_361 = tpu.memref_slice %arg12[%dma_wait3A_357, %dma_wait3A_359, %dma_wait3A_360] : memref<8x128x16xf32, #tpu.memory_space<vmem>> -> memref<1x128x16xf32, #tpu.memory_space<vmem>>
      %dma_wait3A_362 = tpu.memref_squeeze %dma_wait3A_361 : memref<1x128x16xf32, #tpu.memory_space<vmem>> -> memref<128x16xf32, #tpu.memory_space<vmem>>
      %dma_wait3A_363 = arith.constant 0 : i32
      %dma_wait3A_364 = tpu.memref_slice %arg10[%dma_wait3A_356, %dma_wait3A_363] : memref<160x128xi32, #tpu.memory_space<vmem>> -> memref<1x128xi32, #tpu.memory_space<vmem>>
      %dma_wait3A_365 = tpu.memref_squeeze %dma_wait3A_364 : memref<1x128xi32, #tpu.memory_space<vmem>> -> memref<128xi32, #tpu.memory_space<vmem>>
      %dma_wait3A_366 = arith.constant 0 : i32
      %dma_wait3A_367 = arith.constant 0 : i32
      %dma_wait3A_368 = tpu.memref_slice %arg18[%dma_wait3A_366, %dma_wait3A_367] : memref<10240x16xf32, #tpu.memory_space<vmem_shared>> -> memref<10240x16xf32, #tpu.memory_space<vmem_shared>>
      %dma_wait3A_369 = tpu.memref_slice %arg19[%dma_wait3A_358] : memref<8x!tpu.dma_semaphore, #tpu.memory_space<semaphore_mem>> -> memref<1x!tpu.dma_semaphore, #tpu.memory_space<semaphore_mem>>
      %dma_wait3A_370 = tpu.memref_squeeze %dma_wait3A_369 : memref<1x!tpu.dma_semaphore, #tpu.memory_space<semaphore_mem>> -> memref<!tpu.dma_semaphore, #tpu.memory_space<semaphore_mem>>
      tpu.wait_indirect_dma semaphore(%dma_wait3A_370 : memref<!tpu.dma_semaphore, #tpu.memory_space<semaphore_mem>>) src(%dma_wait3A_368 : memref<10240x16xf32, #tpu.memory_space<vmem_shared>>) dst(%dma_wait3A_362 : memref<128x16xf32, #tpu.memory_space<vmem>>)
      %add3A_371 = arith.constant 1 : i32
      %add3A_372 = arith.addi %mul3A_159, %add3A_371 : i32
      %dma_start3A_373 = arith.constant 1 : i32
      %dma_start3A_374 = arith.constant 1 : i32
      %dma_start3A_375 = arith.constant 0 : i32
      %dma_start3A_376 = arith.constant 0 : i32
      %dma_start3A_377 = tpu.memref_slice %arg12[%dma_start3A_373, %dma_start3A_375, %dma_start3A_376] : memref<8x128x16xf32, #tpu.memory_space<vmem>> -> memref<1x128x16xf32, #tpu.memory_space<vmem>>
      %dma_start3A_378 = tpu.memref_squeeze %dma_start3A_377 : memref<1x128x16xf32, #tpu.memory_space<vmem>> -> memref<128x16xf32, #tpu.memory_space<vmem>>
      %dma_start3A_379 = arith.constant 0 : i32
      %dma_start3A_380 = tpu.memref_slice %arg11[%add3A_372, %dma_start3A_379] : memref<160x128xi32, #tpu.memory_space<vmem>> -> memref<1x128xi32, #tpu.memory_space<vmem>>
      %dma_start3A_381 = tpu.memref_squeeze %dma_start3A_380 : memref<1x128xi32, #tpu.memory_space<vmem>> -> memref<128xi32, #tpu.memory_space<vmem>>
      %dma_start3A_382 = arith.constant 0 : i32
      %dma_start3A_383 = arith.constant 0 : i32
      %dma_start3A_384 = tpu.memref_slice %arg17[%dma_start3A_382, %dma_start3A_383] : memref<10240x16xf32, #tpu.memory_space<vmem_shared>> -> memref<10240x16xf32, #tpu.memory_space<vmem_shared>>
      %dma_start3A_385 = tpu.memref_slice %arg20[%dma_start3A_374] : memref<8x!tpu.dma_semaphore, #tpu.memory_space<semaphore_mem>> -> memref<1x!tpu.dma_semaphore, #tpu.memory_space<semaphore_mem>>
      %dma_start3A_386 = tpu.memref_squeeze %dma_start3A_385 : memref<1x!tpu.dma_semaphore, #tpu.memory_space<semaphore_mem>> -> memref<!tpu.dma_semaphore, #tpu.memory_space<semaphore_mem>>
      tpu.enqueue_indirect_dma source(%dma_start3A_378 : memref<128x16xf32, #tpu.memory_space<vmem>>) target(%dma_start3A_384 : memref<10240x16xf32, #tpu.memory_space<vmem_shared>>) offsets(%dma_start3A_381 : memref<128xi32, #tpu.memory_space<vmem>>) semaphore(%dma_start3A_386 : memref<!tpu.dma_semaphore, #tpu.memory_space<semaphore_mem>>) {add = true}
      %dma_wait3A_387 = arith.constant 0 : i32
      %dma_wait3A_388 = arith.constant 2 : i32
      %dma_wait3A_389 = arith.constant 2 : i32
      %dma_wait3A_390 = arith.constant 0 : i32
      %dma_wait3A_391 = arith.constant 0 : i32
      %dma_wait3A_392 = tpu.memref_slice %arg12[%dma_wait3A_388, %dma_wait3A_390, %dma_wait3A_391] : memref<8x128x16xf32, #tpu.memory_space<vmem>> -> memref<1x128x16xf32, #tpu.memory_space<vmem>>
      %dma_wait3A_393 = tpu.memref_squeeze %dma_wait3A_392 : memref<1x128x16xf32, #tpu.memory_space<vmem>> -> memref<128x16xf32, #tpu.memory_space<vmem>>
      %dma_wait3A_394 = arith.constant 0 : i32
      %dma_wait3A_395 = tpu.memref_slice %arg10[%dma_wait3A_387, %dma_wait3A_394] : memref<160x128xi32, #tpu.memory_space<vmem>> -> memref<1x128xi32, #tpu.memory_space<vmem>>
      %dma_wait3A_396 = tpu.memref_squeeze %dma_wait3A_395 : memref<1x128xi32, #tpu.memory_space<vmem>> -> memref<128xi32, #tpu.memory_space<vmem>>
      %dma_wait3A_397 = arith.constant 0 : i32
      %dma_wait3A_398 = arith.constant 0 : i32
      %dma_wait3A_399 = tpu.memref_slice %arg18[%dma_wait3A_397, %dma_wait3A_398] : memref<10240x16xf32, #tpu.memory_space<vmem_shared>> -> memref<10240x16xf32, #tpu.memory_space<vmem_shared>>
      %dma_wait3A_400 = tpu.memref_slice %arg19[%dma_wait3A_389] : memref<8x!tpu.dma_semaphore, #tpu.memory_space<semaphore_mem>> -> memref<1x!tpu.dma_semaphore, #tpu.memory_space<semaphore_mem>>
      %dma_wait3A_401 = tpu.memref_squeeze %dma_wait3A_400 : memref<1x!tpu.dma_semaphore, #tpu.memory_space<semaphore_mem>> -> memref<!tpu.dma_semaphore, #tpu.memory_space<semaphore_mem>>
      tpu.wait_indirect_dma semaphore(%dma_wait3A_401 : memref<!tpu.dma_semaphore, #tpu.memory_space<semaphore_mem>>) src(%dma_wait3A_399 : memref<10240x16xf32, #tpu.memory_space<vmem_shared>>) dst(%dma_wait3A_393 : memref<128x16xf32, #tpu.memory_space<vmem>>)
      %add3A_402 = arith.constant 2 : i32
      %add3A_403 = arith.addi %mul3A_159, %add3A_402 : i32
      %dma_start3A_404 = arith.constant 2 : i32
      %dma_start3A_405 = arith.constant 2 : i32
      %dma_start3A_406 = arith.constant 0 : i32
      %dma_start3A_407 = arith.constant 0 : i32
      %dma_start3A_408 = tpu.memref_slice %arg12[%dma_start3A_404, %dma_start3A_406, %dma_start3A_407] : memref<8x128x16xf32, #tpu.memory_space<vmem>> -> memref<1x128x16xf32, #tpu.memory_space<vmem>>
      %dma_start3A_409 = tpu.memref_squeeze %dma_start3A_408 : memref<1x128x16xf32, #tpu.memory_space<vmem>> -> memref<128x16xf32, #tpu.memory_space<vmem>>
      %dma_start3A_410 = arith.constant 0 : i32
      %dma_start3A_411 = tpu.memref_slice %arg11[%add3A_403, %dma_start3A_410] : memref<160x128xi32, #tpu.memory_space<vmem>> -> memref<1x128xi32, #tpu.memory_space<vmem>>
      %dma_start3A_412 = tpu.memref_squeeze %dma_start3A_411 : memref<1x128xi32, #tpu.memory_space<vmem>> -> memref<128xi32, #tpu.memory_space<vmem>>
      %dma_start3A_413 = arith.constant 0 : i32
      %dma_start3A_414 = arith.constant 0 : i32
      %dma_start3A_415 = tpu.memref_slice %arg17[%dma_start3A_413, %dma_start3A_414] : memref<10240x16xf32, #tpu.memory_space<vmem_shared>> -> memref<10240x16xf32, #tpu.memory_space<vmem_shared>>
      %dma_start3A_416 = tpu.memref_slice %arg20[%dma_start3A_405] : memref<8x!tpu.dma_semaphore, #tpu.memory_space<semaphore_mem>> -> memref<1x!tpu.dma_semaphore, #tpu.memory_space<semaphore_mem>>
      %dma_start3A_417 = tpu.memref_squeeze %dma_start3A_416 : memref<1x!tpu.dma_semaphore, #tpu.memory_space<semaphore_mem>> -> memref<!tpu.dma_semaphore, #tpu.memory_space<semaphore_mem>>
      tpu.enqueue_indirect_dma source(%dma_start3A_409 : memref<128x16xf32, #tpu.memory_space<vmem>>) target(%dma_start3A_415 : memref<10240x16xf32, #tpu.memory_space<vmem_shared>>) offsets(%dma_start3A_412 : memref<128xi32, #tpu.memory_space<vmem>>) semaphore(%dma_start3A_417 : memref<!tpu.dma_semaphore, #tpu.memory_space<semaphore_mem>>) {add = true}
      %dma_wait3A_418 = arith.constant 0 : i32
      %dma_wait3A_419 = arith.constant 3 : i32
      %dma_wait3A_420 = arith.constant 3 : i32
      %dma_wait3A_421 = arith.constant 0 : i32
      %dma_wait3A_422 = arith.constant 0 : i32
      %dma_wait3A_423 = tpu.memref_slice %arg12[%dma_wait3A_419, %dma_wait3A_421, %dma_wait3A_422] : memref<8x128x16xf32, #tpu.memory_space<vmem>> -> memref<1x128x16xf32, #tpu.memory_space<vmem>>
      %dma_wait3A_424 = tpu.memref_squeeze %dma_wait3A_423 : memref<1x128x16xf32, #tpu.memory_space<vmem>> -> memref<128x16xf32, #tpu.memory_space<vmem>>
      %dma_wait3A_425 = arith.constant 0 : i32
      %dma_wait3A_426 = tpu.memref_slice %arg10[%dma_wait3A_418, %dma_wait3A_425] : memref<160x128xi32, #tpu.memory_space<vmem>> -> memref<1x128xi32, #tpu.memory_space<vmem>>
      %dma_wait3A_427 = tpu.memref_squeeze %dma_wait3A_426 : memref<1x128xi32, #tpu.memory_space<vmem>> -> memref<128xi32, #tpu.memory_space<vmem>>
      %dma_wait3A_428 = arith.constant 0 : i32
      %dma_wait3A_429 = arith.constant 0 : i32
      %dma_wait3A_430 = tpu.memref_slice %arg18[%dma_wait3A_428, %dma_wait3A_429] : memref<10240x16xf32, #tpu.memory_space<vmem_shared>> -> memref<10240x16xf32, #tpu.memory_space<vmem_shared>>
      %dma_wait3A_431 = tpu.memref_slice %arg19[%dma_wait3A_420] : memref<8x!tpu.dma_semaphore, #tpu.memory_space<semaphore_mem>> -> memref<1x!tpu.dma_semaphore, #tpu.memory_space<semaphore_mem>>
      %dma_wait3A_432 = tpu.memref_squeeze %dma_wait3A_431 : memref<1x!tpu.dma_semaphore, #tpu.memory_space<semaphore_mem>> -> memref<!tpu.dma_semaphore, #tpu.memory_space<semaphore_mem>>
      tpu.wait_indirect_dma semaphore(%dma_wait3A_432 : memref<!tpu.dma_semaphore, #tpu.memory_space<semaphore_mem>>) src(%dma_wait3A_430 : memref<10240x16xf32, #tpu.memory_space<vmem_shared>>) dst(%dma_wait3A_424 : memref<128x16xf32, #tpu.memory_space<vmem>>)
      %add3A_433 = arith.constant 3 : i32
      %add3A_434 = arith.addi %mul3A_159, %add3A_433 : i32
      %dma_start3A_435 = arith.constant 3 : i32
      %dma_start3A_436 = arith.constant 3 : i32
      %dma_start3A_437 = arith.constant 0 : i32
      %dma_start3A_438 = arith.constant 0 : i32
      %dma_start3A_439 = tpu.memref_slice %arg12[%dma_start3A_435, %dma_start3A_437, %dma_start3A_438] : memref<8x128x16xf32, #tpu.memory_space<vmem>> -> memref<1x128x16xf32, #tpu.memory_space<vmem>>
      %dma_start3A_440 = tpu.memref_squeeze %dma_start3A_439 : memref<1x128x16xf32, #tpu.memory_space<vmem>> -> memref<128x16xf32, #tpu.memory_space<vmem>>
      %dma_start3A_441 = arith.constant 0 : i32
      %dma_start3A_442 = tpu.memref_slice %arg11[%add3A_434, %dma_start3A_441] : memref<160x128xi32, #tpu.memory_space<vmem>> -> memref<1x128xi32, #tpu.memory_space<vmem>>
      %dma_start3A_443 = tpu.memref_squeeze %dma_start3A_442 : memref<1x128xi32, #tpu.memory_space<vmem>> -> memref<128xi32, #tpu.memory_space<vmem>>
      %dma_start3A_444 = arith.constant 0 : i32
      %dma_start3A_445 = arith.constant 0 : i32
      %dma_start3A_446 = tpu.memref_slice %arg17[%dma_start3A_444, %dma_start3A_445] : memref<10240x16xf32, #tpu.memory_space<vmem_shared>> -> memref<10240x16xf32, #tpu.memory_space<vmem_shared>>
      %dma_start3A_447 = tpu.memref_slice %arg20[%dma_start3A_436] : memref<8x!tpu.dma_semaphore, #tpu.memory_space<semaphore_mem>> -> memref<1x!tpu.dma_semaphore, #tpu.memory_space<semaphore_mem>>
      %dma_start3A_448 = tpu.memref_squeeze %dma_start3A_447 : memref<1x!tpu.dma_semaphore, #tpu.memory_space<semaphore_mem>> -> memref<!tpu.dma_semaphore, #tpu.memory_space<semaphore_mem>>
      tpu.enqueue_indirect_dma source(%dma_start3A_440 : memref<128x16xf32, #tpu.memory_space<vmem>>) target(%dma_start3A_446 : memref<10240x16xf32, #tpu.memory_space<vmem_shared>>) offsets(%dma_start3A_443 : memref<128xi32, #tpu.memory_space<vmem>>) semaphore(%dma_start3A_448 : memref<!tpu.dma_semaphore, #tpu.memory_space<semaphore_mem>>) {add = true}
      %dma_wait3A_449 = arith.constant 0 : i32
      %dma_wait3A_450 = arith.constant 4 : i32
      %dma_wait3A_451 = arith.constant 4 : i32
      %dma_wait3A_452 = arith.constant 0 : i32
      %dma_wait3A_453 = arith.constant 0 : i32
      %dma_wait3A_454 = tpu.memref_slice %arg12[%dma_wait3A_450, %dma_wait3A_452, %dma_wait3A_453] : memref<8x128x16xf32, #tpu.memory_space<vmem>> -> memref<1x128x16xf32, #tpu.memory_space<vmem>>
      %dma_wait3A_455 = tpu.memref_squeeze %dma_wait3A_454 : memref<1x128x16xf32, #tpu.memory_space<vmem>> -> memref<128x16xf32, #tpu.memory_space<vmem>>
      %dma_wait3A_456 = arith.constant 0 : i32
      %dma_wait3A_457 = tpu.memref_slice %arg10[%dma_wait3A_449, %dma_wait3A_456] : memref<160x128xi32, #tpu.memory_space<vmem>> -> memref<1x128xi32, #tpu.memory_space<vmem>>
      %dma_wait3A_458 = tpu.memref_squeeze %dma_wait3A_457 : memref<1x128xi32, #tpu.memory_space<vmem>> -> memref<128xi32, #tpu.memory_space<vmem>>
      %dma_wait3A_459 = arith.constant 0 : i32
      %dma_wait3A_460 = arith.constant 0 : i32
      %dma_wait3A_461 = tpu.memref_slice %arg18[%dma_wait3A_459, %dma_wait3A_460] : memref<10240x16xf32, #tpu.memory_space<vmem_shared>> -> memref<10240x16xf32, #tpu.memory_space<vmem_shared>>
      %dma_wait3A_462 = tpu.memref_slice %arg19[%dma_wait3A_451] : memref<8x!tpu.dma_semaphore, #tpu.memory_space<semaphore_mem>> -> memref<1x!tpu.dma_semaphore, #tpu.memory_space<semaphore_mem>>
      %dma_wait3A_463 = tpu.memref_squeeze %dma_wait3A_462 : memref<1x!tpu.dma_semaphore, #tpu.memory_space<semaphore_mem>> -> memref<!tpu.dma_semaphore, #tpu.memory_space<semaphore_mem>>
      tpu.wait_indirect_dma semaphore(%dma_wait3A_463 : memref<!tpu.dma_semaphore, #tpu.memory_space<semaphore_mem>>) src(%dma_wait3A_461 : memref<10240x16xf32, #tpu.memory_space<vmem_shared>>) dst(%dma_wait3A_455 : memref<128x16xf32, #tpu.memory_space<vmem>>)
      %add3A_464 = arith.constant 4 : i32
      %add3A_465 = arith.addi %mul3A_159, %add3A_464 : i32
      %dma_start3A_466 = arith.constant 4 : i32
      %dma_start3A_467 = arith.constant 4 : i32
      %dma_start3A_468 = arith.constant 0 : i32
      %dma_start3A_469 = arith.constant 0 : i32
      %dma_start3A_470 = tpu.memref_slice %arg12[%dma_start3A_466, %dma_start3A_468, %dma_start3A_469] : memref<8x128x16xf32, #tpu.memory_space<vmem>> -> memref<1x128x16xf32, #tpu.memory_space<vmem>>
      %dma_start3A_471 = tpu.memref_squeeze %dma_start3A_470 : memref<1x128x16xf32, #tpu.memory_space<vmem>> -> memref<128x16xf32, #tpu.memory_space<vmem>>
      %dma_start3A_472 = arith.constant 0 : i32
      %dma_start3A_473 = tpu.memref_slice %arg11[%add3A_465, %dma_start3A_472] : memref<160x128xi32, #tpu.memory_space<vmem>> -> memref<1x128xi32, #tpu.memory_space<vmem>>
      %dma_start3A_474 = tpu.memref_squeeze %dma_start3A_473 : memref<1x128xi32, #tpu.memory_space<vmem>> -> memref<128xi32, #tpu.memory_space<vmem>>
      %dma_start3A_475 = arith.constant 0 : i32
      %dma_start3A_476 = arith.constant 0 : i32
      %dma_start3A_477 = tpu.memref_slice %arg17[%dma_start3A_475, %dma_start3A_476] : memref<10240x16xf32, #tpu.memory_space<vmem_shared>> -> memref<10240x16xf32, #tpu.memory_space<vmem_shared>>
      %dma_start3A_478 = tpu.memref_slice %arg20[%dma_start3A_467] : memref<8x!tpu.dma_semaphore, #tpu.memory_space<semaphore_mem>> -> memref<1x!tpu.dma_semaphore, #tpu.memory_space<semaphore_mem>>
      %dma_start3A_479 = tpu.memref_squeeze %dma_start3A_478 : memref<1x!tpu.dma_semaphore, #tpu.memory_space<semaphore_mem>> -> memref<!tpu.dma_semaphore, #tpu.memory_space<semaphore_mem>>
      tpu.enqueue_indirect_dma source(%dma_start3A_471 : memref<128x16xf32, #tpu.memory_space<vmem>>) target(%dma_start3A_477 : memref<10240x16xf32, #tpu.memory_space<vmem_shared>>) offsets(%dma_start3A_474 : memref<128xi32, #tpu.memory_space<vmem>>) semaphore(%dma_start3A_479 : memref<!tpu.dma_semaphore, #tpu.memory_space<semaphore_mem>>) {add = true}
      %dma_wait3A_480 = arith.constant 0 : i32
      %dma_wait3A_481 = arith.constant 5 : i32
      %dma_wait3A_482 = arith.constant 5 : i32
      %dma_wait3A_483 = arith.constant 0 : i32
      %dma_wait3A_484 = arith.constant 0 : i32
      %dma_wait3A_485 = tpu.memref_slice %arg12[%dma_wait3A_481, %dma_wait3A_483, %dma_wait3A_484] : memref<8x128x16xf32, #tpu.memory_space<vmem>> -> memref<1x128x16xf32, #tpu.memory_space<vmem>>
      %dma_wait3A_486 = tpu.memref_squeeze %dma_wait3A_485 : memref<1x128x16xf32, #tpu.memory_space<vmem>> -> memref<128x16xf32, #tpu.memory_space<vmem>>
      %dma_wait3A_487 = arith.constant 0 : i32
      %dma_wait3A_488 = tpu.memref_slice %arg10[%dma_wait3A_480, %dma_wait3A_487] : memref<160x128xi32, #tpu.memory_space<vmem>> -> memref<1x128xi32, #tpu.memory_space<vmem>>
      %dma_wait3A_489 = tpu.memref_squeeze %dma_wait3A_488 : memref<1x128xi32, #tpu.memory_space<vmem>> -> memref<128xi32, #tpu.memory_space<vmem>>
      %dma_wait3A_490 = arith.constant 0 : i32
      %dma_wait3A_491 = arith.constant 0 : i32
      %dma_wait3A_492 = tpu.memref_slice %arg18[%dma_wait3A_490, %dma_wait3A_491] : memref<10240x16xf32, #tpu.memory_space<vmem_shared>> -> memref<10240x16xf32, #tpu.memory_space<vmem_shared>>
      %dma_wait3A_493 = tpu.memref_slice %arg19[%dma_wait3A_482] : memref<8x!tpu.dma_semaphore, #tpu.memory_space<semaphore_mem>> -> memref<1x!tpu.dma_semaphore, #tpu.memory_space<semaphore_mem>>
      %dma_wait3A_494 = tpu.memref_squeeze %dma_wait3A_493 : memref<1x!tpu.dma_semaphore, #tpu.memory_space<semaphore_mem>> -> memref<!tpu.dma_semaphore, #tpu.memory_space<semaphore_mem>>
      tpu.wait_indirect_dma semaphore(%dma_wait3A_494 : memref<!tpu.dma_semaphore, #tpu.memory_space<semaphore_mem>>) src(%dma_wait3A_492 : memref<10240x16xf32, #tpu.memory_space<vmem_shared>>) dst(%dma_wait3A_486 : memref<128x16xf32, #tpu.memory_space<vmem>>)
      %add3A_495 = arith.constant 5 : i32
      %add3A_496 = arith.addi %mul3A_159, %add3A_495 : i32
      %dma_start3A_497 = arith.constant 5 : i32
      %dma_start3A_498 = arith.constant 5 : i32
      %dma_start3A_499 = arith.constant 0 : i32
      %dma_start3A_500 = arith.constant 0 : i32
      %dma_start3A_501 = tpu.memref_slice %arg12[%dma_start3A_497, %dma_start3A_499, %dma_start3A_500] : memref<8x128x16xf32, #tpu.memory_space<vmem>> -> memref<1x128x16xf32, #tpu.memory_space<vmem>>
      %dma_start3A_502 = tpu.memref_squeeze %dma_start3A_501 : memref<1x128x16xf32, #tpu.memory_space<vmem>> -> memref<128x16xf32, #tpu.memory_space<vmem>>
      %dma_start3A_503 = arith.constant 0 : i32
      %dma_start3A_504 = tpu.memref_slice %arg11[%add3A_496, %dma_start3A_503] : memref<160x128xi32, #tpu.memory_space<vmem>> -> memref<1x128xi32, #tpu.memory_space<vmem>>
      %dma_start3A_505 = tpu.memref_squeeze %dma_start3A_504 : memref<1x128xi32, #tpu.memory_space<vmem>> -> memref<128xi32, #tpu.memory_space<vmem>>
      %dma_start3A_506 = arith.constant 0 : i32
      %dma_start3A_507 = arith.constant 0 : i32
      %dma_start3A_508 = tpu.memref_slice %arg17[%dma_start3A_506, %dma_start3A_507] : memref<10240x16xf32, #tpu.memory_space<vmem_shared>> -> memref<10240x16xf32, #tpu.memory_space<vmem_shared>>
      %dma_start3A_509 = tpu.memref_slice %arg20[%dma_start3A_498] : memref<8x!tpu.dma_semaphore, #tpu.memory_space<semaphore_mem>> -> memref<1x!tpu.dma_semaphore, #tpu.memory_space<semaphore_mem>>
      %dma_start3A_510 = tpu.memref_squeeze %dma_start3A_509 : memref<1x!tpu.dma_semaphore, #tpu.memory_space<semaphore_mem>> -> memref<!tpu.dma_semaphore, #tpu.memory_space<semaphore_mem>>
      tpu.enqueue_indirect_dma source(%dma_start3A_502 : memref<128x16xf32, #tpu.memory_space<vmem>>) target(%dma_start3A_508 : memref<10240x16xf32, #tpu.memory_space<vmem_shared>>) offsets(%dma_start3A_505 : memref<128xi32, #tpu.memory_space<vmem>>) semaphore(%dma_start3A_510 : memref<!tpu.dma_semaphore, #tpu.memory_space<semaphore_mem>>) {add = true}
      %dma_wait3A_511 = arith.constant 0 : i32
      %dma_wait3A_512 = arith.constant 6 : i32
      %dma_wait3A_513 = arith.constant 6 : i32
      %dma_wait3A_514 = arith.constant 0 : i32
      %dma_wait3A_515 = arith.constant 0 : i32
      %dma_wait3A_516 = tpu.memref_slice %arg12[%dma_wait3A_512, %dma_wait3A_514, %dma_wait3A_515] : memref<8x128x16xf32, #tpu.memory_space<vmem>> -> memref<1x128x16xf32, #tpu.memory_space<vmem>>
      %dma_wait3A_517 = tpu.memref_squeeze %dma_wait3A_516 : memref<1x128x16xf32, #tpu.memory_space<vmem>> -> memref<128x16xf32, #tpu.memory_space<vmem>>
      %dma_wait3A_518 = arith.constant 0 : i32
      %dma_wait3A_519 = tpu.memref_slice %arg10[%dma_wait3A_511, %dma_wait3A_518] : memref<160x128xi32, #tpu.memory_space<vmem>> -> memref<1x128xi32, #tpu.memory_space<vmem>>
      %dma_wait3A_520 = tpu.memref_squeeze %dma_wait3A_519 : memref<1x128xi32, #tpu.memory_space<vmem>> -> memref<128xi32, #tpu.memory_space<vmem>>
      %dma_wait3A_521 = arith.constant 0 : i32
      %dma_wait3A_522 = arith.constant 0 : i32
      %dma_wait3A_523 = tpu.memref_slice %arg18[%dma_wait3A_521, %dma_wait3A_522] : memref<10240x16xf32, #tpu.memory_space<vmem_shared>> -> memref<10240x16xf32, #tpu.memory_space<vmem_shared>>
      %dma_wait3A_524 = tpu.memref_slice %arg19[%dma_wait3A_513] : memref<8x!tpu.dma_semaphore, #tpu.memory_space<semaphore_mem>> -> memref<1x!tpu.dma_semaphore, #tpu.memory_space<semaphore_mem>>
      %dma_wait3A_525 = tpu.memref_squeeze %dma_wait3A_524 : memref<1x!tpu.dma_semaphore, #tpu.memory_space<semaphore_mem>> -> memref<!tpu.dma_semaphore, #tpu.memory_space<semaphore_mem>>
      tpu.wait_indirect_dma semaphore(%dma_wait3A_525 : memref<!tpu.dma_semaphore, #tpu.memory_space<semaphore_mem>>) src(%dma_wait3A_523 : memref<10240x16xf32, #tpu.memory_space<vmem_shared>>) dst(%dma_wait3A_517 : memref<128x16xf32, #tpu.memory_space<vmem>>)
      %add3A_526 = arith.constant 6 : i32
      %add3A_527 = arith.addi %mul3A_159, %add3A_526 : i32
      %dma_start3A_528 = arith.constant 6 : i32
      %dma_start3A_529 = arith.constant 6 : i32
      %dma_start3A_530 = arith.constant 0 : i32
      %dma_start3A_531 = arith.constant 0 : i32
      %dma_start3A_532 = tpu.memref_slice %arg12[%dma_start3A_528, %dma_start3A_530, %dma_start3A_531] : memref<8x128x16xf32, #tpu.memory_space<vmem>> -> memref<1x128x16xf32, #tpu.memory_space<vmem>>
      %dma_start3A_533 = tpu.memref_squeeze %dma_start3A_532 : memref<1x128x16xf32, #tpu.memory_space<vmem>> -> memref<128x16xf32, #tpu.memory_space<vmem>>
      %dma_start3A_534 = arith.constant 0 : i32
      %dma_start3A_535 = tpu.memref_slice %arg11[%add3A_527, %dma_start3A_534] : memref<160x128xi32, #tpu.memory_space<vmem>> -> memref<1x128xi32, #tpu.memory_space<vmem>>
      %dma_start3A_536 = tpu.memref_squeeze %dma_start3A_535 : memref<1x128xi32, #tpu.memory_space<vmem>> -> memref<128xi32, #tpu.memory_space<vmem>>
      %dma_start3A_537 = arith.constant 0 : i32
      %dma_start3A_538 = arith.constant 0 : i32
      %dma_start3A_539 = tpu.memref_slice %arg17[%dma_start3A_537, %dma_start3A_538] : memref<10240x16xf32, #tpu.memory_space<vmem_shared>> -> memref<10240x16xf32, #tpu.memory_space<vmem_shared>>
      %dma_start3A_540 = tpu.memref_slice %arg20[%dma_start3A_529] : memref<8x!tpu.dma_semaphore, #tpu.memory_space<semaphore_mem>> -> memref<1x!tpu.dma_semaphore, #tpu.memory_space<semaphore_mem>>
      %dma_start3A_541 = tpu.memref_squeeze %dma_start3A_540 : memref<1x!tpu.dma_semaphore, #tpu.memory_space<semaphore_mem>> -> memref<!tpu.dma_semaphore, #tpu.memory_space<semaphore_mem>>
      tpu.enqueue_indirect_dma source(%dma_start3A_533 : memref<128x16xf32, #tpu.memory_space<vmem>>) target(%dma_start3A_539 : memref<10240x16xf32, #tpu.memory_space<vmem_shared>>) offsets(%dma_start3A_536 : memref<128xi32, #tpu.memory_space<vmem>>) semaphore(%dma_start3A_541 : memref<!tpu.dma_semaphore, #tpu.memory_space<semaphore_mem>>) {add = true}
      %dma_wait3A_542 = arith.constant 0 : i32
      %dma_wait3A_543 = arith.constant 7 : i32
      %dma_wait3A_544 = arith.constant 7 : i32
      %dma_wait3A_545 = arith.constant 0 : i32
      %dma_wait3A_546 = arith.constant 0 : i32
      %dma_wait3A_547 = tpu.memref_slice %arg12[%dma_wait3A_543, %dma_wait3A_545, %dma_wait3A_546] : memref<8x128x16xf32, #tpu.memory_space<vmem>> -> memref<1x128x16xf32, #tpu.memory_space<vmem>>
      %dma_wait3A_548 = tpu.memref_squeeze %dma_wait3A_547 : memref<1x128x16xf32, #tpu.memory_space<vmem>> -> memref<128x16xf32, #tpu.memory_space<vmem>>
      %dma_wait3A_549 = arith.constant 0 : i32
      %dma_wait3A_550 = tpu.memref_slice %arg10[%dma_wait3A_542, %dma_wait3A_549] : memref<160x128xi32, #tpu.memory_space<vmem>> -> memref<1x128xi32, #tpu.memory_space<vmem>>
      %dma_wait3A_551 = tpu.memref_squeeze %dma_wait3A_550 : memref<1x128xi32, #tpu.memory_space<vmem>> -> memref<128xi32, #tpu.memory_space<vmem>>
      %dma_wait3A_552 = arith.constant 0 : i32
      %dma_wait3A_553 = arith.constant 0 : i32
      %dma_wait3A_554 = tpu.memref_slice %arg18[%dma_wait3A_552, %dma_wait3A_553] : memref<10240x16xf32, #tpu.memory_space<vmem_shared>> -> memref<10240x16xf32, #tpu.memory_space<vmem_shared>>
      %dma_wait3A_555 = tpu.memref_slice %arg19[%dma_wait3A_544] : memref<8x!tpu.dma_semaphore, #tpu.memory_space<semaphore_mem>> -> memref<1x!tpu.dma_semaphore, #tpu.memory_space<semaphore_mem>>
      %dma_wait3A_556 = tpu.memref_squeeze %dma_wait3A_555 : memref<1x!tpu.dma_semaphore, #tpu.memory_space<semaphore_mem>> -> memref<!tpu.dma_semaphore, #tpu.memory_space<semaphore_mem>>
      tpu.wait_indirect_dma semaphore(%dma_wait3A_556 : memref<!tpu.dma_semaphore, #tpu.memory_space<semaphore_mem>>) src(%dma_wait3A_554 : memref<10240x16xf32, #tpu.memory_space<vmem_shared>>) dst(%dma_wait3A_548 : memref<128x16xf32, #tpu.memory_space<vmem>>)
      %add3A_557 = arith.constant 7 : i32
      %add3A_558 = arith.addi %mul3A_159, %add3A_557 : i32
      %dma_start3A_559 = arith.constant 7 : i32
      %dma_start3A_560 = arith.constant 7 : i32
      %dma_start3A_561 = arith.constant 0 : i32
      %dma_start3A_562 = arith.constant 0 : i32
      %dma_start3A_563 = tpu.memref_slice %arg12[%dma_start3A_559, %dma_start3A_561, %dma_start3A_562] : memref<8x128x16xf32, #tpu.memory_space<vmem>> -> memref<1x128x16xf32, #tpu.memory_space<vmem>>
      %dma_start3A_564 = tpu.memref_squeeze %dma_start3A_563 : memref<1x128x16xf32, #tpu.memory_space<vmem>> -> memref<128x16xf32, #tpu.memory_space<vmem>>
      %dma_start3A_565 = arith.constant 0 : i32
      %dma_start3A_566 = tpu.memref_slice %arg11[%add3A_558, %dma_start3A_565] : memref<160x128xi32, #tpu.memory_space<vmem>> -> memref<1x128xi32, #tpu.memory_space<vmem>>
      %dma_start3A_567 = tpu.memref_squeeze %dma_start3A_566 : memref<1x128xi32, #tpu.memory_space<vmem>> -> memref<128xi32, #tpu.memory_space<vmem>>
      %dma_start3A_568 = arith.constant 0 : i32
      %dma_start3A_569 = arith.constant 0 : i32
      %dma_start3A_570 = tpu.memref_slice %arg17[%dma_start3A_568, %dma_start3A_569] : memref<10240x16xf32, #tpu.memory_space<vmem_shared>> -> memref<10240x16xf32, #tpu.memory_space<vmem_shared>>
      %dma_start3A_571 = tpu.memref_slice %arg20[%dma_start3A_560] : memref<8x!tpu.dma_semaphore, #tpu.memory_space<semaphore_mem>> -> memref<1x!tpu.dma_semaphore, #tpu.memory_space<semaphore_mem>>
      %dma_start3A_572 = tpu.memref_squeeze %dma_start3A_571 : memref<1x!tpu.dma_semaphore, #tpu.memory_space<semaphore_mem>> -> memref<!tpu.dma_semaphore, #tpu.memory_space<semaphore_mem>>
      tpu.enqueue_indirect_dma source(%dma_start3A_564 : memref<128x16xf32, #tpu.memory_space<vmem>>) target(%dma_start3A_570 : memref<10240x16xf32, #tpu.memory_space<vmem_shared>>) offsets(%dma_start3A_567 : memref<128xi32, #tpu.memory_space<vmem>>) semaphore(%dma_start3A_572 : memref<!tpu.dma_semaphore, #tpu.memory_space<semaphore_mem>>) {add = true}
    }
    %scan3A_15 = arith.constant 20 : i32
    %dma_wait3A = arith.constant 0 : i32
    %dma_wait3A_16 = arith.constant 0 : i32
    %dma_wait3A_17 = arith.constant 0 : i32
    %dma_wait3A_18 = arith.constant 0 : i32
    %dma_wait3A_19 = arith.constant 0 : i32
    %dma_wait3A_20 = tpu.memref_slice %arg12[%dma_wait3A, %dma_wait3A_18, %dma_wait3A_19] : memref<8x128x16xf32, #tpu.memory_space<vmem>> -> memref<1x128x16xf32, #tpu.memory_space<vmem>>
    %dma_wait3A_21 = tpu.memref_squeeze %dma_wait3A_20 : memref<1x128x16xf32, #tpu.memory_space<vmem>> -> memref<128x16xf32, #tpu.memory_space<vmem>>
    %dma_wait3A_22 = arith.constant 0 : i32
    %dma_wait3A_23 = tpu.memref_slice %arg11[%dma_wait3A_16, %dma_wait3A_22] : memref<160x128xi32, #tpu.memory_space<vmem>> -> memref<1x128xi32, #tpu.memory_space<vmem>>
    %dma_wait3A_24 = tpu.memref_squeeze %dma_wait3A_23 : memref<1x128xi32, #tpu.memory_space<vmem>> -> memref<128xi32, #tpu.memory_space<vmem>>
    %dma_wait3A_25 = arith.constant 0 : i32
    %dma_wait3A_26 = arith.constant 0 : i32
    %dma_wait3A_27 = tpu.memref_slice %arg17[%dma_wait3A_25, %dma_wait3A_26] : memref<10240x16xf32, #tpu.memory_space<vmem_shared>> -> memref<10240x16xf32, #tpu.memory_space<vmem_shared>>
    %dma_wait3A_28 = tpu.memref_slice %arg20[%dma_wait3A_17] : memref<8x!tpu.dma_semaphore, #tpu.memory_space<semaphore_mem>> -> memref<1x!tpu.dma_semaphore, #tpu.memory_space<semaphore_mem>>
    %dma_wait3A_29 = tpu.memref_squeeze %dma_wait3A_28 : memref<1x!tpu.dma_semaphore, #tpu.memory_space<semaphore_mem>> -> memref<!tpu.dma_semaphore, #tpu.memory_space<semaphore_mem>>
    tpu.wait_indirect_dma semaphore(%dma_wait3A_29 : memref<!tpu.dma_semaphore, #tpu.memory_space<semaphore_mem>>) src(%dma_wait3A_21 : memref<128x16xf32, #tpu.memory_space<vmem>>) dst(%dma_wait3A_27 : memref<10240x16xf32, #tpu.memory_space<vmem_shared>>)
    %dma_wait3A_30 = arith.constant 1 : i32
    %dma_wait3A_31 = arith.constant 0 : i32
    %dma_wait3A_32 = arith.constant 1 : i32
    %dma_wait3A_33 = arith.constant 0 : i32
    %dma_wait3A_34 = arith.constant 0 : i32
    %dma_wait3A_35 = tpu.memref_slice %arg12[%dma_wait3A_30, %dma_wait3A_33, %dma_wait3A_34] : memref<8x128x16xf32, #tpu.memory_space<vmem>> -> memref<1x128x16xf32, #tpu.memory_space<vmem>>
    %dma_wait3A_36 = tpu.memref_squeeze %dma_wait3A_35 : memref<1x128x16xf32, #tpu.memory_space<vmem>> -> memref<128x16xf32, #tpu.memory_space<vmem>>
    %dma_wait3A_37 = arith.constant 0 : i32
    %dma_wait3A_38 = tpu.memref_slice %arg11[%dma_wait3A_31, %dma_wait3A_37] : memref<160x128xi32, #tpu.memory_space<vmem>> -> memref<1x128xi32, #tpu.memory_space<vmem>>
    %dma_wait3A_39 = tpu.memref_squeeze %dma_wait3A_38 : memref<1x128xi32, #tpu.memory_space<vmem>> -> memref<128xi32, #tpu.memory_space<vmem>>
    %dma_wait3A_40 = arith.constant 0 : i32
    %dma_wait3A_41 = arith.constant 0 : i32
    %dma_wait3A_42 = tpu.memref_slice %arg17[%dma_wait3A_40, %dma_wait3A_41] : memref<10240x16xf32, #tpu.memory_space<vmem_shared>> -> memref<10240x16xf32, #tpu.memory_space<vmem_shared>>
    %dma_wait3A_43 = tpu.memref_slice %arg20[%dma_wait3A_32] : memref<8x!tpu.dma_semaphore, #tpu.memory_space<semaphore_mem>> -> memref<1x!tpu.dma_semaphore, #tpu.memory_space<semaphore_mem>>
    %dma_wait3A_44 = tpu.memref_squeeze %dma_wait3A_43 : memref<1x!tpu.dma_semaphore, #tpu.memory_space<semaphore_mem>> -> memref<!tpu.dma_semaphore, #tpu.memory_space<semaphore_mem>>
    tpu.wait_indirect_dma semaphore(%dma_wait3A_44 : memref<!tpu.dma_semaphore, #tpu.memory_space<semaphore_mem>>) src(%dma_wait3A_36 : memref<128x16xf32, #tpu.memory_space<vmem>>) dst(%dma_wait3A_42 : memref<10240x16xf32, #tpu.memory_space<vmem_shared>>)
    %dma_wait3A_45 = arith.constant 2 : i32
    %dma_wait3A_46 = arith.constant 0 : i32
    %dma_wait3A_47 = arith.constant 2 : i32
    %dma_wait3A_48 = arith.constant 0 : i32
    %dma_wait3A_49 = arith.constant 0 : i32
    %dma_wait3A_50 = tpu.memref_slice %arg12[%dma_wait3A_45, %dma_wait3A_48, %dma_wait3A_49] : memref<8x128x16xf32, #tpu.memory_space<vmem>> -> memref<1x128x16xf32, #tpu.memory_space<vmem>>
    %dma_wait3A_51 = tpu.memref_squeeze %dma_wait3A_50 : memref<1x128x16xf32, #tpu.memory_space<vmem>> -> memref<128x16xf32, #tpu.memory_space<vmem>>
    %dma_wait3A_52 = arith.constant 0 : i32
    %dma_wait3A_53 = tpu.memref_slice %arg11[%dma_wait3A_46, %dma_wait3A_52] : memref<160x128xi32, #tpu.memory_space<vmem>> -> memref<1x128xi32, #tpu.memory_space<vmem>>
    %dma_wait3A_54 = tpu.memref_squeeze %dma_wait3A_53 : memref<1x128xi32, #tpu.memory_space<vmem>> -> memref<128xi32, #tpu.memory_space<vmem>>
    %dma_wait3A_55 = arith.constant 0 : i32
    %dma_wait3A_56 = arith.constant 0 : i32
    %dma_wait3A_57 = tpu.memref_slice %arg17[%dma_wait3A_55, %dma_wait3A_56] : memref<10240x16xf32, #tpu.memory_space<vmem_shared>> -> memref<10240x16xf32, #tpu.memory_space<vmem_shared>>
    %dma_wait3A_58 = tpu.memref_slice %arg20[%dma_wait3A_47] : memref<8x!tpu.dma_semaphore, #tpu.memory_space<semaphore_mem>> -> memref<1x!tpu.dma_semaphore, #tpu.memory_space<semaphore_mem>>
    %dma_wait3A_59 = tpu.memref_squeeze %dma_wait3A_58 : memref<1x!tpu.dma_semaphore, #tpu.memory_space<semaphore_mem>> -> memref<!tpu.dma_semaphore, #tpu.memory_space<semaphore_mem>>
    tpu.wait_indirect_dma semaphore(%dma_wait3A_59 : memref<!tpu.dma_semaphore, #tpu.memory_space<semaphore_mem>>) src(%dma_wait3A_51 : memref<128x16xf32, #tpu.memory_space<vmem>>) dst(%dma_wait3A_57 : memref<10240x16xf32, #tpu.memory_space<vmem_shared>>)
    %dma_wait3A_60 = arith.constant 3 : i32
    %dma_wait3A_61 = arith.constant 0 : i32
    %dma_wait3A_62 = arith.constant 3 : i32
    %dma_wait3A_63 = arith.constant 0 : i32
    %dma_wait3A_64 = arith.constant 0 : i32
    %dma_wait3A_65 = tpu.memref_slice %arg12[%dma_wait3A_60, %dma_wait3A_63, %dma_wait3A_64] : memref<8x128x16xf32, #tpu.memory_space<vmem>> -> memref<1x128x16xf32, #tpu.memory_space<vmem>>
    %dma_wait3A_66 = tpu.memref_squeeze %dma_wait3A_65 : memref<1x128x16xf32, #tpu.memory_space<vmem>> -> memref<128x16xf32, #tpu.memory_space<vmem>>
    %dma_wait3A_67 = arith.constant 0 : i32
    %dma_wait3A_68 = tpu.memref_slice %arg11[%dma_wait3A_61, %dma_wait3A_67] : memref<160x128xi32, #tpu.memory_space<vmem>> -> memref<1x128xi32, #tpu.memory_space<vmem>>
    %dma_wait3A_69 = tpu.memref_squeeze %dma_wait3A_68 : memref<1x128xi32, #tpu.memory_space<vmem>> -> memref<128xi32, #tpu.memory_space<vmem>>
    %dma_wait3A_70 = arith.constant 0 : i32
    %dma_wait3A_71 = arith.constant 0 : i32
    %dma_wait3A_72 = tpu.memref_slice %arg17[%dma_wait3A_70, %dma_wait3A_71] : memref<10240x16xf32, #tpu.memory_space<vmem_shared>> -> memref<10240x16xf32, #tpu.memory_space<vmem_shared>>
    %dma_wait3A_73 = tpu.memref_slice %arg20[%dma_wait3A_62] : memref<8x!tpu.dma_semaphore, #tpu.memory_space<semaphore_mem>> -> memref<1x!tpu.dma_semaphore, #tpu.memory_space<semaphore_mem>>
    %dma_wait3A_74 = tpu.memref_squeeze %dma_wait3A_73 : memref<1x!tpu.dma_semaphore, #tpu.memory_space<semaphore_mem>> -> memref<!tpu.dma_semaphore, #tpu.memory_space<semaphore_mem>>
    tpu.wait_indirect_dma semaphore(%dma_wait3A_74 : memref<!tpu.dma_semaphore, #tpu.memory_space<semaphore_mem>>) src(%dma_wait3A_66 : memref<128x16xf32, #tpu.memory_space<vmem>>) dst(%dma_wait3A_72 : memref<10240x16xf32, #tpu.memory_space<vmem_shared>>)
    %dma_wait3A_75 = arith.constant 4 : i32
    %dma_wait3A_76 = arith.constant 0 : i32
    %dma_wait3A_77 = arith.constant 4 : i32
    %dma_wait3A_78 = arith.constant 0 : i32
    %dma_wait3A_79 = arith.constant 0 : i32
    %dma_wait3A_80 = tpu.memref_slice %arg12[%dma_wait3A_75, %dma_wait3A_78, %dma_wait3A_79] : memref<8x128x16xf32, #tpu.memory_space<vmem>> -> memref<1x128x16xf32, #tpu.memory_space<vmem>>
    %dma_wait3A_81 = tpu.memref_squeeze %dma_wait3A_80 : memref<1x128x16xf32, #tpu.memory_space<vmem>> -> memref<128x16xf32, #tpu.memory_space<vmem>>
    %dma_wait3A_82 = arith.constant 0 : i32
    %dma_wait3A_83 = tpu.memref_slice %arg11[%dma_wait3A_76, %dma_wait3A_82] : memref<160x128xi32, #tpu.memory_space<vmem>> -> memref<1x128xi32, #tpu.memory_space<vmem>>
    %dma_wait3A_84 = tpu.memref_squeeze %dma_wait3A_83 : memref<1x128xi32, #tpu.memory_space<vmem>> -> memref<128xi32, #tpu.memory_space<vmem>>
    %dma_wait3A_85 = arith.constant 0 : i32
    %dma_wait3A_86 = arith.constant 0 : i32
    %dma_wait3A_87 = tpu.memref_slice %arg17[%dma_wait3A_85, %dma_wait3A_86] : memref<10240x16xf32, #tpu.memory_space<vmem_shared>> -> memref<10240x16xf32, #tpu.memory_space<vmem_shared>>
    %dma_wait3A_88 = tpu.memref_slice %arg20[%dma_wait3A_77] : memref<8x!tpu.dma_semaphore, #tpu.memory_space<semaphore_mem>> -> memref<1x!tpu.dma_semaphore, #tpu.memory_space<semaphore_mem>>
    %dma_wait3A_89 = tpu.memref_squeeze %dma_wait3A_88 : memref<1x!tpu.dma_semaphore, #tpu.memory_space<semaphore_mem>> -> memref<!tpu.dma_semaphore, #tpu.memory_space<semaphore_mem>>
    tpu.wait_indirect_dma semaphore(%dma_wait3A_89 : memref<!tpu.dma_semaphore, #tpu.memory_space<semaphore_mem>>) src(%dma_wait3A_81 : memref<128x16xf32, #tpu.memory_space<vmem>>) dst(%dma_wait3A_87 : memref<10240x16xf32, #tpu.memory_space<vmem_shared>>)
    %dma_wait3A_90 = arith.constant 5 : i32
    %dma_wait3A_91 = arith.constant 0 : i32
    %dma_wait3A_92 = arith.constant 5 : i32
    %dma_wait3A_93 = arith.constant 0 : i32
    %dma_wait3A_94 = arith.constant 0 : i32
    %dma_wait3A_95 = tpu.memref_slice %arg12[%dma_wait3A_90, %dma_wait3A_93, %dma_wait3A_94] : memref<8x128x16xf32, #tpu.memory_space<vmem>> -> memref<1x128x16xf32, #tpu.memory_space<vmem>>
    %dma_wait3A_96 = tpu.memref_squeeze %dma_wait3A_95 : memref<1x128x16xf32, #tpu.memory_space<vmem>> -> memref<128x16xf32, #tpu.memory_space<vmem>>
    %dma_wait3A_97 = arith.constant 0 : i32
    %dma_wait3A_98 = tpu.memref_slice %arg11[%dma_wait3A_91, %dma_wait3A_97] : memref<160x128xi32, #tpu.memory_space<vmem>> -> memref<1x128xi32, #tpu.memory_space<vmem>>
    %dma_wait3A_99 = tpu.memref_squeeze %dma_wait3A_98 : memref<1x128xi32, #tpu.memory_space<vmem>> -> memref<128xi32, #tpu.memory_space<vmem>>
    %dma_wait3A_100 = arith.constant 0 : i32
    %dma_wait3A_101 = arith.constant 0 : i32
    %dma_wait3A_102 = tpu.memref_slice %arg17[%dma_wait3A_100, %dma_wait3A_101] : memref<10240x16xf32, #tpu.memory_space<vmem_shared>> -> memref<10240x16xf32, #tpu.memory_space<vmem_shared>>
    %dma_wait3A_103 = tpu.memref_slice %arg20[%dma_wait3A_92] : memref<8x!tpu.dma_semaphore, #tpu.memory_space<semaphore_mem>> -> memref<1x!tpu.dma_semaphore, #tpu.memory_space<semaphore_mem>>
    %dma_wait3A_104 = tpu.memref_squeeze %dma_wait3A_103 : memref<1x!tpu.dma_semaphore, #tpu.memory_space<semaphore_mem>> -> memref<!tpu.dma_semaphore, #tpu.memory_space<semaphore_mem>>
    tpu.wait_indirect_dma semaphore(%dma_wait3A_104 : memref<!tpu.dma_semaphore, #tpu.memory_space<semaphore_mem>>) src(%dma_wait3A_96 : memref<128x16xf32, #tpu.memory_space<vmem>>) dst(%dma_wait3A_102 : memref<10240x16xf32, #tpu.memory_space<vmem_shared>>)
    %dma_wait3A_105 = arith.constant 6 : i32
    %dma_wait3A_106 = arith.constant 0 : i32
    %dma_wait3A_107 = arith.constant 6 : i32
    %dma_wait3A_108 = arith.constant 0 : i32
    %dma_wait3A_109 = arith.constant 0 : i32
    %dma_wait3A_110 = tpu.memref_slice %arg12[%dma_wait3A_105, %dma_wait3A_108, %dma_wait3A_109] : memref<8x128x16xf32, #tpu.memory_space<vmem>> -> memref<1x128x16xf32, #tpu.memory_space<vmem>>
    %dma_wait3A_111 = tpu.memref_squeeze %dma_wait3A_110 : memref<1x128x16xf32, #tpu.memory_space<vmem>> -> memref<128x16xf32, #tpu.memory_space<vmem>>
    %dma_wait3A_112 = arith.constant 0 : i32
    %dma_wait3A_113 = tpu.memref_slice %arg11[%dma_wait3A_106, %dma_wait3A_112] : memref<160x128xi32, #tpu.memory_space<vmem>> -> memref<1x128xi32, #tpu.memory_space<vmem>>
    %dma_wait3A_114 = tpu.memref_squeeze %dma_wait3A_113 : memref<1x128xi32, #tpu.memory_space<vmem>> -> memref<128xi32, #tpu.memory_space<vmem>>
    %dma_wait3A_115 = arith.constant 0 : i32
    %dma_wait3A_116 = arith.constant 0 : i32
    %dma_wait3A_117 = tpu.memref_slice %arg17[%dma_wait3A_115, %dma_wait3A_116] : memref<10240x16xf32, #tpu.memory_space<vmem_shared>> -> memref<10240x16xf32, #tpu.memory_space<vmem_shared>>
    %dma_wait3A_118 = tpu.memref_slice %arg20[%dma_wait3A_107] : memref<8x!tpu.dma_semaphore, #tpu.memory_space<semaphore_mem>> -> memref<1x!tpu.dma_semaphore, #tpu.memory_space<semaphore_mem>>
    %dma_wait3A_119 = tpu.memref_squeeze %dma_wait3A_118 : memref<1x!tpu.dma_semaphore, #tpu.memory_space<semaphore_mem>> -> memref<!tpu.dma_semaphore, #tpu.memory_space<semaphore_mem>>
    tpu.wait_indirect_dma semaphore(%dma_wait3A_119 : memref<!tpu.dma_semaphore, #tpu.memory_space<semaphore_mem>>) src(%dma_wait3A_111 : memref<128x16xf32, #tpu.memory_space<vmem>>) dst(%dma_wait3A_117 : memref<10240x16xf32, #tpu.memory_space<vmem_shared>>)
    %dma_wait3A_120 = arith.constant 7 : i32
    %dma_wait3A_121 = arith.constant 0 : i32
    %dma_wait3A_122 = arith.constant 7 : i32
    %dma_wait3A_123 = arith.constant 0 : i32
    %dma_wait3A_124 = arith.constant 0 : i32
    %dma_wait3A_125 = tpu.memref_slice %arg12[%dma_wait3A_120, %dma_wait3A_123, %dma_wait3A_124] : memref<8x128x16xf32, #tpu.memory_space<vmem>> -> memref<1x128x16xf32, #tpu.memory_space<vmem>>
    %dma_wait3A_126 = tpu.memref_squeeze %dma_wait3A_125 : memref<1x128x16xf32, #tpu.memory_space<vmem>> -> memref<128x16xf32, #tpu.memory_space<vmem>>
    %dma_wait3A_127 = arith.constant 0 : i32
    %dma_wait3A_128 = tpu.memref_slice %arg11[%dma_wait3A_121, %dma_wait3A_127] : memref<160x128xi32, #tpu.memory_space<vmem>> -> memref<1x128xi32, #tpu.memory_space<vmem>>
    %dma_wait3A_129 = tpu.memref_squeeze %dma_wait3A_128 : memref<1x128xi32, #tpu.memory_space<vmem>> -> memref<128xi32, #tpu.memory_space<vmem>>
    %dma_wait3A_130 = arith.constant 0 : i32
    %dma_wait3A_131 = arith.constant 0 : i32
    %dma_wait3A_132 = tpu.memref_slice %arg17[%dma_wait3A_130, %dma_wait3A_131] : memref<10240x16xf32, #tpu.memory_space<vmem_shared>> -> memref<10240x16xf32, #tpu.memory_space<vmem_shared>>
    %dma_wait3A_133 = tpu.memref_slice %arg20[%dma_wait3A_122] : memref<8x!tpu.dma_semaphore, #tpu.memory_space<semaphore_mem>> -> memref<1x!tpu.dma_semaphore, #tpu.memory_space<semaphore_mem>>
    %dma_wait3A_134 = tpu.memref_squeeze %dma_wait3A_133 : memref<1x!tpu.dma_semaphore, #tpu.memory_space<semaphore_mem>> -> memref<!tpu.dma_semaphore, #tpu.memory_space<semaphore_mem>>
    tpu.wait_indirect_dma semaphore(%dma_wait3A_134 : memref<!tpu.dma_semaphore, #tpu.memory_space<semaphore_mem>>) src(%dma_wait3A_126 : memref<128x16xf32, #tpu.memory_space<vmem>>) dst(%dma_wait3A_132 : memref<10240x16xf32, #tpu.memory_space<vmem_shared>>)
    %barrier3A_135 = arith.constant 0 : index
    tpu.barrier barrier_id(%barrier3A_135)
    %mul3A_136 = arith.constant 640 : i32
    %mul3A_137 = arith.muli %arg1, %mul3A_136 : i32
    "tpu.region"() ({
      %run_scoped3A = tpu.sem_alloc : memref<!tpu.dma_semaphore, #tpu.memory_space<semaphore_mem>>
      %dma_start3A = arith.constant 0 : i32
      %dma_start3A_157 = tpu.memref_slice %arg17[%mul3A_137, %dma_start3A] : memref<10240x16xf32, #tpu.memory_space<vmem_shared>> -> memref<640x16xf32, #tpu.memory_space<vmem_shared>>
      %dma_start3A_158 = arith.constant 0 : i32
      %dma_start3A_159 = tpu.memref_slice %arg17[%mul3A_137, %dma_start3A_158] : memref<10240x16xf32, #tpu.memory_space<vmem_shared>> -> memref<640x16xf32, #tpu.memory_space<vmem_shared>>
      tpu.enqueue_dma source(%dma_start3A_159 : memref<640x16xf32, #tpu.memory_space<vmem_shared>>) target(%arg13 : memref<640x16xf32, #tpu.memory_space<vmem>>) target_semaphore(%run_scoped3A : memref<!tpu.dma_semaphore, #tpu.memory_space<semaphore_mem>>)
      %dma_wait3A_160 = arith.constant 0 : i32
      %dma_wait3A_161 = tpu.memref_slice %arg17[%mul3A_137, %dma_wait3A_160] : memref<10240x16xf32, #tpu.memory_space<vmem_shared>> -> memref<640x16xf32, #tpu.memory_space<vmem_shared>>
      %dma_wait3A_162 = arith.constant 0 : i32
      %dma_wait3A_163 = tpu.memref_slice %arg17[%mul3A_137, %dma_wait3A_162] : memref<10240x16xf32, #tpu.memory_space<vmem_shared>> -> memref<640x16xf32, #tpu.memory_space<vmem_shared>>
      tpu.wait_dma2 semaphore(%run_scoped3A : memref<!tpu.dma_semaphore, #tpu.memory_space<semaphore_mem>>) src(%dma_wait3A_163 : memref<640x16xf32, #tpu.memory_space<vmem_shared>>) dst(%arg13 : memref<640x16xf32, #tpu.memory_space<vmem>>)
      tpu.yield
    }) : () -> ()
    %mul3A_138 = arith.constant 640 : i32
    %mul3A_139 = arith.muli %arg1, %mul3A_138 : i32
    "tpu.region"() ({
      %run_scoped3A = tpu.sem_alloc : memref<!tpu.dma_semaphore, #tpu.memory_space<semaphore_mem>>
      %dma_start3A = arith.constant 0 : i32
      %dma_start3A_157 = tpu.memref_slice %arg18[%mul3A_139, %dma_start3A] : memref<10240x16xf32, #tpu.memory_space<vmem_shared>> -> memref<640x16xf32, #tpu.memory_space<vmem_shared>>
      %dma_start3A_158 = arith.constant 0 : i32
      %dma_start3A_159 = tpu.memref_slice %arg18[%mul3A_139, %dma_start3A_158] : memref<10240x16xf32, #tpu.memory_space<vmem_shared>> -> memref<640x16xf32, #tpu.memory_space<vmem_shared>>
      tpu.enqueue_dma source(%dma_start3A_159 : memref<640x16xf32, #tpu.memory_space<vmem_shared>>) target(%arg14 : memref<640x16xf32, #tpu.memory_space<vmem>>) target_semaphore(%run_scoped3A : memref<!tpu.dma_semaphore, #tpu.memory_space<semaphore_mem>>)
      %dma_wait3A_160 = arith.constant 0 : i32
      %dma_wait3A_161 = tpu.memref_slice %arg18[%mul3A_139, %dma_wait3A_160] : memref<10240x16xf32, #tpu.memory_space<vmem_shared>> -> memref<640x16xf32, #tpu.memory_space<vmem_shared>>
      %dma_wait3A_162 = arith.constant 0 : i32
      %dma_wait3A_163 = tpu.memref_slice %arg18[%mul3A_139, %dma_wait3A_162] : memref<10240x16xf32, #tpu.memory_space<vmem_shared>> -> memref<640x16xf32, #tpu.memory_space<vmem_shared>>
      tpu.wait_dma2 semaphore(%run_scoped3A : memref<!tpu.dma_semaphore, #tpu.memory_space<semaphore_mem>>) src(%dma_wait3A_163 : memref<640x16xf32, #tpu.memory_space<vmem_shared>>) dst(%arg14 : memref<640x16xf32, #tpu.memory_space<vmem>>)
      tpu.yield
    }) : () -> ()
    %mul3A_140 = arith.constant 640 : i32
    %mul3A_141 = arith.muli %arg1, %mul3A_140 : i32
    "tpu.region"() ({
      %run_scoped3A = tpu.sem_alloc : memref<!tpu.dma_semaphore, #tpu.memory_space<semaphore_mem>>
      %dma_start3A = arith.constant 0 : i32
      %dma_start3A_157 = tpu.memref_slice %arg6[%mul3A_141, %dma_start3A] : memref<10240x16xf32, #tpu.memory_space<hbm>> -> memref<640x16xf32, #tpu.memory_space<hbm>>
      %dma_start3A_158 = arith.constant 0 : i32
      %dma_start3A_159 = tpu.memref_slice %arg6[%mul3A_141, %dma_start3A_158] : memref<10240x16xf32, #tpu.memory_space<hbm>> -> memref<640x16xf32, #tpu.memory_space<hbm>>
      tpu.enqueue_dma source(%dma_start3A_159 : memref<640x16xf32, #tpu.memory_space<hbm>>) target(%arg15 : memref<640x16xf32, #tpu.memory_space<vmem>>) target_semaphore(%run_scoped3A : memref<!tpu.dma_semaphore, #tpu.memory_space<semaphore_mem>>)
      %dma_wait3A_160 = arith.constant 0 : i32
      %dma_wait3A_161 = tpu.memref_slice %arg6[%mul3A_141, %dma_wait3A_160] : memref<10240x16xf32, #tpu.memory_space<hbm>> -> memref<640x16xf32, #tpu.memory_space<hbm>>
      %dma_wait3A_162 = arith.constant 0 : i32
      %dma_wait3A_163 = tpu.memref_slice %arg6[%mul3A_141, %dma_wait3A_162] : memref<10240x16xf32, #tpu.memory_space<hbm>> -> memref<640x16xf32, #tpu.memory_space<hbm>>
      tpu.wait_dma2 semaphore(%run_scoped3A : memref<!tpu.dma_semaphore, #tpu.memory_space<semaphore_mem>>) src(%dma_wait3A_163 : memref<640x16xf32, #tpu.memory_space<hbm>>) dst(%arg15 : memref<640x16xf32, #tpu.memory_space<vmem>>)
      tpu.yield
    }) : () -> ()
    "tpu.region"() ({
      %run_scoped3A = tpu.sem_alloc : memref<!tpu.dma_semaphore, #tpu.memory_space<semaphore_mem>>
      %dma_start3A = arith.constant 0 : i32
      %dma_start3A_157 = tpu.memref_slice %arg7[%arg0, %dma_start3A] : memref<2x16xf32, #tpu.memory_space<hbm>> -> memref<1x16xf32, #tpu.memory_space<hbm>>
      %dma_start3A_158 = tpu.memref_squeeze %dma_start3A_157 : memref<1x16xf32, #tpu.memory_space<hbm>> -> memref<16xf32, #tpu.memory_space<hbm>>
      %dma_start3A_159 = arith.constant 0 : i32
      %dma_start3A_160 = tpu.memref_slice %arg7[%arg0, %dma_start3A_159] : memref<2x16xf32, #tpu.memory_space<hbm>> -> memref<1x16xf32, #tpu.memory_space<hbm>>
      %dma_start3A_161 = tpu.memref_squeeze %dma_start3A_160 : memref<1x16xf32, #tpu.memory_space<hbm>> -> memref<16xf32, #tpu.memory_space<hbm>>
      tpu.enqueue_dma source(%dma_start3A_161 : memref<16xf32, #tpu.memory_space<hbm>>) target(%arg16 : memref<16xf32, #tpu.memory_space<vmem>>) target_semaphore(%run_scoped3A : memref<!tpu.dma_semaphore, #tpu.memory_space<semaphore_mem>>)
      %dma_wait3A_162 = arith.constant 0 : i32
      %dma_wait3A_163 = tpu.memref_slice %arg7[%arg0, %dma_wait3A_162] : memref<2x16xf32, #tpu.memory_space<hbm>> -> memref<1x16xf32, #tpu.memory_space<hbm>>
      %dma_wait3A_164 = tpu.memref_squeeze %dma_wait3A_163 : memref<1x16xf32, #tpu.memory_space<hbm>> -> memref<16xf32, #tpu.memory_space<hbm>>
      %dma_wait3A_165 = arith.constant 0 : i32
      %dma_wait3A_166 = tpu.memref_slice %arg7[%arg0, %dma_wait3A_165] : memref<2x16xf32, #tpu.memory_space<hbm>> -> memref<1x16xf32, #tpu.memory_space<hbm>>
      %dma_wait3A_167 = tpu.memref_squeeze %dma_wait3A_166 : memref<1x16xf32, #tpu.memory_space<hbm>> -> memref<16xf32, #tpu.memory_space<hbm>>
      tpu.wait_dma2 semaphore(%run_scoped3A : memref<!tpu.dma_semaphore, #tpu.memory_space<semaphore_mem>>) src(%dma_wait3A_167 : memref<16xf32, #tpu.memory_space<hbm>>) dst(%arg16 : memref<16xf32, #tpu.memory_space<vmem>>)
      tpu.yield
    }) : () -> ()
    %get3A = arith.constant 0 : index
    %get3A_142 = tpu.vector_load %arg16[%get3A] {strides = array<i32>} : memref<16xf32, #tpu.memory_space<vmem>>, vector<16xf32>,
    %get3A_143 = vector.shape_cast %get3A_142 : vector<16xf32> to vector<16xf32>
    %scan3A_144 = arith.constant 0 : i32
    %scan3A_145 = arith.constant 0 : i32
    %scan3A_146 = arith.constant 640 : i32
    %scan3A_147 = arith.addi %scan3A_145, %scan3A_146 : i32
    %scan3A_148 = arith.constant 1 : i32
    scf.for %scan3A_157 = %scan3A_145 to %scan3A_147 step %scan3A_148  : i32 {
      %get3A_158 = arith.index_cast %scan3A_157 : i32 to index
      %get3A_159 = arith.constant 0 : index
      %get3A_160 = tpu.vector_load %arg15[%get3A_158, %get3A_159] {strides = array<i32>} : memref<640x16xf32, #tpu.memory_space<vmem>>, vector<1x16xf32>,
      %get3A_161 = vector.shape_cast %get3A_160 : vector<1x16xf32> to vector<16xf32>
      %get3A_162 = arith.index_cast %scan3A_157 : i32 to index
      %get3A_163 = arith.constant 0 : index
      %get3A_164 = tpu.vector_load %arg13[%get3A_162, %get3A_163] {strides = array<i32>} : memref<640x16xf32, #tpu.memory_space<vmem>>, vector<1x16xf32>,
      %get3A_165 = vector.shape_cast %get3A_164 : vector<1x16xf32> to vector<16xf32>
      %get3A_166 = arith.index_cast %scan3A_157 : i32 to index
      %get3A_167 = arith.constant 0 : index
      %get3A_168 = tpu.vector_load %arg14[%get3A_166, %get3A_167] {strides = array<i32>} : memref<640x16xf32, #tpu.memory_space<vmem>>, vector<1x16xf32>,
      %get3A_169 = vector.shape_cast %get3A_168 : vector<1x16xf32> to vector<16xf32>
      %add3A = arith.addf %get3A_165, %get3A_169 : vector<16xf32>
      %mul3A_170 = arith.mulf %get3A_161, %add3A : vector<16xf32>
      %add3A_171 = arith.addf %mul3A_170, %get3A_143 : vector<16xf32>
      %swap3A = arith.index_cast %scan3A_157 : i32 to index
      %swap3A_172 = arith.constant 0 : index
      %swap3A_173 = tpu.vector_load %arg14[%swap3A, %swap3A_172] {strides = array<i32>} : memref<640x16xf32, #tpu.memory_space<vmem>>, vector<1x16xf32>,
      %swap3A_174 = vector.shape_cast %swap3A_173 : vector<1x16xf32> to vector<16xf32>
      %swap3A_175 = vector.shape_cast %add3A_171 : vector<16xf32> to vector<1x16xf32>
      tpu.vector_store %arg14[%swap3A, %swap3A_172], %swap3A_175 {strides = array<i32>} : memref<640x16xf32, #tpu.memory_space<vmem>>, vector<1x16xf32>,
    }
    %scan3A_149 = arith.constant 640 : i32
    %eq3A = arith.constant 0 : i32
    %eq3A_150 = arith.cmpi eq, %arg0, %eq3A : i32
    %convert_element_type3A = arith.extui %eq3A_150 : i1 to i32
    %cond3A = arith.constant 0 : i32
    %cond3A_151 = arith.cmpi ne, %convert_element_type3A, %cond3A : i32
    scf.if %cond3A_151 {
      %lt3A = arith.constant 15 : i32
      %lt3A_157 = arith.cmpi slt, %arg1, %lt3A : i32
      %convert_element_type3A_158 = arith.extui %lt3A_157 : i1 to i32
      %cond3A_159 = arith.constant 0 : i32
      %cond3A_160 = arith.cmpi ne, %convert_element_type3A_158, %cond3A_159 : i32
      scf.if %cond3A_160 {
        %mul3A_166 = arith.constant 640 : i32
        %mul3A_167 = arith.muli %arg1, %mul3A_166 : i32
        "tpu.region"() ({
          %run_scoped3A = tpu.sem_alloc : memref<!tpu.dma_semaphore, #tpu.memory_space<semaphore_mem>>
          %dma_start3A = arith.constant 0 : i32
          %dma_start3A_168 = tpu.memref_slice %arg8[%mul3A_167, %dma_start3A] : memref<10000x16xf32, #tpu.memory_space<hbm>> -> memref<640x16xf32, #tpu.memory_space<hbm>>
          %dma_start3A_169 = arith.constant 0 : i32
          %dma_start3A_170 = tpu.memref_slice %arg8[%mul3A_167, %dma_start3A_169] : memref<10000x16xf32, #tpu.memory_space<hbm>> -> memref<640x16xf32, #tpu.memory_space<hbm>>
          tpu.enqueue_dma source(%arg14 : memref<640x16xf32, #tpu.memory_space<vmem>>) target(%dma_start3A_170 : memref<640x16xf32, #tpu.memory_space<hbm>>) target_semaphore(%run_scoped3A : memref<!tpu.dma_semaphore, #tpu.memory_space<semaphore_mem>>)
          %dma_wait3A_171 = arith.constant 0 : i32
          %dma_wait3A_172 = tpu.memref_slice %arg8[%mul3A_167, %dma_wait3A_171] : memref<10000x16xf32, #tpu.memory_space<hbm>> -> memref<640x16xf32, #tpu.memory_space<hbm>>
          %dma_wait3A_173 = arith.constant 0 : i32
          %dma_wait3A_174 = tpu.memref_slice %arg8[%mul3A_167, %dma_wait3A_173] : memref<10000x16xf32, #tpu.memory_space<hbm>> -> memref<640x16xf32, #tpu.memory_space<hbm>>
          tpu.wait_dma2 semaphore(%run_scoped3A : memref<!tpu.dma_semaphore, #tpu.memory_space<semaphore_mem>>) src(%arg14 : memref<640x16xf32, #tpu.memory_space<vmem>>) dst(%dma_wait3A_174 : memref<640x16xf32, #tpu.memory_space<hbm>>)
          tpu.yield
        }) : () -> ()
      } else {
      }
      %eq3A_161 = arith.constant 15 : i32
      %eq3A_162 = arith.cmpi eq, %arg1, %eq3A_161 : i32
      %convert_element_type3A_163 = arith.extui %eq3A_162 : i1 to i32
      %cond3A_164 = arith.constant 0 : i32
      %cond3A_165 = arith.cmpi ne, %convert_element_type3A_163, %cond3A_164 : i32
      scf.if %cond3A_165 {
        "tpu.region"() ({
          %run_scoped3A = tpu.sem_alloc : memref<!tpu.dma_semaphore, #tpu.memory_space<semaphore_mem>>
          %dma_start3A = arith.constant 0 : i32
          %dma_start3A_166 = arith.constant 0 : i32
          %dma_start3A_167 = tpu.memref_slice %arg14[%dma_start3A, %dma_start3A_166] : memref<640x16xf32, #tpu.memory_space<vmem>> -> memref<400x16xf32, #tpu.memory_space<vmem>>
          %dma_start3A_168 = arith.constant 9600 : i32
          %dma_start3A_169 = arith.constant 0 : i32
          %dma_start3A_170 = tpu.memref_slice %arg8[%dma_start3A_168, %dma_start3A_169] : memref<10000x16xf32, #tpu.memory_space<hbm>> -> memref<400x16xf32, #tpu.memory_space<hbm>>
          %dma_start3A_171 = arith.constant 9600 : i32
          %dma_start3A_172 = arith.constant 0 : i32
          %dma_start3A_173 = tpu.memref_slice %arg8[%dma_start3A_171, %dma_start3A_172] : memref<10000x16xf32, #tpu.memory_space<hbm>> -> memref<400x16xf32, #tpu.memory_space<hbm>>
          %dma_start3A_174 = arith.constant 0 : i32
          %dma_start3A_175 = arith.constant 0 : i32
          %dma_start3A_176 = tpu.memref_slice %arg14[%dma_start3A_174, %dma_start3A_175] : memref<640x16xf32, #tpu.memory_space<vmem>> -> memref<400x16xf32, #tpu.memory_space<vmem>>
          tpu.enqueue_dma source(%dma_start3A_176 : memref<400x16xf32, #tpu.memory_space<vmem>>) target(%dma_start3A_173 : memref<400x16xf32, #tpu.memory_space<hbm>>) target_semaphore(%run_scoped3A : memref<!tpu.dma_semaphore, #tpu.memory_space<semaphore_mem>>)
          %dma_wait3A_177 = arith.constant 0 : i32
          %dma_wait3A_178 = arith.constant 0 : i32
          %dma_wait3A_179 = tpu.memref_slice %arg14[%dma_wait3A_177, %dma_wait3A_178] : memref<640x16xf32, #tpu.memory_space<vmem>> -> memref<400x16xf32, #tpu.memory_space<vmem>>
          %dma_wait3A_180 = arith.constant 9600 : i32
          %dma_wait3A_181 = arith.constant 0 : i32
          %dma_wait3A_182 = tpu.memref_slice %arg8[%dma_wait3A_180, %dma_wait3A_181] : memref<10000x16xf32, #tpu.memory_space<hbm>> -> memref<400x16xf32, #tpu.memory_space<hbm>>
          %dma_wait3A_183 = arith.constant 9600 : i32
          %dma_wait3A_184 = arith.constant 0 : i32
          %dma_wait3A_185 = tpu.memref_slice %arg8[%dma_wait3A_183, %dma_wait3A_184] : memref<10000x16xf32, #tpu.memory_space<hbm>> -> memref<400x16xf32, #tpu.memory_space<hbm>>
          %dma_wait3A_186 = arith.constant 0 : i32
          %dma_wait3A_187 = arith.constant 0 : i32
          %dma_wait3A_188 = tpu.memref_slice %arg14[%dma_wait3A_186, %dma_wait3A_187] : memref<640x16xf32, #tpu.memory_space<vmem>> -> memref<400x16xf32, #tpu.memory_space<vmem>>
          tpu.wait_dma2 semaphore(%run_scoped3A : memref<!tpu.dma_semaphore, #tpu.memory_space<semaphore_mem>>) src(%dma_wait3A_188 : memref<400x16xf32, #tpu.memory_space<vmem>>) dst(%dma_wait3A_185 : memref<400x16xf32, #tpu.memory_space<hbm>>)
          tpu.yield
        }) : () -> ()
      } else {
      }
    } else {
    }
    %eq3A_152 = arith.constant 1 : i32
    %eq3A_153 = arith.cmpi eq, %arg0, %eq3A_152 : i32
    %convert_element_type3A_154 = arith.extui %eq3A_153 : i1 to i32
    %cond3A_155 = arith.constant 0 : i32
    %cond3A_156 = arith.cmpi ne, %convert_element_type3A_154, %cond3A_155 : i32
    scf.if %cond3A_156 {
      %lt3A = arith.constant 15 : i32
      %lt3A_157 = arith.cmpi slt, %arg1, %lt3A : i32
      %convert_element_type3A_158 = arith.extui %lt3A_157 : i1 to i32
      %cond3A_159 = arith.constant 0 : i32
      %cond3A_160 = arith.cmpi ne, %convert_element_type3A_158, %cond3A_159 : i32
      scf.if %cond3A_160 {
        %mul3A_166 = arith.constant 640 : i32
        %mul3A_167 = arith.muli %arg1, %mul3A_166 : i32
        "tpu.region"() ({
          %run_scoped3A = tpu.sem_alloc : memref<!tpu.dma_semaphore, #tpu.memory_space<semaphore_mem>>
          %dma_start3A = arith.constant 0 : i32
          %dma_start3A_168 = tpu.memref_slice %arg9[%mul3A_167, %dma_start3A] : memref<10000x16xf32, #tpu.memory_space<hbm>> -> memref<640x16xf32, #tpu.memory_space<hbm>>
          %dma_start3A_169 = arith.constant 0 : i32
          %dma_start3A_170 = tpu.memref_slice %arg9[%mul3A_167, %dma_start3A_169] : memref<10000x16xf32, #tpu.memory_space<hbm>> -> memref<640x16xf32, #tpu.memory_space<hbm>>
          tpu.enqueue_dma source(%arg14 : memref<640x16xf32, #tpu.memory_space<vmem>>) target(%dma_start3A_170 : memref<640x16xf32, #tpu.memory_space<hbm>>) target_semaphore(%run_scoped3A : memref<!tpu.dma_semaphore, #tpu.memory_space<semaphore_mem>>)
          %dma_wait3A_171 = arith.constant 0 : i32
          %dma_wait3A_172 = tpu.memref_slice %arg9[%mul3A_167, %dma_wait3A_171] : memref<10000x16xf32, #tpu.memory_space<hbm>> -> memref<640x16xf32, #tpu.memory_space<hbm>>
          %dma_wait3A_173 = arith.constant 0 : i32
          %dma_wait3A_174 = tpu.memref_slice %arg9[%mul3A_167, %dma_wait3A_173] : memref<10000x16xf32, #tpu.memory_space<hbm>> -> memref<640x16xf32, #tpu.memory_space<hbm>>
          tpu.wait_dma2 semaphore(%run_scoped3A : memref<!tpu.dma_semaphore, #tpu.memory_space<semaphore_mem>>) src(%arg14 : memref<640x16xf32, #tpu.memory_space<vmem>>) dst(%dma_wait3A_174 : memref<640x16xf32, #tpu.memory_space<hbm>>)
          tpu.yield
        }) : () -> ()
      } else {
      }
      %eq3A_161 = arith.constant 15 : i32
      %eq3A_162 = arith.cmpi eq, %arg1, %eq3A_161 : i32
      %convert_element_type3A_163 = arith.extui %eq3A_162 : i1 to i32
      %cond3A_164 = arith.constant 0 : i32
      %cond3A_165 = arith.cmpi ne, %convert_element_type3A_163, %cond3A_164 : i32
      scf.if %cond3A_165 {
        "tpu.region"() ({
          %run_scoped3A = tpu.sem_alloc : memref<!tpu.dma_semaphore, #tpu.memory_space<semaphore_mem>>
          %dma_start3A = arith.constant 0 : i32
          %dma_start3A_166 = arith.constant 0 : i32
          %dma_start3A_167 = tpu.memref_slice %arg14[%dma_start3A, %dma_start3A_166] : memref<640x16xf32, #tpu.memory_space<vmem>> -> memref<400x16xf32, #tpu.memory_space<vmem>>
          %dma_start3A_168 = arith.constant 9600 : i32
          %dma_start3A_169 = arith.constant 0 : i32
          %dma_start3A_170 = tpu.memref_slice %arg9[%dma_start3A_168, %dma_start3A_169] : memref<10000x16xf32, #tpu.memory_space<hbm>> -> memref<400x16xf32, #tpu.memory_space<hbm>>
          %dma_start3A_171 = arith.constant 9600 : i32
          %dma_start3A_172 = arith.constant 0 : i32
          %dma_start3A_173 = tpu.memref_slice %arg9[%dma_start3A_171, %dma_start3A_172] : memref<10000x16xf32, #tpu.memory_space<hbm>> -> memref<400x16xf32, #tpu.memory_space<hbm>>
          %dma_start3A_174 = arith.constant 0 : i32
          %dma_start3A_175 = arith.constant 0 : i32
          %dma_start3A_176 = tpu.memref_slice %arg14[%dma_start3A_174, %dma_start3A_175] : memref<640x16xf32, #tpu.memory_space<vmem>> -> memref<400x16xf32, #tpu.memory_space<vmem>>
          tpu.enqueue_dma source(%dma_start3A_176 : memref<400x16xf32, #tpu.memory_space<vmem>>) target(%dma_start3A_173 : memref<400x16xf32, #tpu.memory_space<hbm>>) target_semaphore(%run_scoped3A : memref<!tpu.dma_semaphore, #tpu.memory_space<semaphore_mem>>)
          %dma_wait3A_177 = arith.constant 0 : i32
          %dma_wait3A_178 = arith.constant 0 : i32
          %dma_wait3A_179 = tpu.memref_slice %arg14[%dma_wait3A_177, %dma_wait3A_178] : memref<640x16xf32, #tpu.memory_space<vmem>> -> memref<400x16xf32, #tpu.memory_space<vmem>>
          %dma_wait3A_180 = arith.constant 9600 : i32
          %dma_wait3A_181 = arith.constant 0 : i32
          %dma_wait3A_182 = tpu.memref_slice %arg9[%dma_wait3A_180, %dma_wait3A_181] : memref<10000x16xf32, #tpu.memory_space<hbm>> -> memref<400x16xf32, #tpu.memory_space<hbm>>
          %dma_wait3A_183 = arith.constant 9600 : i32
          %dma_wait3A_184 = arith.constant 0 : i32
          %dma_wait3A_185 = tpu.memref_slice %arg9[%dma_wait3A_183, %dma_wait3A_184] : memref<10000x16xf32, #tpu.memory_space<hbm>> -> memref<400x16xf32, #tpu.memory_space<hbm>>
          %dma_wait3A_186 = arith.constant 0 : i32
          %dma_wait3A_187 = arith.constant 0 : i32
          %dma_wait3A_188 = tpu.memref_slice %arg14[%dma_wait3A_186, %dma_wait3A_187] : memref<640x16xf32, #tpu.memory_space<vmem>> -> memref<400x16xf32, #tpu.memory_space<vmem>>
          tpu.wait_dma2 semaphore(%run_scoped3A : memref<!tpu.dma_semaphore, #tpu.memory_space<semaphore_mem>>) src(%dma_wait3A_188 : memref<400x16xf32, #tpu.memory_space<vmem>>) dst(%dma_wait3A_185 : memref<400x16xf32, #tpu.memory_space<hbm>>)
          tpu.yield
        }) : () -> ()
      } else {
      }
    } else {
    }
    return
  }
}

#map = affine_map<(d0, d1) -> (0, 0)>
#map1 = affine_map<(d0, d1) -> (0, 0, 0)>
module attributes {stable_mosaic.version = 14 : i64} {
  func.func @_msg_kernel(%arg0: i32, %arg1: i32, %arg2: memref<10240x32xf32, #tpu.memory_space<hbm>>, %arg3: memref<2560x128xi32, #tpu.memory_space<hbm>>, %arg4: memref<2560x128xi32, #tpu.memory_space<hbm>>, %arg5: memref<10240x32xf32, #tpu.memory_space<hbm>>, %arg6: memref<2x10240x32xf32, #tpu.memory_space<hbm>>, %arg7: memref<80x128xi32, #tpu.memory_space<vmem>>, %arg8: memref<80x128xi32, #tpu.memory_space<vmem>>, %arg9: memref<8x128x32xf32, #tpu.memory_space<vmem>>, %arg10: memref<10240x32xf32, #tpu.memory_space<vmem_shared>>, %arg11: memref<10240x32xf32, #tpu.memory_space<vmem_shared>>, %arg12: memref<8x!tpu.dma_semaphore, #tpu.memory_space<semaphore_mem>>, %arg13: memref<8x!tpu.dma_semaphore, #tpu.memory_space<semaphore_mem>>) attributes {dimension_semantics = [#tpu.dimension_semantics<core_parallel>, #tpu.dimension_semantics<subcore_parallel>], iteration_bounds = array<i64: 2, 16>, scalar_prefetch = 0 : i64, scratch_operands = 7 : i64, tpu.core_type = #tpu.core_type<sc_vector_subcore>, window_params = [{transform_indices = #map}, {transform_indices = #map}, {transform_indices = #map}, {transform_indices = #map}, {transform_indices = #map1}]} {
    %mul3A = arith.constant 2 : i32
    %mul3A_0 = arith.muli %arg1, %mul3A : i32
    %add3A = arith.addi %mul3A_0, %arg0 : i32
    %mul3A_1 = arith.constant 80 : i32
    %mul3A_2 = arith.muli %add3A, %mul3A_1 : i32
    "tpu.region"() ({
      %run_scoped3A = tpu.sem_alloc : memref<!tpu.dma_semaphore, #tpu.memory_space<semaphore_mem>>
      %dma_start3A = arith.constant 0 : i32
      %dma_start3A_142 = tpu.memref_slice %arg3[%mul3A_2, %dma_start3A] : memref<2560x128xi32, #tpu.memory_space<hbm>> -> memref<80x128xi32, #tpu.memory_space<hbm>>
      %dma_start3A_143 = arith.constant 0 : i32
      %dma_start3A_144 = tpu.memref_slice %arg3[%mul3A_2, %dma_start3A_143] : memref<2560x128xi32, #tpu.memory_space<hbm>> -> memref<80x128xi32, #tpu.memory_space<hbm>>
      tpu.enqueue_dma source(%dma_start3A_144 : memref<80x128xi32, #tpu.memory_space<hbm>>) target(%arg7 : memref<80x128xi32, #tpu.memory_space<vmem>>) target_semaphore(%run_scoped3A : memref<!tpu.dma_semaphore, #tpu.memory_space<semaphore_mem>>)
      %dma_wait3A_145 = arith.constant 0 : i32
      %dma_wait3A_146 = tpu.memref_slice %arg3[%mul3A_2, %dma_wait3A_145] : memref<2560x128xi32, #tpu.memory_space<hbm>> -> memref<80x128xi32, #tpu.memory_space<hbm>>
      %dma_wait3A_147 = arith.constant 0 : i32
      %dma_wait3A_148 = tpu.memref_slice %arg3[%mul3A_2, %dma_wait3A_147] : memref<2560x128xi32, #tpu.memory_space<hbm>> -> memref<80x128xi32, #tpu.memory_space<hbm>>
      tpu.wait_dma2 semaphore(%run_scoped3A : memref<!tpu.dma_semaphore, #tpu.memory_space<semaphore_mem>>) src(%dma_wait3A_148 : memref<80x128xi32, #tpu.memory_space<hbm>>) dst(%arg7 : memref<80x128xi32, #tpu.memory_space<vmem>>)
      tpu.yield
    }) : () -> ()
    %mul3A_3 = arith.constant 80 : i32
    %mul3A_4 = arith.muli %add3A, %mul3A_3 : i32
    "tpu.region"() ({
      %run_scoped3A = tpu.sem_alloc : memref<!tpu.dma_semaphore, #tpu.memory_space<semaphore_mem>>
      %dma_start3A = arith.constant 0 : i32
      %dma_start3A_142 = tpu.memref_slice %arg4[%mul3A_4, %dma_start3A] : memref<2560x128xi32, #tpu.memory_space<hbm>> -> memref<80x128xi32, #tpu.memory_space<hbm>>
      %dma_start3A_143 = arith.constant 0 : i32
      %dma_start3A_144 = tpu.memref_slice %arg4[%mul3A_4, %dma_start3A_143] : memref<2560x128xi32, #tpu.memory_space<hbm>> -> memref<80x128xi32, #tpu.memory_space<hbm>>
      tpu.enqueue_dma source(%dma_start3A_144 : memref<80x128xi32, #tpu.memory_space<hbm>>) target(%arg8 : memref<80x128xi32, #tpu.memory_space<vmem>>) target_semaphore(%run_scoped3A : memref<!tpu.dma_semaphore, #tpu.memory_space<semaphore_mem>>)
      %dma_wait3A_145 = arith.constant 0 : i32
      %dma_wait3A_146 = tpu.memref_slice %arg4[%mul3A_4, %dma_wait3A_145] : memref<2560x128xi32, #tpu.memory_space<hbm>> -> memref<80x128xi32, #tpu.memory_space<hbm>>
      %dma_wait3A_147 = arith.constant 0 : i32
      %dma_wait3A_148 = tpu.memref_slice %arg4[%mul3A_4, %dma_wait3A_147] : memref<2560x128xi32, #tpu.memory_space<hbm>> -> memref<80x128xi32, #tpu.memory_space<hbm>>
      tpu.wait_dma2 semaphore(%run_scoped3A : memref<!tpu.dma_semaphore, #tpu.memory_space<semaphore_mem>>) src(%dma_wait3A_148 : memref<80x128xi32, #tpu.memory_space<hbm>>) dst(%arg8 : memref<80x128xi32, #tpu.memory_space<vmem>>)
      tpu.yield
    }) : () -> ()
    %mul3A_5 = arith.constant 640 : i32
    %mul3A_6 = arith.muli %arg1, %mul3A_5 : i32
    %mul3A_7 = arith.constant 640 : i32
    %mul3A_8 = arith.muli %arg1, %mul3A_7 : i32
    "tpu.region"() ({
      %run_scoped3A = tpu.sem_alloc : memref<!tpu.dma_semaphore, #tpu.memory_space<semaphore_mem>>
      %dma_start3A = arith.constant 0 : i32
      %dma_start3A_142 = tpu.memref_slice %arg10[%mul3A_8, %dma_start3A] : memref<10240x32xf32, #tpu.memory_space<vmem_shared>> -> memref<640x32xf32, #tpu.memory_space<vmem_shared>>
      %dma_start3A_143 = arith.constant 0 : i32
      %dma_start3A_144 = tpu.memref_slice %arg5[%mul3A_6, %dma_start3A_143] : memref<10240x32xf32, #tpu.memory_space<hbm>> -> memref<640x32xf32, #tpu.memory_space<hbm>>
      tpu.enqueue_dma source(%dma_start3A_144 : memref<640x32xf32, #tpu.memory_space<hbm>>) target(%dma_start3A_142 : memref<640x32xf32, #tpu.memory_space<vmem_shared>>) target_semaphore(%run_scoped3A : memref<!tpu.dma_semaphore, #tpu.memory_space<semaphore_mem>>)
      %dma_wait3A_145 = arith.constant 0 : i32
      %dma_wait3A_146 = tpu.memref_slice %arg10[%mul3A_8, %dma_wait3A_145] : memref<10240x32xf32, #tpu.memory_space<vmem_shared>> -> memref<640x32xf32, #tpu.memory_space<vmem_shared>>
      %dma_wait3A_147 = arith.constant 0 : i32
      %dma_wait3A_148 = tpu.memref_slice %arg5[%mul3A_6, %dma_wait3A_147] : memref<10240x32xf32, #tpu.memory_space<hbm>> -> memref<640x32xf32, #tpu.memory_space<hbm>>
      tpu.wait_dma2 semaphore(%run_scoped3A : memref<!tpu.dma_semaphore, #tpu.memory_space<semaphore_mem>>) src(%dma_wait3A_148 : memref<640x32xf32, #tpu.memory_space<hbm>>) dst(%dma_wait3A_146 : memref<640x32xf32, #tpu.memory_space<vmem_shared>>)
      tpu.yield
    }) : () -> ()
    %mul3A_9 = arith.constant 640 : i32
    %mul3A_10 = arith.muli %arg1, %mul3A_9 : i32
    %mul3A_11 = arith.constant 640 : i32
    %mul3A_12 = arith.muli %arg1, %mul3A_11 : i32
    "tpu.region"() ({
      %run_scoped3A = tpu.sem_alloc : memref<!tpu.dma_semaphore, #tpu.memory_space<semaphore_mem>>
      %dma_start3A = arith.constant 0 : i32
      %dma_start3A_142 = tpu.memref_slice %arg11[%mul3A_12, %dma_start3A] : memref<10240x32xf32, #tpu.memory_space<vmem_shared>> -> memref<640x32xf32, #tpu.memory_space<vmem_shared>>
      %dma_start3A_143 = arith.constant 0 : i32
      %dma_start3A_144 = tpu.memref_slice %arg2[%mul3A_10, %dma_start3A_143] : memref<10240x32xf32, #tpu.memory_space<hbm>> -> memref<640x32xf32, #tpu.memory_space<hbm>>
      tpu.enqueue_dma source(%dma_start3A_144 : memref<640x32xf32, #tpu.memory_space<hbm>>) target(%dma_start3A_142 : memref<640x32xf32, #tpu.memory_space<vmem_shared>>) target_semaphore(%run_scoped3A : memref<!tpu.dma_semaphore, #tpu.memory_space<semaphore_mem>>)
      %dma_wait3A_145 = arith.constant 0 : i32
      %dma_wait3A_146 = tpu.memref_slice %arg11[%mul3A_12, %dma_wait3A_145] : memref<10240x32xf32, #tpu.memory_space<vmem_shared>> -> memref<640x32xf32, #tpu.memory_space<vmem_shared>>
      %dma_wait3A_147 = arith.constant 0 : i32
      %dma_wait3A_148 = tpu.memref_slice %arg2[%mul3A_10, %dma_wait3A_147] : memref<10240x32xf32, #tpu.memory_space<hbm>> -> memref<640x32xf32, #tpu.memory_space<hbm>>
      tpu.wait_dma2 semaphore(%run_scoped3A : memref<!tpu.dma_semaphore, #tpu.memory_space<semaphore_mem>>) src(%dma_wait3A_148 : memref<640x32xf32, #tpu.memory_space<hbm>>) dst(%dma_wait3A_146 : memref<640x32xf32, #tpu.memory_space<vmem_shared>>)
      tpu.yield
    }) : () -> ()
    %barrier3A = arith.constant 0 : index
    tpu.barrier barrier_id(%barrier3A)
    %scan3A = arith.constant 0 : i32
    %scan3A_13 = arith.constant 0 : i32
    %scan3A_14 = arith.constant 10 : i32
    %scan3A_15 = arith.addi %scan3A_13, %scan3A_14 : i32
    %scan3A_16 = arith.constant 1 : i32
    scf.for %scan3A_142 = %scan3A_13 to %scan3A_15 step %scan3A_16  : i32 {
      %mul3A_143 = arith.constant 8 : i32
      %mul3A_144 = arith.muli %scan3A_142, %mul3A_143 : i32
      %gt3A = arith.constant 0 : i32
      %gt3A_145 = arith.cmpi sgt, %scan3A_142, %gt3A : i32
      %convert_element_type3A = arith.extui %gt3A_145 : i1 to i32
      %cond3A = arith.constant 0 : i32
      %cond3A_146 = arith.cmpi ne, %convert_element_type3A, %cond3A : i32
      scf.if %cond3A_146 {
        %dma_wait3A_557 = arith.constant 0 : i32
        %dma_wait3A_558 = arith.constant 0 : i32
        %dma_wait3A_559 = arith.constant 0 : i32
        %dma_wait3A_560 = arith.constant 0 : i32
        %dma_wait3A_561 = arith.constant 0 : i32
        %dma_wait3A_562 = tpu.memref_slice %arg9[%dma_wait3A_557, %dma_wait3A_560, %dma_wait3A_561] : memref<8x128x32xf32, #tpu.memory_space<vmem>> -> memref<1x128x32xf32, #tpu.memory_space<vmem>>
        %dma_wait3A_563 = tpu.memref_squeeze %dma_wait3A_562 : memref<1x128x32xf32, #tpu.memory_space<vmem>> -> memref<128x32xf32, #tpu.memory_space<vmem>>
        %dma_wait3A_564 = arith.constant 0 : i32
        %dma_wait3A_565 = tpu.memref_slice %arg8[%dma_wait3A_558, %dma_wait3A_564] : memref<80x128xi32, #tpu.memory_space<vmem>> -> memref<1x128xi32, #tpu.memory_space<vmem>>
        %dma_wait3A_566 = tpu.memref_squeeze %dma_wait3A_565 : memref<1x128xi32, #tpu.memory_space<vmem>> -> memref<128xi32, #tpu.memory_space<vmem>>
        %dma_wait3A_567 = arith.constant 0 : i32
        %dma_wait3A_568 = arith.constant 0 : i32
        %dma_wait3A_569 = tpu.memref_slice %arg10[%dma_wait3A_567, %dma_wait3A_568] : memref<10240x32xf32, #tpu.memory_space<vmem_shared>> -> memref<10240x32xf32, #tpu.memory_space<vmem_shared>>
        %dma_wait3A_570 = tpu.memref_slice %arg13[%dma_wait3A_559] : memref<8x!tpu.dma_semaphore, #tpu.memory_space<semaphore_mem>> -> memref<1x!tpu.dma_semaphore, #tpu.memory_space<semaphore_mem>>
        %dma_wait3A_571 = tpu.memref_squeeze %dma_wait3A_570 : memref<1x!tpu.dma_semaphore, #tpu.memory_space<semaphore_mem>> -> memref<!tpu.dma_semaphore, #tpu.memory_space<semaphore_mem>>
        tpu.wait_indirect_dma semaphore(%dma_wait3A_571 : memref<!tpu.dma_semaphore, #tpu.memory_space<semaphore_mem>>) src(%dma_wait3A_563 : memref<128x32xf32, #tpu.memory_space<vmem>>) dst(%dma_wait3A_569 : memref<10240x32xf32, #tpu.memory_space<vmem_shared>>)
      } else {
      }
      %add3A_147 = arith.constant 0 : i32
      %add3A_148 = arith.addi %mul3A_144, %add3A_147 : i32
      %dma_start3A = arith.constant 0 : i32
      %dma_start3A_149 = arith.constant 0 : i32
      %dma_start3A_150 = arith.constant 0 : i32
      %dma_start3A_151 = arith.constant 0 : i32
      %dma_start3A_152 = tpu.memref_slice %arg9[%dma_start3A, %dma_start3A_150, %dma_start3A_151] : memref<8x128x32xf32, #tpu.memory_space<vmem>> -> memref<1x128x32xf32, #tpu.memory_space<vmem>>
      %dma_start3A_153 = tpu.memref_squeeze %dma_start3A_152 : memref<1x128x32xf32, #tpu.memory_space<vmem>> -> memref<128x32xf32, #tpu.memory_space<vmem>>
      %dma_start3A_154 = arith.constant 0 : i32
      %dma_start3A_155 = tpu.memref_slice %arg7[%add3A_148, %dma_start3A_154] : memref<80x128xi32, #tpu.memory_space<vmem>> -> memref<1x128xi32, #tpu.memory_space<vmem>>
      %dma_start3A_156 = tpu.memref_squeeze %dma_start3A_155 : memref<1x128xi32, #tpu.memory_space<vmem>> -> memref<128xi32, #tpu.memory_space<vmem>>
      %dma_start3A_157 = arith.constant 0 : i32
      %dma_start3A_158 = arith.constant 0 : i32
      %dma_start3A_159 = tpu.memref_slice %arg11[%dma_start3A_157, %dma_start3A_158] : memref<10240x32xf32, #tpu.memory_space<vmem_shared>> -> memref<10240x32xf32, #tpu.memory_space<vmem_shared>>
      %dma_start3A_160 = tpu.memref_slice %arg12[%dma_start3A_149] : memref<8x!tpu.dma_semaphore, #tpu.memory_space<semaphore_mem>> -> memref<1x!tpu.dma_semaphore, #tpu.memory_space<semaphore_mem>>
      %dma_start3A_161 = tpu.memref_squeeze %dma_start3A_160 : memref<1x!tpu.dma_semaphore, #tpu.memory_space<semaphore_mem>> -> memref<!tpu.dma_semaphore, #tpu.memory_space<semaphore_mem>>
      tpu.enqueue_indirect_dma source(%dma_start3A_159 : memref<10240x32xf32, #tpu.memory_space<vmem_shared>>) target(%dma_start3A_153 : memref<128x32xf32, #tpu.memory_space<vmem>>) offsets(%dma_start3A_156 : memref<128xi32, #tpu.memory_space<vmem>>) semaphore(%dma_start3A_161 : memref<!tpu.dma_semaphore, #tpu.memory_space<semaphore_mem>>)
      %gt3A_162 = arith.constant 0 : i32
      %gt3A_163 = arith.cmpi sgt, %scan3A_142, %gt3A_162 : i32
      %convert_element_type3A_164 = arith.extui %gt3A_163 : i1 to i32
      %cond3A_165 = arith.constant 0 : i32
      %cond3A_166 = arith.cmpi ne, %convert_element_type3A_164, %cond3A_165 : i32
      scf.if %cond3A_166 {
        %dma_wait3A_557 = arith.constant 1 : i32
        %dma_wait3A_558 = arith.constant 0 : i32
        %dma_wait3A_559 = arith.constant 1 : i32
        %dma_wait3A_560 = arith.constant 0 : i32
        %dma_wait3A_561 = arith.constant 0 : i32
        %dma_wait3A_562 = tpu.memref_slice %arg9[%dma_wait3A_557, %dma_wait3A_560, %dma_wait3A_561] : memref<8x128x32xf32, #tpu.memory_space<vmem>> -> memref<1x128x32xf32, #tpu.memory_space<vmem>>
        %dma_wait3A_563 = tpu.memref_squeeze %dma_wait3A_562 : memref<1x128x32xf32, #tpu.memory_space<vmem>> -> memref<128x32xf32, #tpu.memory_space<vmem>>
        %dma_wait3A_564 = arith.constant 0 : i32
        %dma_wait3A_565 = tpu.memref_slice %arg8[%dma_wait3A_558, %dma_wait3A_564] : memref<80x128xi32, #tpu.memory_space<vmem>> -> memref<1x128xi32, #tpu.memory_space<vmem>>
        %dma_wait3A_566 = tpu.memref_squeeze %dma_wait3A_565 : memref<1x128xi32, #tpu.memory_space<vmem>> -> memref<128xi32, #tpu.memory_space<vmem>>
        %dma_wait3A_567 = arith.constant 0 : i32
        %dma_wait3A_568 = arith.constant 0 : i32
        %dma_wait3A_569 = tpu.memref_slice %arg10[%dma_wait3A_567, %dma_wait3A_568] : memref<10240x32xf32, #tpu.memory_space<vmem_shared>> -> memref<10240x32xf32, #tpu.memory_space<vmem_shared>>
        %dma_wait3A_570 = tpu.memref_slice %arg13[%dma_wait3A_559] : memref<8x!tpu.dma_semaphore, #tpu.memory_space<semaphore_mem>> -> memref<1x!tpu.dma_semaphore, #tpu.memory_space<semaphore_mem>>
        %dma_wait3A_571 = tpu.memref_squeeze %dma_wait3A_570 : memref<1x!tpu.dma_semaphore, #tpu.memory_space<semaphore_mem>> -> memref<!tpu.dma_semaphore, #tpu.memory_space<semaphore_mem>>
        tpu.wait_indirect_dma semaphore(%dma_wait3A_571 : memref<!tpu.dma_semaphore, #tpu.memory_space<semaphore_mem>>) src(%dma_wait3A_563 : memref<128x32xf32, #tpu.memory_space<vmem>>) dst(%dma_wait3A_569 : memref<10240x32xf32, #tpu.memory_space<vmem_shared>>)
      } else {
      }
      %add3A_167 = arith.constant 1 : i32
      %add3A_168 = arith.addi %mul3A_144, %add3A_167 : i32
      %dma_start3A_169 = arith.constant 1 : i32
      %dma_start3A_170 = arith.constant 1 : i32
      %dma_start3A_171 = arith.constant 0 : i32
      %dma_start3A_172 = arith.constant 0 : i32
      %dma_start3A_173 = tpu.memref_slice %arg9[%dma_start3A_169, %dma_start3A_171, %dma_start3A_172] : memref<8x128x32xf32, #tpu.memory_space<vmem>> -> memref<1x128x32xf32, #tpu.memory_space<vmem>>
      %dma_start3A_174 = tpu.memref_squeeze %dma_start3A_173 : memref<1x128x32xf32, #tpu.memory_space<vmem>> -> memref<128x32xf32, #tpu.memory_space<vmem>>
      %dma_start3A_175 = arith.constant 0 : i32
      %dma_start3A_176 = tpu.memref_slice %arg7[%add3A_168, %dma_start3A_175] : memref<80x128xi32, #tpu.memory_space<vmem>> -> memref<1x128xi32, #tpu.memory_space<vmem>>
      %dma_start3A_177 = tpu.memref_squeeze %dma_start3A_176 : memref<1x128xi32, #tpu.memory_space<vmem>> -> memref<128xi32, #tpu.memory_space<vmem>>
      %dma_start3A_178 = arith.constant 0 : i32
      %dma_start3A_179 = arith.constant 0 : i32
      %dma_start3A_180 = tpu.memref_slice %arg11[%dma_start3A_178, %dma_start3A_179] : memref<10240x32xf32, #tpu.memory_space<vmem_shared>> -> memref<10240x32xf32, #tpu.memory_space<vmem_shared>>
      %dma_start3A_181 = tpu.memref_slice %arg12[%dma_start3A_170] : memref<8x!tpu.dma_semaphore, #tpu.memory_space<semaphore_mem>> -> memref<1x!tpu.dma_semaphore, #tpu.memory_space<semaphore_mem>>
      %dma_start3A_182 = tpu.memref_squeeze %dma_start3A_181 : memref<1x!tpu.dma_semaphore, #tpu.memory_space<semaphore_mem>> -> memref<!tpu.dma_semaphore, #tpu.memory_space<semaphore_mem>>
      tpu.enqueue_indirect_dma source(%dma_start3A_180 : memref<10240x32xf32, #tpu.memory_space<vmem_shared>>) target(%dma_start3A_174 : memref<128x32xf32, #tpu.memory_space<vmem>>) offsets(%dma_start3A_177 : memref<128xi32, #tpu.memory_space<vmem>>) semaphore(%dma_start3A_182 : memref<!tpu.dma_semaphore, #tpu.memory_space<semaphore_mem>>)
      %gt3A_183 = arith.constant 0 : i32
      %gt3A_184 = arith.cmpi sgt, %scan3A_142, %gt3A_183 : i32
      %convert_element_type3A_185 = arith.extui %gt3A_184 : i1 to i32
      %cond3A_186 = arith.constant 0 : i32
      %cond3A_187 = arith.cmpi ne, %convert_element_type3A_185, %cond3A_186 : i32
      scf.if %cond3A_187 {
        %dma_wait3A_557 = arith.constant 2 : i32
        %dma_wait3A_558 = arith.constant 0 : i32
        %dma_wait3A_559 = arith.constant 2 : i32
        %dma_wait3A_560 = arith.constant 0 : i32
        %dma_wait3A_561 = arith.constant 0 : i32
        %dma_wait3A_562 = tpu.memref_slice %arg9[%dma_wait3A_557, %dma_wait3A_560, %dma_wait3A_561] : memref<8x128x32xf32, #tpu.memory_space<vmem>> -> memref<1x128x32xf32, #tpu.memory_space<vmem>>
        %dma_wait3A_563 = tpu.memref_squeeze %dma_wait3A_562 : memref<1x128x32xf32, #tpu.memory_space<vmem>> -> memref<128x32xf32, #tpu.memory_space<vmem>>
        %dma_wait3A_564 = arith.constant 0 : i32
        %dma_wait3A_565 = tpu.memref_slice %arg8[%dma_wait3A_558, %dma_wait3A_564] : memref<80x128xi32, #tpu.memory_space<vmem>> -> memref<1x128xi32, #tpu.memory_space<vmem>>
        %dma_wait3A_566 = tpu.memref_squeeze %dma_wait3A_565 : memref<1x128xi32, #tpu.memory_space<vmem>> -> memref<128xi32, #tpu.memory_space<vmem>>
        %dma_wait3A_567 = arith.constant 0 : i32
        %dma_wait3A_568 = arith.constant 0 : i32
        %dma_wait3A_569 = tpu.memref_slice %arg10[%dma_wait3A_567, %dma_wait3A_568] : memref<10240x32xf32, #tpu.memory_space<vmem_shared>> -> memref<10240x32xf32, #tpu.memory_space<vmem_shared>>
        %dma_wait3A_570 = tpu.memref_slice %arg13[%dma_wait3A_559] : memref<8x!tpu.dma_semaphore, #tpu.memory_space<semaphore_mem>> -> memref<1x!tpu.dma_semaphore, #tpu.memory_space<semaphore_mem>>
        %dma_wait3A_571 = tpu.memref_squeeze %dma_wait3A_570 : memref<1x!tpu.dma_semaphore, #tpu.memory_space<semaphore_mem>> -> memref<!tpu.dma_semaphore, #tpu.memory_space<semaphore_mem>>
        tpu.wait_indirect_dma semaphore(%dma_wait3A_571 : memref<!tpu.dma_semaphore, #tpu.memory_space<semaphore_mem>>) src(%dma_wait3A_563 : memref<128x32xf32, #tpu.memory_space<vmem>>) dst(%dma_wait3A_569 : memref<10240x32xf32, #tpu.memory_space<vmem_shared>>)
      } else {
      }
      %add3A_188 = arith.constant 2 : i32
      %add3A_189 = arith.addi %mul3A_144, %add3A_188 : i32
      %dma_start3A_190 = arith.constant 2 : i32
      %dma_start3A_191 = arith.constant 2 : i32
      %dma_start3A_192 = arith.constant 0 : i32
      %dma_start3A_193 = arith.constant 0 : i32
      %dma_start3A_194 = tpu.memref_slice %arg9[%dma_start3A_190, %dma_start3A_192, %dma_start3A_193] : memref<8x128x32xf32, #tpu.memory_space<vmem>> -> memref<1x128x32xf32, #tpu.memory_space<vmem>>
      %dma_start3A_195 = tpu.memref_squeeze %dma_start3A_194 : memref<1x128x32xf32, #tpu.memory_space<vmem>> -> memref<128x32xf32, #tpu.memory_space<vmem>>
      %dma_start3A_196 = arith.constant 0 : i32
      %dma_start3A_197 = tpu.memref_slice %arg7[%add3A_189, %dma_start3A_196] : memref<80x128xi32, #tpu.memory_space<vmem>> -> memref<1x128xi32, #tpu.memory_space<vmem>>
      %dma_start3A_198 = tpu.memref_squeeze %dma_start3A_197 : memref<1x128xi32, #tpu.memory_space<vmem>> -> memref<128xi32, #tpu.memory_space<vmem>>
      %dma_start3A_199 = arith.constant 0 : i32
      %dma_start3A_200 = arith.constant 0 : i32
      %dma_start3A_201 = tpu.memref_slice %arg11[%dma_start3A_199, %dma_start3A_200] : memref<10240x32xf32, #tpu.memory_space<vmem_shared>> -> memref<10240x32xf32, #tpu.memory_space<vmem_shared>>
      %dma_start3A_202 = tpu.memref_slice %arg12[%dma_start3A_191] : memref<8x!tpu.dma_semaphore, #tpu.memory_space<semaphore_mem>> -> memref<1x!tpu.dma_semaphore, #tpu.memory_space<semaphore_mem>>
      %dma_start3A_203 = tpu.memref_squeeze %dma_start3A_202 : memref<1x!tpu.dma_semaphore, #tpu.memory_space<semaphore_mem>> -> memref<!tpu.dma_semaphore, #tpu.memory_space<semaphore_mem>>
      tpu.enqueue_indirect_dma source(%dma_start3A_201 : memref<10240x32xf32, #tpu.memory_space<vmem_shared>>) target(%dma_start3A_195 : memref<128x32xf32, #tpu.memory_space<vmem>>) offsets(%dma_start3A_198 : memref<128xi32, #tpu.memory_space<vmem>>) semaphore(%dma_start3A_203 : memref<!tpu.dma_semaphore, #tpu.memory_space<semaphore_mem>>)
      %gt3A_204 = arith.constant 0 : i32
      %gt3A_205 = arith.cmpi sgt, %scan3A_142, %gt3A_204 : i32
      %convert_element_type3A_206 = arith.extui %gt3A_205 : i1 to i32
      %cond3A_207 = arith.constant 0 : i32
      %cond3A_208 = arith.cmpi ne, %convert_element_type3A_206, %cond3A_207 : i32
      scf.if %cond3A_208 {
        %dma_wait3A_557 = arith.constant 3 : i32
        %dma_wait3A_558 = arith.constant 0 : i32
        %dma_wait3A_559 = arith.constant 3 : i32
        %dma_wait3A_560 = arith.constant 0 : i32
        %dma_wait3A_561 = arith.constant 0 : i32
        %dma_wait3A_562 = tpu.memref_slice %arg9[%dma_wait3A_557, %dma_wait3A_560, %dma_wait3A_561] : memref<8x128x32xf32, #tpu.memory_space<vmem>> -> memref<1x128x32xf32, #tpu.memory_space<vmem>>
        %dma_wait3A_563 = tpu.memref_squeeze %dma_wait3A_562 : memref<1x128x32xf32, #tpu.memory_space<vmem>> -> memref<128x32xf32, #tpu.memory_space<vmem>>
        %dma_wait3A_564 = arith.constant 0 : i32
        %dma_wait3A_565 = tpu.memref_slice %arg8[%dma_wait3A_558, %dma_wait3A_564] : memref<80x128xi32, #tpu.memory_space<vmem>> -> memref<1x128xi32, #tpu.memory_space<vmem>>
        %dma_wait3A_566 = tpu.memref_squeeze %dma_wait3A_565 : memref<1x128xi32, #tpu.memory_space<vmem>> -> memref<128xi32, #tpu.memory_space<vmem>>
        %dma_wait3A_567 = arith.constant 0 : i32
        %dma_wait3A_568 = arith.constant 0 : i32
        %dma_wait3A_569 = tpu.memref_slice %arg10[%dma_wait3A_567, %dma_wait3A_568] : memref<10240x32xf32, #tpu.memory_space<vmem_shared>> -> memref<10240x32xf32, #tpu.memory_space<vmem_shared>>
        %dma_wait3A_570 = tpu.memref_slice %arg13[%dma_wait3A_559] : memref<8x!tpu.dma_semaphore, #tpu.memory_space<semaphore_mem>> -> memref<1x!tpu.dma_semaphore, #tpu.memory_space<semaphore_mem>>
        %dma_wait3A_571 = tpu.memref_squeeze %dma_wait3A_570 : memref<1x!tpu.dma_semaphore, #tpu.memory_space<semaphore_mem>> -> memref<!tpu.dma_semaphore, #tpu.memory_space<semaphore_mem>>
        tpu.wait_indirect_dma semaphore(%dma_wait3A_571 : memref<!tpu.dma_semaphore, #tpu.memory_space<semaphore_mem>>) src(%dma_wait3A_563 : memref<128x32xf32, #tpu.memory_space<vmem>>) dst(%dma_wait3A_569 : memref<10240x32xf32, #tpu.memory_space<vmem_shared>>)
      } else {
      }
      %add3A_209 = arith.constant 3 : i32
      %add3A_210 = arith.addi %mul3A_144, %add3A_209 : i32
      %dma_start3A_211 = arith.constant 3 : i32
      %dma_start3A_212 = arith.constant 3 : i32
      %dma_start3A_213 = arith.constant 0 : i32
      %dma_start3A_214 = arith.constant 0 : i32
      %dma_start3A_215 = tpu.memref_slice %arg9[%dma_start3A_211, %dma_start3A_213, %dma_start3A_214] : memref<8x128x32xf32, #tpu.memory_space<vmem>> -> memref<1x128x32xf32, #tpu.memory_space<vmem>>
      %dma_start3A_216 = tpu.memref_squeeze %dma_start3A_215 : memref<1x128x32xf32, #tpu.memory_space<vmem>> -> memref<128x32xf32, #tpu.memory_space<vmem>>
      %dma_start3A_217 = arith.constant 0 : i32
      %dma_start3A_218 = tpu.memref_slice %arg7[%add3A_210, %dma_start3A_217] : memref<80x128xi32, #tpu.memory_space<vmem>> -> memref<1x128xi32, #tpu.memory_space<vmem>>
      %dma_start3A_219 = tpu.memref_squeeze %dma_start3A_218 : memref<1x128xi32, #tpu.memory_space<vmem>> -> memref<128xi32, #tpu.memory_space<vmem>>
      %dma_start3A_220 = arith.constant 0 : i32
      %dma_start3A_221 = arith.constant 0 : i32
      %dma_start3A_222 = tpu.memref_slice %arg11[%dma_start3A_220, %dma_start3A_221] : memref<10240x32xf32, #tpu.memory_space<vmem_shared>> -> memref<10240x32xf32, #tpu.memory_space<vmem_shared>>
      %dma_start3A_223 = tpu.memref_slice %arg12[%dma_start3A_212] : memref<8x!tpu.dma_semaphore, #tpu.memory_space<semaphore_mem>> -> memref<1x!tpu.dma_semaphore, #tpu.memory_space<semaphore_mem>>
      %dma_start3A_224 = tpu.memref_squeeze %dma_start3A_223 : memref<1x!tpu.dma_semaphore, #tpu.memory_space<semaphore_mem>> -> memref<!tpu.dma_semaphore, #tpu.memory_space<semaphore_mem>>
      tpu.enqueue_indirect_dma source(%dma_start3A_222 : memref<10240x32xf32, #tpu.memory_space<vmem_shared>>) target(%dma_start3A_216 : memref<128x32xf32, #tpu.memory_space<vmem>>) offsets(%dma_start3A_219 : memref<128xi32, #tpu.memory_space<vmem>>) semaphore(%dma_start3A_224 : memref<!tpu.dma_semaphore, #tpu.memory_space<semaphore_mem>>)
      %gt3A_225 = arith.constant 0 : i32
      %gt3A_226 = arith.cmpi sgt, %scan3A_142, %gt3A_225 : i32
      %convert_element_type3A_227 = arith.extui %gt3A_226 : i1 to i32
      %cond3A_228 = arith.constant 0 : i32
      %cond3A_229 = arith.cmpi ne, %convert_element_type3A_227, %cond3A_228 : i32
      scf.if %cond3A_229 {
        %dma_wait3A_557 = arith.constant 4 : i32
        %dma_wait3A_558 = arith.constant 0 : i32
        %dma_wait3A_559 = arith.constant 4 : i32
        %dma_wait3A_560 = arith.constant 0 : i32
        %dma_wait3A_561 = arith.constant 0 : i32
        %dma_wait3A_562 = tpu.memref_slice %arg9[%dma_wait3A_557, %dma_wait3A_560, %dma_wait3A_561] : memref<8x128x32xf32, #tpu.memory_space<vmem>> -> memref<1x128x32xf32, #tpu.memory_space<vmem>>
        %dma_wait3A_563 = tpu.memref_squeeze %dma_wait3A_562 : memref<1x128x32xf32, #tpu.memory_space<vmem>> -> memref<128x32xf32, #tpu.memory_space<vmem>>
        %dma_wait3A_564 = arith.constant 0 : i32
        %dma_wait3A_565 = tpu.memref_slice %arg8[%dma_wait3A_558, %dma_wait3A_564] : memref<80x128xi32, #tpu.memory_space<vmem>> -> memref<1x128xi32, #tpu.memory_space<vmem>>
        %dma_wait3A_566 = tpu.memref_squeeze %dma_wait3A_565 : memref<1x128xi32, #tpu.memory_space<vmem>> -> memref<128xi32, #tpu.memory_space<vmem>>
        %dma_wait3A_567 = arith.constant 0 : i32
        %dma_wait3A_568 = arith.constant 0 : i32
        %dma_wait3A_569 = tpu.memref_slice %arg10[%dma_wait3A_567, %dma_wait3A_568] : memref<10240x32xf32, #tpu.memory_space<vmem_shared>> -> memref<10240x32xf32, #tpu.memory_space<vmem_shared>>
        %dma_wait3A_570 = tpu.memref_slice %arg13[%dma_wait3A_559] : memref<8x!tpu.dma_semaphore, #tpu.memory_space<semaphore_mem>> -> memref<1x!tpu.dma_semaphore, #tpu.memory_space<semaphore_mem>>
        %dma_wait3A_571 = tpu.memref_squeeze %dma_wait3A_570 : memref<1x!tpu.dma_semaphore, #tpu.memory_space<semaphore_mem>> -> memref<!tpu.dma_semaphore, #tpu.memory_space<semaphore_mem>>
        tpu.wait_indirect_dma semaphore(%dma_wait3A_571 : memref<!tpu.dma_semaphore, #tpu.memory_space<semaphore_mem>>) src(%dma_wait3A_563 : memref<128x32xf32, #tpu.memory_space<vmem>>) dst(%dma_wait3A_569 : memref<10240x32xf32, #tpu.memory_space<vmem_shared>>)
      } else {
      }
      %add3A_230 = arith.constant 4 : i32
      %add3A_231 = arith.addi %mul3A_144, %add3A_230 : i32
      %dma_start3A_232 = arith.constant 4 : i32
      %dma_start3A_233 = arith.constant 4 : i32
      %dma_start3A_234 = arith.constant 0 : i32
      %dma_start3A_235 = arith.constant 0 : i32
      %dma_start3A_236 = tpu.memref_slice %arg9[%dma_start3A_232, %dma_start3A_234, %dma_start3A_235] : memref<8x128x32xf32, #tpu.memory_space<vmem>> -> memref<1x128x32xf32, #tpu.memory_space<vmem>>
      %dma_start3A_237 = tpu.memref_squeeze %dma_start3A_236 : memref<1x128x32xf32, #tpu.memory_space<vmem>> -> memref<128x32xf32, #tpu.memory_space<vmem>>
      %dma_start3A_238 = arith.constant 0 : i32
      %dma_start3A_239 = tpu.memref_slice %arg7[%add3A_231, %dma_start3A_238] : memref<80x128xi32, #tpu.memory_space<vmem>> -> memref<1x128xi32, #tpu.memory_space<vmem>>
      %dma_start3A_240 = tpu.memref_squeeze %dma_start3A_239 : memref<1x128xi32, #tpu.memory_space<vmem>> -> memref<128xi32, #tpu.memory_space<vmem>>
      %dma_start3A_241 = arith.constant 0 : i32
      %dma_start3A_242 = arith.constant 0 : i32
      %dma_start3A_243 = tpu.memref_slice %arg11[%dma_start3A_241, %dma_start3A_242] : memref<10240x32xf32, #tpu.memory_space<vmem_shared>> -> memref<10240x32xf32, #tpu.memory_space<vmem_shared>>
      %dma_start3A_244 = tpu.memref_slice %arg12[%dma_start3A_233] : memref<8x!tpu.dma_semaphore, #tpu.memory_space<semaphore_mem>> -> memref<1x!tpu.dma_semaphore, #tpu.memory_space<semaphore_mem>>
      %dma_start3A_245 = tpu.memref_squeeze %dma_start3A_244 : memref<1x!tpu.dma_semaphore, #tpu.memory_space<semaphore_mem>> -> memref<!tpu.dma_semaphore, #tpu.memory_space<semaphore_mem>>
      tpu.enqueue_indirect_dma source(%dma_start3A_243 : memref<10240x32xf32, #tpu.memory_space<vmem_shared>>) target(%dma_start3A_237 : memref<128x32xf32, #tpu.memory_space<vmem>>) offsets(%dma_start3A_240 : memref<128xi32, #tpu.memory_space<vmem>>) semaphore(%dma_start3A_245 : memref<!tpu.dma_semaphore, #tpu.memory_space<semaphore_mem>>)
      %gt3A_246 = arith.constant 0 : i32
      %gt3A_247 = arith.cmpi sgt, %scan3A_142, %gt3A_246 : i32
      %convert_element_type3A_248 = arith.extui %gt3A_247 : i1 to i32
      %cond3A_249 = arith.constant 0 : i32
      %cond3A_250 = arith.cmpi ne, %convert_element_type3A_248, %cond3A_249 : i32
      scf.if %cond3A_250 {
        %dma_wait3A_557 = arith.constant 5 : i32
        %dma_wait3A_558 = arith.constant 0 : i32
        %dma_wait3A_559 = arith.constant 5 : i32
        %dma_wait3A_560 = arith.constant 0 : i32
        %dma_wait3A_561 = arith.constant 0 : i32
        %dma_wait3A_562 = tpu.memref_slice %arg9[%dma_wait3A_557, %dma_wait3A_560, %dma_wait3A_561] : memref<8x128x32xf32, #tpu.memory_space<vmem>> -> memref<1x128x32xf32, #tpu.memory_space<vmem>>
        %dma_wait3A_563 = tpu.memref_squeeze %dma_wait3A_562 : memref<1x128x32xf32, #tpu.memory_space<vmem>> -> memref<128x32xf32, #tpu.memory_space<vmem>>
        %dma_wait3A_564 = arith.constant 0 : i32
        %dma_wait3A_565 = tpu.memref_slice %arg8[%dma_wait3A_558, %dma_wait3A_564] : memref<80x128xi32, #tpu.memory_space<vmem>> -> memref<1x128xi32, #tpu.memory_space<vmem>>
        %dma_wait3A_566 = tpu.memref_squeeze %dma_wait3A_565 : memref<1x128xi32, #tpu.memory_space<vmem>> -> memref<128xi32, #tpu.memory_space<vmem>>
        %dma_wait3A_567 = arith.constant 0 : i32
        %dma_wait3A_568 = arith.constant 0 : i32
        %dma_wait3A_569 = tpu.memref_slice %arg10[%dma_wait3A_567, %dma_wait3A_568] : memref<10240x32xf32, #tpu.memory_space<vmem_shared>> -> memref<10240x32xf32, #tpu.memory_space<vmem_shared>>
        %dma_wait3A_570 = tpu.memref_slice %arg13[%dma_wait3A_559] : memref<8x!tpu.dma_semaphore, #tpu.memory_space<semaphore_mem>> -> memref<1x!tpu.dma_semaphore, #tpu.memory_space<semaphore_mem>>
        %dma_wait3A_571 = tpu.memref_squeeze %dma_wait3A_570 : memref<1x!tpu.dma_semaphore, #tpu.memory_space<semaphore_mem>> -> memref<!tpu.dma_semaphore, #tpu.memory_space<semaphore_mem>>
        tpu.wait_indirect_dma semaphore(%dma_wait3A_571 : memref<!tpu.dma_semaphore, #tpu.memory_space<semaphore_mem>>) src(%dma_wait3A_563 : memref<128x32xf32, #tpu.memory_space<vmem>>) dst(%dma_wait3A_569 : memref<10240x32xf32, #tpu.memory_space<vmem_shared>>)
      } else {
      }
      %add3A_251 = arith.constant 5 : i32
      %add3A_252 = arith.addi %mul3A_144, %add3A_251 : i32
      %dma_start3A_253 = arith.constant 5 : i32
      %dma_start3A_254 = arith.constant 5 : i32
      %dma_start3A_255 = arith.constant 0 : i32
      %dma_start3A_256 = arith.constant 0 : i32
      %dma_start3A_257 = tpu.memref_slice %arg9[%dma_start3A_253, %dma_start3A_255, %dma_start3A_256] : memref<8x128x32xf32, #tpu.memory_space<vmem>> -> memref<1x128x32xf32, #tpu.memory_space<vmem>>
      %dma_start3A_258 = tpu.memref_squeeze %dma_start3A_257 : memref<1x128x32xf32, #tpu.memory_space<vmem>> -> memref<128x32xf32, #tpu.memory_space<vmem>>
      %dma_start3A_259 = arith.constant 0 : i32
      %dma_start3A_260 = tpu.memref_slice %arg7[%add3A_252, %dma_start3A_259] : memref<80x128xi32, #tpu.memory_space<vmem>> -> memref<1x128xi32, #tpu.memory_space<vmem>>
      %dma_start3A_261 = tpu.memref_squeeze %dma_start3A_260 : memref<1x128xi32, #tpu.memory_space<vmem>> -> memref<128xi32, #tpu.memory_space<vmem>>
      %dma_start3A_262 = arith.constant 0 : i32
      %dma_start3A_263 = arith.constant 0 : i32
      %dma_start3A_264 = tpu.memref_slice %arg11[%dma_start3A_262, %dma_start3A_263] : memref<10240x32xf32, #tpu.memory_space<vmem_shared>> -> memref<10240x32xf32, #tpu.memory_space<vmem_shared>>
      %dma_start3A_265 = tpu.memref_slice %arg12[%dma_start3A_254] : memref<8x!tpu.dma_semaphore, #tpu.memory_space<semaphore_mem>> -> memref<1x!tpu.dma_semaphore, #tpu.memory_space<semaphore_mem>>
      %dma_start3A_266 = tpu.memref_squeeze %dma_start3A_265 : memref<1x!tpu.dma_semaphore, #tpu.memory_space<semaphore_mem>> -> memref<!tpu.dma_semaphore, #tpu.memory_space<semaphore_mem>>
      tpu.enqueue_indirect_dma source(%dma_start3A_264 : memref<10240x32xf32, #tpu.memory_space<vmem_shared>>) target(%dma_start3A_258 : memref<128x32xf32, #tpu.memory_space<vmem>>) offsets(%dma_start3A_261 : memref<128xi32, #tpu.memory_space<vmem>>) semaphore(%dma_start3A_266 : memref<!tpu.dma_semaphore, #tpu.memory_space<semaphore_mem>>)
      %gt3A_267 = arith.constant 0 : i32
      %gt3A_268 = arith.cmpi sgt, %scan3A_142, %gt3A_267 : i32
      %convert_element_type3A_269 = arith.extui %gt3A_268 : i1 to i32
      %cond3A_270 = arith.constant 0 : i32
      %cond3A_271 = arith.cmpi ne, %convert_element_type3A_269, %cond3A_270 : i32
      scf.if %cond3A_271 {
        %dma_wait3A_557 = arith.constant 6 : i32
        %dma_wait3A_558 = arith.constant 0 : i32
        %dma_wait3A_559 = arith.constant 6 : i32
        %dma_wait3A_560 = arith.constant 0 : i32
        %dma_wait3A_561 = arith.constant 0 : i32
        %dma_wait3A_562 = tpu.memref_slice %arg9[%dma_wait3A_557, %dma_wait3A_560, %dma_wait3A_561] : memref<8x128x32xf32, #tpu.memory_space<vmem>> -> memref<1x128x32xf32, #tpu.memory_space<vmem>>
        %dma_wait3A_563 = tpu.memref_squeeze %dma_wait3A_562 : memref<1x128x32xf32, #tpu.memory_space<vmem>> -> memref<128x32xf32, #tpu.memory_space<vmem>>
        %dma_wait3A_564 = arith.constant 0 : i32
        %dma_wait3A_565 = tpu.memref_slice %arg8[%dma_wait3A_558, %dma_wait3A_564] : memref<80x128xi32, #tpu.memory_space<vmem>> -> memref<1x128xi32, #tpu.memory_space<vmem>>
        %dma_wait3A_566 = tpu.memref_squeeze %dma_wait3A_565 : memref<1x128xi32, #tpu.memory_space<vmem>> -> memref<128xi32, #tpu.memory_space<vmem>>
        %dma_wait3A_567 = arith.constant 0 : i32
        %dma_wait3A_568 = arith.constant 0 : i32
        %dma_wait3A_569 = tpu.memref_slice %arg10[%dma_wait3A_567, %dma_wait3A_568] : memref<10240x32xf32, #tpu.memory_space<vmem_shared>> -> memref<10240x32xf32, #tpu.memory_space<vmem_shared>>
        %dma_wait3A_570 = tpu.memref_slice %arg13[%dma_wait3A_559] : memref<8x!tpu.dma_semaphore, #tpu.memory_space<semaphore_mem>> -> memref<1x!tpu.dma_semaphore, #tpu.memory_space<semaphore_mem>>
        %dma_wait3A_571 = tpu.memref_squeeze %dma_wait3A_570 : memref<1x!tpu.dma_semaphore, #tpu.memory_space<semaphore_mem>> -> memref<!tpu.dma_semaphore, #tpu.memory_space<semaphore_mem>>
        tpu.wait_indirect_dma semaphore(%dma_wait3A_571 : memref<!tpu.dma_semaphore, #tpu.memory_space<semaphore_mem>>) src(%dma_wait3A_563 : memref<128x32xf32, #tpu.memory_space<vmem>>) dst(%dma_wait3A_569 : memref<10240x32xf32, #tpu.memory_space<vmem_shared>>)
      } else {
      }
      %add3A_272 = arith.constant 6 : i32
      %add3A_273 = arith.addi %mul3A_144, %add3A_272 : i32
      %dma_start3A_274 = arith.constant 6 : i32
      %dma_start3A_275 = arith.constant 6 : i32
      %dma_start3A_276 = arith.constant 0 : i32
      %dma_start3A_277 = arith.constant 0 : i32
      %dma_start3A_278 = tpu.memref_slice %arg9[%dma_start3A_274, %dma_start3A_276, %dma_start3A_277] : memref<8x128x32xf32, #tpu.memory_space<vmem>> -> memref<1x128x32xf32, #tpu.memory_space<vmem>>
      %dma_start3A_279 = tpu.memref_squeeze %dma_start3A_278 : memref<1x128x32xf32, #tpu.memory_space<vmem>> -> memref<128x32xf32, #tpu.memory_space<vmem>>
      %dma_start3A_280 = arith.constant 0 : i32
      %dma_start3A_281 = tpu.memref_slice %arg7[%add3A_273, %dma_start3A_280] : memref<80x128xi32, #tpu.memory_space<vmem>> -> memref<1x128xi32, #tpu.memory_space<vmem>>
      %dma_start3A_282 = tpu.memref_squeeze %dma_start3A_281 : memref<1x128xi32, #tpu.memory_space<vmem>> -> memref<128xi32, #tpu.memory_space<vmem>>
      %dma_start3A_283 = arith.constant 0 : i32
      %dma_start3A_284 = arith.constant 0 : i32
      %dma_start3A_285 = tpu.memref_slice %arg11[%dma_start3A_283, %dma_start3A_284] : memref<10240x32xf32, #tpu.memory_space<vmem_shared>> -> memref<10240x32xf32, #tpu.memory_space<vmem_shared>>
      %dma_start3A_286 = tpu.memref_slice %arg12[%dma_start3A_275] : memref<8x!tpu.dma_semaphore, #tpu.memory_space<semaphore_mem>> -> memref<1x!tpu.dma_semaphore, #tpu.memory_space<semaphore_mem>>
      %dma_start3A_287 = tpu.memref_squeeze %dma_start3A_286 : memref<1x!tpu.dma_semaphore, #tpu.memory_space<semaphore_mem>> -> memref<!tpu.dma_semaphore, #tpu.memory_space<semaphore_mem>>
      tpu.enqueue_indirect_dma source(%dma_start3A_285 : memref<10240x32xf32, #tpu.memory_space<vmem_shared>>) target(%dma_start3A_279 : memref<128x32xf32, #tpu.memory_space<vmem>>) offsets(%dma_start3A_282 : memref<128xi32, #tpu.memory_space<vmem>>) semaphore(%dma_start3A_287 : memref<!tpu.dma_semaphore, #tpu.memory_space<semaphore_mem>>)
      %gt3A_288 = arith.constant 0 : i32
      %gt3A_289 = arith.cmpi sgt, %scan3A_142, %gt3A_288 : i32
      %convert_element_type3A_290 = arith.extui %gt3A_289 : i1 to i32
      %cond3A_291 = arith.constant 0 : i32
      %cond3A_292 = arith.cmpi ne, %convert_element_type3A_290, %cond3A_291 : i32
      scf.if %cond3A_292 {
        %dma_wait3A_557 = arith.constant 7 : i32
        %dma_wait3A_558 = arith.constant 0 : i32
        %dma_wait3A_559 = arith.constant 7 : i32
        %dma_wait3A_560 = arith.constant 0 : i32
        %dma_wait3A_561 = arith.constant 0 : i32
        %dma_wait3A_562 = tpu.memref_slice %arg9[%dma_wait3A_557, %dma_wait3A_560, %dma_wait3A_561] : memref<8x128x32xf32, #tpu.memory_space<vmem>> -> memref<1x128x32xf32, #tpu.memory_space<vmem>>
        %dma_wait3A_563 = tpu.memref_squeeze %dma_wait3A_562 : memref<1x128x32xf32, #tpu.memory_space<vmem>> -> memref<128x32xf32, #tpu.memory_space<vmem>>
        %dma_wait3A_564 = arith.constant 0 : i32
        %dma_wait3A_565 = tpu.memref_slice %arg8[%dma_wait3A_558, %dma_wait3A_564] : memref<80x128xi32, #tpu.memory_space<vmem>> -> memref<1x128xi32, #tpu.memory_space<vmem>>
        %dma_wait3A_566 = tpu.memref_squeeze %dma_wait3A_565 : memref<1x128xi32, #tpu.memory_space<vmem>> -> memref<128xi32, #tpu.memory_space<vmem>>
        %dma_wait3A_567 = arith.constant 0 : i32
        %dma_wait3A_568 = arith.constant 0 : i32
        %dma_wait3A_569 = tpu.memref_slice %arg10[%dma_wait3A_567, %dma_wait3A_568] : memref<10240x32xf32, #tpu.memory_space<vmem_shared>> -> memref<10240x32xf32, #tpu.memory_space<vmem_shared>>
        %dma_wait3A_570 = tpu.memref_slice %arg13[%dma_wait3A_559] : memref<8x!tpu.dma_semaphore, #tpu.memory_space<semaphore_mem>> -> memref<1x!tpu.dma_semaphore, #tpu.memory_space<semaphore_mem>>
        %dma_wait3A_571 = tpu.memref_squeeze %dma_wait3A_570 : memref<1x!tpu.dma_semaphore, #tpu.memory_space<semaphore_mem>> -> memref<!tpu.dma_semaphore, #tpu.memory_space<semaphore_mem>>
        tpu.wait_indirect_dma semaphore(%dma_wait3A_571 : memref<!tpu.dma_semaphore, #tpu.memory_space<semaphore_mem>>) src(%dma_wait3A_563 : memref<128x32xf32, #tpu.memory_space<vmem>>) dst(%dma_wait3A_569 : memref<10240x32xf32, #tpu.memory_space<vmem_shared>>)
      } else {
      }
      %add3A_293 = arith.constant 7 : i32
      %add3A_294 = arith.addi %mul3A_144, %add3A_293 : i32
      %dma_start3A_295 = arith.constant 7 : i32
      %dma_start3A_296 = arith.constant 7 : i32
      %dma_start3A_297 = arith.constant 0 : i32
      %dma_start3A_298 = arith.constant 0 : i32
      %dma_start3A_299 = tpu.memref_slice %arg9[%dma_start3A_295, %dma_start3A_297, %dma_start3A_298] : memref<8x128x32xf32, #tpu.memory_space<vmem>> -> memref<1x128x32xf32, #tpu.memory_space<vmem>>
      %dma_start3A_300 = tpu.memref_squeeze %dma_start3A_299 : memref<1x128x32xf32, #tpu.memory_space<vmem>> -> memref<128x32xf32, #tpu.memory_space<vmem>>
      %dma_start3A_301 = arith.constant 0 : i32
      %dma_start3A_302 = tpu.memref_slice %arg7[%add3A_294, %dma_start3A_301] : memref<80x128xi32, #tpu.memory_space<vmem>> -> memref<1x128xi32, #tpu.memory_space<vmem>>
      %dma_start3A_303 = tpu.memref_squeeze %dma_start3A_302 : memref<1x128xi32, #tpu.memory_space<vmem>> -> memref<128xi32, #tpu.memory_space<vmem>>
      %dma_start3A_304 = arith.constant 0 : i32
      %dma_start3A_305 = arith.constant 0 : i32
      %dma_start3A_306 = tpu.memref_slice %arg11[%dma_start3A_304, %dma_start3A_305] : memref<10240x32xf32, #tpu.memory_space<vmem_shared>> -> memref<10240x32xf32, #tpu.memory_space<vmem_shared>>
      %dma_start3A_307 = tpu.memref_slice %arg12[%dma_start3A_296] : memref<8x!tpu.dma_semaphore, #tpu.memory_space<semaphore_mem>> -> memref<1x!tpu.dma_semaphore, #tpu.memory_space<semaphore_mem>>
      %dma_start3A_308 = tpu.memref_squeeze %dma_start3A_307 : memref<1x!tpu.dma_semaphore, #tpu.memory_space<semaphore_mem>> -> memref<!tpu.dma_semaphore, #tpu.memory_space<semaphore_mem>>
      tpu.enqueue_indirect_dma source(%dma_start3A_306 : memref<10240x32xf32, #tpu.memory_space<vmem_shared>>) target(%dma_start3A_300 : memref<128x32xf32, #tpu.memory_space<vmem>>) offsets(%dma_start3A_303 : memref<128xi32, #tpu.memory_space<vmem>>) semaphore(%dma_start3A_308 : memref<!tpu.dma_semaphore, #tpu.memory_space<semaphore_mem>>)
      %dma_wait3A_309 = arith.constant 0 : i32
      %dma_wait3A_310 = arith.constant 0 : i32
      %dma_wait3A_311 = arith.constant 0 : i32
      %dma_wait3A_312 = arith.constant 0 : i32
      %dma_wait3A_313 = arith.constant 0 : i32
      %dma_wait3A_314 = tpu.memref_slice %arg9[%dma_wait3A_310, %dma_wait3A_312, %dma_wait3A_313] : memref<8x128x32xf32, #tpu.memory_space<vmem>> -> memref<1x128x32xf32, #tpu.memory_space<vmem>>
      %dma_wait3A_315 = tpu.memref_squeeze %dma_wait3A_314 : memref<1x128x32xf32, #tpu.memory_space<vmem>> -> memref<128x32xf32, #tpu.memory_space<vmem>>
      %dma_wait3A_316 = arith.constant 0 : i32
      %dma_wait3A_317 = tpu.memref_slice %arg7[%dma_wait3A_309, %dma_wait3A_316] : memref<80x128xi32, #tpu.memory_space<vmem>> -> memref<1x128xi32, #tpu.memory_space<vmem>>
      %dma_wait3A_318 = tpu.memref_squeeze %dma_wait3A_317 : memref<1x128xi32, #tpu.memory_space<vmem>> -> memref<128xi32, #tpu.memory_space<vmem>>
      %dma_wait3A_319 = arith.constant 0 : i32
      %dma_wait3A_320 = arith.constant 0 : i32
      %dma_wait3A_321 = tpu.memref_slice %arg11[%dma_wait3A_319, %dma_wait3A_320] : memref<10240x32xf32, #tpu.memory_space<vmem_shared>> -> memref<10240x32xf32, #tpu.memory_space<vmem_shared>>
      %dma_wait3A_322 = tpu.memref_slice %arg12[%dma_wait3A_311] : memref<8x!tpu.dma_semaphore, #tpu.memory_space<semaphore_mem>> -> memref<1x!tpu.dma_semaphore, #tpu.memory_space<semaphore_mem>>
      %dma_wait3A_323 = tpu.memref_squeeze %dma_wait3A_322 : memref<1x!tpu.dma_semaphore, #tpu.memory_space<semaphore_mem>> -> memref<!tpu.dma_semaphore, #tpu.memory_space<semaphore_mem>>
      tpu.wait_indirect_dma semaphore(%dma_wait3A_323 : memref<!tpu.dma_semaphore, #tpu.memory_space<semaphore_mem>>) src(%dma_wait3A_321 : memref<10240x32xf32, #tpu.memory_space<vmem_shared>>) dst(%dma_wait3A_315 : memref<128x32xf32, #tpu.memory_space<vmem>>)
      %add3A_324 = arith.constant 0 : i32
      %add3A_325 = arith.addi %mul3A_144, %add3A_324 : i32
      %dma_start3A_326 = arith.constant 0 : i32
      %dma_start3A_327 = arith.constant 0 : i32
      %dma_start3A_328 = arith.constant 0 : i32
      %dma_start3A_329 = arith.constant 0 : i32
      %dma_start3A_330 = tpu.memref_slice %arg9[%dma_start3A_326, %dma_start3A_328, %dma_start3A_329] : memref<8x128x32xf32, #tpu.memory_space<vmem>> -> memref<1x128x32xf32, #tpu.memory_space<vmem>>
      %dma_start3A_331 = tpu.memref_squeeze %dma_start3A_330 : memref<1x128x32xf32, #tpu.memory_space<vmem>> -> memref<128x32xf32, #tpu.memory_space<vmem>>
      %dma_start3A_332 = arith.constant 0 : i32
      %dma_start3A_333 = tpu.memref_slice %arg8[%add3A_325, %dma_start3A_332] : memref<80x128xi32, #tpu.memory_space<vmem>> -> memref<1x128xi32, #tpu.memory_space<vmem>>
      %dma_start3A_334 = tpu.memref_squeeze %dma_start3A_333 : memref<1x128xi32, #tpu.memory_space<vmem>> -> memref<128xi32, #tpu.memory_space<vmem>>
      %dma_start3A_335 = arith.constant 0 : i32
      %dma_start3A_336 = arith.constant 0 : i32
      %dma_start3A_337 = tpu.memref_slice %arg10[%dma_start3A_335, %dma_start3A_336] : memref<10240x32xf32, #tpu.memory_space<vmem_shared>> -> memref<10240x32xf32, #tpu.memory_space<vmem_shared>>
      %dma_start3A_338 = tpu.memref_slice %arg13[%dma_start3A_327] : memref<8x!tpu.dma_semaphore, #tpu.memory_space<semaphore_mem>> -> memref<1x!tpu.dma_semaphore, #tpu.memory_space<semaphore_mem>>
      %dma_start3A_339 = tpu.memref_squeeze %dma_start3A_338 : memref<1x!tpu.dma_semaphore, #tpu.memory_space<semaphore_mem>> -> memref<!tpu.dma_semaphore, #tpu.memory_space<semaphore_mem>>
      tpu.enqueue_indirect_dma source(%dma_start3A_331 : memref<128x32xf32, #tpu.memory_space<vmem>>) target(%dma_start3A_337 : memref<10240x32xf32, #tpu.memory_space<vmem_shared>>) offsets(%dma_start3A_334 : memref<128xi32, #tpu.memory_space<vmem>>) semaphore(%dma_start3A_339 : memref<!tpu.dma_semaphore, #tpu.memory_space<semaphore_mem>>) {add = true}
      %dma_wait3A_340 = arith.constant 0 : i32
      %dma_wait3A_341 = arith.constant 1 : i32
      %dma_wait3A_342 = arith.constant 1 : i32
      %dma_wait3A_343 = arith.constant 0 : i32
      %dma_wait3A_344 = arith.constant 0 : i32
      %dma_wait3A_345 = tpu.memref_slice %arg9[%dma_wait3A_341, %dma_wait3A_343, %dma_wait3A_344] : memref<8x128x32xf32, #tpu.memory_space<vmem>> -> memref<1x128x32xf32, #tpu.memory_space<vmem>>
      %dma_wait3A_346 = tpu.memref_squeeze %dma_wait3A_345 : memref<1x128x32xf32, #tpu.memory_space<vmem>> -> memref<128x32xf32, #tpu.memory_space<vmem>>
      %dma_wait3A_347 = arith.constant 0 : i32
      %dma_wait3A_348 = tpu.memref_slice %arg7[%dma_wait3A_340, %dma_wait3A_347] : memref<80x128xi32, #tpu.memory_space<vmem>> -> memref<1x128xi32, #tpu.memory_space<vmem>>
      %dma_wait3A_349 = tpu.memref_squeeze %dma_wait3A_348 : memref<1x128xi32, #tpu.memory_space<vmem>> -> memref<128xi32, #tpu.memory_space<vmem>>
      %dma_wait3A_350 = arith.constant 0 : i32
      %dma_wait3A_351 = arith.constant 0 : i32
      %dma_wait3A_352 = tpu.memref_slice %arg11[%dma_wait3A_350, %dma_wait3A_351] : memref<10240x32xf32, #tpu.memory_space<vmem_shared>> -> memref<10240x32xf32, #tpu.memory_space<vmem_shared>>
      %dma_wait3A_353 = tpu.memref_slice %arg12[%dma_wait3A_342] : memref<8x!tpu.dma_semaphore, #tpu.memory_space<semaphore_mem>> -> memref<1x!tpu.dma_semaphore, #tpu.memory_space<semaphore_mem>>
      %dma_wait3A_354 = tpu.memref_squeeze %dma_wait3A_353 : memref<1x!tpu.dma_semaphore, #tpu.memory_space<semaphore_mem>> -> memref<!tpu.dma_semaphore, #tpu.memory_space<semaphore_mem>>
      tpu.wait_indirect_dma semaphore(%dma_wait3A_354 : memref<!tpu.dma_semaphore, #tpu.memory_space<semaphore_mem>>) src(%dma_wait3A_352 : memref<10240x32xf32, #tpu.memory_space<vmem_shared>>) dst(%dma_wait3A_346 : memref<128x32xf32, #tpu.memory_space<vmem>>)
      %add3A_355 = arith.constant 1 : i32
      %add3A_356 = arith.addi %mul3A_144, %add3A_355 : i32
      %dma_start3A_357 = arith.constant 1 : i32
      %dma_start3A_358 = arith.constant 1 : i32
      %dma_start3A_359 = arith.constant 0 : i32
      %dma_start3A_360 = arith.constant 0 : i32
      %dma_start3A_361 = tpu.memref_slice %arg9[%dma_start3A_357, %dma_start3A_359, %dma_start3A_360] : memref<8x128x32xf32, #tpu.memory_space<vmem>> -> memref<1x128x32xf32, #tpu.memory_space<vmem>>
      %dma_start3A_362 = tpu.memref_squeeze %dma_start3A_361 : memref<1x128x32xf32, #tpu.memory_space<vmem>> -> memref<128x32xf32, #tpu.memory_space<vmem>>
      %dma_start3A_363 = arith.constant 0 : i32
      %dma_start3A_364 = tpu.memref_slice %arg8[%add3A_356, %dma_start3A_363] : memref<80x128xi32, #tpu.memory_space<vmem>> -> memref<1x128xi32, #tpu.memory_space<vmem>>
      %dma_start3A_365 = tpu.memref_squeeze %dma_start3A_364 : memref<1x128xi32, #tpu.memory_space<vmem>> -> memref<128xi32, #tpu.memory_space<vmem>>
      %dma_start3A_366 = arith.constant 0 : i32
      %dma_start3A_367 = arith.constant 0 : i32
      %dma_start3A_368 = tpu.memref_slice %arg10[%dma_start3A_366, %dma_start3A_367] : memref<10240x32xf32, #tpu.memory_space<vmem_shared>> -> memref<10240x32xf32, #tpu.memory_space<vmem_shared>>
      %dma_start3A_369 = tpu.memref_slice %arg13[%dma_start3A_358] : memref<8x!tpu.dma_semaphore, #tpu.memory_space<semaphore_mem>> -> memref<1x!tpu.dma_semaphore, #tpu.memory_space<semaphore_mem>>
      %dma_start3A_370 = tpu.memref_squeeze %dma_start3A_369 : memref<1x!tpu.dma_semaphore, #tpu.memory_space<semaphore_mem>> -> memref<!tpu.dma_semaphore, #tpu.memory_space<semaphore_mem>>
      tpu.enqueue_indirect_dma source(%dma_start3A_362 : memref<128x32xf32, #tpu.memory_space<vmem>>) target(%dma_start3A_368 : memref<10240x32xf32, #tpu.memory_space<vmem_shared>>) offsets(%dma_start3A_365 : memref<128xi32, #tpu.memory_space<vmem>>) semaphore(%dma_start3A_370 : memref<!tpu.dma_semaphore, #tpu.memory_space<semaphore_mem>>) {add = true}
      %dma_wait3A_371 = arith.constant 0 : i32
      %dma_wait3A_372 = arith.constant 2 : i32
      %dma_wait3A_373 = arith.constant 2 : i32
      %dma_wait3A_374 = arith.constant 0 : i32
      %dma_wait3A_375 = arith.constant 0 : i32
      %dma_wait3A_376 = tpu.memref_slice %arg9[%dma_wait3A_372, %dma_wait3A_374, %dma_wait3A_375] : memref<8x128x32xf32, #tpu.memory_space<vmem>> -> memref<1x128x32xf32, #tpu.memory_space<vmem>>
      %dma_wait3A_377 = tpu.memref_squeeze %dma_wait3A_376 : memref<1x128x32xf32, #tpu.memory_space<vmem>> -> memref<128x32xf32, #tpu.memory_space<vmem>>
      %dma_wait3A_378 = arith.constant 0 : i32
      %dma_wait3A_379 = tpu.memref_slice %arg7[%dma_wait3A_371, %dma_wait3A_378] : memref<80x128xi32, #tpu.memory_space<vmem>> -> memref<1x128xi32, #tpu.memory_space<vmem>>
      %dma_wait3A_380 = tpu.memref_squeeze %dma_wait3A_379 : memref<1x128xi32, #tpu.memory_space<vmem>> -> memref<128xi32, #tpu.memory_space<vmem>>
      %dma_wait3A_381 = arith.constant 0 : i32
      %dma_wait3A_382 = arith.constant 0 : i32
      %dma_wait3A_383 = tpu.memref_slice %arg11[%dma_wait3A_381, %dma_wait3A_382] : memref<10240x32xf32, #tpu.memory_space<vmem_shared>> -> memref<10240x32xf32, #tpu.memory_space<vmem_shared>>
      %dma_wait3A_384 = tpu.memref_slice %arg12[%dma_wait3A_373] : memref<8x!tpu.dma_semaphore, #tpu.memory_space<semaphore_mem>> -> memref<1x!tpu.dma_semaphore, #tpu.memory_space<semaphore_mem>>
      %dma_wait3A_385 = tpu.memref_squeeze %dma_wait3A_384 : memref<1x!tpu.dma_semaphore, #tpu.memory_space<semaphore_mem>> -> memref<!tpu.dma_semaphore, #tpu.memory_space<semaphore_mem>>
      tpu.wait_indirect_dma semaphore(%dma_wait3A_385 : memref<!tpu.dma_semaphore, #tpu.memory_space<semaphore_mem>>) src(%dma_wait3A_383 : memref<10240x32xf32, #tpu.memory_space<vmem_shared>>) dst(%dma_wait3A_377 : memref<128x32xf32, #tpu.memory_space<vmem>>)
      %add3A_386 = arith.constant 2 : i32
      %add3A_387 = arith.addi %mul3A_144, %add3A_386 : i32
      %dma_start3A_388 = arith.constant 2 : i32
      %dma_start3A_389 = arith.constant 2 : i32
      %dma_start3A_390 = arith.constant 0 : i32
      %dma_start3A_391 = arith.constant 0 : i32
      %dma_start3A_392 = tpu.memref_slice %arg9[%dma_start3A_388, %dma_start3A_390, %dma_start3A_391] : memref<8x128x32xf32, #tpu.memory_space<vmem>> -> memref<1x128x32xf32, #tpu.memory_space<vmem>>
      %dma_start3A_393 = tpu.memref_squeeze %dma_start3A_392 : memref<1x128x32xf32, #tpu.memory_space<vmem>> -> memref<128x32xf32, #tpu.memory_space<vmem>>
      %dma_start3A_394 = arith.constant 0 : i32
      %dma_start3A_395 = tpu.memref_slice %arg8[%add3A_387, %dma_start3A_394] : memref<80x128xi32, #tpu.memory_space<vmem>> -> memref<1x128xi32, #tpu.memory_space<vmem>>
      %dma_start3A_396 = tpu.memref_squeeze %dma_start3A_395 : memref<1x128xi32, #tpu.memory_space<vmem>> -> memref<128xi32, #tpu.memory_space<vmem>>
      %dma_start3A_397 = arith.constant 0 : i32
      %dma_start3A_398 = arith.constant 0 : i32
      %dma_start3A_399 = tpu.memref_slice %arg10[%dma_start3A_397, %dma_start3A_398] : memref<10240x32xf32, #tpu.memory_space<vmem_shared>> -> memref<10240x32xf32, #tpu.memory_space<vmem_shared>>
      %dma_start3A_400 = tpu.memref_slice %arg13[%dma_start3A_389] : memref<8x!tpu.dma_semaphore, #tpu.memory_space<semaphore_mem>> -> memref<1x!tpu.dma_semaphore, #tpu.memory_space<semaphore_mem>>
      %dma_start3A_401 = tpu.memref_squeeze %dma_start3A_400 : memref<1x!tpu.dma_semaphore, #tpu.memory_space<semaphore_mem>> -> memref<!tpu.dma_semaphore, #tpu.memory_space<semaphore_mem>>
      tpu.enqueue_indirect_dma source(%dma_start3A_393 : memref<128x32xf32, #tpu.memory_space<vmem>>) target(%dma_start3A_399 : memref<10240x32xf32, #tpu.memory_space<vmem_shared>>) offsets(%dma_start3A_396 : memref<128xi32, #tpu.memory_space<vmem>>) semaphore(%dma_start3A_401 : memref<!tpu.dma_semaphore, #tpu.memory_space<semaphore_mem>>) {add = true}
      %dma_wait3A_402 = arith.constant 0 : i32
      %dma_wait3A_403 = arith.constant 3 : i32
      %dma_wait3A_404 = arith.constant 3 : i32
      %dma_wait3A_405 = arith.constant 0 : i32
      %dma_wait3A_406 = arith.constant 0 : i32
      %dma_wait3A_407 = tpu.memref_slice %arg9[%dma_wait3A_403, %dma_wait3A_405, %dma_wait3A_406] : memref<8x128x32xf32, #tpu.memory_space<vmem>> -> memref<1x128x32xf32, #tpu.memory_space<vmem>>
      %dma_wait3A_408 = tpu.memref_squeeze %dma_wait3A_407 : memref<1x128x32xf32, #tpu.memory_space<vmem>> -> memref<128x32xf32, #tpu.memory_space<vmem>>
      %dma_wait3A_409 = arith.constant 0 : i32
      %dma_wait3A_410 = tpu.memref_slice %arg7[%dma_wait3A_402, %dma_wait3A_409] : memref<80x128xi32, #tpu.memory_space<vmem>> -> memref<1x128xi32, #tpu.memory_space<vmem>>
      %dma_wait3A_411 = tpu.memref_squeeze %dma_wait3A_410 : memref<1x128xi32, #tpu.memory_space<vmem>> -> memref<128xi32, #tpu.memory_space<vmem>>
      %dma_wait3A_412 = arith.constant 0 : i32
      %dma_wait3A_413 = arith.constant 0 : i32
      %dma_wait3A_414 = tpu.memref_slice %arg11[%dma_wait3A_412, %dma_wait3A_413] : memref<10240x32xf32, #tpu.memory_space<vmem_shared>> -> memref<10240x32xf32, #tpu.memory_space<vmem_shared>>
      %dma_wait3A_415 = tpu.memref_slice %arg12[%dma_wait3A_404] : memref<8x!tpu.dma_semaphore, #tpu.memory_space<semaphore_mem>> -> memref<1x!tpu.dma_semaphore, #tpu.memory_space<semaphore_mem>>
      %dma_wait3A_416 = tpu.memref_squeeze %dma_wait3A_415 : memref<1x!tpu.dma_semaphore, #tpu.memory_space<semaphore_mem>> -> memref<!tpu.dma_semaphore, #tpu.memory_space<semaphore_mem>>
      tpu.wait_indirect_dma semaphore(%dma_wait3A_416 : memref<!tpu.dma_semaphore, #tpu.memory_space<semaphore_mem>>) src(%dma_wait3A_414 : memref<10240x32xf32, #tpu.memory_space<vmem_shared>>) dst(%dma_wait3A_408 : memref<128x32xf32, #tpu.memory_space<vmem>>)
      %add3A_417 = arith.constant 3 : i32
      %add3A_418 = arith.addi %mul3A_144, %add3A_417 : i32
      %dma_start3A_419 = arith.constant 3 : i32
      %dma_start3A_420 = arith.constant 3 : i32
      %dma_start3A_421 = arith.constant 0 : i32
      %dma_start3A_422 = arith.constant 0 : i32
      %dma_start3A_423 = tpu.memref_slice %arg9[%dma_start3A_419, %dma_start3A_421, %dma_start3A_422] : memref<8x128x32xf32, #tpu.memory_space<vmem>> -> memref<1x128x32xf32, #tpu.memory_space<vmem>>
      %dma_start3A_424 = tpu.memref_squeeze %dma_start3A_423 : memref<1x128x32xf32, #tpu.memory_space<vmem>> -> memref<128x32xf32, #tpu.memory_space<vmem>>
      %dma_start3A_425 = arith.constant 0 : i32
      %dma_start3A_426 = tpu.memref_slice %arg8[%add3A_418, %dma_start3A_425] : memref<80x128xi32, #tpu.memory_space<vmem>> -> memref<1x128xi32, #tpu.memory_space<vmem>>
      %dma_start3A_427 = tpu.memref_squeeze %dma_start3A_426 : memref<1x128xi32, #tpu.memory_space<vmem>> -> memref<128xi32, #tpu.memory_space<vmem>>
      %dma_start3A_428 = arith.constant 0 : i32
      %dma_start3A_429 = arith.constant 0 : i32
      %dma_start3A_430 = tpu.memref_slice %arg10[%dma_start3A_428, %dma_start3A_429] : memref<10240x32xf32, #tpu.memory_space<vmem_shared>> -> memref<10240x32xf32, #tpu.memory_space<vmem_shared>>
      %dma_start3A_431 = tpu.memref_slice %arg13[%dma_start3A_420] : memref<8x!tpu.dma_semaphore, #tpu.memory_space<semaphore_mem>> -> memref<1x!tpu.dma_semaphore, #tpu.memory_space<semaphore_mem>>
      %dma_start3A_432 = tpu.memref_squeeze %dma_start3A_431 : memref<1x!tpu.dma_semaphore, #tpu.memory_space<semaphore_mem>> -> memref<!tpu.dma_semaphore, #tpu.memory_space<semaphore_mem>>
      tpu.enqueue_indirect_dma source(%dma_start3A_424 : memref<128x32xf32, #tpu.memory_space<vmem>>) target(%dma_start3A_430 : memref<10240x32xf32, #tpu.memory_space<vmem_shared>>) offsets(%dma_start3A_427 : memref<128xi32, #tpu.memory_space<vmem>>) semaphore(%dma_start3A_432 : memref<!tpu.dma_semaphore, #tpu.memory_space<semaphore_mem>>) {add = true}
      %dma_wait3A_433 = arith.constant 0 : i32
      %dma_wait3A_434 = arith.constant 4 : i32
      %dma_wait3A_435 = arith.constant 4 : i32
      %dma_wait3A_436 = arith.constant 0 : i32
      %dma_wait3A_437 = arith.constant 0 : i32
      %dma_wait3A_438 = tpu.memref_slice %arg9[%dma_wait3A_434, %dma_wait3A_436, %dma_wait3A_437] : memref<8x128x32xf32, #tpu.memory_space<vmem>> -> memref<1x128x32xf32, #tpu.memory_space<vmem>>
      %dma_wait3A_439 = tpu.memref_squeeze %dma_wait3A_438 : memref<1x128x32xf32, #tpu.memory_space<vmem>> -> memref<128x32xf32, #tpu.memory_space<vmem>>
      %dma_wait3A_440 = arith.constant 0 : i32
      %dma_wait3A_441 = tpu.memref_slice %arg7[%dma_wait3A_433, %dma_wait3A_440] : memref<80x128xi32, #tpu.memory_space<vmem>> -> memref<1x128xi32, #tpu.memory_space<vmem>>
      %dma_wait3A_442 = tpu.memref_squeeze %dma_wait3A_441 : memref<1x128xi32, #tpu.memory_space<vmem>> -> memref<128xi32, #tpu.memory_space<vmem>>
      %dma_wait3A_443 = arith.constant 0 : i32
      %dma_wait3A_444 = arith.constant 0 : i32
      %dma_wait3A_445 = tpu.memref_slice %arg11[%dma_wait3A_443, %dma_wait3A_444] : memref<10240x32xf32, #tpu.memory_space<vmem_shared>> -> memref<10240x32xf32, #tpu.memory_space<vmem_shared>>
      %dma_wait3A_446 = tpu.memref_slice %arg12[%dma_wait3A_435] : memref<8x!tpu.dma_semaphore, #tpu.memory_space<semaphore_mem>> -> memref<1x!tpu.dma_semaphore, #tpu.memory_space<semaphore_mem>>
      %dma_wait3A_447 = tpu.memref_squeeze %dma_wait3A_446 : memref<1x!tpu.dma_semaphore, #tpu.memory_space<semaphore_mem>> -> memref<!tpu.dma_semaphore, #tpu.memory_space<semaphore_mem>>
      tpu.wait_indirect_dma semaphore(%dma_wait3A_447 : memref<!tpu.dma_semaphore, #tpu.memory_space<semaphore_mem>>) src(%dma_wait3A_445 : memref<10240x32xf32, #tpu.memory_space<vmem_shared>>) dst(%dma_wait3A_439 : memref<128x32xf32, #tpu.memory_space<vmem>>)
      %add3A_448 = arith.constant 4 : i32
      %add3A_449 = arith.addi %mul3A_144, %add3A_448 : i32
      %dma_start3A_450 = arith.constant 4 : i32
      %dma_start3A_451 = arith.constant 4 : i32
      %dma_start3A_452 = arith.constant 0 : i32
      %dma_start3A_453 = arith.constant 0 : i32
      %dma_start3A_454 = tpu.memref_slice %arg9[%dma_start3A_450, %dma_start3A_452, %dma_start3A_453] : memref<8x128x32xf32, #tpu.memory_space<vmem>> -> memref<1x128x32xf32, #tpu.memory_space<vmem>>
      %dma_start3A_455 = tpu.memref_squeeze %dma_start3A_454 : memref<1x128x32xf32, #tpu.memory_space<vmem>> -> memref<128x32xf32, #tpu.memory_space<vmem>>
      %dma_start3A_456 = arith.constant 0 : i32
      %dma_start3A_457 = tpu.memref_slice %arg8[%add3A_449, %dma_start3A_456] : memref<80x128xi32, #tpu.memory_space<vmem>> -> memref<1x128xi32, #tpu.memory_space<vmem>>
      %dma_start3A_458 = tpu.memref_squeeze %dma_start3A_457 : memref<1x128xi32, #tpu.memory_space<vmem>> -> memref<128xi32, #tpu.memory_space<vmem>>
      %dma_start3A_459 = arith.constant 0 : i32
      %dma_start3A_460 = arith.constant 0 : i32
      %dma_start3A_461 = tpu.memref_slice %arg10[%dma_start3A_459, %dma_start3A_460] : memref<10240x32xf32, #tpu.memory_space<vmem_shared>> -> memref<10240x32xf32, #tpu.memory_space<vmem_shared>>
      %dma_start3A_462 = tpu.memref_slice %arg13[%dma_start3A_451] : memref<8x!tpu.dma_semaphore, #tpu.memory_space<semaphore_mem>> -> memref<1x!tpu.dma_semaphore, #tpu.memory_space<semaphore_mem>>
      %dma_start3A_463 = tpu.memref_squeeze %dma_start3A_462 : memref<1x!tpu.dma_semaphore, #tpu.memory_space<semaphore_mem>> -> memref<!tpu.dma_semaphore, #tpu.memory_space<semaphore_mem>>
      tpu.enqueue_indirect_dma source(%dma_start3A_455 : memref<128x32xf32, #tpu.memory_space<vmem>>) target(%dma_start3A_461 : memref<10240x32xf32, #tpu.memory_space<vmem_shared>>) offsets(%dma_start3A_458 : memref<128xi32, #tpu.memory_space<vmem>>) semaphore(%dma_start3A_463 : memref<!tpu.dma_semaphore, #tpu.memory_space<semaphore_mem>>) {add = true}
      %dma_wait3A_464 = arith.constant 0 : i32
      %dma_wait3A_465 = arith.constant 5 : i32
      %dma_wait3A_466 = arith.constant 5 : i32
      %dma_wait3A_467 = arith.constant 0 : i32
      %dma_wait3A_468 = arith.constant 0 : i32
      %dma_wait3A_469 = tpu.memref_slice %arg9[%dma_wait3A_465, %dma_wait3A_467, %dma_wait3A_468] : memref<8x128x32xf32, #tpu.memory_space<vmem>> -> memref<1x128x32xf32, #tpu.memory_space<vmem>>
      %dma_wait3A_470 = tpu.memref_squeeze %dma_wait3A_469 : memref<1x128x32xf32, #tpu.memory_space<vmem>> -> memref<128x32xf32, #tpu.memory_space<vmem>>
      %dma_wait3A_471 = arith.constant 0 : i32
      %dma_wait3A_472 = tpu.memref_slice %arg7[%dma_wait3A_464, %dma_wait3A_471] : memref<80x128xi32, #tpu.memory_space<vmem>> -> memref<1x128xi32, #tpu.memory_space<vmem>>
      %dma_wait3A_473 = tpu.memref_squeeze %dma_wait3A_472 : memref<1x128xi32, #tpu.memory_space<vmem>> -> memref<128xi32, #tpu.memory_space<vmem>>
      %dma_wait3A_474 = arith.constant 0 : i32
      %dma_wait3A_475 = arith.constant 0 : i32
      %dma_wait3A_476 = tpu.memref_slice %arg11[%dma_wait3A_474, %dma_wait3A_475] : memref<10240x32xf32, #tpu.memory_space<vmem_shared>> -> memref<10240x32xf32, #tpu.memory_space<vmem_shared>>
      %dma_wait3A_477 = tpu.memref_slice %arg12[%dma_wait3A_466] : memref<8x!tpu.dma_semaphore, #tpu.memory_space<semaphore_mem>> -> memref<1x!tpu.dma_semaphore, #tpu.memory_space<semaphore_mem>>
      %dma_wait3A_478 = tpu.memref_squeeze %dma_wait3A_477 : memref<1x!tpu.dma_semaphore, #tpu.memory_space<semaphore_mem>> -> memref<!tpu.dma_semaphore, #tpu.memory_space<semaphore_mem>>
      tpu.wait_indirect_dma semaphore(%dma_wait3A_478 : memref<!tpu.dma_semaphore, #tpu.memory_space<semaphore_mem>>) src(%dma_wait3A_476 : memref<10240x32xf32, #tpu.memory_space<vmem_shared>>) dst(%dma_wait3A_470 : memref<128x32xf32, #tpu.memory_space<vmem>>)
      %add3A_479 = arith.constant 5 : i32
      %add3A_480 = arith.addi %mul3A_144, %add3A_479 : i32
      %dma_start3A_481 = arith.constant 5 : i32
      %dma_start3A_482 = arith.constant 5 : i32
      %dma_start3A_483 = arith.constant 0 : i32
      %dma_start3A_484 = arith.constant 0 : i32
      %dma_start3A_485 = tpu.memref_slice %arg9[%dma_start3A_481, %dma_start3A_483, %dma_start3A_484] : memref<8x128x32xf32, #tpu.memory_space<vmem>> -> memref<1x128x32xf32, #tpu.memory_space<vmem>>
      %dma_start3A_486 = tpu.memref_squeeze %dma_start3A_485 : memref<1x128x32xf32, #tpu.memory_space<vmem>> -> memref<128x32xf32, #tpu.memory_space<vmem>>
      %dma_start3A_487 = arith.constant 0 : i32
      %dma_start3A_488 = tpu.memref_slice %arg8[%add3A_480, %dma_start3A_487] : memref<80x128xi32, #tpu.memory_space<vmem>> -> memref<1x128xi32, #tpu.memory_space<vmem>>
      %dma_start3A_489 = tpu.memref_squeeze %dma_start3A_488 : memref<1x128xi32, #tpu.memory_space<vmem>> -> memref<128xi32, #tpu.memory_space<vmem>>
      %dma_start3A_490 = arith.constant 0 : i32
      %dma_start3A_491 = arith.constant 0 : i32
      %dma_start3A_492 = tpu.memref_slice %arg10[%dma_start3A_490, %dma_start3A_491] : memref<10240x32xf32, #tpu.memory_space<vmem_shared>> -> memref<10240x32xf32, #tpu.memory_space<vmem_shared>>
      %dma_start3A_493 = tpu.memref_slice %arg13[%dma_start3A_482] : memref<8x!tpu.dma_semaphore, #tpu.memory_space<semaphore_mem>> -> memref<1x!tpu.dma_semaphore, #tpu.memory_space<semaphore_mem>>
      %dma_start3A_494 = tpu.memref_squeeze %dma_start3A_493 : memref<1x!tpu.dma_semaphore, #tpu.memory_space<semaphore_mem>> -> memref<!tpu.dma_semaphore, #tpu.memory_space<semaphore_mem>>
      tpu.enqueue_indirect_dma source(%dma_start3A_486 : memref<128x32xf32, #tpu.memory_space<vmem>>) target(%dma_start3A_492 : memref<10240x32xf32, #tpu.memory_space<vmem_shared>>) offsets(%dma_start3A_489 : memref<128xi32, #tpu.memory_space<vmem>>) semaphore(%dma_start3A_494 : memref<!tpu.dma_semaphore, #tpu.memory_space<semaphore_mem>>) {add = true}
      %dma_wait3A_495 = arith.constant 0 : i32
      %dma_wait3A_496 = arith.constant 6 : i32
      %dma_wait3A_497 = arith.constant 6 : i32
      %dma_wait3A_498 = arith.constant 0 : i32
      %dma_wait3A_499 = arith.constant 0 : i32
      %dma_wait3A_500 = tpu.memref_slice %arg9[%dma_wait3A_496, %dma_wait3A_498, %dma_wait3A_499] : memref<8x128x32xf32, #tpu.memory_space<vmem>> -> memref<1x128x32xf32, #tpu.memory_space<vmem>>
      %dma_wait3A_501 = tpu.memref_squeeze %dma_wait3A_500 : memref<1x128x32xf32, #tpu.memory_space<vmem>> -> memref<128x32xf32, #tpu.memory_space<vmem>>
      %dma_wait3A_502 = arith.constant 0 : i32
      %dma_wait3A_503 = tpu.memref_slice %arg7[%dma_wait3A_495, %dma_wait3A_502] : memref<80x128xi32, #tpu.memory_space<vmem>> -> memref<1x128xi32, #tpu.memory_space<vmem>>
      %dma_wait3A_504 = tpu.memref_squeeze %dma_wait3A_503 : memref<1x128xi32, #tpu.memory_space<vmem>> -> memref<128xi32, #tpu.memory_space<vmem>>
      %dma_wait3A_505 = arith.constant 0 : i32
      %dma_wait3A_506 = arith.constant 0 : i32
      %dma_wait3A_507 = tpu.memref_slice %arg11[%dma_wait3A_505, %dma_wait3A_506] : memref<10240x32xf32, #tpu.memory_space<vmem_shared>> -> memref<10240x32xf32, #tpu.memory_space<vmem_shared>>
      %dma_wait3A_508 = tpu.memref_slice %arg12[%dma_wait3A_497] : memref<8x!tpu.dma_semaphore, #tpu.memory_space<semaphore_mem>> -> memref<1x!tpu.dma_semaphore, #tpu.memory_space<semaphore_mem>>
      %dma_wait3A_509 = tpu.memref_squeeze %dma_wait3A_508 : memref<1x!tpu.dma_semaphore, #tpu.memory_space<semaphore_mem>> -> memref<!tpu.dma_semaphore, #tpu.memory_space<semaphore_mem>>
      tpu.wait_indirect_dma semaphore(%dma_wait3A_509 : memref<!tpu.dma_semaphore, #tpu.memory_space<semaphore_mem>>) src(%dma_wait3A_507 : memref<10240x32xf32, #tpu.memory_space<vmem_shared>>) dst(%dma_wait3A_501 : memref<128x32xf32, #tpu.memory_space<vmem>>)
      %add3A_510 = arith.constant 6 : i32
      %add3A_511 = arith.addi %mul3A_144, %add3A_510 : i32
      %dma_start3A_512 = arith.constant 6 : i32
      %dma_start3A_513 = arith.constant 6 : i32
      %dma_start3A_514 = arith.constant 0 : i32
      %dma_start3A_515 = arith.constant 0 : i32
      %dma_start3A_516 = tpu.memref_slice %arg9[%dma_start3A_512, %dma_start3A_514, %dma_start3A_515] : memref<8x128x32xf32, #tpu.memory_space<vmem>> -> memref<1x128x32xf32, #tpu.memory_space<vmem>>
      %dma_start3A_517 = tpu.memref_squeeze %dma_start3A_516 : memref<1x128x32xf32, #tpu.memory_space<vmem>> -> memref<128x32xf32, #tpu.memory_space<vmem>>
      %dma_start3A_518 = arith.constant 0 : i32
      %dma_start3A_519 = tpu.memref_slice %arg8[%add3A_511, %dma_start3A_518] : memref<80x128xi32, #tpu.memory_space<vmem>> -> memref<1x128xi32, #tpu.memory_space<vmem>>
      %dma_start3A_520 = tpu.memref_squeeze %dma_start3A_519 : memref<1x128xi32, #tpu.memory_space<vmem>> -> memref<128xi32, #tpu.memory_space<vmem>>
      %dma_start3A_521 = arith.constant 0 : i32
      %dma_start3A_522 = arith.constant 0 : i32
      %dma_start3A_523 = tpu.memref_slice %arg10[%dma_start3A_521, %dma_start3A_522] : memref<10240x32xf32, #tpu.memory_space<vmem_shared>> -> memref<10240x32xf32, #tpu.memory_space<vmem_shared>>
      %dma_start3A_524 = tpu.memref_slice %arg13[%dma_start3A_513] : memref<8x!tpu.dma_semaphore, #tpu.memory_space<semaphore_mem>> -> memref<1x!tpu.dma_semaphore, #tpu.memory_space<semaphore_mem>>
      %dma_start3A_525 = tpu.memref_squeeze %dma_start3A_524 : memref<1x!tpu.dma_semaphore, #tpu.memory_space<semaphore_mem>> -> memref<!tpu.dma_semaphore, #tpu.memory_space<semaphore_mem>>
      tpu.enqueue_indirect_dma source(%dma_start3A_517 : memref<128x32xf32, #tpu.memory_space<vmem>>) target(%dma_start3A_523 : memref<10240x32xf32, #tpu.memory_space<vmem_shared>>) offsets(%dma_start3A_520 : memref<128xi32, #tpu.memory_space<vmem>>) semaphore(%dma_start3A_525 : memref<!tpu.dma_semaphore, #tpu.memory_space<semaphore_mem>>) {add = true}
      %dma_wait3A_526 = arith.constant 0 : i32
      %dma_wait3A_527 = arith.constant 7 : i32
      %dma_wait3A_528 = arith.constant 7 : i32
      %dma_wait3A_529 = arith.constant 0 : i32
      %dma_wait3A_530 = arith.constant 0 : i32
      %dma_wait3A_531 = tpu.memref_slice %arg9[%dma_wait3A_527, %dma_wait3A_529, %dma_wait3A_530] : memref<8x128x32xf32, #tpu.memory_space<vmem>> -> memref<1x128x32xf32, #tpu.memory_space<vmem>>
      %dma_wait3A_532 = tpu.memref_squeeze %dma_wait3A_531 : memref<1x128x32xf32, #tpu.memory_space<vmem>> -> memref<128x32xf32, #tpu.memory_space<vmem>>
      %dma_wait3A_533 = arith.constant 0 : i32
      %dma_wait3A_534 = tpu.memref_slice %arg7[%dma_wait3A_526, %dma_wait3A_533] : memref<80x128xi32, #tpu.memory_space<vmem>> -> memref<1x128xi32, #tpu.memory_space<vmem>>
      %dma_wait3A_535 = tpu.memref_squeeze %dma_wait3A_534 : memref<1x128xi32, #tpu.memory_space<vmem>> -> memref<128xi32, #tpu.memory_space<vmem>>
      %dma_wait3A_536 = arith.constant 0 : i32
      %dma_wait3A_537 = arith.constant 0 : i32
      %dma_wait3A_538 = tpu.memref_slice %arg11[%dma_wait3A_536, %dma_wait3A_537] : memref<10240x32xf32, #tpu.memory_space<vmem_shared>> -> memref<10240x32xf32, #tpu.memory_space<vmem_shared>>
      %dma_wait3A_539 = tpu.memref_slice %arg12[%dma_wait3A_528] : memref<8x!tpu.dma_semaphore, #tpu.memory_space<semaphore_mem>> -> memref<1x!tpu.dma_semaphore, #tpu.memory_space<semaphore_mem>>
      %dma_wait3A_540 = tpu.memref_squeeze %dma_wait3A_539 : memref<1x!tpu.dma_semaphore, #tpu.memory_space<semaphore_mem>> -> memref<!tpu.dma_semaphore, #tpu.memory_space<semaphore_mem>>
      tpu.wait_indirect_dma semaphore(%dma_wait3A_540 : memref<!tpu.dma_semaphore, #tpu.memory_space<semaphore_mem>>) src(%dma_wait3A_538 : memref<10240x32xf32, #tpu.memory_space<vmem_shared>>) dst(%dma_wait3A_532 : memref<128x32xf32, #tpu.memory_space<vmem>>)
      %add3A_541 = arith.constant 7 : i32
      %add3A_542 = arith.addi %mul3A_144, %add3A_541 : i32
      %dma_start3A_543 = arith.constant 7 : i32
      %dma_start3A_544 = arith.constant 7 : i32
      %dma_start3A_545 = arith.constant 0 : i32
      %dma_start3A_546 = arith.constant 0 : i32
      %dma_start3A_547 = tpu.memref_slice %arg9[%dma_start3A_543, %dma_start3A_545, %dma_start3A_546] : memref<8x128x32xf32, #tpu.memory_space<vmem>> -> memref<1x128x32xf32, #tpu.memory_space<vmem>>
      %dma_start3A_548 = tpu.memref_squeeze %dma_start3A_547 : memref<1x128x32xf32, #tpu.memory_space<vmem>> -> memref<128x32xf32, #tpu.memory_space<vmem>>
      %dma_start3A_549 = arith.constant 0 : i32
      %dma_start3A_550 = tpu.memref_slice %arg8[%add3A_542, %dma_start3A_549] : memref<80x128xi32, #tpu.memory_space<vmem>> -> memref<1x128xi32, #tpu.memory_space<vmem>>
      %dma_start3A_551 = tpu.memref_squeeze %dma_start3A_550 : memref<1x128xi32, #tpu.memory_space<vmem>> -> memref<128xi32, #tpu.memory_space<vmem>>
      %dma_start3A_552 = arith.constant 0 : i32
      %dma_start3A_553 = arith.constant 0 : i32
      %dma_start3A_554 = tpu.memref_slice %arg10[%dma_start3A_552, %dma_start3A_553] : memref<10240x32xf32, #tpu.memory_space<vmem_shared>> -> memref<10240x32xf32, #tpu.memory_space<vmem_shared>>
      %dma_start3A_555 = tpu.memref_slice %arg13[%dma_start3A_544] : memref<8x!tpu.dma_semaphore, #tpu.memory_space<semaphore_mem>> -> memref<1x!tpu.dma_semaphore, #tpu.memory_space<semaphore_mem>>
      %dma_start3A_556 = tpu.memref_squeeze %dma_start3A_555 : memref<1x!tpu.dma_semaphore, #tpu.memory_space<semaphore_mem>> -> memref<!tpu.dma_semaphore, #tpu.memory_space<semaphore_mem>>
      tpu.enqueue_indirect_dma source(%dma_start3A_548 : memref<128x32xf32, #tpu.memory_space<vmem>>) target(%dma_start3A_554 : memref<10240x32xf32, #tpu.memory_space<vmem_shared>>) offsets(%dma_start3A_551 : memref<128xi32, #tpu.memory_space<vmem>>) semaphore(%dma_start3A_556 : memref<!tpu.dma_semaphore, #tpu.memory_space<semaphore_mem>>) {add = true}
    }
    %scan3A_17 = arith.constant 10 : i32
    %dma_wait3A = arith.constant 0 : i32
    %dma_wait3A_18 = arith.constant 0 : i32
    %dma_wait3A_19 = arith.constant 0 : i32
    %dma_wait3A_20 = arith.constant 0 : i32
    %dma_wait3A_21 = arith.constant 0 : i32
    %dma_wait3A_22 = tpu.memref_slice %arg9[%dma_wait3A, %dma_wait3A_20, %dma_wait3A_21] : memref<8x128x32xf32, #tpu.memory_space<vmem>> -> memref<1x128x32xf32, #tpu.memory_space<vmem>>
    %dma_wait3A_23 = tpu.memref_squeeze %dma_wait3A_22 : memref<1x128x32xf32, #tpu.memory_space<vmem>> -> memref<128x32xf32, #tpu.memory_space<vmem>>
    %dma_wait3A_24 = arith.constant 0 : i32
    %dma_wait3A_25 = tpu.memref_slice %arg8[%dma_wait3A_18, %dma_wait3A_24] : memref<80x128xi32, #tpu.memory_space<vmem>> -> memref<1x128xi32, #tpu.memory_space<vmem>>
    %dma_wait3A_26 = tpu.memref_squeeze %dma_wait3A_25 : memref<1x128xi32, #tpu.memory_space<vmem>> -> memref<128xi32, #tpu.memory_space<vmem>>
    %dma_wait3A_27 = arith.constant 0 : i32
    %dma_wait3A_28 = arith.constant 0 : i32
    %dma_wait3A_29 = tpu.memref_slice %arg10[%dma_wait3A_27, %dma_wait3A_28] : memref<10240x32xf32, #tpu.memory_space<vmem_shared>> -> memref<10240x32xf32, #tpu.memory_space<vmem_shared>>
    %dma_wait3A_30 = tpu.memref_slice %arg13[%dma_wait3A_19] : memref<8x!tpu.dma_semaphore, #tpu.memory_space<semaphore_mem>> -> memref<1x!tpu.dma_semaphore, #tpu.memory_space<semaphore_mem>>
    %dma_wait3A_31 = tpu.memref_squeeze %dma_wait3A_30 : memref<1x!tpu.dma_semaphore, #tpu.memory_space<semaphore_mem>> -> memref<!tpu.dma_semaphore, #tpu.memory_space<semaphore_mem>>
    tpu.wait_indirect_dma semaphore(%dma_wait3A_31 : memref<!tpu.dma_semaphore, #tpu.memory_space<semaphore_mem>>) src(%dma_wait3A_23 : memref<128x32xf32, #tpu.memory_space<vmem>>) dst(%dma_wait3A_29 : memref<10240x32xf32, #tpu.memory_space<vmem_shared>>)
    %dma_wait3A_32 = arith.constant 1 : i32
    %dma_wait3A_33 = arith.constant 0 : i32
    %dma_wait3A_34 = arith.constant 1 : i32
    %dma_wait3A_35 = arith.constant 0 : i32
    %dma_wait3A_36 = arith.constant 0 : i32
    %dma_wait3A_37 = tpu.memref_slice %arg9[%dma_wait3A_32, %dma_wait3A_35, %dma_wait3A_36] : memref<8x128x32xf32, #tpu.memory_space<vmem>> -> memref<1x128x32xf32, #tpu.memory_space<vmem>>
    %dma_wait3A_38 = tpu.memref_squeeze %dma_wait3A_37 : memref<1x128x32xf32, #tpu.memory_space<vmem>> -> memref<128x32xf32, #tpu.memory_space<vmem>>
    %dma_wait3A_39 = arith.constant 0 : i32
    %dma_wait3A_40 = tpu.memref_slice %arg8[%dma_wait3A_33, %dma_wait3A_39] : memref<80x128xi32, #tpu.memory_space<vmem>> -> memref<1x128xi32, #tpu.memory_space<vmem>>
    %dma_wait3A_41 = tpu.memref_squeeze %dma_wait3A_40 : memref<1x128xi32, #tpu.memory_space<vmem>> -> memref<128xi32, #tpu.memory_space<vmem>>
    %dma_wait3A_42 = arith.constant 0 : i32
    %dma_wait3A_43 = arith.constant 0 : i32
    %dma_wait3A_44 = tpu.memref_slice %arg10[%dma_wait3A_42, %dma_wait3A_43] : memref<10240x32xf32, #tpu.memory_space<vmem_shared>> -> memref<10240x32xf32, #tpu.memory_space<vmem_shared>>
    %dma_wait3A_45 = tpu.memref_slice %arg13[%dma_wait3A_34] : memref<8x!tpu.dma_semaphore, #tpu.memory_space<semaphore_mem>> -> memref<1x!tpu.dma_semaphore, #tpu.memory_space<semaphore_mem>>
    %dma_wait3A_46 = tpu.memref_squeeze %dma_wait3A_45 : memref<1x!tpu.dma_semaphore, #tpu.memory_space<semaphore_mem>> -> memref<!tpu.dma_semaphore, #tpu.memory_space<semaphore_mem>>
    tpu.wait_indirect_dma semaphore(%dma_wait3A_46 : memref<!tpu.dma_semaphore, #tpu.memory_space<semaphore_mem>>) src(%dma_wait3A_38 : memref<128x32xf32, #tpu.memory_space<vmem>>) dst(%dma_wait3A_44 : memref<10240x32xf32, #tpu.memory_space<vmem_shared>>)
    %dma_wait3A_47 = arith.constant 2 : i32
    %dma_wait3A_48 = arith.constant 0 : i32
    %dma_wait3A_49 = arith.constant 2 : i32
    %dma_wait3A_50 = arith.constant 0 : i32
    %dma_wait3A_51 = arith.constant 0 : i32
    %dma_wait3A_52 = tpu.memref_slice %arg9[%dma_wait3A_47, %dma_wait3A_50, %dma_wait3A_51] : memref<8x128x32xf32, #tpu.memory_space<vmem>> -> memref<1x128x32xf32, #tpu.memory_space<vmem>>
    %dma_wait3A_53 = tpu.memref_squeeze %dma_wait3A_52 : memref<1x128x32xf32, #tpu.memory_space<vmem>> -> memref<128x32xf32, #tpu.memory_space<vmem>>
    %dma_wait3A_54 = arith.constant 0 : i32
    %dma_wait3A_55 = tpu.memref_slice %arg8[%dma_wait3A_48, %dma_wait3A_54] : memref<80x128xi32, #tpu.memory_space<vmem>> -> memref<1x128xi32, #tpu.memory_space<vmem>>
    %dma_wait3A_56 = tpu.memref_squeeze %dma_wait3A_55 : memref<1x128xi32, #tpu.memory_space<vmem>> -> memref<128xi32, #tpu.memory_space<vmem>>
    %dma_wait3A_57 = arith.constant 0 : i32
    %dma_wait3A_58 = arith.constant 0 : i32
    %dma_wait3A_59 = tpu.memref_slice %arg10[%dma_wait3A_57, %dma_wait3A_58] : memref<10240x32xf32, #tpu.memory_space<vmem_shared>> -> memref<10240x32xf32, #tpu.memory_space<vmem_shared>>
    %dma_wait3A_60 = tpu.memref_slice %arg13[%dma_wait3A_49] : memref<8x!tpu.dma_semaphore, #tpu.memory_space<semaphore_mem>> -> memref<1x!tpu.dma_semaphore, #tpu.memory_space<semaphore_mem>>
    %dma_wait3A_61 = tpu.memref_squeeze %dma_wait3A_60 : memref<1x!tpu.dma_semaphore, #tpu.memory_space<semaphore_mem>> -> memref<!tpu.dma_semaphore, #tpu.memory_space<semaphore_mem>>
    tpu.wait_indirect_dma semaphore(%dma_wait3A_61 : memref<!tpu.dma_semaphore, #tpu.memory_space<semaphore_mem>>) src(%dma_wait3A_53 : memref<128x32xf32, #tpu.memory_space<vmem>>) dst(%dma_wait3A_59 : memref<10240x32xf32, #tpu.memory_space<vmem_shared>>)
    %dma_wait3A_62 = arith.constant 3 : i32
    %dma_wait3A_63 = arith.constant 0 : i32
    %dma_wait3A_64 = arith.constant 3 : i32
    %dma_wait3A_65 = arith.constant 0 : i32
    %dma_wait3A_66 = arith.constant 0 : i32
    %dma_wait3A_67 = tpu.memref_slice %arg9[%dma_wait3A_62, %dma_wait3A_65, %dma_wait3A_66] : memref<8x128x32xf32, #tpu.memory_space<vmem>> -> memref<1x128x32xf32, #tpu.memory_space<vmem>>
    %dma_wait3A_68 = tpu.memref_squeeze %dma_wait3A_67 : memref<1x128x32xf32, #tpu.memory_space<vmem>> -> memref<128x32xf32, #tpu.memory_space<vmem>>
    %dma_wait3A_69 = arith.constant 0 : i32
    %dma_wait3A_70 = tpu.memref_slice %arg8[%dma_wait3A_63, %dma_wait3A_69] : memref<80x128xi32, #tpu.memory_space<vmem>> -> memref<1x128xi32, #tpu.memory_space<vmem>>
    %dma_wait3A_71 = tpu.memref_squeeze %dma_wait3A_70 : memref<1x128xi32, #tpu.memory_space<vmem>> -> memref<128xi32, #tpu.memory_space<vmem>>
    %dma_wait3A_72 = arith.constant 0 : i32
    %dma_wait3A_73 = arith.constant 0 : i32
    %dma_wait3A_74 = tpu.memref_slice %arg10[%dma_wait3A_72, %dma_wait3A_73] : memref<10240x32xf32, #tpu.memory_space<vmem_shared>> -> memref<10240x32xf32, #tpu.memory_space<vmem_shared>>
    %dma_wait3A_75 = tpu.memref_slice %arg13[%dma_wait3A_64] : memref<8x!tpu.dma_semaphore, #tpu.memory_space<semaphore_mem>> -> memref<1x!tpu.dma_semaphore, #tpu.memory_space<semaphore_mem>>
    %dma_wait3A_76 = tpu.memref_squeeze %dma_wait3A_75 : memref<1x!tpu.dma_semaphore, #tpu.memory_space<semaphore_mem>> -> memref<!tpu.dma_semaphore, #tpu.memory_space<semaphore_mem>>
    tpu.wait_indirect_dma semaphore(%dma_wait3A_76 : memref<!tpu.dma_semaphore, #tpu.memory_space<semaphore_mem>>) src(%dma_wait3A_68 : memref<128x32xf32, #tpu.memory_space<vmem>>) dst(%dma_wait3A_74 : memref<10240x32xf32, #tpu.memory_space<vmem_shared>>)
    %dma_wait3A_77 = arith.constant 4 : i32
    %dma_wait3A_78 = arith.constant 0 : i32
    %dma_wait3A_79 = arith.constant 4 : i32
    %dma_wait3A_80 = arith.constant 0 : i32
    %dma_wait3A_81 = arith.constant 0 : i32
    %dma_wait3A_82 = tpu.memref_slice %arg9[%dma_wait3A_77, %dma_wait3A_80, %dma_wait3A_81] : memref<8x128x32xf32, #tpu.memory_space<vmem>> -> memref<1x128x32xf32, #tpu.memory_space<vmem>>
    %dma_wait3A_83 = tpu.memref_squeeze %dma_wait3A_82 : memref<1x128x32xf32, #tpu.memory_space<vmem>> -> memref<128x32xf32, #tpu.memory_space<vmem>>
    %dma_wait3A_84 = arith.constant 0 : i32
    %dma_wait3A_85 = tpu.memref_slice %arg8[%dma_wait3A_78, %dma_wait3A_84] : memref<80x128xi32, #tpu.memory_space<vmem>> -> memref<1x128xi32, #tpu.memory_space<vmem>>
    %dma_wait3A_86 = tpu.memref_squeeze %dma_wait3A_85 : memref<1x128xi32, #tpu.memory_space<vmem>> -> memref<128xi32, #tpu.memory_space<vmem>>
    %dma_wait3A_87 = arith.constant 0 : i32
    %dma_wait3A_88 = arith.constant 0 : i32
    %dma_wait3A_89 = tpu.memref_slice %arg10[%dma_wait3A_87, %dma_wait3A_88] : memref<10240x32xf32, #tpu.memory_space<vmem_shared>> -> memref<10240x32xf32, #tpu.memory_space<vmem_shared>>
    %dma_wait3A_90 = tpu.memref_slice %arg13[%dma_wait3A_79] : memref<8x!tpu.dma_semaphore, #tpu.memory_space<semaphore_mem>> -> memref<1x!tpu.dma_semaphore, #tpu.memory_space<semaphore_mem>>
    %dma_wait3A_91 = tpu.memref_squeeze %dma_wait3A_90 : memref<1x!tpu.dma_semaphore, #tpu.memory_space<semaphore_mem>> -> memref<!tpu.dma_semaphore, #tpu.memory_space<semaphore_mem>>
    tpu.wait_indirect_dma semaphore(%dma_wait3A_91 : memref<!tpu.dma_semaphore, #tpu.memory_space<semaphore_mem>>) src(%dma_wait3A_83 : memref<128x32xf32, #tpu.memory_space<vmem>>) dst(%dma_wait3A_89 : memref<10240x32xf32, #tpu.memory_space<vmem_shared>>)
    %dma_wait3A_92 = arith.constant 5 : i32
    %dma_wait3A_93 = arith.constant 0 : i32
    %dma_wait3A_94 = arith.constant 5 : i32
    %dma_wait3A_95 = arith.constant 0 : i32
    %dma_wait3A_96 = arith.constant 0 : i32
    %dma_wait3A_97 = tpu.memref_slice %arg9[%dma_wait3A_92, %dma_wait3A_95, %dma_wait3A_96] : memref<8x128x32xf32, #tpu.memory_space<vmem>> -> memref<1x128x32xf32, #tpu.memory_space<vmem>>
    %dma_wait3A_98 = tpu.memref_squeeze %dma_wait3A_97 : memref<1x128x32xf32, #tpu.memory_space<vmem>> -> memref<128x32xf32, #tpu.memory_space<vmem>>
    %dma_wait3A_99 = arith.constant 0 : i32
    %dma_wait3A_100 = tpu.memref_slice %arg8[%dma_wait3A_93, %dma_wait3A_99] : memref<80x128xi32, #tpu.memory_space<vmem>> -> memref<1x128xi32, #tpu.memory_space<vmem>>
    %dma_wait3A_101 = tpu.memref_squeeze %dma_wait3A_100 : memref<1x128xi32, #tpu.memory_space<vmem>> -> memref<128xi32, #tpu.memory_space<vmem>>
    %dma_wait3A_102 = arith.constant 0 : i32
    %dma_wait3A_103 = arith.constant 0 : i32
    %dma_wait3A_104 = tpu.memref_slice %arg10[%dma_wait3A_102, %dma_wait3A_103] : memref<10240x32xf32, #tpu.memory_space<vmem_shared>> -> memref<10240x32xf32, #tpu.memory_space<vmem_shared>>
    %dma_wait3A_105 = tpu.memref_slice %arg13[%dma_wait3A_94] : memref<8x!tpu.dma_semaphore, #tpu.memory_space<semaphore_mem>> -> memref<1x!tpu.dma_semaphore, #tpu.memory_space<semaphore_mem>>
    %dma_wait3A_106 = tpu.memref_squeeze %dma_wait3A_105 : memref<1x!tpu.dma_semaphore, #tpu.memory_space<semaphore_mem>> -> memref<!tpu.dma_semaphore, #tpu.memory_space<semaphore_mem>>
    tpu.wait_indirect_dma semaphore(%dma_wait3A_106 : memref<!tpu.dma_semaphore, #tpu.memory_space<semaphore_mem>>) src(%dma_wait3A_98 : memref<128x32xf32, #tpu.memory_space<vmem>>) dst(%dma_wait3A_104 : memref<10240x32xf32, #tpu.memory_space<vmem_shared>>)
    %dma_wait3A_107 = arith.constant 6 : i32
    %dma_wait3A_108 = arith.constant 0 : i32
    %dma_wait3A_109 = arith.constant 6 : i32
    %dma_wait3A_110 = arith.constant 0 : i32
    %dma_wait3A_111 = arith.constant 0 : i32
    %dma_wait3A_112 = tpu.memref_slice %arg9[%dma_wait3A_107, %dma_wait3A_110, %dma_wait3A_111] : memref<8x128x32xf32, #tpu.memory_space<vmem>> -> memref<1x128x32xf32, #tpu.memory_space<vmem>>
    %dma_wait3A_113 = tpu.memref_squeeze %dma_wait3A_112 : memref<1x128x32xf32, #tpu.memory_space<vmem>> -> memref<128x32xf32, #tpu.memory_space<vmem>>
    %dma_wait3A_114 = arith.constant 0 : i32
    %dma_wait3A_115 = tpu.memref_slice %arg8[%dma_wait3A_108, %dma_wait3A_114] : memref<80x128xi32, #tpu.memory_space<vmem>> -> memref<1x128xi32, #tpu.memory_space<vmem>>
    %dma_wait3A_116 = tpu.memref_squeeze %dma_wait3A_115 : memref<1x128xi32, #tpu.memory_space<vmem>> -> memref<128xi32, #tpu.memory_space<vmem>>
    %dma_wait3A_117 = arith.constant 0 : i32
    %dma_wait3A_118 = arith.constant 0 : i32
    %dma_wait3A_119 = tpu.memref_slice %arg10[%dma_wait3A_117, %dma_wait3A_118] : memref<10240x32xf32, #tpu.memory_space<vmem_shared>> -> memref<10240x32xf32, #tpu.memory_space<vmem_shared>>
    %dma_wait3A_120 = tpu.memref_slice %arg13[%dma_wait3A_109] : memref<8x!tpu.dma_semaphore, #tpu.memory_space<semaphore_mem>> -> memref<1x!tpu.dma_semaphore, #tpu.memory_space<semaphore_mem>>
    %dma_wait3A_121 = tpu.memref_squeeze %dma_wait3A_120 : memref<1x!tpu.dma_semaphore, #tpu.memory_space<semaphore_mem>> -> memref<!tpu.dma_semaphore, #tpu.memory_space<semaphore_mem>>
    tpu.wait_indirect_dma semaphore(%dma_wait3A_121 : memref<!tpu.dma_semaphore, #tpu.memory_space<semaphore_mem>>) src(%dma_wait3A_113 : memref<128x32xf32, #tpu.memory_space<vmem>>) dst(%dma_wait3A_119 : memref<10240x32xf32, #tpu.memory_space<vmem_shared>>)
    %dma_wait3A_122 = arith.constant 7 : i32
    %dma_wait3A_123 = arith.constant 0 : i32
    %dma_wait3A_124 = arith.constant 7 : i32
    %dma_wait3A_125 = arith.constant 0 : i32
    %dma_wait3A_126 = arith.constant 0 : i32
    %dma_wait3A_127 = tpu.memref_slice %arg9[%dma_wait3A_122, %dma_wait3A_125, %dma_wait3A_126] : memref<8x128x32xf32, #tpu.memory_space<vmem>> -> memref<1x128x32xf32, #tpu.memory_space<vmem>>
    %dma_wait3A_128 = tpu.memref_squeeze %dma_wait3A_127 : memref<1x128x32xf32, #tpu.memory_space<vmem>> -> memref<128x32xf32, #tpu.memory_space<vmem>>
    %dma_wait3A_129 = arith.constant 0 : i32
    %dma_wait3A_130 = tpu.memref_slice %arg8[%dma_wait3A_123, %dma_wait3A_129] : memref<80x128xi32, #tpu.memory_space<vmem>> -> memref<1x128xi32, #tpu.memory_space<vmem>>
    %dma_wait3A_131 = tpu.memref_squeeze %dma_wait3A_130 : memref<1x128xi32, #tpu.memory_space<vmem>> -> memref<128xi32, #tpu.memory_space<vmem>>
    %dma_wait3A_132 = arith.constant 0 : i32
    %dma_wait3A_133 = arith.constant 0 : i32
    %dma_wait3A_134 = tpu.memref_slice %arg10[%dma_wait3A_132, %dma_wait3A_133] : memref<10240x32xf32, #tpu.memory_space<vmem_shared>> -> memref<10240x32xf32, #tpu.memory_space<vmem_shared>>
    %dma_wait3A_135 = tpu.memref_slice %arg13[%dma_wait3A_124] : memref<8x!tpu.dma_semaphore, #tpu.memory_space<semaphore_mem>> -> memref<1x!tpu.dma_semaphore, #tpu.memory_space<semaphore_mem>>
    %dma_wait3A_136 = tpu.memref_squeeze %dma_wait3A_135 : memref<1x!tpu.dma_semaphore, #tpu.memory_space<semaphore_mem>> -> memref<!tpu.dma_semaphore, #tpu.memory_space<semaphore_mem>>
    tpu.wait_indirect_dma semaphore(%dma_wait3A_136 : memref<!tpu.dma_semaphore, #tpu.memory_space<semaphore_mem>>) src(%dma_wait3A_128 : memref<128x32xf32, #tpu.memory_space<vmem>>) dst(%dma_wait3A_134 : memref<10240x32xf32, #tpu.memory_space<vmem_shared>>)
    %barrier3A_137 = arith.constant 0 : index
    tpu.barrier barrier_id(%barrier3A_137)
    %mul3A_138 = arith.constant 640 : i32
    %mul3A_139 = arith.muli %arg1, %mul3A_138 : i32
    %mul3A_140 = arith.constant 640 : i32
    %mul3A_141 = arith.muli %arg1, %mul3A_140 : i32
    "tpu.region"() ({
      %run_scoped3A = tpu.sem_alloc : memref<!tpu.dma_semaphore, #tpu.memory_space<semaphore_mem>>
      %dma_start3A = arith.constant 0 : i32
      %dma_start3A_142 = tpu.memref_slice %arg6[%arg0, %mul3A_141, %dma_start3A] : memref<2x10240x32xf32, #tpu.memory_space<hbm>> -> memref<1x640x32xf32, #tpu.memory_space<hbm>>
      %dma_start3A_143 = tpu.memref_squeeze %dma_start3A_142 : memref<1x640x32xf32, #tpu.memory_space<hbm>> -> memref<640x32xf32, #tpu.memory_space<hbm>>
      %dma_start3A_144 = arith.constant 0 : i32
      %dma_start3A_145 = tpu.memref_slice %arg10[%mul3A_139, %dma_start3A_144] : memref<10240x32xf32, #tpu.memory_space<vmem_shared>> -> memref<640x32xf32, #tpu.memory_space<vmem_shared>>
      tpu.enqueue_dma source(%dma_start3A_145 : memref<640x32xf32, #tpu.memory_space<vmem_shared>>) target(%dma_start3A_143 : memref<640x32xf32, #tpu.memory_space<hbm>>) target_semaphore(%run_scoped3A : memref<!tpu.dma_semaphore, #tpu.memory_space<semaphore_mem>>)
      %dma_wait3A_146 = arith.constant 0 : i32
      %dma_wait3A_147 = tpu.memref_slice %arg6[%arg0, %mul3A_141, %dma_wait3A_146] : memref<2x10240x32xf32, #tpu.memory_space<hbm>> -> memref<1x640x32xf32, #tpu.memory_space<hbm>>
      %dma_wait3A_148 = tpu.memref_squeeze %dma_wait3A_147 : memref<1x640x32xf32, #tpu.memory_space<hbm>> -> memref<640x32xf32, #tpu.memory_space<hbm>>
      %dma_wait3A_149 = arith.constant 0 : i32
      %dma_wait3A_150 = tpu.memref_slice %arg10[%mul3A_139, %dma_wait3A_149] : memref<10240x32xf32, #tpu.memory_space<vmem_shared>> -> memref<640x32xf32, #tpu.memory_space<vmem_shared>>
      tpu.wait_dma2 semaphore(%run_scoped3A : memref<!tpu.dma_semaphore, #tpu.memory_space<semaphore_mem>>) src(%dma_wait3A_150 : memref<640x32xf32, #tpu.memory_space<vmem_shared>>) dst(%dma_wait3A_148 : memref<640x32xf32, #tpu.memory_space<hbm>>)
      tpu.yield
    }) : () -> ()
    return
  }
}

module attributes {stable_mosaic.version = 14 : i64} {
  func.func @_mm_body(%arg0: memref<10000x128xf32, #tpu.memory_space<vmem>>, %arg1: memref<128x32xf32, #tpu.memory_space<vmem>>, %arg2: memref<10000x32xf32, #tpu.memory_space<vmem>>) attributes {dimension_semantics = [], scalar_prefetch = 0 : i64, scratch_operands = 0 : i64, tpu.core_type = #tpu.core_type<tc>} {
    %get3A = arith.constant 0 : index
    %get3A_0 = arith.constant 0 : index
    %get3A_1 = vector.load %arg0[%get3A, %get3A_0] : memref<10000x128xf32, #tpu.memory_space<vmem>>, vector<10000x128xf32>
    %get3A_2 = arith.constant 0 : index
    %get3A_3 = arith.constant 0 : index
    %get3A_4 = vector.load %arg1[%get3A_2, %get3A_3] : memref<128x32xf32, #tpu.memory_space<vmem>>, vector<128x32xf32>
    %dot_general3A = arith.constant dense<0.000000e+00> : vector<10000x32xf32>
    %dot_general3A_5 = tpu.matmul %get3A_1, %get3A_4, %dot_general3A {dimension_numbers = #tpu.dot_dimension_numbers<[1], [0], [0], [1], [0, 0, 1, 1], [], []>, transpose_lhs_hint = false} : vector<10000x128xf32>, vector<128x32xf32>, vector<10000x32xf32> -> vector<10000x32xf32>
    %swap3A = arith.constant 0 : index
    %swap3A_6 = arith.constant 0 : index
    %swap3A_7 = vector.load %arg2[%swap3A, %swap3A_6] : memref<10000x32xf32, #tpu.memory_space<vmem>>, vector<10000x32xf32>
    tpu.vector_store %arg2[%swap3A, %swap3A_6], %dot_general3A_5 {strides = array<i32>} : memref<10000x32xf32, #tpu.memory_space<vmem>>, vector<10000x32xf32>,
    return
  }
}

module attributes {stable_mosaic.version = 14 : i64} {
  func.func @_scale_body(%arg0: memref<2x10240x8xf32, #tpu.memory_space<vmem>>, %arg1: memref<10000x32xf32, #tpu.memory_space<vmem>>, %arg2: memref<10240x32xf32, #tpu.memory_space<vmem>>) attributes {dimension_semantics = [], scalar_prefetch = 0 : i64, scratch_operands = 0 : i64, tpu.core_type = #tpu.core_type<tc>} {
    %get3A = arith.constant 0 : index
    %get3A_0 = arith.constant 0 : index
    %get3A_1 = vector.load %arg1[%get3A, %get3A_0] : memref<10000x32xf32, #tpu.memory_space<vmem>>, vector<10000x32xf32>
    %get3A_2 = arith.constant 0 : index
    %get3A_3 = arith.constant 0 : index
    %get3A_4 = arith.constant 0 : index
    %get3A_5 = vector.load %arg0[%get3A_2, %get3A_3, %get3A_4] : memref<2x10240x8xf32, #tpu.memory_space<vmem>>, vector<1x10000x1xf32>
    %get3A_6 = vector.shape_cast %get3A_5 : vector<1x10000x1xf32> to vector<10000x1xf32>
    %get3A_7 = arith.constant 1 : index
    %get3A_8 = arith.constant 0 : index
    %get3A_9 = arith.constant 0 : index
    %get3A_10 = vector.load %arg0[%get3A_7, %get3A_8, %get3A_9] : memref<2x10240x8xf32, #tpu.memory_space<vmem>>, vector<1x10000x1xf32>
    %get3A_11 = vector.shape_cast %get3A_10 : vector<1x10000x1xf32> to vector<10000x1xf32>
    %add3A = arith.addf %get3A_6, %get3A_11 : vector<10000x1xf32>
    %add3A_12 = arith.constant 1.000000e+00 : f32
    %add3A_13 = vector.broadcast %add3A_12 : f32 to vector<10000x1xf32>
    %add3A_14 = arith.addf %add3A, %add3A_13 : vector<10000x1xf32>
    %rsqrt3A = math.rsqrt %add3A_14 : vector<10000x1xf32>
    %mul3A = vector.broadcast %rsqrt3A : vector<10000x1xf32> to vector<10000x32xf32>
    %mul3A_15 = arith.mulf %get3A_1, %mul3A : vector<10000x32xf32>
    %swap3A = arith.constant 0 : index
    %swap3A_16 = arith.constant 0 : index
    %swap3A_17 = vector.load %arg2[%swap3A, %swap3A_16] : memref<10240x32xf32, #tpu.memory_space<vmem>>, vector<10000x32xf32>
    tpu.vector_store %arg2[%swap3A, %swap3A_16], %mul3A_15 {strides = array<i32>} : memref<10240x32xf32, #tpu.memory_space<vmem>>, vector<10000x32xf32>,
    return
  }
}

module attributes {stable_mosaic.version = 14 : i64} {
  func.func @_layer1_body(%arg0: memref<2x10240x32xf32, #tpu.memory_space<vmem>>, %arg1: memref<10240x32xf32, #tpu.memory_space<vmem>>, %arg2: memref<2x10240x8xf32, #tpu.memory_space<vmem>>, %arg3: memref<32x32xf32, #tpu.memory_space<vmem>>, %arg4: memref<1x32xf32, #tpu.memory_space<vmem>>, %arg5: memref<2x10240x16xf32, #tpu.memory_space<vmem>>, %arg6: memref<10240x16xf32, #tpu.memory_space<vmem>>) attributes {dimension_semantics = [], scalar_prefetch = 0 : i64, scratch_operands = 0 : i64, tpu.core_type = #tpu.core_type<tc>} {
    %get3A = arith.constant 0 : index
    %get3A_0 = arith.constant 0 : index
    %get3A_1 = arith.constant 0 : index
    %get3A_2 = vector.load %arg2[%get3A, %get3A_0, %get3A_1] : memref<2x10240x8xf32, #tpu.memory_space<vmem>>, vector<1x10000x1xf32>
    %get3A_3 = vector.shape_cast %get3A_2 : vector<1x10000x1xf32> to vector<10000x1xf32>
    %get3A_4 = arith.constant 1 : index
    %get3A_5 = arith.constant 0 : index
    %get3A_6 = arith.constant 0 : index
    %get3A_7 = vector.load %arg2[%get3A_4, %get3A_5, %get3A_6] : memref<2x10240x8xf32, #tpu.memory_space<vmem>>, vector<1x10000x1xf32>
    %get3A_8 = vector.shape_cast %get3A_7 : vector<1x10000x1xf32> to vector<10000x1xf32>
    %add3A = arith.addf %get3A_3, %get3A_8 : vector<10000x1xf32>
    %add3A_9 = arith.constant 1.000000e+00 : f32
    %add3A_10 = vector.broadcast %add3A_9 : f32 to vector<10000x1xf32>
    %add3A_11 = arith.addf %add3A, %add3A_10 : vector<10000x1xf32>
    %rsqrt3A = math.rsqrt %add3A_11 : vector<10000x1xf32>
    %get3A_12 = arith.constant 0 : index
    %get3A_13 = arith.constant 0 : index
    %get3A_14 = arith.constant 0 : index
    %get3A_15 = vector.load %arg0[%get3A_12, %get3A_13, %get3A_14] : memref<2x10240x32xf32, #tpu.memory_space<vmem>>, vector<1x10000x32xf32>
    %get3A_16 = vector.shape_cast %get3A_15 : vector<1x10000x32xf32> to vector<10000x32xf32>
    %get3A_17 = arith.constant 1 : index
    %get3A_18 = arith.constant 0 : index
    %get3A_19 = arith.constant 0 : index
    %get3A_20 = vector.load %arg0[%get3A_17, %get3A_18, %get3A_19] : memref<2x10240x32xf32, #tpu.memory_space<vmem>>, vector<1x10000x32xf32>
    %get3A_21 = vector.shape_cast %get3A_20 : vector<1x10000x32xf32> to vector<10000x32xf32>
    %add3A_22 = arith.addf %get3A_16, %get3A_21 : vector<10000x32xf32>
    %get3A_23 = arith.constant 0 : index
    %get3A_24 = arith.constant 0 : index
    %get3A_25 = vector.load %arg1[%get3A_23, %get3A_24] : memref<10240x32xf32, #tpu.memory_space<vmem>>, vector<10000x32xf32>
    %add3A_26 = arith.addf %add3A_22, %get3A_25 : vector<10000x32xf32>
    %mul3A = vector.broadcast %rsqrt3A : vector<10000x1xf32> to vector<10000x32xf32>
    %mul3A_27 = arith.mulf %mul3A, %add3A_26 : vector<10000x32xf32>
    %get3A_28 = arith.constant 0 : index
    %get3A_29 = arith.constant 0 : index
    %get3A_30 = vector.load %arg4[%get3A_28, %get3A_29] : memref<1x32xf32, #tpu.memory_space<vmem>>, vector<1x32xf32>
    %add3A_31 = vector.broadcast %get3A_30 : vector<1x32xf32> to vector<10000x32xf32>
    %add3A_32 = arith.addf %mul3A_27, %add3A_31 : vector<10000x32xf32>
    %get3A_33 = arith.constant 0 : index
    %get3A_34 = arith.constant 0 : index
    %get3A_35 = vector.load %arg3[%get3A_33, %get3A_34] : memref<32x32xf32, #tpu.memory_space<vmem>>, vector<32x32xf32>
    %dot_general3A = arith.constant dense<0.000000e+00> : vector<10000x32xf32>
    %dot_general3A_36 = tpu.matmul %add3A_32, %get3A_35, %dot_general3A {dimension_numbers = #tpu.dot_dimension_numbers<[1], [0], [0], [1], [0, 0, 1, 1], [], []>, transpose_lhs_hint = false} : vector<10000x32xf32>, vector<32x32xf32>, vector<10000x32xf32> -> vector<10000x32xf32>
    %mul3A_37 = vector.broadcast %rsqrt3A : vector<10000x1xf32> to vector<10000x32xf32>
    %mul3A_38 = arith.mulf %mul3A_37, %dot_general3A_36 : vector<10000x32xf32>
    %slice3A = vector.extract_strided_slice %mul3A_38 {offsets = [0, 0], sizes = [10000, 16], strides = [1, 1]} : vector<10000x32xf32> to vector<10000x16xf32>
    %swap3A = arith.constant 0 : index
    %swap3A_39 = arith.constant 0 : index
    %swap3A_40 = arith.constant 0 : index
    %swap3A_41 = vector.load %arg5[%swap3A, %swap3A_39, %swap3A_40] : memref<2x10240x16xf32, #tpu.memory_space<vmem>>, vector<1x10000x16xf32>
    %swap3A_42 = vector.shape_cast %swap3A_41 : vector<1x10000x16xf32> to vector<10000x16xf32>
    %swap3A_43 = vector.shape_cast %slice3A : vector<10000x16xf32> to vector<1x10000x16xf32>
    tpu.vector_store %arg5[%swap3A, %swap3A_39, %swap3A_40], %swap3A_43 {strides = array<i32>} : memref<2x10240x16xf32, #tpu.memory_space<vmem>>, vector<1x10000x16xf32>,
    %slice3A_44 = vector.extract_strided_slice %mul3A_38 {offsets = [0, 16], sizes = [10000, 16], strides = [1, 1]} : vector<10000x32xf32> to vector<10000x16xf32>
    %swap3A_45 = arith.constant 1 : index
    %swap3A_46 = arith.constant 0 : index
    %swap3A_47 = arith.constant 0 : index
    %swap3A_48 = vector.load %arg5[%swap3A_45, %swap3A_46, %swap3A_47] : memref<2x10240x16xf32, #tpu.memory_space<vmem>>, vector<1x10000x16xf32>
    %swap3A_49 = vector.shape_cast %swap3A_48 : vector<1x10000x16xf32> to vector<10000x16xf32>
    %swap3A_50 = vector.shape_cast %slice3A_44 : vector<10000x16xf32> to vector<1x10000x16xf32>
    tpu.vector_store %arg5[%swap3A_45, %swap3A_46, %swap3A_47], %swap3A_50 {strides = array<i32>} : memref<2x10240x16xf32, #tpu.memory_space<vmem>>, vector<1x10000x16xf32>,
    %broadcast_in_dim3A = vector.shape_cast %rsqrt3A : vector<10000x1xf32> to vector<10000x1xf32>
    %broadcast_in_dim3A_51 = vector.broadcast %broadcast_in_dim3A : vector<10000x1xf32> to vector<10000x16xf32>
    %swap3A_52 = arith.constant 0 : index
    %swap3A_53 = arith.constant 0 : index
    %swap3A_54 = vector.load %arg6[%swap3A_52, %swap3A_53] : memref<10240x16xf32, #tpu.memory_space<vmem>>, vector<10000x16xf32>
    tpu.vector_store %arg6[%swap3A_52, %swap3A_53], %broadcast_in_dim3A_51 {strides = array<i32>} : memref<10240x16xf32, #tpu.memory_space<vmem>>, vector<10000x16xf32>,
    return
  }
}

module attributes {stable_mosaic.version = 14 : i64} {
  func.func @_dec_body(%arg0: i32, %arg1: memref<200x16xf32, #tpu.memory_space<vmem>>, %arg2: memref<16x10000xf32, #tpu.memory_space<vmem>>, %arg3: memref<200x10000xf32, #tpu.memory_space<vmem>>) attributes {dimension_semantics = [#tpu.dimension_semantics<arbitrary>], iteration_bounds = array<i64: 50>, scalar_prefetch = 0 : i64, scratch_operands = 0 : i64, tpu.core_type = #tpu.core_type<tc>, window_params = [{transform_indices = @transform_0, window_bounds = array<i64: 200, 16>}, {pipeline_mode = #tpu.pipeline_mode<synchronous>, transform_indices = @transform_1, window_bounds = array<i64: 16, 10000>}, {transform_indices = @transform_2, window_bounds = array<i64: 200, 10000>}]} {
    %get3A = arith.constant 0 : index
    %get3A_0 = arith.constant 0 : index
    %get3A_1 = vector.load %arg1[%get3A, %get3A_0] : memref<200x16xf32, #tpu.memory_space<vmem>>, vector<200x16xf32>
    %get3A_2 = arith.constant 0 : index
    %get3A_3 = arith.constant 0 : index
    %get3A_4 = vector.load %arg2[%get3A_2, %get3A_3] : memref<16x10000xf32, #tpu.memory_space<vmem>>, vector<16x10000xf32>
    %dot_general3A = arith.constant dense<0.000000e+00> : vector<200x10000xf32>
    %dot_general3A_5 = tpu.matmul %get3A_1, %get3A_4, %dot_general3A {dimension_numbers = #tpu.dot_dimension_numbers<[1], [0], [0], [1], [0, 0, 1, 1], [], []>, transpose_lhs_hint = false} : vector<200x16xf32>, vector<16x10000xf32>, vector<200x10000xf32> -> vector<200x10000xf32>
    %neg3A = arith.constant 0.000000e+00 : f32
    %neg3A_6 = vector.broadcast %neg3A : f32 to vector<200x10000xf32>
    %neg3A_7 = arith.subf %neg3A_6, %dot_general3A_5 : vector<200x10000xf32>
    %exp3A = math.exp %neg3A_7 : vector<200x10000xf32>
    %add3A = arith.constant 1.000000e+00 : f32
    %add3A_8 = vector.broadcast %add3A : f32 to vector<200x10000xf32>
    %add3A_9 = arith.addf %add3A_8, %exp3A : vector<200x10000xf32>
    %div3A = arith.constant 1.000000e+00 : f32
    %div3A_10 = vector.broadcast %div3A : f32 to vector<200x10000xf32>
    %div3A_11 = arith.divf %div3A_10, %add3A_9 : vector<200x10000xf32>
    %swap3A = arith.constant 0 : index
    %swap3A_12 = arith.constant 0 : index
    %swap3A_13 = vector.load %arg3[%swap3A, %swap3A_12] : memref<200x10000xf32, #tpu.memory_space<vmem>>, vector<200x10000xf32>
    tpu.vector_store %arg3[%swap3A, %swap3A_12], %div3A_11 {strides = array<i32>} : memref<200x10000xf32, #tpu.memory_space<vmem>>, vector<200x10000xf32>,
    return
  }
  func.func @transform_0(%arg0: i32) -> (i32, i32) {
    %c0_i32 = arith.constant 0 : i32
    %c0_i32_0 = arith.constant 0 : i32
    return %arg0, %c0_i32 : i32, i32
  }
  func.func @transform_1(%arg0: i32) -> (i32, i32) {
    %c0_i32 = arith.constant 0 : i32
    %c0_i32_0 = arith.constant 0 : i32
    %c0_i32_1 = arith.constant 0 : i32
    return %c0_i32, %c0_i32_0 : i32, i32
  }
  func.func @transform_2(%arg0: i32) -> (i32, i32) {
    %c0_i32 = arith.constant 0 : i32
    %c0_i32_0 = arith.constant 0 : i32
    return %arg0, %c0_i32 : i32, i32
  }
}

</mosaic_0001>

<sc_bundles>
// kernel: kernel.12.cloned.1.call-start
scs
__scs_entry_jumppad:
0x0: {  	(pc) =	sbr.rel $0x88, $3  }
0x1: {  	(tag) =	ssettag $0x0;
	lr =	simm.s32 $0x1  }
0x2: {  	[smem:$0x3F99] =	sst lr;
	_ =	strace $0xD0000000  }
0x3: {  	_ = 	snop  }
0x4: {  	_ = 	snop  }
0x5: {  	_ = 	snop  }
0x6: {  	_ = 	snop  }
0x7: {  	_ = 	snop  }
__scs_overlays_trampoline_lowered:
0x8: {  	[smem:$0x3FA8] =	sst s0  }
0x9: {  	[smem:$0x3FA9] =	sst s1  }
0xa: {  	[smem:$0x3FAA] =	sst s2  }
0xb: {  	[smem:$0x3FAB] =	sst s3  }
0xc: {  	[smem:$0x3FAC] =	sst s4  }
0xd: {  	[smem:$0x3FAD] =	sst s5  }
0xe: {  	[smem:$0x3FAE] =	sst s6  }
0xf: {  	[smem:$0x3FAF] =	sst s7  }
0x10: {  	[smem:$0x3FB0] =	sst s8  }
0x11: {  	[smem:$0x3FB1] =	sst s9;
	s0 =	simm.s32 @!p0 $0x0  }
0x12: {  	s1 =	sld [smem:$0x3F97];
	s0 =	simm.s32 @p0 $0x1  }
0x13: {  	[smem:$0x3FB2] =	sst s0;
	s0 =	simm.s32 @!p1 $0x0  }
0x14: {  	s2 =	sld [smem:$0x3F96];
	s0 =	simm.s32 @p1 $0x1  }
0x15: {  	[smem:$0x3FB3] =	sst s0;
	s0 =	simm.s32 @!p2 $0x0  }
0x16: {  	s3 =	sld [smem:$0x3FDB];
	s0 =	simm.s32 @p2 $0x1  }
0x17: {  	s4 =	simm.s32 $0x1BF5;
	[smem:$0x3FB5] =	sst s0  }
0x18: {  	s0 =	sld [smem:$0x3F98];
	_ =	swait.ge [sflag:s4], $0x0  }
0x19: {  	s7 =	sld [smem:$0x3F99]  }
0x1a: {  	s8 =	sadd.s32 $0xFFFFE003, lr  }
0x1b: {  	s9 =	sadd.s32 $0xFFFFFEF7, lr;
	s5 =	simm.s32 $0xFFFFFFFF;
	p2 =	slt.u32 s8, $0xFFFFF086  }
0x1c: {  	p1 =	slt.u32 s9, $0xF7A;
	s5 =	simm.s32 @!p2 $0x0  }
0x1d: {  	s5 =	simm.s32 @p1 $0x1;
	p0 =	seq.s32 s7, s2  }
0x1e: {  	s7 =	smul.u32 @!p0 $0xF7A, s2;
	p2 =	seq.s32 @!p0 s5, $0x0  }
0x1f: {  	s9 =	smul.u32 $0xF7A, s1;
	s8 =	simm.s32 @!p0 $0x1BF5;
	p2 =	por !p2, p0  }
0x20: {  	[sflag:s8] =	ssyncset.s32 @!p0 $0xFFFFF086;
	s6 =	sadd.s32 @!p0 s3, s7;
	s7 =	simm.s32 @!p0 $0x108  }
0x21: {  	s3 =	sadd.s32 s3, s9;
	s6 =	sadd.s32 @!p0 $0x88, s6;
	s7 =	simm.s32 @p2 $0x1082  }
0x22: {  	[simem:s7], [sflag:s8] =	dma.local @!p0 [hbm:s6], $0xF7A  }
0x23: {  	s9 =	sor.u32 $0xD0000000, s2;
	s6 =	simm.s32 $0x108;
	_ =	swait.ge @!p0 [sflag:s8], $0x0  }
0x24: {  	s3 =	sadd.s32 $0x88, s3;
	s6 =	simm.s32 @!p1 $0x1082;
	[sflag:s4] =	ssyncset.s32 $0xFFFFF086  }
0x25: {  	[simem:s6], [sflag:s4] =	dma.local [hbm:s3], $0xF7A  }
0x26: {  	[smem:$0x3F99] =	sst s1;
	(tag) =	ssettag s2;
	_ =	strace s9  }
0x27: {  	s1 =	sld [smem:$0x3FA9]  }
0x28: {  	s2 =	sld [smem:$0x3FAA]  }
0x29: {  	s4 =	sld [smem:$0x3FAC]  }
0x2a: {  	p0 =	seq.s32 s5, $0x0;
	s5 =	sld [smem:$0x3FAD]  }
0x2b: {  	s6 =	sld [smem:$0x3FAE]  }
0x2c: {  	s7 =	sld [smem:$0x3FAF]  }
0x2d: {  	s3 =	simm.s32 $0x108;
	s8 =	sld [smem:$0x3FB0]  }
0x2e: {  	s3 =	simm.s32 @!p0 $0x1082;
	s9 =	sld [smem:$0x3FB1]  }
0x2f: {  	lr =	sadd.s32 s0, s3;
	s0 =	sld [smem:$0x3FA8]  }
0x30: {  	s3 =	sld [smem:$0x3FAB]  }
0x31: {  	[smem:$0x3FB4] =	sst s10  }
0x32: {  	s10 =	sld [smem:$0x3FB2];
	_ =	sdelay $0x3  }
0x33: {  	p0 =	seq.s32 s10, $0x1;
	s10 =	sld [smem:$0x3FB4];
	_ =	sdelay $0x3  }
0x34: {  	[smem:$0x3FB4] =	sst s10  }
0x35: {  	s10 =	sld [smem:$0x3FB3];
	_ =	sdelay $0x3  }
0x36: {  	p1 =	seq.s32 s10, $0x1;
	s10 =	sld [smem:$0x3FB4];
	_ =	sdelay $0x3  }
0x37: {  	[smem:$0x3FB4] =	sst s10  }
0x38: {  	s10 =	sld [smem:$0x3FB5]  }
0x39: {  	_ = 	snop;
	(pc) =	sbr.ind lr, $3  }
0x3a: {  	_ = 	snop  }
0x3b: {  	_ = 	snop  }
0x3c: {  	p2 =	seq.s32 s10, $0x1;
	s10 =	sld [smem:$0x3FB4]  }
0x3d: {  	_ =	shalt  }
0x3e: {  	_ =	shalt  }
0x3f: {  	_ =	shalt  }
0x40: {  	_ =	shalt  }
0x41: {  	_ =	shalt  }
0x42: {  	_ =	shalt  }
0x43: {  	_ =	shalt  }
0x44: {  	_ =	shalt  }
0x45: {  	_ =	shalt  }
0x46: {  	_ =	shalt  }
0x47: {  	_ =	shalt  }
0x48: {  	_ =	shalt  }
0x49: {  	_ =	shalt  }
0x4a: {  	_ =	shalt  }
0x4b: {  	_ =	shalt  }
0x4c: {  	_ =	shalt  }
0x4d: {  	_ =	shalt  }
0x4e: {  	_ =	shalt  }
0x4f: {  	_ =	shalt  }
0x50: {  	_ =	shalt  }
0x51: {  	_ =	shalt  }
0x52: {  	_ =	shalt  }
0x53: {  	_ =	shalt  }
0x54: {  	_ =	shalt  }
0x55: {  	_ =	shalt  }
0x56: {  	_ =	shalt  }
0x57: {  	_ =	shalt  }
0x58: {  	_ =	shalt  }
0x59: {  	_ =	shalt  }
0x5a: {  	_ =	shalt  }
0x5b: {  	_ =	shalt  }
0x5c: {  	_ =	shalt  }
0x5d: {  	_ =	shalt  }
0x5e: {  	_ =	shalt  }
0x5f: {  	_ =	shalt  }
0x60: {  	_ =	shalt  }
0x61: {  	_ =	shalt  }
0x62: {  	_ =	shalt  }
0x63: {  	_ =	shalt  }
0x64: {  	_ =	shalt  }
0x65: {  	_ =	shalt  }
0x66: {  	_ =	shalt  }
0x67: {  	_ =	shalt  }
0x68: {  	_ =	shalt  }
0x69: {  	_ =	shalt  }
0x6a: {  	_ =	shalt  }
0x6b: {  	_ =	shalt  }
0x6c: {  	_ =	shalt  }
0x6d: {  	_ =	shalt  }
0x6e: {  	_ =	shalt  }
0x6f: {  	_ =	shalt  }
0x70: {  	_ =	shalt  }
0x71: {  	_ =	shalt  }
0x72: {  	_ =	shalt  }
0x73: {  	_ =	shalt  }
0x74: {  	_ =	shalt  }
0x75: {  	_ =	shalt  }
0x76: {  	_ =	shalt  }
0x77: {  	_ =	shalt  }
0x78: {  	_ =	shalt  }
0x79: {  	_ =	shalt  }
0x7a: {  	_ =	shalt  }
0x7b: {  	_ =	shalt  }
0x7c: {  	_ =	shalt  }
0x7d: {  	_ =	shalt  }
0x7e: {  	_ =	shalt  }
0x7f: {  	_ =	shalt  }
0x80: {  	_ =	shalt  }
0x81: {  	_ =	shalt  }
0x82: {  	_ =	shalt  }
0x83: {  	_ =	shalt  }
0x84: {  	_ =	shalt  }
0x85: {  	_ =	shalt  }
0x86: {  	_ =	shalt  }
0x87: {  	_ =	shalt  }
.Lfunc_end0:
.L_simem_size_0:
called_computation.1_lowered:
.L_overlay_start_0:
0x88: {  	s2 =	sld [smem:$0x3FD9]  }
0x89: {  	s3 =	sld [smem:$0x3FFE];
	_ =	sdelay $0x1  }
0x8a: {  	s1 =	srdreg.scid  }
0x8b: {  	s0 =	sand.u32 $0x1, s1  }
0x8c: {  	s14 =	sshll.u32 s0, $0xA;
	s2 =	sadd.s32 s3, s2  }
0x8d: {  	s2 =	sadd.s32 s2, s14  }
0x8e: {  	[smem:$0x3FC0] =	sst s2  }
0x8f: {  	_ = 	snop  }
0x90: {  	s2 =	sld [smem:$0x3FD0];
	_ =	sdelay $0x2  }
0x91: {  	s15 =	simm.s32 $0xA;
	s4 =	simm.s32 $0x10  }
0x92: {  	[smem:s4], [sflag:s15] =	dma.local [hbm:s2], $0x1  }
0x93: {  	_ =	swait.eq [sflag:s15], $0x1  }
0x94: {  	[sflag:s15] =	ssyncset.done $0x0  }
0x95: {  	[sflag:s15] =	ssyncadd.s32 $0xFFFFFFFF  }
0x96: {  	s16 =	sld [smem:$0x10];
	(tm) =	ssettm $0x1  }
0x97: {  	s17 =	sld [smem:$0x3FFB];
	_ =	sdelay $0x3  }
0x98: {  	_ =	strace s17  }
0x99: {  	s3 =	sld [smem:$0x3FFC];
	_ =	sdelay $0x3  }
0x9a: {  	_ =	strace s3  }
0x9b: {  	s3 =	sld [smem:$0x3FFD];
	_ =	sdelay $0x3  }
0x9c: {  	_ =	strace s3  }
0x9d: {  	_ =	strace $0x8FFFFFFF  }
0x9e: {  	s18 =	sld [smem:$0x3FDB];
	_ =	sdelay $0x1  }
0x9f: {  	s19 =	simm.s32 $_scs_section_size  }
0xa0: {  	s5 =	simm.s32 $_size__tile_overlayer_lowered;
	s6 =	simm.s32 $_tile_overlayer_lowered  }
0xa1: {  	s22 =	simm.s32 $0x1BFF;
	s21 =	sshll.u32 s6, $0x1;
	s3 =	sadd.s32 s19, s18  }
0xa2: {  	s7 =	simm.s32 $0x0;
	s20 =	sshll.u32 s5, $0x1;
	s5 =	sadd.s32 s21, s3  }
0xa3: {  	[timem:s7], [sflag:s22] =	dma.local [hbm:s5], s20  }
0xa4: {  	_ =	swait.ge [sflag:s22], s20  }
0xa5: {  	s4 =	ssub.s32 $0x0, s20;
	[sflag:s22] =	ssyncset.done $0x0  }
0xa6: {  	[sflag:s22] =	ssyncadd.s32 s4;
	_ =	sdelay $0x1  }
0xa7: {  	s23 =	simm.s32 $0x1B8B  }
0xa8: {  	_ =	swait.ge [sflag:s23], $0x1  }
0xa9: {  	[sflag:s23] =	ssyncset.done $0x0  }
0xaa: {  	s25 =	simm.s32 $0x1B8E;
	s24 =	sld [smem:$0x3FFE];
	[sflag:s23] =	ssyncadd.s32 $0xFFFFFFFF  }
0xab: {  	s26 =	simm.s32 $execute0_lowered;
	[smem:$0x3FD2] =	sst s25  }
0xac: {  	s5 =	sshll.u32 s26, $0x1;
	_ =	strace $0x80000049;
	[dreg:$0x1] =	wrdreg $0xFFFFFFFF  }
0xad: {  	s28 =	simm.s32 $_size_execute0_lowered;
	s3 =	sadd.s32 s3, s5;
	[dreg:$0x0] =	wrdreg $0x0  }
0xae: {  	s5 =	sshll.u32 s28, $0x1;
	[dreg:$0x2] =	wrdreg s3  }
0xaf: {  	[dreg:$0x3] =	wrdreg s5  }
0xb0: {  	[dreg:$0x4] =	wrdreg $0xC0  }
0xb1: {  	_ =	task [dreg:s7], $0x5FFFF  }
0xb2: {  	[dreg:$0x1] =	wrdreg $0xFFFFFFFF  }
0xb3: {  	[dreg:$0x0] =	wrdreg $0x60  }
0xb4: {  	[dreg:$0x2] =	wrdreg s16  }
0xb5: {  	[dreg:$0x3] =	wrdreg s24  }
0xb6: {  	[dreg:$0x4] =	wrdreg $0xD0000  }
0xb7: {  	[dreg:$0x5] =	wrdreg $0x120000  }
0xb8: {  	[dreg:$0x6] =	wrdreg $0x9  }
0xb9: {  	_ =	task.clear_ibuf [dreg:s7], $0x7FFFF;
	_ =	strace $0x90000049  }
0xba: {  	s29 =	simm.s32 $0x9;
	_ =	strace $0x8000004B  }
0xbb: {  	_ =	swait.ge [sflag:s29], $0x1  }
0xbc: {  	[sflag:s29] =	ssyncadd.s32 $0xFFFFFFFF  }
0xbd: {  	_ =	strace $0x9000004B  }
0xbe: {  	_ =	sfence  }
0xbf: {  	s30 =	sld [smem:$0x0];
	_ =	sdelay $0x2  }
0xc0: {  	s31 =	sshll.u32 s1, $0xD;
	s1 =	sshrl.u32 s1, $0x2  }
0xc1: {  	s3 =	sand.u32 $0x4000, s31;
	s1 =	sadd.s32 s1, s30  }
0xc2: {  	s0 =	sor.u32 s3, s0;
	s1 =	sshll.u32 s1, $0x11  }
0xc3: {  	s0 =	sor.u32 s1, s0  }
0xc4: {  	s0 =	sadd.s32 $0x8F2B, s0  }
0xc5: {  	[sflag:s0] =	ssyncadd.remote.s32 $0x1  }
0xc6: {  	_ =	sfence.sel $0xFFFF  }
0xc7: {  	[dreg:$0x0] =	wrdreg $0xFFFFFFFF;
	(pc) =	sbr.abs _section_cstart, $3  }
0xc8: {  	[dreg:$0x1] =	wrdreg $0xFFFFFFFF  }
0xc9: {  	_ =	task.clear_ibuf [dreg:s7], $0x2FFFF;
	_ =	strace $0x9FFFFFFF  }
0xca: {  	(tm) =	ssettm $0x7FFFFFFF  }
0xcb: {  	_ =	shalt  }
tec
execute0_lowered:
.L_overlay_start_1:
0x0: {  	(tag) =	ssettag $0x1  }
0x1: {  	s0 =	srdreg.scid  }
0x2: {  	s10 =	stileid.u32;
	s1 =	rddreg [dreg:$0x0]  }
0x3: {  	s4 =	rddreg [dreg:$0x1];
	s8 =	simm.s32 $0x0;
	s11 =	simm.s32 $0x11  }
0x4: {  	s24 =	simm.s32 $0x5000;
	s25 =	simm.s32 $0x6000;
	s26 =	simm.s32 $0x7000  }
0x5: {  	s0 =	sand.u32 $0x1, s0;
	s2 =	sshll.u32 s10, $0x1;
	[smem:$0x7FF] =	sst s8  }
0x6: {  	s28 =	simm.s32 $0x8000;
	s3 =	sor.u32 s0, s2;
	s2 =	rddreg [dreg:$0x2]  }
0x7: {  	s29 =	simm.s32 $0x9000;
	s5 =	smul.u32 $0x500, s3;
	s3 =	rddreg [dreg:$0x3]  }
0x8: {  	s30 =	simm.s32 $0xA000;
	_ =	strace $0x8000004A;
	[dreg:$0x5] =	wrdreg s24  }
0x9: {  	s31 =	simm.s32 $0xB000;
	s12 =	simm.s32 $0x10;
	[dreg:$0x6] =	wrdreg s25  }
0xa: {  	s6 =	smul.u32 $0x5000, s10;
	s22 =	sshll.u32 s10, $0x6;
	[dreg:$0x7] =	wrdreg s26  }
0xb: {  	s7 =	smul.u32 $0x50000, s0;
	s0 =	ssub.s32 $0x2, s0;
	[dreg:$0x8] =	wrdreg s28  }
0xc: {  	s13 =	sor.u32 $0x1C11, s22;
	s22 =	simm.s32 $0x5;
	[dreg:$0x9] =	wrdreg s29  }
0xd: {  	s16 =	sshrl.u32 s6, $0x3;
	s17 =	sshrl.u32 s0, $0x1;
	[dreg:$0xa] =	wrdreg s30  }
0xe: {  	s19 =	sadd.s32 s6, s2;
	s24 =	simm.s32 $0x7;
	[dreg:$0xb] =	wrdreg s31  }
0xf: {  	s25 =	simm.s32 $0x8;
	s7 =	sadd.s32 s6, s7;
	s9 =	sadd.s32 s16, s4  }
0x10: {  	s0 =	ssub.s32 s0, s17;
	s6 =	sadd.s32 s6, s3;
	s1 =	sadd.s32 s1, s16  }
0x11: {  	s14 =	sshrl.u32 s19, $0x3;
	s16 =	simm.s32 $0x80;
	s17 =	simm.s32 $0xC000  }
0x12: {  	s19 =	simm.s32 $0x2;
	s5 =	sadd.s32 s5, s4;
	s7 =	sshrl.u32 s7, $0x3  }
0x13: {  	s20 =	sadd.s32 $0x8E800, s9;
	[dreg:$0xf] =	wrdreg s1;
	s0 =	smax.u32 s0, $0x1  }
0x14: {  	s23 =	sshrl.u32 s6, $0x3;
	s1 =	simm.s32 $0xE;
	[dreg:$0xe] =	wrdreg s20  }
0x15: {  	s4 =	sadd.s32 s7, s4;
	s18 =	sadd.s32 $0xC800, s5;
	[dreg:$0x11] =	wrdreg s0  }
0x16: {  	s5 =	sadd.s32 $0x2800, s5;
	[dreg:$0x12] =	wrdreg s23;
	s20 =	simm.s32 $0x3  }
0x17: {  	s23 =	simm.s32 $0x6;
	s0 =	simm.s32 $0xF;
	[dreg:$0xc] =	wrdreg s18  }
0x18: {  	[dreg:$0xd] =	wrdreg s5;
	s21 =	sadd.s32 $0x98800, s4;
	s18 =	simm.s32 $0x1  }
0x19: {  	s4 =	simm.s32 $0x0;
	[dreg:$0x10] =	wrdreg s21;
	s21 =	simm.s32 $0x4  }
.LBB2_1:
0x1a: {  	s5 =	simm.s32 $0x0;
	s6 =	rddreg [dreg:$0xc]  }
0x1b: {  	[tilespmem:s5], [sflag:$0x11] =	stream.linear.gather [hbm4b:s6+s5], $0x2800, $0x38;
	[tilespmem:$0x17000] =	vst v63  }
0x1c: {  	_ =	swait.ge [sflag:s11], $0x2800  }
0x1d: {  	[sflag:s11] =	ssyncset.done $0x0  }
0x1e: {  	s7 =	simm.s32 $0x2800;
	s30 =	rddreg [dreg:$0xd];
	[sflag:s11] =	ssyncadd.s32 $0xFFFFD800  }
0x1f: {  	[tilespmem:s7], [sflag:$0x11] =	stream.linear.gather [hbm4b:s30+s5], $0x2800, $0x38;
	[tilespmem:$0x17000] =	vst v63  }
0x20: {  	_ =	swait.ge [sflag:s11], $0x2800  }
0x21: {  	[sflag:s11] =	ssyncset.done $0x0  }
0x22: {  	s31 =	rddreg [dreg:$0xe];
	[sflag:s11] =	ssyncadd.s32 $0xFFFFD800  }
0x23: {  	[spmem:s14], [sflag:s13] =	dma.local [hbm:s31], $0xA00  }
0x24: {  	_ =	swait.ge [sflag:s11], $0xA00  }
0x25: {  	[sflag:s11] =	ssyncset.done $0x0;
	s6 =	rddreg [dreg:$0xf]  }
0x26: {  	s7 =	rddreg [dreg:$0x12];
	[sflag:s11] =	ssyncadd.s32 $0xFFFFF600  }
0x27: {  	[spmem:s7], [sflag:s13] =	dma.local [hbm:s6], $0xA00  }
0x28: {  	_ =	swait.ge [sflag:s11], $0xA00  }
0x29: {  	[sflag:s11] =	ssyncset.done $0x0  }
0x2a: {  	p0 =	por $0x0, $0x0;
	[sflag:s11] =	ssyncadd.s32 $0xFFFFF600  }
0x2b: {  	s5 =	simm.s32 @p0 $0x9;
	[bflag:$0x0] =	sbarrier.arrive $0xFFFF  }
0x2c: {  	_ =	swait.ge @p0 [sflag:s5], $0x1000  }
0x2d: {  	s8 =	simm.s32 @p0 $0x80;
	s6 =	simm.s32 @p0 $0x5000;
	[sflag:s5] =	ssyncset.done @p0 $0x0  }
0x2e: {  	s7 =	simm.s32 @p0 $0xA;
	[sflag:s5] =	ssyncadd.s32 @p0 $0xFFFFF000;
	s5 =	simm.s32 @p0 $0x0  }
0x2f: {  	[tilespmem:s6], [sflag:$0x1] =	stream.indirect.gather @p0 [spmem:s3], $0x20, s5, s8, $0xb8;
	[tilespmem:$0x17000] =	vst v63  }
0x30: {  	_ =	swait.ge @p0 [sflag:s7], $0x1000  }
0x31: {  	s5 =	simm.s32 @p0 $0x80;
	[sflag:s7] =	ssyncset.done @p0 $0x0  }
0x32: {  	s6 =	simm.s32 @p0 $0x6000;
	[sflag:s7] =	ssyncadd.s32 @p0 $0xFFFFF000;
	s7 =	simm.s32 @p0 $0xB  }
0x33: {  	[tilespmem:s6], [sflag:$0x2] =	stream.indirect.gather @p0 [spmem:s3], $0x20, s5, s8, $0xb8;
	[tilespmem:$0x17000] =	vst v63  }
0x34: {  	_ =	swait.ge @p0 [sflag:s7], $0x1000  }
0x35: {  	s5 =	simm.s32 @p0 $0x100;
	[sflag:s7] =	ssyncset.done @p0 $0x0  }
0x36: {  	s6 =	simm.s32 @p0 $0x7000;
	[sflag:s7] =	ssyncadd.s32 @p0 $0xFFFFF000;
	s7 =	simm.s32 @p0 $0xC  }
0x37: {  	[tilespmem:s6], [sflag:$0x3] =	stream.indirect.gather @p0 [spmem:s3], $0x20, s5, s8, $0xb8;
	[tilespmem:$0x17000] =	vst v63  }
0x38: {  	_ =	swait.ge @p0 [sflag:s7], $0x1000  }
0x39: {  	s5 =	simm.s32 @p0 $0x180;
	[sflag:s7] =	ssyncset.done @p0 $0x0  }
0x3a: {  	s6 =	simm.s32 @p0 $0x8000;
	[sflag:s7] =	ssyncadd.s32 @p0 $0xFFFFF000;
	s7 =	simm.s32 @p0 $0xD  }
0x3b: {  	[tilespmem:s6], [sflag:$0x4] =	stream.indirect.gather @p0 [spmem:s3], $0x20, s5, s8, $0xb8;
	[tilespmem:$0x17000] =	vst v63  }
0x3c: {  	_ =	swait.ge @p0 [sflag:s7], $0x1000  }
0x3d: {  	s5 =	simm.s32 @p0 $0x200;
	[sflag:s7] =	ssyncset.done @p0 $0x0  }
0x3e: {  	s6 =	simm.s32 @p0 $0x9000;
	[sflag:s7] =	ssyncadd.s32 @p0 $0xFFFFF000;
	s7 =	simm.s32 @p0 $0xE  }
0x3f: {  	[tilespmem:s6], [sflag:$0x5] =	stream.indirect.gather @p0 [spmem:s3], $0x20, s5, s8, $0xb8;
	[tilespmem:$0x17000] =	vst v63  }
0x40: {  	_ =	swait.ge @p0 [sflag:s7], $0x1000  }
0x41: {  	s5 =	simm.s32 @p0 $0x280;
	[sflag:s7] =	ssyncset.done @p0 $0x0  }
0x42: {  	s6 =	simm.s32 @p0 $0xA000;
	[sflag:s7] =	ssyncadd.s32 @p0 $0xFFFFF000;
	s7 =	simm.s32 @p0 $0xF  }
0x43: {  	[tilespmem:s6], [sflag:$0x6] =	stream.indirect.gather @p0 [spmem:s3], $0x20, s5, s8, $0xb8;
	[tilespmem:$0x17000] =	vst v63  }
0x44: {  	_ =	swait.ge @p0 [sflag:s7], $0x1000  }
0x45: {  	s5 =	simm.s32 @p0 $0x300;
	[sflag:s7] =	ssyncset.done @p0 $0x0  }
0x46: {  	s6 =	simm.s32 @p0 $0xB000;
	[sflag:s7] =	ssyncadd.s32 @p0 $0xFFFFF000;
	s7 =	simm.s32 @p0 $0x10  }
0x47: {  	[tilespmem:s6], [sflag:$0x7] =	stream.indirect.gather @p0 [spmem:s3], $0x20, s5, s8, $0xb8;
	[tilespmem:$0x17000] =	vst v63  }
0x48: {  	_ =	swait.ge @p0 [sflag:s7], $0x1000  }
0x49: {  	s5 =	simm.s32 @!p0 $0x5000;
	[sflag:s7] =	ssyncset.done @p0 $0x0  }
0x4a: {  	s6 =	simm.s32 @!p0 $0x0;
	[sflag:s7] =	ssyncadd.s32 @p0 $0xFFFFF000;
	s7 =	simm.s32 @!p0 $0x80  }
0x4b: {  	[tilespmem:s5], [sflag:$0x1] =	stream.indirect.gather @!p0 [spmem:s3], $0x20, s6, s7, $0xb8;
	[tilespmem:$0x17000] =	vst v63  }
0x4c: {  	s5 =	simm.s32 @!p0 $0x6000  }
0x4d: {  	[tilespmem:s5], [sflag:$0x2] =	stream.indirect.gather @!p0 [spmem:s3], $0x20, s7, s7, $0xb8;
	[tilespmem:$0x17000] =	vst v63  }
0x4e: {  	s6 =	simm.s32 @!p0 $0x7000;
	s5 =	simm.s32 @!p0 $0x100  }
0x4f: {  	[tilespmem:s6], [sflag:$0x3] =	stream.indirect.gather @!p0 [spmem:s3], $0x20, s5, s7, $0xb8;
	[tilespmem:$0x17000] =	vst v63  }
0x50: {  	s5 =	simm.s32 @!p0 $0x180;
	s6 =	simm.s32 @!p0 $0x8000  }
0x51: {  	[tilespmem:s6], [sflag:$0x4] =	stream.indirect.gather @!p0 [spmem:s3], $0x20, s5, s7, $0xb8;
	[tilespmem:$0x17000] =	vst v63  }
0x52: {  	s5 =	simm.s32 @!p0 $0x200;
	s6 =	simm.s32 @!p0 $0x9000  }
0x53: {  	[tilespmem:s6], [sflag:$0x5] =	stream.indirect.gather @!p0 [spmem:s3], $0x20, s5, s7, $0xb8;
	[tilespmem:$0x17000] =	vst v63  }
0x54: {  	s5 =	simm.s32 @!p0 $0x280;
	s6 =	simm.s32 @!p0 $0xA000  }
0x55: {  	[tilespmem:s6], [sflag:$0x6] =	stream.indirect.gather @!p0 [spmem:s3], $0x20, s5, s7, $0xb8;
	[tilespmem:$0x17000] =	vst v63  }
0x56: {  	s5 =	simm.s32 @!p0 $0x300;
	s6 =	simm.s32 @!p0 $0xB000  }
0x57: {  	[tilespmem:s6], [sflag:$0x7] =	stream.indirect.gather @!p0 [spmem:s3], $0x20, s5, s7, $0xb8;
	[tilespmem:$0x17000] =	vst v63  }
0x58: {  	s8 =	simm.s32 $0x380  }
0x59: {  	[tilespmem:s17], [sflag:$0x8] =	stream.indirect.gather [spmem:s3], $0x20, s8, s16, $0xb8;
	[tilespmem:$0x17000] =	vst v63  }
0x5a: {  	_ =	swait.ge [sflag:s18], $0x1000  }
0x5b: {  	[sflag:s18] =	ssyncset.done $0x0  }
0x5c: {  	s10 =	simm.s32 $0x2800;
	s9 =	rddreg [dreg:$0x5];
	[sflag:s18] =	ssyncadd.s32 $0xFFFFF000  }
0x5d: {  	[spmem:s2] =	stream.indirect.scatter.add.f32 [tilespmem:s9], [sflag:$0x9], $0x20, s10, s16, $0xb8;
	[tilespmem:$0x17000] =	vst v63  }
0x5e: {  	s5 =	simm.s32 @p0 $0x80;
	_ =	swait.ge [sflag:s19], $0x1000  }
0x5f: {  	s5 =	simm.s32 @!p0 $0x80;
	[sflag:s19] =	ssyncset.done $0x0  }
0x60: {  	s5 =	sadd.s32 $0x2800, s5;
	s15 =	rddreg [dreg:$0x6];
	[sflag:s19] =	ssyncadd.s32 $0xFFFFF000  }
0x61: {  	[spmem:s2] =	stream.indirect.scatter.add.f32 [tilespmem:s15], [sflag:$0xA], $0x20, s5, s16, $0xb8;
	[tilespmem:$0x17000] =	vst v63  }
0x62: {  	s5 =	simm.s32 @p0 $0x100;
	_ =	swait.ge [sflag:s20], $0x1000  }
0x63: {  	s5 =	simm.s32 @!p0 $0x100;
	[sflag:s20] =	ssyncset.done $0x0  }
0x64: {  	s26 =	rddreg [dreg:$0x7];
	s5 =	sadd.s32 $0x2800, s5;
	[sflag:s20] =	ssyncadd.s32 $0xFFFFF000  }
0x65: {  	[spmem:s2] =	stream.indirect.scatter.add.f32 [tilespmem:s26], [sflag:$0xB], $0x20, s5, s16, $0xb8;
	[tilespmem:$0x17000] =	vst v63  }
0x66: {  	s5 =	simm.s32 @p0 $0x180;
	_ =	swait.ge [sflag:s21], $0x1000  }
0x67: {  	s5 =	simm.s32 @!p0 $0x180;
	[sflag:s21] =	ssyncset.done $0x0  }
0x68: {  	s28 =	rddreg [dreg:$0x8];
	s5 =	sadd.s32 $0x2800, s5;
	[sflag:s21] =	ssyncadd.s32 $0xFFFFF000  }
0x69: {  	[spmem:s2] =	stream.indirect.scatter.add.f32 [tilespmem:s28], [sflag:$0xC], $0x20, s5, s16, $0xb8;
	[tilespmem:$0x17000] =	vst v63  }
0x6a: {  	s5 =	simm.s32 @p0 $0x200;
	_ =	swait.ge [sflag:s22], $0x1000  }
0x6b: {  	s5 =	simm.s32 @!p0 $0x200;
	[sflag:s22] =	ssyncset.done $0x0  }
0x6c: {  	s29 =	rddreg [dreg:$0x9];
	s5 =	sadd.s32 $0x2800, s5;
	[sflag:s22] =	ssyncadd.s32 $0xFFFFF000  }
0x6d: {  	[spmem:s2] =	stream.indirect.scatter.add.f32 [tilespmem:s29], [sflag:$0xD], $0x20, s5, s16, $0xb8;
	[tilespmem:$0x17000] =	vst v63  }
0x6e: {  	s5 =	simm.s32 @p0 $0x280;
	_ =	swait.ge [sflag:s23], $0x1000  }
0x6f: {  	s5 =	simm.s32 @!p0 $0x280;
	[sflag:s23] =	ssyncset.done $0x0  }
0x70: {  	s30 =	rddreg [dreg:$0xa];
	s5 =	sadd.s32 $0x2800, s5;
	[sflag:s23] =	ssyncadd.s32 $0xFFFFF000  }
0x71: {  	[spmem:s2] =	stream.indirect.scatter.add.f32 [tilespmem:s30], [sflag:$0xE], $0x20, s5, s16, $0xb8;
	[tilespmem:$0x17000] =	vst v63  }
0x72: {  	s5 =	simm.s32 $0x300;
	_ =	swait.ge [sflag:s24], $0x1000  }
0x73: {  	s6 =	simm.s32 $0x1000;
	s5 =	simm.s32 @!p0 $0x300;
	[sflag:s24] =	ssyncset.done $0x0  }
0x74: {  	s31 =	rddreg [dreg:$0xb];
	s5 =	sadd.s32 $0x2800, s5;
	[sflag:s24] =	ssyncadd.s32 $0xFFFFF000  }
0x75: {  	[spmem:s2] =	stream.indirect.scatter.add.f32 [tilespmem:s31], [sflag:$0xF], $0x20, s5, s16, $0xb8;
	[tilespmem:$0x17000] =	vst v63  }
0x76: {  	s7 =	simm.s32 $0x2000;
	s9 =	simm.s32 $0x2B80;
	_ =	swait.ge [sflag:s25], $0x1000  }
0x77: {  	p0 =	por $0x1, $0x1;
	s5 =	simm.s32 $0x700;
	[sflag:s25] =	ssyncset.done $0x0  }
.LBB2_2:
0x78: {  	s10 =	simm.s32 @p0 $0x9;
	[sflag:s25] =	ssyncadd.s32 $0xFFFFF000  }
0x79: {  	[spmem:s2] =	stream.indirect.scatter.add.f32 [tilespmem:s17], [sflag:$0x10], $0x20, s9, s16, $0xb8;
	[tilespmem:$0x17000] =	vst v63  }
0x7a: {  	_ =	swait.ge @p0 [sflag:s10], $0x1000  }
0x7b: {  	s15 =	simm.s32 @p0 $0x5000;
	s26 =	simm.s32 @p0 $0xA;
	[sflag:s10] =	ssyncset.done @p0 $0x0  }
0x7c: {  	s9 =	simm.s32 @p0 $0x80;
	[sflag:s10] =	ssyncadd.s32 @p0 $0xFFFFF000;
	s10 =	sshra.s32 @p0 s6, $0x2  }
0x7d: {  	[tilespmem:s15], [sflag:$0x1] =	stream.indirect.gather @p0 [spmem:s3], $0x20, s10, s9, $0xb8;
	[tilespmem:$0x17000] =	vst v63  }
0x7e: {  	_ =	swait.ge @p0 [sflag:s26], $0x1000  }
0x7f: {  	s31 =	simm.s32 @p0 $0xB;
	[sflag:s26] =	ssyncset.done @p0 $0x0  }
0x80: {  	s15 =	sadd.s32 @p0 $0x80, s10;
	[sflag:s26] =	ssyncadd.s32 @p0 $0xFFFFF000;
	s26 =	simm.s32 @p0 $0x6000  }
0x81: {  	[tilespmem:s26], [sflag:$0x2] =	stream.indirect.gather @p0 [spmem:s3], $0x20, s15, s9, $0xb8;
	[tilespmem:$0x17000] =	vst v63  }
0x82: {  	_ =	swait.ge @p0 [sflag:s31], $0x1000  }
0x83: {  	s28 =	sadd.s32 @p0 $0x100, s10;
	[sflag:s31] =	ssyncset.done @p0 $0x0  }
0x84: {  	s26 =	simm.s32 @p0 $0x7000;
	[sflag:s31] =	ssyncadd.s32 @p0 $0xFFFFF000;
	s31 =	simm.s32 @p0 $0xC  }
0x85: {  	[tilespmem:s26], [sflag:$0x3] =	stream.indirect.gather @p0 [spmem:s3], $0x20, s28, s9, $0xb8;
	[tilespmem:$0x17000] =	vst v63  }
0x86: {  	_ =	swait.ge @p0 [sflag:s31], $0x1000  }
0x87: {  	s29 =	sadd.s32 @p0 $0x180, s10;
	[sflag:s31] =	ssyncset.done @p0 $0x0  }
0x88: {  	s26 =	simm.s32 @p0 $0x8000;
	s28 =	simm.s32 @p0 $0xD;
	[sflag:s31] =	ssyncadd.s32 @p0 $0xFFFFF000  }
0x89: {  	[tilespmem:s26], [sflag:$0x4] =	stream.indirect.gather @p0 [spmem:s3], $0x20, s29, s9, $0xb8;
	[tilespmem:$0x17000] =	vst v63  }
0x8a: {  	_ =	swait.ge @p0 [sflag:s28], $0x1000  }
0x8b: {  	s30 =	sadd.s32 @p0 $0x200, s10;
	[sflag:s28] =	ssyncset.done @p0 $0x0  }
0x8c: {  	s26 =	simm.s32 @p0 $0x9000;
	[sflag:s28] =	ssyncadd.s32 @p0 $0xFFFFF000;
	s28 =	simm.s32 @p0 $0xE  }
0x8d: {  	[tilespmem:s26], [sflag:$0x5] =	stream.indirect.gather @p0 [spmem:s3], $0x20, s30, s9, $0xb8;
	[tilespmem:$0x17000] =	vst v63  }
0x8e: {  	_ =	swait.ge @p0 [sflag:s28], $0x1000  }
0x8f: {  	s15 =	sadd.s32 @p0 $0x280, s10;
	[sflag:s28] =	ssyncset.done @p0 $0x0  }
0x90: {  	s26 =	simm.s32 @p0 $0xA000;
	[sflag:s28] =	ssyncadd.s32 @p0 $0xFFFFF000;
	s28 =	simm.s32 @p0 $0xF  }
0x91: {  	[tilespmem:s26], [sflag:$0x6] =	stream.indirect.gather @p0 [spmem:s3], $0x20, s15, s9, $0xb8;
	[tilespmem:$0x17000] =	vst v63  }
0x92: {  	_ =	swait.ge @p0 [sflag:s28], $0x1000  }
0x93: {  	s10 =	sadd.s32 @p0 $0x300, s10;
	[sflag:s28] =	ssyncset.done @p0 $0x0  }
0x94: {  	s15 =	simm.s32 @p0 $0xB000;
	s26 =	simm.s32 @p0 $0x10;
	[sflag:s28] =	ssyncadd.s32 @p0 $0xFFFFF000  }
0x95: {  	[tilespmem:s15], [sflag:$0x7] =	stream.indirect.gather @p0 [spmem:s3], $0x20, s10, s9, $0xb8;
	[tilespmem:$0x17000] =	vst v63  }
0x96: {  	_ =	swait.ge @p0 [sflag:s26], $0x1000  }
0x97: {  	s9 =	simm.s32 @!p0 $0x5000;
	[sflag:s26] =	ssyncset.done @p0 $0x0  }
0x98: {  	s10 =	sshra.s32 @!p0 s6, $0x2;
	s15 =	simm.s32 @!p0 $0x80;
	[sflag:s26] =	ssyncadd.s32 @p0 $0xFFFFF000  }
0x99: {  	[tilespmem:s9], [sflag:$0x1] =	stream.indirect.gather @!p0 [spmem:s3], $0x20, s10, s15, $0xb8;
	[tilespmem:$0x17000] =	vst v63  }
0x9a: {  	s9 =	simm.s32 @!p0 $0x6000  }
0x9b: {  	[tilespmem:s9], [sflag:$0x2] =	stream.indirect.gather @!p0 [spmem:s3], $0x20, s15, s15, $0xb8;
	[tilespmem:$0x17000] =	vst v63  }
0x9c: {  	s10 =	simm.s32 @!p0 $0x7000;
	s9 =	simm.s32 @!p0 $0x100  }
0x9d: {  	[tilespmem:s10], [sflag:$0x3] =	stream.indirect.gather @!p0 [spmem:s3], $0x20, s9, s15, $0xb8;
	[tilespmem:$0x17000] =	vst v63  }
0x9e: {  	s9 =	simm.s32 @!p0 $0x180;
	s10 =	simm.s32 @!p0 $0x8000  }
0x9f: {  	[tilespmem:s10], [sflag:$0x4] =	stream.indirect.gather @!p0 [spmem:s3], $0x20, s9, s15, $0xb8;
	[tilespmem:$0x17000] =	vst v63  }
0xa0: {  	s9 =	simm.s32 @!p0 $0x200;
	s10 =	simm.s32 @!p0 $0x9000  }
0xa1: {  	[tilespmem:s10], [sflag:$0x5] =	stream.indirect.gather @!p0 [spmem:s3], $0x20, s9, s15, $0xb8;
	[tilespmem:$0x17000] =	vst v63  }
0xa2: {  	s9 =	simm.s32 @!p0 $0x280;
	s10 =	simm.s32 @!p0 $0xA000  }
0xa3: {  	[tilespmem:s10], [sflag:$0x6] =	stream.indirect.gather @!p0 [spmem:s3], $0x20, s9, s15, $0xb8;
	[tilespmem:$0x17000] =	vst v63  }
0xa4: {  	s26 =	simm.s32 @!p0 $0xB000;
	s10 =	simm.s32 @!p0 $0x300;
	s9 =	sshra.s32 s6, $0x2  }
0xa5: {  	[tilespmem:s26], [sflag:$0x7] =	stream.indirect.gather @!p0 [spmem:s3], $0x20, s10, s15, $0xb8;
	[tilespmem:$0x17000] =	vst v63  }
0xa6: {  	s29 =	sadd.s32 $0x380, s9  }
0xa7: {  	[tilespmem:s17], [sflag:$0x8] =	stream.indirect.gather [spmem:s3], $0x20, s29, s16, $0xb8;
	[tilespmem:$0x17000] =	vst v63  }
0xa8: {  	_ =	swait.ge [sflag:s18], $0x1000  }
0xa9: {  	s8 =	smov.u32 s7;
	[sflag:s18] =	ssyncset.done $0x0  }
0xaa: {  	s31 =	sadd.s32 $0x2800, s9;
	s30 =	rddreg [dreg:$0x5];
	[sflag:s18] =	ssyncadd.s32 $0xFFFFF000  }
0xab: {  	[spmem:s2] =	stream.indirect.scatter.add.f32 [tilespmem:s30], [sflag:$0x9], $0x20, s31, s16, $0xb8;
	[tilespmem:$0x17000] =	vst v63  }
0xac: {  	s6 =	smov.u32 s8;
	s8 =	sadd.s32 @p0 $0xFFFFFD80, s5;
	_ =	swait.ge [sflag:s19], $0x1000  }
0xad: {  	s8 =	simm.s32 @!p0 $0x80;
	[sflag:s19] =	ssyncset.done $0x0  }
0xae: {  	s8 =	sadd.s32 $0x2800, s8;
	s15 =	rddreg [dreg:$0x6];
	[sflag:s19] =	ssyncadd.s32 $0xFFFFF000  }
0xaf: {  	[spmem:s2] =	stream.indirect.scatter.add.f32 [tilespmem:s15], [sflag:$0xA], $0x20, s8, s16, $0xb8;
	[tilespmem:$0x17000] =	vst v63  }
0xb0: {  	s8 =	sadd.s32 @p0 $0xFFFFFE00, s5;
	_ =	swait.ge [sflag:s20], $0x1000  }
0xb1: {  	s8 =	simm.s32 @!p0 $0x100;
	[sflag:s20] =	ssyncset.done $0x0  }
0xb2: {  	s26 =	rddreg [dreg:$0x7];
	s8 =	sadd.s32 $0x2800, s8;
	[sflag:s20] =	ssyncadd.s32 $0xFFFFF000  }
0xb3: {  	[spmem:s2] =	stream.indirect.scatter.add.f32 [tilespmem:s26], [sflag:$0xB], $0x20, s8, s16, $0xb8;
	[tilespmem:$0x17000] =	vst v63  }
0xb4: {  	s8 =	sadd.s32 @p0 $0xFFFFFE80, s5;
	_ =	swait.ge [sflag:s21], $0x1000  }
0xb5: {  	s8 =	simm.s32 @!p0 $0x180;
	[sflag:s21] =	ssyncset.done $0x0  }
0xb6: {  	s28 =	rddreg [dreg:$0x8];
	s8 =	sadd.s32 $0x2800, s8;
	[sflag:s21] =	ssyncadd.s32 $0xFFFFF000  }
0xb7: {  	[spmem:s2] =	stream.indirect.scatter.add.f32 [tilespmem:s28], [sflag:$0xC], $0x20, s8, s16, $0xb8;
	[tilespmem:$0x17000] =	vst v63  }
0xb8: {  	s8 =	sadd.s32 @p0 $0xFFFFFF00, s5;
	_ =	swait.ge [sflag:s22], $0x1000  }
0xb9: {  	s8 =	simm.s32 @!p0 $0x200;
	[sflag:s22] =	ssyncset.done $0x0  }
0xba: {  	s29 =	rddreg [dreg:$0x9];
	s8 =	sadd.s32 $0x2800, s8;
	[sflag:s22] =	ssyncadd.s32 $0xFFFFF000  }
0xbb: {  	[spmem:s2] =	stream.indirect.scatter.add.f32 [tilespmem:s29], [sflag:$0xD], $0x20, s8, s16, $0xb8;
	[tilespmem:$0x17000] =	vst v63  }
0xbc: {  	s8 =	sadd.s32 @p0 $0xFFFFFF80, s5;
	_ =	swait.ge [sflag:s23], $0x1000  }
0xbd: {  	s7 =	sadd.s32 $0x1000, s7;
	s8 =	simm.s32 @!p0 $0x280;
	[sflag:s23] =	ssyncset.done $0x0  }
0xbe: {  	s30 =	rddreg [dreg:$0xa];
	s8 =	sadd.s32 $0x2800, s8;
	[sflag:s23] =	ssyncadd.s32 $0xFFFFF000  }
0xbf: {  	[spmem:s2] =	stream.indirect.scatter.add.f32 [tilespmem:s30], [sflag:$0xE], $0x20, s8, s16, $0xb8;
	[tilespmem:$0x17000] =	vst v63  }
0xc0: {  	p1 =	sne.s32 s7, $0xA000;
	s10 =	smov.u32 s5;
	_ =	swait.ge [sflag:s24], $0x1000  }
.Ltmp0:
0xc1: {  	s10 =	simm.s32 @!p0 $0x300;
	[sflag:s24] =	ssyncset.done $0x0;
	(pc) =	sbr.rel @p1 .LBB2_2-.Ltmp0, $4  }
0xc2: {  	s10 =	sadd.s32 $0x2800, s10;
	s31 =	rddreg [dreg:$0xb];
	[sflag:s24] =	ssyncadd.s32 $0xFFFFF000  }
0xc3: {  	[spmem:s2] =	stream.indirect.scatter.add.f32 [tilespmem:s31], [sflag:$0xF], $0x20, s10, s16, $0xb8;
	[tilespmem:$0x17000] =	vst v63  }
0xc4: {  	s9 =	sadd.s32 $0x2B80, s9;
	_ =	swait.ge [sflag:s25], $0x1000  }
0xc5: {  	s5 =	sadd.s32 $0x400, s5;
	p0 =	sne.s32 s6, $0x0;
	[sflag:s25] =	ssyncset.done $0x0  }
0xc6: {  	s7 =	simm.s32 @p0 $0x9;
	[sflag:s25] =	ssyncadd.s32 $0xFFFFF000  }
0xc7: {  	[spmem:s2] =	stream.indirect.scatter.add.f32 [tilespmem:s17], [sflag:$0x10], $0x20, s9, s16, $0xb8;
	[tilespmem:$0x17000] =	vst v63  }
0xc8: {  	_ =	swait.ge @p0 [sflag:s7], $0x1000  }
0xc9: {  	s8 =	simm.s32 @p0 $0x5000;
	s10 =	simm.s32 @p0 $0x80;
	[sflag:s7] =	ssyncset.done @p0 $0x0  }
0xca: {  	s9 =	simm.s32 @p0 $0xA;
	[sflag:s7] =	ssyncadd.s32 @p0 $0xFFFFF000;
	s7 =	sshra.s32 @p0 s6, $0x2  }
0xcb: {  	[tilespmem:s8], [sflag:$0x1] =	stream.indirect.gather @p0 [spmem:s3], $0x20, s7, s10, $0xb8;
	[tilespmem:$0x17000] =	vst v63  }
0xcc: {  	_ =	swait.ge @p0 [sflag:s9], $0x1000  }
0xcd: {  	[sflag:s9] =	ssyncset.done @p0 $0x0  }
0xce: {  	s8 =	sadd.s32 @p0 $0x80, s7;
	[sflag:s9] =	ssyncadd.s32 @p0 $0xFFFFF000;
	s9 =	simm.s32 @p0 $0x6000  }
0xcf: {  	[tilespmem:s9], [sflag:$0x2] =	stream.indirect.gather @p0 [spmem:s3], $0x20, s8, s10, $0xb8;
	[tilespmem:$0x17000] =	vst v63  }
0xd0: {  	s8 =	simm.s32 @p0 $0xB  }
0xd1: {  	_ =	swait.ge @p0 [sflag:s8], $0x1000  }
0xd2: {  	[sflag:s8] =	ssyncset.done @p0 $0x0  }
0xd3: {  	s9 =	sadd.s32 @p0 $0x100, s7;
	[sflag:s8] =	ssyncadd.s32 @p0 $0xFFFFF000;
	s8 =	simm.s32 @p0 $0x7000  }
0xd4: {  	[tilespmem:s8], [sflag:$0x3] =	stream.indirect.gather @p0 [spmem:s3], $0x20, s9, s10, $0xb8;
	[tilespmem:$0x17000] =	vst v63  }
0xd5: {  	s8 =	simm.s32 @p0 $0xC  }
0xd6: {  	_ =	swait.ge @p0 [sflag:s8], $0x1000  }
0xd7: {  	[sflag:s8] =	ssyncset.done @p0 $0x0  }
0xd8: {  	s9 =	sadd.s32 @p0 $0x180, s7;
	[sflag:s8] =	ssyncadd.s32 @p0 $0xFFFFF000;
	s8 =	simm.s32 @p0 $0x8000  }
0xd9: {  	[tilespmem:s8], [sflag:$0x4] =	stream.indirect.gather @p0 [spmem:s3], $0x20, s9, s10, $0xb8;
	[tilespmem:$0x17000] =	vst v63  }
0xda: {  	s8 =	simm.s32 @p0 $0xD  }
0xdb: {  	_ =	swait.ge @p0 [sflag:s8], $0x1000  }
0xdc: {  	[sflag:s8] =	ssyncset.done @p0 $0x0  }
0xdd: {  	s9 =	sadd.s32 @p0 $0x200, s7;
	[sflag:s8] =	ssyncadd.s32 @p0 $0xFFFFF000;
	s8 =	simm.s32 @p0 $0x9000  }
0xde: {  	[tilespmem:s8], [sflag:$0x5] =	stream.indirect.gather @p0 [spmem:s3], $0x20, s9, s10, $0xb8;
	[tilespmem:$0x17000] =	vst v63  }
0xdf: {  	s8 =	simm.s32 @p0 $0xE  }
0xe0: {  	_ =	swait.ge @p0 [sflag:s8], $0x1000  }
0xe1: {  	[sflag:s8] =	ssyncset.done @p0 $0x0  }
0xe2: {  	s9 =	sadd.s32 @p0 $0x280, s7;
	[sflag:s8] =	ssyncadd.s32 @p0 $0xFFFFF000;
	s8 =	simm.s32 @p0 $0xA000  }
0xe3: {  	[tilespmem:s8], [sflag:$0x6] =	stream.indirect.gather @p0 [spmem:s3], $0x20, s9, s10, $0xb8;
	[tilespmem:$0x17000] =	vst v63  }
0xe4: {  	s8 =	simm.s32 @p0 $0xF  }
0xe5: {  	_ =	swait.ge @p0 [sflag:s8], $0x1000  }
0xe6: {  	[sflag:s8] =	ssyncset.done @p0 $0x0  }
0xe7: {  	s7 =	sadd.s32 @p0 $0x300, s7;
	[sflag:s8] =	ssyncadd.s32 @p0 $0xFFFFF000;
	s8 =	simm.s32 @p0 $0xB000  }
0xe8: {  	[tilespmem:s8], [sflag:$0x7] =	stream.indirect.gather @p0 [spmem:s3], $0x20, s7, s10, $0xb8;
	[tilespmem:$0x17000] =	vst v63  }
0xe9: {  	s7 =	simm.s32 @p0 $0x10  }
0xea: {  	_ =	swait.ge @p0 [sflag:s7], $0x1000  }
0xeb: {  	s9 =	simm.s32 @!p0 $0x80;
	[sflag:s7] =	ssyncset.done @p0 $0x0  }
0xec: {  	s8 =	simm.s32 @!p0 $0x5000;
	[sflag:s7] =	ssyncadd.s32 @p0 $0xFFFFF000;
	s7 =	sshra.s32 @!p0 s6, $0x2  }
0xed: {  	[tilespmem:s8], [sflag:$0x1] =	stream.indirect.gather @!p0 [spmem:s3], $0x20, s7, s9, $0xb8;
	[tilespmem:$0x17000] =	vst v63  }
0xee: {  	s7 =	simm.s32 @!p0 $0x6000  }
0xef: {  	[tilespmem:s7], [sflag:$0x2] =	stream.indirect.gather @!p0 [spmem:s3], $0x20, s9, s9, $0xb8;
	[tilespmem:$0x17000] =	vst v63  }
0xf0: {  	s8 =	simm.s32 @!p0 $0x7000;
	s7 =	simm.s32 @!p0 $0x100  }
0xf1: {  	[tilespmem:s8], [sflag:$0x3] =	stream.indirect.gather @!p0 [spmem:s3], $0x20, s7, s9, $0xb8;
	[tilespmem:$0x17000] =	vst v63  }
0xf2: {  	s7 =	simm.s32 @!p0 $0x180;
	s8 =	simm.s32 @!p0 $0x8000  }
0xf3: {  	[tilespmem:s8], [sflag:$0x4] =	stream.indirect.gather @!p0 [spmem:s3], $0x20, s7, s9, $0xb8;
	[tilespmem:$0x17000] =	vst v63  }
0xf4: {  	s7 =	simm.s32 @!p0 $0x200;
	s8 =	simm.s32 @!p0 $0x9000  }
0xf5: {  	[tilespmem:s8], [sflag:$0x5] =	stream.indirect.gather @!p0 [spmem:s3], $0x20, s7, s9, $0xb8;
	[tilespmem:$0x17000] =	vst v63  }
0xf6: {  	s7 =	simm.s32 @!p0 $0x280;
	s8 =	simm.s32 @!p0 $0xA000  }
0xf7: {  	[tilespmem:s8], [sflag:$0x6] =	stream.indirect.gather @!p0 [spmem:s3], $0x20, s7, s9, $0xb8;
	[tilespmem:$0x17000] =	vst v63  }
0xf8: {  	s6 =	sshra.s32 s6, $0x2;
	s7 =	simm.s32 @!p0 $0x300;
	s8 =	simm.s32 @!p0 $0xB000  }
0xf9: {  	[tilespmem:s8], [sflag:$0x7] =	stream.indirect.gather @!p0 [spmem:s3], $0x20, s7, s9, $0xb8;
	[tilespmem:$0x17000] =	vst v63  }
0xfa: {  	s9 =	sadd.s32 $0x380, s6  }
0xfb: {  	[tilespmem:s17], [sflag:$0x8] =	stream.indirect.gather [spmem:s3], $0x20, s9, s16, $0xb8;
	[tilespmem:$0x17000] =	vst v63  }
0xfc: {  	_ =	swait.ge [sflag:s18], $0x1000  }
0xfd: {  	[sflag:s18] =	ssyncset.done $0x0  }
0xfe: {  	s15 =	sadd.s32 $0x2800, s6;
	s10 =	rddreg [dreg:$0x5];
	[sflag:s18] =	ssyncadd.s32 $0xFFFFF000  }
0xff: {  	[spmem:s2] =	stream.indirect.scatter.add.f32 [tilespmem:s10], [sflag:$0x9], $0x20, s15, s16, $0xb8;
	[tilespmem:$0x17000] =	vst v63  }
0x100: {  	s7 =	sadd.s32 @p0 $0xFFFFFD80, s5;
	_ =	swait.ge [sflag:s19], $0x1000  }
0x101: {  	s7 =	simm.s32 @!p0 $0x80;
	[sflag:s19] =	ssyncset.done $0x0  }
0x102: {  	s7 =	sadd.s32 $0x2800, s7;
	s26 =	rddreg [dreg:$0x6];
	[sflag:s19] =	ssyncadd.s32 $0xFFFFF000  }
0x103: {  	[spmem:s2] =	stream.indirect.scatter.add.f32 [tilespmem:s26], [sflag:$0xA], $0x20, s7, s16, $0xb8;
	[tilespmem:$0x17000] =	vst v63  }
0x104: {  	s7 =	sadd.s32 @p0 $0xFFFFFE00, s5;
	_ =	swait.ge [sflag:s20], $0x1000  }
0x105: {  	s7 =	simm.s32 @!p0 $0x100;
	[sflag:s20] =	ssyncset.done $0x0  }
0x106: {  	s28 =	rddreg [dreg:$0x7];
	s7 =	sadd.s32 $0x2800, s7;
	[sflag:s20] =	ssyncadd.s32 $0xFFFFF000  }
0x107: {  	[spmem:s2] =	stream.indirect.scatter.add.f32 [tilespmem:s28], [sflag:$0xB], $0x20, s7, s16, $0xb8;
	[tilespmem:$0x17000] =	vst v63  }
0x108: {  	s7 =	sadd.s32 @p0 $0xFFFFFE80, s5;
	_ =	swait.ge [sflag:s21], $0x1000  }
0x109: {  	s7 =	simm.s32 @!p0 $0x180;
	[sflag:s21] =	ssyncset.done $0x0  }
0x10a: {  	s29 =	rddreg [dreg:$0x8];
	s7 =	sadd.s32 $0x2800, s7;
	[sflag:s21] =	ssyncadd.s32 $0xFFFFF000  }
0x10b: {  	[spmem:s2] =	stream.indirect.scatter.add.f32 [tilespmem:s29], [sflag:$0xC], $0x20, s7, s16, $0xb8;
	[tilespmem:$0x17000] =	vst v63  }
0x10c: {  	s7 =	sadd.s32 @p0 $0xFFFFFF00, s5;
	_ =	swait.ge [sflag:s22], $0x1000  }
0x10d: {  	s7 =	simm.s32 @!p0 $0x200;
	[sflag:s22] =	ssyncset.done $0x0  }
0x10e: {  	s30 =	rddreg [dreg:$0x9];
	s7 =	sadd.s32 $0x2800, s7;
	[sflag:s22] =	ssyncadd.s32 $0xFFFFF000  }
0x10f: {  	[spmem:s2] =	stream.indirect.scatter.add.f32 [tilespmem:s30], [sflag:$0xD], $0x20, s7, s16, $0xb8;
	[tilespmem:$0x17000] =	vst v63  }
0x110: {  	s7 =	sadd.s32 @p0 $0xFFFFFF80, s5;
	_ =	swait.ge [sflag:s23], $0x1000  }
0x111: {  	s7 =	simm.s32 @!p0 $0x280;
	[sflag:s23] =	ssyncset.done $0x0  }
0x112: {  	s31 =	rddreg [dreg:$0xa];
	s7 =	sadd.s32 $0x2800, s7;
	[sflag:s23] =	ssyncadd.s32 $0xFFFFF000  }
0x113: {  	[spmem:s2] =	stream.indirect.scatter.add.f32 [tilespmem:s31], [sflag:$0xE], $0x20, s7, s16, $0xb8;
	[tilespmem:$0x17000] =	vst v63  }
0x114: {  	_ =	swait.ge [sflag:s24], $0x1000  }
0x115: {  	s5 =	simm.s32 @!p0 $0x300;
	[sflag:s24] =	ssyncset.done $0x0  }
0x116: {  	s5 =	sadd.s32 $0x2800, s5;
	s8 =	rddreg [dreg:$0xb];
	[sflag:s24] =	ssyncadd.s32 $0xFFFFF000  }
0x117: {  	[spmem:s2] =	stream.indirect.scatter.add.f32 [tilespmem:s8], [sflag:$0xF], $0x20, s5, s16, $0xb8;
	[tilespmem:$0x17000] =	vst v63  }
0x118: {  	_ =	swait.ge [sflag:s25], $0x1000  }
0x119: {  	[sflag:s25] =	ssyncset.done $0x0  }
0x11a: {  	s9 =	sadd.s32 $0x2B80, s6;
	s10 =	simm.s32 $0x9;
	[sflag:s25] =	ssyncadd.s32 $0xFFFFF000  }
0x11b: {  	[spmem:s2] =	stream.indirect.scatter.add.f32 [tilespmem:s17], [sflag:$0x10], $0x20, s9, s16, $0xb8;
	[tilespmem:$0x17000] =	vst v63  }
0x11c: {  	_ =	swait.ge [sflag:s10], $0x1000  }
0x11d: {  	[sflag:s10] =	ssyncset.done $0x0  }
0x11e: {  	s15 =	simm.s32 $0xA;
	[sflag:s10] =	ssyncadd.s32 $0xFFFFF000  }
0x11f: {  	_ =	swait.ge [sflag:s15], $0x1000  }
0x120: {  	[sflag:s15] =	ssyncset.done $0x0  }
0x121: {  	s26 =	simm.s32 $0xB;
	[sflag:s15] =	ssyncadd.s32 $0xFFFFF000  }
0x122: {  	_ =	swait.ge [sflag:s26], $0x1000  }
0x123: {  	[sflag:s26] =	ssyncset.done $0x0  }
0x124: {  	s28 =	simm.s32 $0xC;
	[sflag:s26] =	ssyncadd.s32 $0xFFFFF000  }
0x125: {  	_ =	swait.ge [sflag:s28], $0x1000  }
0x126: {  	[sflag:s28] =	ssyncset.done $0x0  }
0x127: {  	s29 =	simm.s32 $0xD;
	[sflag:s28] =	ssyncadd.s32 $0xFFFFF000  }
0x128: {  	_ =	swait.ge [sflag:s29], $0x1000  }
0x129: {  	[sflag:s29] =	ssyncset.done $0x0  }
0x12a: {  	[sflag:s29] =	ssyncadd.s32 $0xFFFFF000  }
0x12b: {  	_ =	swait.ge [sflag:s1], $0x1000  }
0x12c: {  	[sflag:s1] =	ssyncset.done $0x0  }
0x12d: {  	[sflag:s1] =	ssyncadd.s32 $0xFFFFF000  }
0x12e: {  	_ =	swait.ge [sflag:s0], $0x1000  }
0x12f: {  	[sflag:s0] =	ssyncset.done $0x0  }
0x130: {  	[sflag:s0] =	ssyncadd.s32 $0xFFFFF000  }
0x131: {  	_ =	swait.ge [sflag:s12], $0x1000  }
0x132: {  	[sflag:s12] =	ssyncset.done $0x0  }
0x133: {  	[sflag:s12] =	ssyncadd.s32 $0xFFFFF000  }
0x134: {  	[bflag:$0x0] =	sbarrier.arrive $0xFFFF  }
0x135: {  	s30 =	rddreg [dreg:$0x10]  }
0x136: {  	[hbm:s30], [sflag:s13] =	dma.local [spmem:s14], $0xA00  }
0x137: {  	_ =	swait.ge [sflag:s11], $0xA00  }
0x138: {  	s4 =	sadd.s32 $0x1, s4;
	s31 =	rddreg [dreg:$0x11]  }
0x139: {  	p0 =	sne.s32 s4, s31  }
.Ltmp1:
0x13a: {  	_ = 	snop;
	(pc) =	sbr.rel @p0 .LBB2_1-.Ltmp1, $3  }
0x13b: {  	_ =	sdelay $0x1  }
0x13c: {  	[sflag:s11] =	ssyncset.done $0x0  }
0x13d: {  	[sflag:s11] =	ssyncadd.s32 $0xFFFFF600  }
0x13e: {  	_ =	sfence.sel $0x180000  }
0x13f: {  	[bflag:$0x0] =	sbarrier.arrive $0xFFFF  }
0x140: {  	_ =	strace $0x9000004A  }
0x141: {  	s0 =	stileid.u32;
	[bflag:$0x2] =	sbarrier.arrive $0xFFFF  }
0x142: {  	p0 =	sne.s32 s0, $0x0;
	s0 =	rddreg [dreg:$0x4]  }
0x143: {  	s0 =	sadd.s32 @!p0 $0x100000, s0  }
0x144: {  	[sflag:s0] =	ssyncadd.tile.s32 @!p0 $0x1;
	_ =	shalt  }
.Lfunc_end2:
_tile_overlayer_lowered:
.L_overlay_start_2:
0x145: {  	(tag) =	ssettag $0x2  }
0x146: {  	s0 =	rddreg [dreg:$0x0];
	s2 =	stileid.u32  }
0x147: {  	s1 =	rddreg [dreg:$0x1];
	p0 =	sne.s32 s2, $0x0  }
0x148: {  	s3 =	rddreg [dreg:$0x2];
	[bflag:$0x3] =	sbarrier.arrive $0xFFFF;
	s2 =	simm.s32 @!p0 $0x1C11  }
0x149: {  	[timem:s3], [sflag:s2] =	dma.local @!p0 [hbm:s0], s1  }
0x14a: {  	s0 =	simm.s32 @!p0 $0x11  }
0x14b: {  	_ =	swait.ge @!p0 [sflag:s0], s1  }
0x14c: {  	s1 =	ssub.s32 @!p0 $0x0, s1;
	[sflag:s0] =	ssyncset.done @!p0 $0x0  }
0x14d: {  	[sflag:s0] =	ssyncadd.s32 @!p0 s1  }
0x14e: {  	[bflag:$0x3] =	sbarrier.arrive $0xFFFF  }
0x14f: {  	_ =	shalt  }

// kernel: kernel.15.cloned.1.call-start
scs
__scs_entry_jumppad:
0x0: {  	(pc) =	sbr.rel $0x88, $3  }
0x1: {  	(tag) =	ssettag $0x0;
	lr =	simm.s32 $0x1  }
0x2: {  	[smem:$0x3F99] =	sst lr;
	_ =	strace $0xD0000000  }
0x3: {  	_ = 	snop  }
0x4: {  	_ = 	snop  }
0x5: {  	_ = 	snop  }
0x6: {  	_ = 	snop  }
0x7: {  	_ = 	snop  }
__scs_overlays_trampoline_lowered:
0x8: {  	[smem:$0x3FA8] =	sst s0  }
0x9: {  	[smem:$0x3FA9] =	sst s1  }
0xa: {  	[smem:$0x3FAA] =	sst s2  }
0xb: {  	[smem:$0x3FAB] =	sst s3  }
0xc: {  	[smem:$0x3FAC] =	sst s4  }
0xd: {  	[smem:$0x3FAD] =	sst s5  }
0xe: {  	[smem:$0x3FAE] =	sst s6  }
0xf: {  	[smem:$0x3FAF] =	sst s7  }
0x10: {  	[smem:$0x3FB0] =	sst s8  }
0x11: {  	[smem:$0x3FB1] =	sst s9;
	s0 =	simm.s32 @!p0 $0x0  }
0x12: {  	s1 =	sld [smem:$0x3F97];
	s0 =	simm.s32 @p0 $0x1  }
0x13: {  	[smem:$0x3FB2] =	sst s0;
	s0 =	simm.s32 @!p1 $0x0  }
0x14: {  	s2 =	sld [smem:$0x3F96];
	s0 =	simm.s32 @p1 $0x1  }
0x15: {  	[smem:$0x3FB3] =	sst s0;
	s0 =	simm.s32 @!p2 $0x0  }
0x16: {  	s3 =	sld [smem:$0x3FDB];
	s0 =	simm.s32 @p2 $0x1  }
0x17: {  	s4 =	simm.s32 $0x1BF5;
	[smem:$0x3FB5] =	sst s0  }
0x18: {  	s0 =	sld [smem:$0x3F98];
	_ =	swait.ge [sflag:s4], $0x0  }
0x19: {  	s7 =	sld [smem:$0x3F99]  }
0x1a: {  	s8 =	sadd.s32 $0xFFFFE003, lr  }
0x1b: {  	s9 =	sadd.s32 $0xFFFFFEF7, lr;
	s5 =	simm.s32 $0xFFFFFFFF;
	p2 =	slt.u32 s8, $0xFFFFF086  }
0x1c: {  	p1 =	slt.u32 s9, $0xF7A;
	s5 =	simm.s32 @!p2 $0x0  }
0x1d: {  	s5 =	simm.s32 @p1 $0x1;
	p0 =	seq.s32 s7, s2  }
0x1e: {  	s7 =	smul.u32 @!p0 $0xF7A, s2;
	p2 =	seq.s32 @!p0 s5, $0x0  }
0x1f: {  	s9 =	smul.u32 $0xF7A, s1;
	s8 =	simm.s32 @!p0 $0x1BF5;
	p2 =	por !p2, p0  }
0x20: {  	[sflag:s8] =	ssyncset.s32 @!p0 $0xFFFFF086;
	s6 =	sadd.s32 @!p0 s3, s7;
	s7 =	simm.s32 @!p0 $0x108  }
0x21: {  	s3 =	sadd.s32 s3, s9;
	s6 =	sadd.s32 @!p0 $0x88, s6;
	s7 =	simm.s32 @p2 $0x1082  }
0x22: {  	[simem:s7], [sflag:s8] =	dma.local @!p0 [hbm:s6], $0xF7A  }
0x23: {  	s9 =	sor.u32 $0xD0000000, s2;
	s6 =	simm.s32 $0x108;
	_ =	swait.ge @!p0 [sflag:s8], $0x0  }
0x24: {  	s3 =	sadd.s32 $0x88, s3;
	s6 =	simm.s32 @!p1 $0x1082;
	[sflag:s4] =	ssyncset.s32 $0xFFFFF086  }
0x25: {  	[simem:s6], [sflag:s4] =	dma.local [hbm:s3], $0xF7A  }
0x26: {  	[smem:$0x3F99] =	sst s1;
	(tag) =	ssettag s2;
	_ =	strace s9  }
0x27: {  	s1 =	sld [smem:$0x3FA9]  }
0x28: {  	s2 =	sld [smem:$0x3FAA]  }
0x29: {  	s4 =	sld [smem:$0x3FAC]  }
0x2a: {  	p0 =	seq.s32 s5, $0x0;
	s5 =	sld [smem:$0x3FAD]  }
0x2b: {  	s6 =	sld [smem:$0x3FAE]  }
0x2c: {  	s7 =	sld [smem:$0x3FAF]  }
0x2d: {  	s3 =	simm.s32 $0x108;
	s8 =	sld [smem:$0x3FB0]  }
0x2e: {  	s3 =	simm.s32 @!p0 $0x1082;
	s9 =	sld [smem:$0x3FB1]  }
0x2f: {  	lr =	sadd.s32 s0, s3;
	s0 =	sld [smem:$0x3FA8]  }
0x30: {  	s3 =	sld [smem:$0x3FAB]  }
0x31: {  	[smem:$0x3FB4] =	sst s10  }
0x32: {  	s10 =	sld [smem:$0x3FB2];
	_ =	sdelay $0x3  }
0x33: {  	p0 =	seq.s32 s10, $0x1;
	s10 =	sld [smem:$0x3FB4];
	_ =	sdelay $0x3  }
0x34: {  	[smem:$0x3FB4] =	sst s10  }
0x35: {  	s10 =	sld [smem:$0x3FB3];
	_ =	sdelay $0x3  }
0x36: {  	p1 =	seq.s32 s10, $0x1;
	s10 =	sld [smem:$0x3FB4];
	_ =	sdelay $0x3  }
0x37: {  	[smem:$0x3FB4] =	sst s10  }
0x38: {  	s10 =	sld [smem:$0x3FB5]  }
0x39: {  	_ = 	snop;
	(pc) =	sbr.ind lr, $3  }
0x3a: {  	_ = 	snop  }
0x3b: {  	_ = 	snop  }
0x3c: {  	p2 =	seq.s32 s10, $0x1;
	s10 =	sld [smem:$0x3FB4]  }
0x3d: {  	_ =	shalt  }
0x3e: {  	_ =	shalt  }
0x3f: {  	_ =	shalt  }
0x40: {  	_ =	shalt  }
0x41: {  	_ =	shalt  }
0x42: {  	_ =	shalt  }
0x43: {  	_ =	shalt  }
0x44: {  	_ =	shalt  }
0x45: {  	_ =	shalt  }
0x46: {  	_ =	shalt  }
0x47: {  	_ =	shalt  }
0x48: {  	_ =	shalt  }
0x49: {  	_ =	shalt  }
0x4a: {  	_ =	shalt  }
0x4b: {  	_ =	shalt  }
0x4c: {  	_ =	shalt  }
0x4d: {  	_ =	shalt  }
0x4e: {  	_ =	shalt  }
0x4f: {  	_ =	shalt  }
0x50: {  	_ =	shalt  }
0x51: {  	_ =	shalt  }
0x52: {  	_ =	shalt  }
0x53: {  	_ =	shalt  }
0x54: {  	_ =	shalt  }
0x55: {  	_ =	shalt  }
0x56: {  	_ =	shalt  }
0x57: {  	_ =	shalt  }
0x58: {  	_ =	shalt  }
0x59: {  	_ =	shalt  }
0x5a: {  	_ =	shalt  }
0x5b: {  	_ =	shalt  }
0x5c: {  	_ =	shalt  }
0x5d: {  	_ =	shalt  }
0x5e: {  	_ =	shalt  }
0x5f: {  	_ =	shalt  }
0x60: {  	_ =	shalt  }
0x61: {  	_ =	shalt  }
0x62: {  	_ =	shalt  }
0x63: {  	_ =	shalt  }
0x64: {  	_ =	shalt  }
0x65: {  	_ =	shalt  }
0x66: {  	_ =	shalt  }
0x67: {  	_ =	shalt  }
0x68: {  	_ =	shalt  }
0x69: {  	_ =	shalt  }
0x6a: {  	_ =	shalt  }
0x6b: {  	_ =	shalt  }
0x6c: {  	_ =	shalt  }
0x6d: {  	_ =	shalt  }
0x6e: {  	_ =	shalt  }
0x6f: {  	_ =	shalt  }
0x70: {  	_ =	shalt  }
0x71: {  	_ =	shalt  }
0x72: {  	_ =	shalt  }
0x73: {  	_ =	shalt  }
0x74: {  	_ =	shalt  }
0x75: {  	_ =	shalt  }
0x76: {  	_ =	shalt  }
0x77: {  	_ =	shalt  }
0x78: {  	_ =	shalt  }
0x79: {  	_ =	shalt  }
0x7a: {  	_ =	shalt  }
0x7b: {  	_ =	shalt  }
0x7c: {  	_ =	shalt  }
0x7d: {  	_ =	shalt  }
0x7e: {  	_ =	shalt  }
0x7f: {  	_ =	shalt  }
0x80: {  	_ =	shalt  }
0x81: {  	_ =	shalt  }
0x82: {  	_ =	shalt  }
0x83: {  	_ =	shalt  }
0x84: {  	_ =	shalt  }
0x85: {  	_ =	shalt  }
0x86: {  	_ =	shalt  }
0x87: {  	_ =	shalt  }
.Lfunc_end0:
.L_simem_size_0:
called_computation.2_lowered:
.L_overlay_start_0:
0x88: {  	s2 =	sld [smem:$0x3FD9]  }
0x89: {  	s3 =	sld [smem:$0x3FFE];
	_ =	sdelay $0x1  }
0x8a: {  	s1 =	srdreg.scid  }
0x8b: {  	s0 =	sand.u32 $0x1, s1  }
0x8c: {  	s14 =	sshll.u32 s0, $0xA;
	s2 =	sadd.s32 s3, s2  }
0x8d: {  	s2 =	sadd.s32 s2, s14  }
0x8e: {  	[smem:$0x3FC0] =	sst s2  }
0x8f: {  	_ = 	snop  }
0x90: {  	s2 =	sld [smem:$0x3FD0];
	_ =	sdelay $0x2  }
0x91: {  	s15 =	simm.s32 $0xA;
	s4 =	simm.s32 $0x10  }
0x92: {  	[smem:s4], [sflag:s15] =	dma.local [hbm:s2], $0x1  }
0x93: {  	_ =	swait.eq [sflag:s15], $0x1  }
0x94: {  	s16 =	sld [smem:$0x10];
	[sflag:s15] =	ssyncset.done $0x0  }
0x95: {  	s17 =	sld [smem:$0x11];
	[sflag:s15] =	ssyncadd.s32 $0xFFFFFFFF  }
0x96: {  	s18 =	sld [smem:$0x12];
	(tm) =	ssettm $0x1  }
0x97: {  	s5 =	sld [smem:$0x3FFB];
	_ =	sdelay $0x3  }
0x98: {  	_ =	strace s5  }
0x99: {  	s5 =	sld [smem:$0x3FFC];
	_ =	sdelay $0x3  }
0x9a: {  	_ =	strace s5  }
0x9b: {  	s5 =	sld [smem:$0x3FFD];
	_ =	sdelay $0x3  }
0x9c: {  	_ =	strace s5  }
0x9d: {  	_ =	strace $0x8FFFFFFF  }
0x9e: {  	s19 =	sld [smem:$0x3FDB];
	_ =	sdelay $0x1  }
0x9f: {  	s6 =	simm.s32 $_scs_section_size  }
0xa0: {  	s7 =	simm.s32 $_size__tile_overlayer_lowered;
	s8 =	simm.s32 $_tile_overlayer_lowered  }
0xa1: {  	s22 =	simm.s32 $0x1BFF;
	s21 =	sshll.u32 s8, $0x1;
	s5 =	sadd.s32 s6, s19  }
0xa2: {  	s9 =	simm.s32 $0x0;
	s20 =	sshll.u32 s7, $0x1;
	s7 =	sadd.s32 s21, s5  }
0xa3: {  	[timem:s9], [sflag:s22] =	dma.local [hbm:s7], s20  }
0xa4: {  	_ =	swait.ge [sflag:s22], s20  }
0xa5: {  	s6 =	ssub.s32 $0x0, s20;
	[sflag:s22] =	ssyncset.done $0x0  }
0xa6: {  	[sflag:s22] =	ssyncadd.s32 s6;
	_ =	sdelay $0x1  }
0xa7: {  	s23 =	simm.s32 $0x1B8B  }
0xa8: {  	_ =	swait.ge [sflag:s23], $0x1  }
0xa9: {  	[sflag:s23] =	ssyncset.done $0x0  }
0xaa: {  	s25 =	simm.s32 $0x1B8E;
	s24 =	sld [smem:$0x3FFE];
	[sflag:s23] =	ssyncadd.s32 $0xFFFFFFFF  }
0xab: {  	s26 =	simm.s32 $execute0_lowered;
	[smem:$0x3FD2] =	sst s25  }
0xac: {  	s7 =	sshll.u32 s26, $0x1;
	_ =	strace $0x8000004C;
	[dreg:$0x1] =	wrdreg $0xFFFFFFFF  }
0xad: {  	s28 =	simm.s32 $_size_execute0_lowered;
	s5 =	sadd.s32 s5, s7;
	[dreg:$0x0] =	wrdreg $0x0  }
0xae: {  	s7 =	sshll.u32 s28, $0x1;
	[dreg:$0x2] =	wrdreg s5  }
0xaf: {  	[dreg:$0x3] =	wrdreg s7  }
0xb0: {  	[dreg:$0x4] =	wrdreg $0xC0  }
0xb1: {  	_ =	task [dreg:s9], $0x5FFFF  }
0xb2: {  	[dreg:$0x1] =	wrdreg $0xFFFFFFFF  }
0xb3: {  	[dreg:$0x0] =	wrdreg $0x60  }
0xb4: {  	[dreg:$0x2] =	wrdreg s16  }
0xb5: {  	[dreg:$0x3] =	wrdreg s24  }
0xb6: {  	[dreg:$0x4] =	wrdreg s17  }
0xb7: {  	[dreg:$0x5] =	wrdreg s18  }
0xb8: {  	[dreg:$0x6] =	wrdreg $0x158100  }
0xb9: {  	[dreg:$0x7] =	wrdreg $0x180100  }
0xba: {  	[dreg:$0x8] =	wrdreg $0x9  }
0xbb: {  	_ =	task.clear_ibuf [dreg:s9], $0x9FFFF;
	_ =	strace $0x9000004C  }
0xbc: {  	s29 =	simm.s32 $0x9;
	_ =	strace $0x8000004E  }
0xbd: {  	_ =	swait.ge [sflag:s29], $0x1  }
0xbe: {  	[sflag:s29] =	ssyncadd.s32 $0xFFFFFFFF  }
0xbf: {  	_ =	strace $0x9000004E  }
0xc0: {  	_ =	sfence  }
0xc1: {  	s30 =	sld [smem:$0x0];
	_ =	sdelay $0x2  }
0xc2: {  	s31 =	sshll.u32 s1, $0xD;
	s1 =	sshrl.u32 s1, $0x2  }
0xc3: {  	s3 =	sand.u32 $0x4000, s31;
	s1 =	sadd.s32 s1, s30  }
0xc4: {  	s0 =	sor.u32 s3, s0;
	s1 =	sshll.u32 s1, $0x11  }
0xc5: {  	s0 =	sor.u32 s1, s0  }
0xc6: {  	s0 =	sadd.s32 $0x8F2B, s0  }
0xc7: {  	[sflag:s0] =	ssyncadd.remote.s32 $0x1  }
0xc8: {  	_ =	sfence.sel $0xFFFF  }
0xc9: {  	[dreg:$0x0] =	wrdreg $0xFFFFFFFF;
	(pc) =	sbr.abs _section_cstart, $3  }
0xca: {  	[dreg:$0x1] =	wrdreg $0xFFFFFFFF  }
0xcb: {  	_ =	task.clear_ibuf [dreg:s9], $0x2FFFF;
	_ =	strace $0x9FFFFFFF  }
0xcc: {  	(tm) =	ssettm $0x7FFFFFFF  }
0xcd: {  	_ =	shalt  }
tec
execute0_lowered:
.L_overlay_start_1:
0x0: {  	(tag) =	ssettag $0x1  }
0x1: {  	s0 =	rddreg [dreg:$0x0]  }
0x2: {  	s1 =	rddreg [dreg:$0x1]  }
0x3: {  	s4 =	rddreg [dreg:$0x2]  }
0x4: {  	s5 =	rddreg [dreg:$0x3]  }
0x5: {  	s2 =	rddreg [dreg:$0x4]  }
0x6: {  	s3 =	rddreg [dreg:$0x5];
	s6 =	simm.s32 $0x0;
	s15 =	stileid.u32  }
0x7: {  	s7 =	srdreg.scid;
	s18 =	simm.s32 $0x11;
	s16 =	simm.s32 $0xA000  }
0x8: {  	s19 =	simm.s32 $0xA800;
	s28 =	simm.s32 $0x4;
	s29 =	simm.s32 $0x5  }
0x9: {  	s30 =	simm.s32 $0x6;
	s31 =	simm.s32 $0x7;
	s21 =	smul.u32 $0xA00, s15  }
0xa: {  	[smem:$0x7FF] =	sst s6;
	s8 =	smul.u32 $0x2800, s15;
	s10 =	sand.u32 $0x1, s7  }
0xb: {  	s17 =	sshll.u32 s15, $0x6;
	_ =	strace $0x8000004D;
	s7 =	ssub.s32 $0x2, s10  }
0xc: {  	s13 =	smul.u32 $0x28000, s10;
	s26 =	sshll.u32 s10, $0x1;
	[dreg:$0x7] =	wrdreg s16  }
0xd: {  	p3 =	seq.s32 s10, $0x1;
	s20 =	sor.u32 $0x1C11, s17;
	[dreg:$0x8] =	wrdreg s19  }
0xe: {  	s6 =	sadd.s32 s21, s1;
	s11 =	sshrl.u32 s8, $0x3;
	s23 =	sadd.s32 s8, s2  }
0xf: {  	s9 =	sshrl.u32 s7, $0x1;
	s21 =	simm.s32 $0xB000;
	[dreg:$0x10] =	wrdreg s23  }
0x10: {  	s14 =	ssub.s32 s7, s9;
	s22 =	sadd.s32 $0xC800, s6;
	[dreg:$0x9] =	wrdreg s21  }
0x11: {  	s6 =	sadd.s32 $0x2800, s6;
	s25 =	sadd.s32 s8, s13;
	[dreg:$0xe] =	wrdreg s22  }
0x12: {  	s9 =	sadd.s32 s8, s3;
	s8 =	sadd.s32 s4, s26;
	[dreg:$0xf] =	wrdreg s6  }
0x13: {  	p1 =	seq.s32 @p3 s15, $0xF;
	s10 =	sadd.s32 s5, s11;
	[dreg:$0x14] =	wrdreg s8  }
0x14: {  	s12 =	sadd.s32 s11, s1;
	s11 =	sadd.s32 $0x4B00, s5;
	[dreg:$0x15] =	wrdreg s10  }
0x15: {  	p4 =	seq.s32 @!p3 s15, $0xF;
	s13 =	sadd.s32 $0x25300, s1;
	[dreg:$0x16] =	wrdreg s11  }
0x16: {  	s26 =	simm.s32 $0xD000;
	p0 =	por !p1, !p3;
	[dreg:$0x18] =	wrdreg s13  }
0x17: {  	p1 =	por p1, !p3;
	s24 =	sadd.s32 $0x1B800, s12;
	[dreg:$0xd] =	wrdreg s26  }
0x18: {  	p2 =	por !p4, p3;
	s14 =	smax.u32 s14, $0x1;
	[dreg:$0x11] =	wrdreg s24  }
0x19: {  	p3 =	por p4, p3;
	s22 =	sshrl.u32 s23, $0x3;
	[dreg:$0x19] =	wrdreg s14  }
0x1a: {  	s6 =	sshrl.u32 s25, $0x3;
	s23 =	simm.s32 $0xB800;
	[dreg:$0x1a] =	wrdreg s22  }
0x1b: {  	s25 =	simm.s32 $0xC800;
	s26 =	simm.s32 $0x3;
	[dreg:$0xa] =	wrdreg s23  }
0x1c: {  	s8 =	simm.s32 $0xE;
	s0 =	sadd.s32 s0, s6;
	[dreg:$0xc] =	wrdreg s25  }
0x1d: {  	s10 =	simm.s32 $0xF;
	s6 =	sadd.s32 $0x16800, s12;
	[dreg:$0x12] =	wrdreg s0  }
0x1e: {  	s11 =	simm.s32 $0x10;
	s12 =	sadd.s32 $0x20800, s12;
	[dreg:$0x13] =	wrdreg s6  }
0x1f: {  	s22 =	simm.s32 $0x80;
	s24 =	simm.s32 $0xC000;
	[dreg:$0x17] =	wrdreg s12  }
0x20: {  	s23 =	simm.s32 $0xD800;
	s25 =	simm.s32 $0x2;
	[dreg:$0xb] =	wrdreg s24  }
0x21: {  	s24 =	simm.s32 $0x1;
	s0 =	simm.s32 $0x8;
	s12 =	simm.s32 $0x0  }
.LBB2_1:
0x22: {  	s1 =	simm.s32 $0x0;
	s4 =	rddreg [dreg:$0xe]  }
0x23: {  	[tilespmem:s1], [sflag:$0x11] =	stream.linear.gather [hbm4b:s4+s1], $0x5000, $0x38;
	[tilespmem:$0x1A810] =	vst v63  }
0x24: {  	_ =	swait.ge [sflag:s18], $0x5000  }
0x25: {  	[sflag:s18] =	ssyncset.done $0x0  }
0x26: {  	s5 =	simm.s32 $0x5000;
	s16 =	rddreg [dreg:$0xf];
	[sflag:s18] =	ssyncadd.s32 $0xFFFFB000  }
0x27: {  	[tilespmem:s5], [sflag:$0x11] =	stream.linear.gather [hbm4b:s16+s1], $0x5000, $0x38;
	[tilespmem:$0x1A810] =	vst v63  }
0x28: {  	_ =	swait.ge [sflag:s18], $0x5000  }
0x29: {  	[sflag:s18] =	ssyncset.done $0x0;
	s17 =	rddreg [dreg:$0x11]  }
0x2a: {  	s19 =	rddreg [dreg:$0x1a];
	[sflag:s18] =	ssyncadd.s32 $0xFFFFB000  }
0x2b: {  	[spmem:s19], [sflag:s20] =	dma.local [hbm:s17], $0x500  }
0x2c: {  	_ =	swait.ge [sflag:s18], $0x500  }
0x2d: {  	[sflag:s18] =	ssyncset.done $0x0  }
0x2e: {  	s13 =	sshrl.u32 s9, $0x3;
	s21 =	rddreg [dreg:$0x12];
	[sflag:s18] =	ssyncadd.s32 $0xFFFFFB00  }
0x2f: {  	[spmem:s13], [sflag:s20] =	dma.local [hbm:s21], $0x500  }
0x30: {  	_ =	swait.ge [sflag:s18], $0x500  }
0x31: {  	[sflag:s18] =	ssyncset.done $0x0  }
0x32: {  	p4 =	por $0x0, $0x0;
	[sflag:s18] =	ssyncadd.s32 $0xFFFFFB00  }
0x33: {  	s13 =	simm.s32 @p4 $0x9;
	[bflag:$0x0] =	sbarrier.arrive $0xFFFF  }
0x34: {  	_ =	swait.ge @p4 [sflag:s13], $0x800  }
0x35: {  	s14 =	simm.s32 @p4 $0xA000;
	s15 =	simm.s32 @p4 $0xA;
	[sflag:s13] =	ssyncset.done @p4 $0x0  }
0x36: {  	s16 =	simm.s32 @p4 $0x80;
	[sflag:s13] =	ssyncadd.s32 @p4 $0xFFFFF800;
	s13 =	simm.s32 @p4 $0x0  }
0x37: {  	[tilespmem:s14], [sflag:$0x1] =	stream.indirect.gather @p4 [spmem:s3], $0x10, s13, s16, $0xb8;
	[tilespmem:$0x1A810] =	vst v63  }
0x38: {  	_ =	swait.ge @p4 [sflag:s15], $0x800  }
0x39: {  	s13 =	simm.s32 @p4 $0x80;
	[sflag:s15] =	ssyncset.done @p4 $0x0  }
0x3a: {  	s14 =	simm.s32 @p4 $0xA800;
	[sflag:s15] =	ssyncadd.s32 @p4 $0xFFFFF800;
	s15 =	simm.s32 @p4 $0xB  }
0x3b: {  	[tilespmem:s14], [sflag:$0x2] =	stream.indirect.gather @p4 [spmem:s3], $0x10, s13, s16, $0xb8;
	[tilespmem:$0x1A810] =	vst v63  }
0x3c: {  	_ =	swait.ge @p4 [sflag:s15], $0x800  }
0x3d: {  	s13 =	simm.s32 @p4 $0x100;
	[sflag:s15] =	ssyncset.done @p4 $0x0  }
0x3e: {  	s14 =	simm.s32 @p4 $0xB000;
	[sflag:s15] =	ssyncadd.s32 @p4 $0xFFFFF800;
	s15 =	simm.s32 @p4 $0xC  }
0x3f: {  	[tilespmem:s14], [sflag:$0x3] =	stream.indirect.gather @p4 [spmem:s3], $0x10, s13, s16, $0xb8;
	[tilespmem:$0x1A810] =	vst v63  }
0x40: {  	_ =	swait.ge @p4 [sflag:s15], $0x800  }
0x41: {  	s13 =	simm.s32 @p4 $0x180;
	[sflag:s15] =	ssyncset.done @p4 $0x0  }
0x42: {  	s14 =	simm.s32 @p4 $0xB800;
	[sflag:s15] =	ssyncadd.s32 @p4 $0xFFFFF800;
	s15 =	simm.s32 @p4 $0xD  }
0x43: {  	[tilespmem:s14], [sflag:$0x4] =	stream.indirect.gather @p4 [spmem:s3], $0x10, s13, s16, $0xb8;
	[tilespmem:$0x1A810] =	vst v63  }
0x44: {  	_ =	swait.ge @p4 [sflag:s15], $0x800  }
0x45: {  	s13 =	simm.s32 @p4 $0x200;
	[sflag:s15] =	ssyncset.done @p4 $0x0  }
0x46: {  	s14 =	simm.s32 @p4 $0xC000;
	[sflag:s15] =	ssyncadd.s32 @p4 $0xFFFFF800;
	s15 =	simm.s32 @p4 $0xE  }
0x47: {  	[tilespmem:s14], [sflag:$0x5] =	stream.indirect.gather @p4 [spmem:s3], $0x10, s13, s16, $0xb8;
	[tilespmem:$0x1A810] =	vst v63  }
0x48: {  	_ =	swait.ge @p4 [sflag:s15], $0x800  }
0x49: {  	s13 =	simm.s32 @p4 $0x280;
	[sflag:s15] =	ssyncset.done @p4 $0x0  }
0x4a: {  	s14 =	simm.s32 @p4 $0xC800;
	[sflag:s15] =	ssyncadd.s32 @p4 $0xFFFFF800;
	s15 =	simm.s32 @p4 $0xF  }
0x4b: {  	[tilespmem:s14], [sflag:$0x6] =	stream.indirect.gather @p4 [spmem:s3], $0x10, s13, s16, $0xb8;
	[tilespmem:$0x1A810] =	vst v63  }
0x4c: {  	_ =	swait.ge @p4 [sflag:s15], $0x800  }
0x4d: {  	s13 =	simm.s32 @p4 $0x300;
	[sflag:s15] =	ssyncset.done @p4 $0x0  }
0x4e: {  	s14 =	simm.s32 @p4 $0xD000;
	[sflag:s15] =	ssyncadd.s32 @p4 $0xFFFFF800;
	s15 =	simm.s32 @p4 $0x10  }
0x4f: {  	[tilespmem:s14], [sflag:$0x7] =	stream.indirect.gather @p4 [spmem:s3], $0x10, s13, s16, $0xb8;
	[tilespmem:$0x1A810] =	vst v63  }
0x50: {  	_ =	swait.ge @p4 [sflag:s15], $0x800  }
0x51: {  	s13 =	simm.s32 @!p4 $0xA000;
	[sflag:s15] =	ssyncset.done @p4 $0x0  }
0x52: {  	s14 =	simm.s32 @!p4 $0x0;
	[sflag:s15] =	ssyncadd.s32 @p4 $0xFFFFF800;
	s15 =	simm.s32 @!p4 $0x80  }
0x53: {  	[tilespmem:s13], [sflag:$0x1] =	stream.indirect.gather @!p4 [spmem:s3], $0x10, s14, s15, $0xb8;
	[tilespmem:$0x1A810] =	vst v63  }
0x54: {  	s13 =	simm.s32 @!p4 $0xA800  }
0x55: {  	[tilespmem:s13], [sflag:$0x2] =	stream.indirect.gather @!p4 [spmem:s3], $0x10, s15, s15, $0xb8;
	[tilespmem:$0x1A810] =	vst v63  }
0x56: {  	s14 =	simm.s32 @!p4 $0xB000;
	s13 =	simm.s32 @!p4 $0x100  }
0x57: {  	[tilespmem:s14], [sflag:$0x3] =	stream.indirect.gather @!p4 [spmem:s3], $0x10, s13, s15, $0xb8;
	[tilespmem:$0x1A810] =	vst v63  }
0x58: {  	s13 =	simm.s32 @!p4 $0x180;
	s14 =	simm.s32 @!p4 $0xB800  }
0x59: {  	[tilespmem:s14], [sflag:$0x4] =	stream.indirect.gather @!p4 [spmem:s3], $0x10, s13, s15, $0xb8;
	[tilespmem:$0x1A810] =	vst v63  }
0x5a: {  	s13 =	simm.s32 @!p4 $0x200;
	s14 =	simm.s32 @!p4 $0xC000  }
0x5b: {  	[tilespmem:s14], [sflag:$0x5] =	stream.indirect.gather @!p4 [spmem:s3], $0x10, s13, s15, $0xb8;
	[tilespmem:$0x1A810] =	vst v63  }
0x5c: {  	s13 =	simm.s32 @!p4 $0x280;
	s14 =	simm.s32 @!p4 $0xC800  }
0x5d: {  	[tilespmem:s14], [sflag:$0x6] =	stream.indirect.gather @!p4 [spmem:s3], $0x10, s13, s15, $0xb8;
	[tilespmem:$0x1A810] =	vst v63  }
0x5e: {  	s13 =	simm.s32 @!p4 $0x300;
	s14 =	simm.s32 @!p4 $0xD000  }
0x5f: {  	[tilespmem:s14], [sflag:$0x7] =	stream.indirect.gather @!p4 [spmem:s3], $0x10, s13, s15, $0xb8;
	[tilespmem:$0x1A810] =	vst v63  }
0x60: {  	s4 =	simm.s32 $0x380  }
0x61: {  	[tilespmem:s23], [sflag:$0x8] =	stream.indirect.gather [spmem:s3], $0x10, s4, s22, $0xb8;
	[tilespmem:$0x1A810] =	vst v63  }
0x62: {  	_ =	swait.ge [sflag:s24], $0x800  }
0x63: {  	[sflag:s24] =	ssyncset.done $0x0  }
0x64: {  	s6 =	simm.s32 $0x5000;
	s5 =	rddreg [dreg:$0x7];
	[sflag:s24] =	ssyncadd.s32 $0xFFFFF800  }
0x65: {  	[spmem:s2] =	stream.indirect.scatter.add.f32 [tilespmem:s5], [sflag:$0x9], $0x10, s6, s22, $0xb8;
	[tilespmem:$0x1A810] =	vst v63  }
0x66: {  	s13 =	simm.s32 @p4 $0x80;
	_ =	swait.ge [sflag:s25], $0x800  }
0x67: {  	s13 =	simm.s32 @!p4 $0x80;
	[sflag:s25] =	ssyncset.done $0x0  }
0x68: {  	s13 =	sadd.s32 $0x5000, s13;
	s7 =	rddreg [dreg:$0x8];
	[sflag:s25] =	ssyncadd.s32 $0xFFFFF800  }
0x69: {  	[spmem:s2] =	stream.indirect.scatter.add.f32 [tilespmem:s7], [sflag:$0xA], $0x10, s13, s22, $0xb8;
	[tilespmem:$0x1A810] =	vst v63  }
0x6a: {  	s13 =	simm.s32 @p4 $0x100;
	_ =	swait.ge [sflag:s26], $0x800  }
0x6b: {  	s13 =	simm.s32 @!p4 $0x100;
	[sflag:s26] =	ssyncset.done $0x0  }
0x6c: {  	s15 =	rddreg [dreg:$0x9];
	s13 =	sadd.s32 $0x5000, s13;
	[sflag:s26] =	ssyncadd.s32 $0xFFFFF800  }
0x6d: {  	[spmem:s2] =	stream.indirect.scatter.add.f32 [tilespmem:s15], [sflag:$0xB], $0x10, s13, s22, $0xb8;
	[tilespmem:$0x1A810] =	vst v63  }
0x6e: {  	s13 =	simm.s32 @p4 $0x180;
	_ =	swait.ge [sflag:s28], $0x800  }
0x6f: {  	s13 =	simm.s32 @!p4 $0x180;
	[sflag:s28] =	ssyncset.done $0x0  }
0x70: {  	s16 =	rddreg [dreg:$0xa];
	s13 =	sadd.s32 $0x5000, s13;
	[sflag:s28] =	ssyncadd.s32 $0xFFFFF800  }
0x71: {  	[spmem:s2] =	stream.indirect.scatter.add.f32 [tilespmem:s16], [sflag:$0xC], $0x10, s13, s22, $0xb8;
	[tilespmem:$0x1A810] =	vst v63  }
0x72: {  	s13 =	simm.s32 @p4 $0x200;
	_ =	swait.ge [sflag:s29], $0x800  }
0x73: {  	s13 =	simm.s32 @!p4 $0x200;
	[sflag:s29] =	ssyncset.done $0x0  }
0x74: {  	s17 =	rddreg [dreg:$0xb];
	s13 =	sadd.s32 $0x5000, s13;
	[sflag:s29] =	ssyncadd.s32 $0xFFFFF800  }
0x75: {  	[spmem:s2] =	stream.indirect.scatter.add.f32 [tilespmem:s17], [sflag:$0xD], $0x10, s13, s22, $0xb8;
	[tilespmem:$0x1A810] =	vst v63  }
0x76: {  	s13 =	simm.s32 @p4 $0x280;
	_ =	swait.ge [sflag:s30], $0x800  }
0x77: {  	s13 =	simm.s32 @!p4 $0x280;
	[sflag:s30] =	ssyncset.done $0x0  }
0x78: {  	s19 =	rddreg [dreg:$0xc];
	s13 =	sadd.s32 $0x5000, s13;
	[sflag:s30] =	ssyncadd.s32 $0xFFFFF800  }
0x79: {  	[spmem:s2] =	stream.indirect.scatter.add.f32 [tilespmem:s19], [sflag:$0xE], $0x10, s13, s22, $0xb8;
	[tilespmem:$0x1A810] =	vst v63  }
0x7a: {  	s13 =	simm.s32 $0x300;
	_ =	swait.ge [sflag:s31], $0x800  }
0x7b: {  	s14 =	simm.s32 $0x1000;
	s13 =	simm.s32 @!p4 $0x300;
	[sflag:s31] =	ssyncset.done $0x0  }
0x7c: {  	s21 =	rddreg [dreg:$0xd];
	s13 =	sadd.s32 $0x5000, s13;
	[sflag:s31] =	ssyncadd.s32 $0xFFFFF800  }
0x7d: {  	[spmem:s2] =	stream.indirect.scatter.add.f32 [tilespmem:s21], [sflag:$0xF], $0x10, s13, s22, $0xb8;
	[tilespmem:$0x1A810] =	vst v63  }
0x7e: {  	s15 =	simm.s32 $0x2000;
	s17 =	simm.s32 $0x5380;
	_ =	swait.ge [sflag:s0], $0x800  }
0x7f: {  	p4 =	por $0x1, $0x1;
	s13 =	simm.s32 $0x700;
	[sflag:s0] =	ssyncset.done $0x0  }
.LBB2_2:
0x80: {  	s7 =	simm.s32 @p4 $0x9;
	[sflag:s0] =	ssyncadd.s32 $0xFFFFF800  }
0x81: {  	[spmem:s2] =	stream.indirect.scatter.add.f32 [tilespmem:s23], [sflag:$0x10], $0x10, s17, s22, $0xb8;
	[tilespmem:$0x1A810] =	vst v63  }
0x82: {  	_ =	swait.ge @p4 [sflag:s7], $0x800  }
0x83: {  	s21 =	simm.s32 @p4 $0xA000;
	s1 =	simm.s32 @p4 $0xA;
	[sflag:s7] =	ssyncset.done @p4 $0x0  }
0x84: {  	s17 =	simm.s32 @p4 $0x80;
	[sflag:s7] =	ssyncadd.s32 @p4 $0xFFFFF800;
	s7 =	sshra.s32 @p4 s14, $0x2  }
0x85: {  	[tilespmem:s21], [sflag:$0x1] =	stream.indirect.gather @p4 [spmem:s3], $0x10, s7, s17, $0xb8;
	[tilespmem:$0x1A810] =	vst v63  }
0x86: {  	_ =	swait.ge @p4 [sflag:s1], $0x800  }
0x87: {  	s6 =	simm.s32 @p4 $0xB;
	[sflag:s1] =	ssyncset.done @p4 $0x0  }
0x88: {  	s21 =	sadd.s32 @p4 $0x80, s7;
	[sflag:s1] =	ssyncadd.s32 @p4 $0xFFFFF800;
	s1 =	simm.s32 @p4 $0xA800  }
0x89: {  	[tilespmem:s1], [sflag:$0x2] =	stream.indirect.gather @p4 [spmem:s3], $0x10, s21, s17, $0xb8;
	[tilespmem:$0x1A810] =	vst v63  }
0x8a: {  	_ =	swait.ge @p4 [sflag:s6], $0x800  }
0x8b: {  	s19 =	sadd.s32 @p4 $0x100, s7;
	[sflag:s6] =	ssyncset.done @p4 $0x0  }
0x8c: {  	s21 =	simm.s32 @p4 $0xC;
	[sflag:s6] =	ssyncadd.s32 @p4 $0xFFFFF800;
	s6 =	simm.s32 @p4 $0xB000  }
0x8d: {  	[tilespmem:s6], [sflag:$0x3] =	stream.indirect.gather @p4 [spmem:s3], $0x10, s19, s17, $0xb8;
	[tilespmem:$0x1A810] =	vst v63  }
0x8e: {  	_ =	swait.ge @p4 [sflag:s21], $0x800  }
0x8f: {  	s4 =	sadd.s32 @p4 $0x180, s7;
	[sflag:s21] =	ssyncset.done @p4 $0x0  }
0x90: {  	s6 =	simm.s32 @p4 $0xB800;
	s19 =	simm.s32 @p4 $0xD;
	[sflag:s21] =	ssyncadd.s32 @p4 $0xFFFFF800  }
0x91: {  	[tilespmem:s6], [sflag:$0x4] =	stream.indirect.gather @p4 [spmem:s3], $0x10, s4, s17, $0xb8;
	[tilespmem:$0x1A810] =	vst v63  }
0x92: {  	_ =	swait.ge @p4 [sflag:s19], $0x800  }
0x93: {  	s5 =	sadd.s32 @p4 $0x200, s7;
	[sflag:s19] =	ssyncset.done @p4 $0x0  }
0x94: {  	s4 =	simm.s32 @p4 $0xC000;
	s6 =	simm.s32 @p4 $0xE;
	[sflag:s19] =	ssyncadd.s32 @p4 $0xFFFFF800  }
0x95: {  	[tilespmem:s4], [sflag:$0x5] =	stream.indirect.gather @p4 [spmem:s3], $0x10, s5, s17, $0xb8;
	[tilespmem:$0x1A810] =	vst v63  }
0x96: {  	_ =	swait.ge @p4 [sflag:s6], $0x800  }
0x97: {  	s1 =	sadd.s32 @p4 $0x280, s7;
	[sflag:s6] =	ssyncset.done @p4 $0x0  }
0x98: {  	s4 =	simm.s32 @p4 $0xC800;
	s5 =	simm.s32 @p4 $0xF;
	[sflag:s6] =	ssyncadd.s32 @p4 $0xFFFFF800  }
0x99: {  	[tilespmem:s4], [sflag:$0x6] =	stream.indirect.gather @p4 [spmem:s3], $0x10, s1, s17, $0xb8;
	[tilespmem:$0x1A810] =	vst v63  }
0x9a: {  	_ =	swait.ge @p4 [sflag:s5], $0x800  }
0x9b: {  	s7 =	sadd.s32 @p4 $0x300, s7;
	[sflag:s5] =	ssyncset.done @p4 $0x0  }
0x9c: {  	s1 =	simm.s32 @p4 $0xD000;
	s4 =	simm.s32 @p4 $0x10;
	[sflag:s5] =	ssyncadd.s32 @p4 $0xFFFFF800  }
0x9d: {  	[tilespmem:s1], [sflag:$0x7] =	stream.indirect.gather @p4 [spmem:s3], $0x10, s7, s17, $0xb8;
	[tilespmem:$0x1A810] =	vst v63  }
0x9e: {  	_ =	swait.ge @p4 [sflag:s4], $0x800  }
0x9f: {  	s5 =	simm.s32 @!p4 $0x80;
	[sflag:s4] =	ssyncset.done @p4 $0x0  }
0xa0: {  	s1 =	simm.s32 @!p4 $0xA000;
	[sflag:s4] =	ssyncadd.s32 @p4 $0xFFFFF800;
	s4 =	sshra.s32 @!p4 s14, $0x2  }
0xa1: {  	[tilespmem:s1], [sflag:$0x1] =	stream.indirect.gather @!p4 [spmem:s3], $0x10, s4, s5, $0xb8;
	[tilespmem:$0x1A810] =	vst v63  }
0xa2: {  	s1 =	simm.s32 @!p4 $0xA800  }
0xa3: {  	[tilespmem:s1], [sflag:$0x2] =	stream.indirect.gather @!p4 [spmem:s3], $0x10, s5, s5, $0xb8;
	[tilespmem:$0x1A810] =	vst v63  }
0xa4: {  	s4 =	simm.s32 @!p4 $0xB000;
	s1 =	simm.s32 @!p4 $0x100  }
0xa5: {  	[tilespmem:s4], [sflag:$0x3] =	stream.indirect.gather @!p4 [spmem:s3], $0x10, s1, s5, $0xb8;
	[tilespmem:$0x1A810] =	vst v63  }
0xa6: {  	s1 =	simm.s32 @!p4 $0x180;
	s4 =	simm.s32 @!p4 $0xB800  }
0xa7: {  	[tilespmem:s4], [sflag:$0x4] =	stream.indirect.gather @!p4 [spmem:s3], $0x10, s1, s5, $0xb8;
	[tilespmem:$0x1A810] =	vst v63  }
0xa8: {  	s1 =	simm.s32 @!p4 $0x200;
	s4 =	simm.s32 @!p4 $0xC000  }
0xa9: {  	[tilespmem:s4], [sflag:$0x5] =	stream.indirect.gather @!p4 [spmem:s3], $0x10, s1, s5, $0xb8;
	[tilespmem:$0x1A810] =	vst v63  }
0xaa: {  	s1 =	simm.s32 @!p4 $0x280;
	s4 =	simm.s32 @!p4 $0xC800  }
0xab: {  	[tilespmem:s4], [sflag:$0x6] =	stream.indirect.gather @!p4 [spmem:s3], $0x10, s1, s5, $0xb8;
	[tilespmem:$0x1A810] =	vst v63  }
0xac: {  	s17 =	sshra.s32 s14, $0x2;
	s1 =	simm.s32 @!p4 $0x300;
	s4 =	simm.s32 @!p4 $0xD000  }
0xad: {  	[tilespmem:s4], [sflag:$0x7] =	stream.indirect.gather @!p4 [spmem:s3], $0x10, s1, s5, $0xb8;
	[tilespmem:$0x1A810] =	vst v63  }
0xae: {  	s7 =	sadd.s32 $0x380, s17  }
0xaf: {  	[tilespmem:s23], [sflag:$0x8] =	stream.indirect.gather [spmem:s3], $0x10, s7, s22, $0xb8;
	[tilespmem:$0x1A810] =	vst v63  }
0xb0: {  	_ =	swait.ge [sflag:s24], $0x800  }
0xb1: {  	[sflag:s24] =	ssyncset.done $0x0  }
0xb2: {  	s21 =	sadd.s32 $0x5000, s17;
	s19 =	rddreg [dreg:$0x7];
	[sflag:s24] =	ssyncadd.s32 $0xFFFFF800  }
0xb3: {  	[spmem:s2] =	stream.indirect.scatter.add.f32 [tilespmem:s19], [sflag:$0x9], $0x10, s21, s22, $0xb8;
	[tilespmem:$0x1A810] =	vst v63  }
0xb4: {  	s1 =	sadd.s32 @p4 $0xFFFFFD80, s13;
	_ =	swait.ge [sflag:s25], $0x800  }
0xb5: {  	s1 =	simm.s32 @!p4 $0x80;
	[sflag:s25] =	ssyncset.done $0x0  }
0xb6: {  	s1 =	sadd.s32 $0x5000, s1;
	s5 =	rddreg [dreg:$0x8];
	[sflag:s25] =	ssyncadd.s32 $0xFFFFF800  }
0xb7: {  	[spmem:s2] =	stream.indirect.scatter.add.f32 [tilespmem:s5], [sflag:$0xA], $0x10, s1, s22, $0xb8;
	[tilespmem:$0x1A810] =	vst v63  }
0xb8: {  	s1 =	sadd.s32 @p4 $0xFFFFFE00, s13;
	_ =	swait.ge [sflag:s26], $0x800  }
0xb9: {  	s1 =	simm.s32 @!p4 $0x100;
	[sflag:s26] =	ssyncset.done $0x0  }
0xba: {  	s6 =	rddreg [dreg:$0x9];
	s1 =	sadd.s32 $0x5000, s1;
	[sflag:s26] =	ssyncadd.s32 $0xFFFFF800  }
0xbb: {  	[spmem:s2] =	stream.indirect.scatter.add.f32 [tilespmem:s6], [sflag:$0xB], $0x10, s1, s22, $0xb8;
	[tilespmem:$0x1A810] =	vst v63  }
0xbc: {  	s1 =	sadd.s32 @p4 $0xFFFFFE80, s13;
	_ =	swait.ge [sflag:s28], $0x800  }
0xbd: {  	s1 =	simm.s32 @!p4 $0x180;
	[sflag:s28] =	ssyncset.done $0x0  }
0xbe: {  	s7 =	rddreg [dreg:$0xa];
	s1 =	sadd.s32 $0x5000, s1;
	[sflag:s28] =	ssyncadd.s32 $0xFFFFF800  }
0xbf: {  	[spmem:s2] =	stream.indirect.scatter.add.f32 [tilespmem:s7], [sflag:$0xC], $0x10, s1, s22, $0xb8;
	[tilespmem:$0x1A810] =	vst v63  }
0xc0: {  	s16 =	smov.u32 s15;
	s1 =	sadd.s32 @p4 $0xFFFFFF00, s13;
	_ =	swait.ge [sflag:s29], $0x800  }
0xc1: {  	s14 =	smov.u32 s16;
	s1 =	simm.s32 @!p4 $0x200;
	[sflag:s29] =	ssyncset.done $0x0  }
0xc2: {  	s16 =	rddreg [dreg:$0xb];
	s1 =	sadd.s32 $0x5000, s1;
	[sflag:s29] =	ssyncadd.s32 $0xFFFFF800  }
0xc3: {  	[spmem:s2] =	stream.indirect.scatter.add.f32 [tilespmem:s16], [sflag:$0xD], $0x10, s1, s22, $0xb8;
	[tilespmem:$0x1A810] =	vst v63  }
0xc4: {  	s1 =	sadd.s32 @p4 $0xFFFFFF80, s13;
	_ =	swait.ge [sflag:s30], $0x800  }
0xc5: {  	s15 =	sadd.s32 $0x1000, s15;
	s1 =	simm.s32 @!p4 $0x280;
	[sflag:s30] =	ssyncset.done $0x0  }
0xc6: {  	s19 =	rddreg [dreg:$0xc];
	s1 =	sadd.s32 $0x5000, s1;
	[sflag:s30] =	ssyncadd.s32 $0xFFFFF800  }
0xc7: {  	[spmem:s2] =	stream.indirect.scatter.add.f32 [tilespmem:s19], [sflag:$0xE], $0x10, s1, s22, $0xb8;
	[tilespmem:$0x1A810] =	vst v63  }
0xc8: {  	p5 =	sne.s32 s15, $0x14000;
	s4 =	smov.u32 s13;
	_ =	swait.ge [sflag:s31], $0x800  }
.Ltmp0:
0xc9: {  	s4 =	simm.s32 @!p4 $0x300;
	[sflag:s31] =	ssyncset.done $0x0;
	(pc) =	sbr.rel @p5 .LBB2_2-.Ltmp0, $4  }
0xca: {  	s4 =	sadd.s32 $0x5000, s4;
	s21 =	rddreg [dreg:$0xd];
	[sflag:s31] =	ssyncadd.s32 $0xFFFFF800  }
0xcb: {  	[spmem:s2] =	stream.indirect.scatter.add.f32 [tilespmem:s21], [sflag:$0xF], $0x10, s4, s22, $0xb8;
	[tilespmem:$0x1A810] =	vst v63  }
0xcc: {  	s17 =	sadd.s32 $0x5380, s17;
	_ =	swait.ge [sflag:s0], $0x800  }
0xcd: {  	s13 =	sadd.s32 $0x400, s13;
	p4 =	sne.s32 s14, $0x0;
	[sflag:s0] =	ssyncset.done $0x0  }
0xce: {  	s1 =	simm.s32 @p4 $0x9;
	[sflag:s0] =	ssyncadd.s32 $0xFFFFF800  }
0xcf: {  	[spmem:s2] =	stream.indirect.scatter.add.f32 [tilespmem:s23], [sflag:$0x10], $0x10, s17, s22, $0xb8;
	[tilespmem:$0x1A810] =	vst v63  }
0xd0: {  	_ =	swait.ge @p4 [sflag:s1], $0x800  }
0xd1: {  	s4 =	simm.s32 @p4 $0xA000;
	s5 =	simm.s32 @p4 $0xA;
	[sflag:s1] =	ssyncset.done @p4 $0x0  }
0xd2: {  	s6 =	simm.s32 @p4 $0x80;
	[sflag:s1] =	ssyncadd.s32 @p4 $0xFFFFF800;
	s1 =	sshra.s32 @p4 s14, $0x2  }
0xd3: {  	[tilespmem:s4], [sflag:$0x1] =	stream.indirect.gather @p4 [spmem:s3], $0x10, s1, s6, $0xb8;
	[tilespmem:$0x1A810] =	vst v63  }
0xd4: {  	_ =	swait.ge @p4 [sflag:s5], $0x800  }
0xd5: {  	[sflag:s5] =	ssyncset.done @p4 $0x0  }
0xd6: {  	s4 =	sadd.s32 @p4 $0x80, s1;
	[sflag:s5] =	ssyncadd.s32 @p4 $0xFFFFF800;
	s5 =	simm.s32 @p4 $0xA800  }
0xd7: {  	[tilespmem:s5], [sflag:$0x2] =	stream.indirect.gather @p4 [spmem:s3], $0x10, s4, s6, $0xb8;
	[tilespmem:$0x1A810] =	vst v63  }
0xd8: {  	s4 =	simm.s32 @p4 $0xB  }
0xd9: {  	_ =	swait.ge @p4 [sflag:s4], $0x800  }
0xda: {  	[sflag:s4] =	ssyncset.done @p4 $0x0  }
0xdb: {  	s5 =	sadd.s32 @p4 $0x100, s1;
	[sflag:s4] =	ssyncadd.s32 @p4 $0xFFFFF800;
	s4 =	simm.s32 @p4 $0xB000  }
0xdc: {  	[tilespmem:s4], [sflag:$0x3] =	stream.indirect.gather @p4 [spmem:s3], $0x10, s5, s6, $0xb8;
	[tilespmem:$0x1A810] =	vst v63  }
0xdd: {  	s4 =	simm.s32 @p4 $0xC  }
0xde: {  	_ =	swait.ge @p4 [sflag:s4], $0x800  }
0xdf: {  	[sflag:s4] =	ssyncset.done @p4 $0x0  }
0xe0: {  	s5 =	sadd.s32 @p4 $0x180, s1;
	[sflag:s4] =	ssyncadd.s32 @p4 $0xFFFFF800;
	s4 =	simm.s32 @p4 $0xB800  }
0xe1: {  	[tilespmem:s4], [sflag:$0x4] =	stream.indirect.gather @p4 [spmem:s3], $0x10, s5, s6, $0xb8;
	[tilespmem:$0x1A810] =	vst v63  }
0xe2: {  	s4 =	simm.s32 @p4 $0xD  }
0xe3: {  	_ =	swait.ge @p4 [sflag:s4], $0x800  }
0xe4: {  	[sflag:s4] =	ssyncset.done @p4 $0x0  }
0xe5: {  	s5 =	sadd.s32 @p4 $0x200, s1;
	[sflag:s4] =	ssyncadd.s32 @p4 $0xFFFFF800;
	s4 =	simm.s32 @p4 $0xC000  }
0xe6: {  	[tilespmem:s4], [sflag:$0x5] =	stream.indirect.gather @p4 [spmem:s3], $0x10, s5, s6, $0xb8;
	[tilespmem:$0x1A810] =	vst v63  }
0xe7: {  	s4 =	simm.s32 @p4 $0xE  }
0xe8: {  	_ =	swait.ge @p4 [sflag:s4], $0x800  }
0xe9: {  	[sflag:s4] =	ssyncset.done @p4 $0x0  }
0xea: {  	s5 =	sadd.s32 @p4 $0x280, s1;
	[sflag:s4] =	ssyncadd.s32 @p4 $0xFFFFF800;
	s4 =	simm.s32 @p4 $0xC800  }
0xeb: {  	[tilespmem:s4], [sflag:$0x6] =	stream.indirect.gather @p4 [spmem:s3], $0x10, s5, s6, $0xb8;
	[tilespmem:$0x1A810] =	vst v63  }
0xec: {  	s4 =	simm.s32 @p4 $0xF  }
0xed: {  	_ =	swait.ge @p4 [sflag:s4], $0x800  }
0xee: {  	[sflag:s4] =	ssyncset.done @p4 $0x0  }
0xef: {  	s1 =	sadd.s32 @p4 $0x300, s1;
	[sflag:s4] =	ssyncadd.s32 @p4 $0xFFFFF800;
	s4 =	simm.s32 @p4 $0xD000  }
0xf0: {  	[tilespmem:s4], [sflag:$0x7] =	stream.indirect.gather @p4 [spmem:s3], $0x10, s1, s6, $0xb8;
	[tilespmem:$0x1A810] =	vst v63  }
0xf1: {  	s1 =	simm.s32 @p4 $0x10  }
0xf2: {  	_ =	swait.ge @p4 [sflag:s1], $0x800  }
0xf3: {  	s5 =	simm.s32 @!p4 $0x80;
	[sflag:s1] =	ssyncset.done @p4 $0x0  }
0xf4: {  	s4 =	simm.s32 @!p4 $0xA000;
	[sflag:s1] =	ssyncadd.s32 @p4 $0xFFFFF800;
	s1 =	sshra.s32 @!p4 s14, $0x2  }
0xf5: {  	[tilespmem:s4], [sflag:$0x1] =	stream.indirect.gather @!p4 [spmem:s3], $0x10, s1, s5, $0xb8;
	[tilespmem:$0x1A810] =	vst v63  }
0xf6: {  	s1 =	simm.s32 @!p4 $0xA800  }
0xf7: {  	[tilespmem:s1], [sflag:$0x2] =	stream.indirect.gather @!p4 [spmem:s3], $0x10, s5, s5, $0xb8;
	[tilespmem:$0x1A810] =	vst v63  }
0xf8: {  	s4 =	simm.s32 @!p4 $0xB000;
	s1 =	simm.s32 @!p4 $0x100  }
0xf9: {  	[tilespmem:s4], [sflag:$0x3] =	stream.indirect.gather @!p4 [spmem:s3], $0x10, s1, s5, $0xb8;
	[tilespmem:$0x1A810] =	vst v63  }
0xfa: {  	s1 =	simm.s32 @!p4 $0x180;
	s4 =	simm.s32 @!p4 $0xB800  }
0xfb: {  	[tilespmem:s4], [sflag:$0x4] =	stream.indirect.gather @!p4 [spmem:s3], $0x10, s1, s5, $0xb8;
	[tilespmem:$0x1A810] =	vst v63  }
0xfc: {  	s1 =	simm.s32 @!p4 $0x200;
	s4 =	simm.s32 @!p4 $0xC000  }
0xfd: {  	[tilespmem:s4], [sflag:$0x5] =	stream.indirect.gather @!p4 [spmem:s3], $0x10, s1, s5, $0xb8;
	[tilespmem:$0x1A810] =	vst v63  }
0xfe: {  	s1 =	simm.s32 @!p4 $0x280;
	s4 =	simm.s32 @!p4 $0xC800  }
0xff: {  	[tilespmem:s4], [sflag:$0x6] =	stream.indirect.gather @!p4 [spmem:s3], $0x10, s1, s5, $0xb8;
	[tilespmem:$0x1A810] =	vst v63  }
0x100: {  	s1 =	simm.s32 @!p4 $0x300;
	s4 =	simm.s32 @!p4 $0xD000  }
0x101: {  	[tilespmem:s4], [sflag:$0x7] =	stream.indirect.gather @!p4 [spmem:s3], $0x10, s1, s5, $0xb8;
	[tilespmem:$0x1A810] =	vst v63  }
0x102: {  	s1 =	sshra.s32 s14, $0x2  }
0x103: {  	s16 =	sadd.s32 $0x380, s1  }
0x104: {  	[tilespmem:s23], [sflag:$0x8] =	stream.indirect.gather [spmem:s3], $0x10, s16, s22, $0xb8;
	[tilespmem:$0x1A810] =	vst v63  }
0x105: {  	_ =	swait.ge [sflag:s24], $0x800  }
0x106: {  	[sflag:s24] =	ssyncset.done $0x0  }
0x107: {  	s19 =	sadd.s32 $0x5000, s1;
	s17 =	rddreg [dreg:$0x7];
	[sflag:s24] =	ssyncadd.s32 $0xFFFFF800  }
0x108: {  	[spmem:s2] =	stream.indirect.scatter.add.f32 [tilespmem:s17], [sflag:$0x9], $0x10, s19, s22, $0xb8;
	[tilespmem:$0x1A810] =	vst v63  }
0x109: {  	s4 =	sadd.s32 @p4 $0xFFFFFD80, s13;
	_ =	swait.ge [sflag:s25], $0x800  }
0x10a: {  	s4 =	simm.s32 @!p4 $0x80;
	[sflag:s25] =	ssyncset.done $0x0  }
0x10b: {  	s4 =	sadd.s32 $0x5000, s4;
	s21 =	rddreg [dreg:$0x8];
	[sflag:s25] =	ssyncadd.s32 $0xFFFFF800  }
0x10c: {  	[spmem:s2] =	stream.indirect.scatter.add.f32 [tilespmem:s21], [sflag:$0xA], $0x10, s4, s22, $0xb8;
	[tilespmem:$0x1A810] =	vst v63  }
0x10d: {  	s4 =	sadd.s32 @p4 $0xFFFFFE00, s13;
	_ =	swait.ge [sflag:s26], $0x800  }
0x10e: {  	s4 =	simm.s32 @!p4 $0x100;
	[sflag:s26] =	ssyncset.done $0x0  }
0x10f: {  	s6 =	rddreg [dreg:$0x9];
	s4 =	sadd.s32 $0x5000, s4;
	[sflag:s26] =	ssyncadd.s32 $0xFFFFF800  }
0x110: {  	[spmem:s2] =	stream.indirect.scatter.add.f32 [tilespmem:s6], [sflag:$0xB], $0x10, s4, s22, $0xb8;
	[tilespmem:$0x1A810] =	vst v63  }
0x111: {  	s4 =	sadd.s32 @p4 $0xFFFFFE80, s13;
	_ =	swait.ge [sflag:s28], $0x800  }
0x112: {  	s4 =	simm.s32 @!p4 $0x180;
	[sflag:s28] =	ssyncset.done $0x0  }
0x113: {  	s7 =	rddreg [dreg:$0xa];
	s4 =	sadd.s32 $0x5000, s4;
	[sflag:s28] =	ssyncadd.s32 $0xFFFFF800  }
0x114: {  	[spmem:s2] =	stream.indirect.scatter.add.f32 [tilespmem:s7], [sflag:$0xC], $0x10, s4, s22, $0xb8;
	[tilespmem:$0x1A810] =	vst v63  }
0x115: {  	s4 =	sadd.s32 @p4 $0xFFFFFF00, s13;
	_ =	swait.ge [sflag:s29], $0x800  }
0x116: {  	s4 =	simm.s32 @!p4 $0x200;
	[sflag:s29] =	ssyncset.done $0x0  }
0x117: {  	s14 =	rddreg [dreg:$0xb];
	s4 =	sadd.s32 $0x5000, s4;
	[sflag:s29] =	ssyncadd.s32 $0xFFFFF800  }
0x118: {  	[spmem:s2] =	stream.indirect.scatter.add.f32 [tilespmem:s14], [sflag:$0xD], $0x10, s4, s22, $0xb8;
	[tilespmem:$0x1A810] =	vst v63  }
0x119: {  	s4 =	sadd.s32 @p4 $0xFFFFFF80, s13;
	_ =	swait.ge [sflag:s30], $0x800  }
0x11a: {  	s4 =	simm.s32 @!p4 $0x280;
	[sflag:s30] =	ssyncset.done $0x0  }
0x11b: {  	s15 =	rddreg [dreg:$0xc];
	s4 =	sadd.s32 $0x5000, s4;
	[sflag:s30] =	ssyncadd.s32 $0xFFFFF800  }
0x11c: {  	[spmem:s2] =	stream.indirect.scatter.add.f32 [tilespmem:s15], [sflag:$0xE], $0x10, s4, s22, $0xb8;
	[tilespmem:$0x1A810] =	vst v63  }
0x11d: {  	_ =	swait.ge [sflag:s31], $0x800  }
0x11e: {  	s13 =	simm.s32 @!p4 $0x300;
	[sflag:s31] =	ssyncset.done $0x0  }
0x11f: {  	s17 =	sadd.s32 $0x5000, s13;
	s16 =	rddreg [dreg:$0xd];
	[sflag:s31] =	ssyncadd.s32 $0xFFFFF800  }
0x120: {  	[spmem:s2] =	stream.indirect.scatter.add.f32 [tilespmem:s16], [sflag:$0xF], $0x10, s17, s22, $0xb8;
	[tilespmem:$0x1A810] =	vst v63  }
0x121: {  	_ =	swait.ge [sflag:s0], $0x800  }
0x122: {  	[sflag:s0] =	ssyncset.done $0x0  }
0x123: {  	s1 =	sadd.s32 $0x5380, s1;
	s19 =	simm.s32 $0x9;
	[sflag:s0] =	ssyncadd.s32 $0xFFFFF800  }
0x124: {  	[spmem:s2] =	stream.indirect.scatter.add.f32 [tilespmem:s23], [sflag:$0x10], $0x10, s1, s22, $0xb8;
	[tilespmem:$0x1A810] =	vst v63  }
0x125: {  	_ =	swait.ge [sflag:s19], $0x800  }
0x126: {  	[sflag:s19] =	ssyncset.done $0x0  }
0x127: {  	s21 =	simm.s32 $0xA;
	[sflag:s19] =	ssyncadd.s32 $0xFFFFF800  }
0x128: {  	_ =	swait.ge [sflag:s21], $0x800  }
0x129: {  	[sflag:s21] =	ssyncset.done $0x0  }
0x12a: {  	s4 =	simm.s32 $0xB;
	[sflag:s21] =	ssyncadd.s32 $0xFFFFF800  }
0x12b: {  	_ =	swait.ge [sflag:s4], $0x800  }
0x12c: {  	[sflag:s4] =	ssyncset.done $0x0  }
0x12d: {  	s5 =	simm.s32 $0xC;
	[sflag:s4] =	ssyncadd.s32 $0xFFFFF800  }
0x12e: {  	_ =	swait.ge [sflag:s5], $0x800  }
0x12f: {  	[sflag:s5] =	ssyncset.done $0x0  }
0x130: {  	s6 =	simm.s32 $0xD;
	[sflag:s5] =	ssyncadd.s32 $0xFFFFF800  }
0x131: {  	_ =	swait.ge [sflag:s6], $0x800  }
0x132: {  	[sflag:s6] =	ssyncset.done $0x0  }
0x133: {  	[sflag:s6] =	ssyncadd.s32 $0xFFFFF800  }
0x134: {  	_ =	swait.ge [sflag:s8], $0x800  }
0x135: {  	[sflag:s8] =	ssyncset.done $0x0  }
0x136: {  	[sflag:s8] =	ssyncadd.s32 $0xFFFFF800  }
0x137: {  	_ =	swait.ge [sflag:s10], $0x800  }
0x138: {  	[sflag:s10] =	ssyncset.done $0x0  }
0x139: {  	[sflag:s10] =	ssyncadd.s32 $0xFFFFF800  }
0x13a: {  	_ =	swait.ge [sflag:s11], $0x800  }
0x13b: {  	[sflag:s11] =	ssyncset.done $0x0  }
0x13c: {  	[sflag:s11] =	ssyncadd.s32 $0xFFFFF800  }
0x13d: {  	[bflag:$0x0] =	sbarrier.arrive $0xFFFF  }
0x13e: {  	s13 =	simm.s32 $0xE000;
	s7 =	rddreg [dreg:$0x10]  }
0x13f: {  	[tilespmem:s13], [sflag:$0x11] =	stream.linear.gather [spmem:s7], $0x2800, $0x38;
	[tilespmem:$0x1A810] =	vst v63  }
0x140: {  	_ =	swait.ge [sflag:s18], $0x2800  }
0x141: {  	[sflag:s18] =	ssyncset.done $0x0  }
0x142: {  	s14 =	simm.s32 $0x10800;
	[sflag:s18] =	ssyncadd.s32 $0xFFFFD800  }
0x143: {  	[tilespmem:s14], [sflag:$0x11] =	stream.linear.gather [spmem:s9], $0x2800, $0x38;
	[tilespmem:$0x1A810] =	vst v63  }
0x144: {  	_ =	swait.ge [sflag:s18], $0x2800  }
0x145: {  	s15 =	simm.s32 $0x0;
	[sflag:s18] =	ssyncset.done $0x0  }
0x146: {  	s17 =	simm.s32 $0x13000;
	s16 =	rddreg [dreg:$0x13];
	[sflag:s18] =	ssyncadd.s32 $0xFFFFD800  }
0x147: {  	[tilespmem:s17], [sflag:$0x11] =	stream.linear.gather [hbm4b:s16+s15], $0x2800, $0x38;
	[tilespmem:$0x1A810] =	vst v63  }
0x148: {  	_ =	swait.ge [sflag:s18], $0x2800  }
0x149: {  	[sflag:s18] =	ssyncset.done $0x0  }
0x14a: {  	s21 =	simm.s32 $0x15800;
	s19 =	rddreg [dreg:$0x14];
	[sflag:s18] =	ssyncadd.s32 $0xFFFFD800  }
0x14b: {  	[tilespmem:s21], [sflag:$0x11] =	stream.linear.gather [hbm4b:s19+s15], $0x10, $0x38;
	[tilespmem:$0x1A810] =	vst v63  }
0x14c: {  	_ =	swait.ge [sflag:s18], $0x10  }
0x14d: {  	[sflag:s18] =	ssyncset.done $0x0  }
0x14e: {  	[sflag:s18] =	ssyncadd.s32 $0xFFFFFFF0  }
0x14f: {  	s13 =	simm.s32 $0x0;
	v0 =	vld [tilespmem:$0x15800]  }
0x150: {  	s14 =	simm.s32 $0x40;
	v1 =	vld [tilespmem:s13+$0xE000]  }
.LBB2_4:
0x151: {  	p4 =	sne.s32 s14, $0x9FC0;
	v2 =	vld [tilespmem:s13+$0x10800];
	_ =	sdelay $0x1  }
0x152: {  	v3 =	vld [tilespmem:s13+$0x13000];
	_ =	sdelay $0x2  }
0x153: {  	v1 =	vadd.f32 v2, v1;
	_ =	sdelay $0x1  }
.Ltmp1:
0x154: {  	v1 =	vmul.f32 v1, v3;
	(pc) =	sbr.rel @p4 .LBB2_4-.Ltmp1, $4  }
0x155: {  	_ = 	snop  }
0x156: {  	v2 =	vadd.f32 v1, v0  }
0x157: {  	s1 =	sshra.s32 s14, $0x2  }
0x158: {  	s14 =	sadd.s32 $0x40, s14;
	v1 =	vld [tilespmem:s1+$0xE000];
	[tilespmem:s13+$0x10800] =	vst v2;
	s13 =	smov.u32 s1  }
0x159: {  	v2 =	vld [tilespmem:s13+$0x10800];
	_ =	sdelay $0x1  }
0x15a: {  	v3 =	vld [tilespmem:s13+$0x13000];
	_ =	sdelay $0x2  }
0x15b: {  	v1 =	vadd.f32 v2, v1;
	_ =	sdelay $0x1  }
0x15c: {  	v1 =	vmul.f32 v1, v3;
	_ =	sdelay $0x1  }
0x15d: {  	v0 =	vadd.f32 v1, v0;
	_ =	sdelay $0x1  }
0x15e: {  	s1 =	simm.s32 @!p0 $0x0;
	s4 =	simm.s32 @!p0 $0x10800;
	s5 =	rddreg [dreg:$0x18];
	[tilespmem:s13+$0x10800] =	vst v0  }
0x15f: {  	[hbm4b:s5+s1] =	stream.linear.scatter @!p0 [tilespmem:s4], [sflag:$0x11], $0x1900, $0x38;
	[tilespmem:$0x1A810] =	vst v63  }
0x160: {  	s1 =	simm.s32 @!p0 $0x11  }
0x161: {  	_ =	swait.ge @!p0 [sflag:s1], $0x1900  }
0x162: {  	s4 =	simm.s32 @!p1 $0x10800;
	[sflag:s1] =	ssyncset.done @!p0 $0x0  }
0x163: {  	s5 =	rddreg [dreg:$0x17];
	[sflag:s1] =	ssyncadd.s32 @!p0 $0xFFFFE700;
	s1 =	simm.s32 @!p1 $0x0  }
0x164: {  	[hbm4b:s5+s1] =	stream.linear.scatter @!p1 [tilespmem:s4], [sflag:$0x11], $0x2800, $0x38;
	[tilespmem:$0x1A810] =	vst v63  }
0x165: {  	s1 =	simm.s32 @!p1 $0x11  }
0x166: {  	_ =	swait.ge @!p1 [sflag:s1], $0x2800  }
0x167: {  	s4 =	simm.s32 @!p2 $0x10800;
	[sflag:s1] =	ssyncset.done @!p1 $0x0  }
0x168: {  	s5 =	rddreg [dreg:$0x16];
	[sflag:s1] =	ssyncadd.s32 @!p1 $0xFFFFD800;
	s1 =	simm.s32 @!p2 $0x0  }
0x169: {  	[hbm4b:s5+s1] =	stream.linear.scatter @!p2 [tilespmem:s4], [sflag:$0x11], $0x1900, $0x38;
	[tilespmem:$0x1A810] =	vst v63  }
0x16a: {  	s1 =	simm.s32 @!p2 $0x11  }
0x16b: {  	_ =	swait.ge @!p2 [sflag:s1], $0x1900  }
0x16c: {  	s4 =	simm.s32 @!p3 $0x10800;
	[sflag:s1] =	ssyncset.done @!p2 $0x0  }
0x16d: {  	s5 =	rddreg [dreg:$0x15];
	[sflag:s1] =	ssyncadd.s32 @!p2 $0xFFFFE700;
	s1 =	simm.s32 @!p3 $0x0  }
0x16e: {  	[hbm4b:s5+s1] =	stream.linear.scatter @!p3 [tilespmem:s4], [sflag:$0x11], $0x2800, $0x38;
	[tilespmem:$0x1A810] =	vst v63  }
0x16f: {  	s1 =	simm.s32 @!p3 $0x11  }
0x170: {  	_ =	swait.ge @!p3 [sflag:s1], $0x2800  }
0x171: {  	s12 =	sadd.s32 $0x1, s12;
	s21 =	rddreg [dreg:$0x19]  }
0x172: {  	p4 =	sne.s32 s12, s21  }
.Ltmp2:
0x173: {  	_ = 	snop;
	(pc) =	sbr.rel @p4 .LBB2_1-.Ltmp2, $3  }
0x174: {  	_ =	sdelay $0x1  }
0x175: {  	[sflag:s1] =	ssyncset.done @!p3 $0x0  }
0x176: {  	[sflag:s1] =	ssyncadd.s32 @!p3 $0xFFFFD800  }
0x177: {  	_ =	sfence.sel $0x180000  }
0x178: {  	[bflag:$0x0] =	sbarrier.arrive $0xFFFF  }
0x179: {  	_ =	strace $0x9000004D  }
0x17a: {  	s0 =	stileid.u32;
	[bflag:$0x2] =	sbarrier.arrive $0xFFFF  }
0x17b: {  	p0 =	sne.s32 s0, $0x0;
	s0 =	rddreg [dreg:$0x6]  }
0x17c: {  	s0 =	sadd.s32 @!p0 $0x100000, s0  }
0x17d: {  	[sflag:s0] =	ssyncadd.tile.s32 @!p0 $0x1;
	_ =	shalt  }
.Lfunc_end2:
_tile_overlayer_lowered:
.L_overlay_start_2:
0x17e: {  	(tag) =	ssettag $0x2  }
0x17f: {  	s0 =	rddreg [dreg:$0x0];
	s2 =	stileid.u32  }
0x180: {  	s1 =	rddreg [dreg:$0x1];
	p0 =	sne.s32 s2, $0x0  }
0x181: {  	s3 =	rddreg [dreg:$0x2];
	[bflag:$0x3] =	sbarrier.arrive $0xFFFF;
	s2 =	simm.s32 @!p0 $0x1C11  }
0x182: {  	[timem:s3], [sflag:s2] =	dma.local @!p0 [hbm:s0], s1  }
0x183: {  	s0 =	simm.s32 @!p0 $0x11  }
0x184: {  	_ =	swait.ge @!p0 [sflag:s0], s1  }
0x185: {  	s1 =	ssub.s32 @!p0 $0x0, s1;
	[sflag:s0] =	ssyncset.done @!p0 $0x0  }
0x186: {  	[sflag:s0] =	ssyncadd.s32 @!p0 s1  }
0x187: {  	[bflag:$0x3] =	sbarrier.arrive $0xFFFF  }
0x188: {  	_ =	shalt  }

// kernel: kernel.9.cloned.1.call-start
scs
__scs_entry_jumppad:
0x0: {  	(pc) =	sbr.rel $0x88, $3  }
0x1: {  	(tag) =	ssettag $0x0;
	lr =	simm.s32 $0x1  }
0x2: {  	[smem:$0x3F99] =	sst lr;
	_ =	strace $0xD0000000  }
0x3: {  	_ = 	snop  }
0x4: {  	_ = 	snop  }
0x5: {  	_ = 	snop  }
0x6: {  	_ = 	snop  }
0x7: {  	_ = 	snop  }
__scs_overlays_trampoline_lowered:
0x8: {  	[smem:$0x3FA8] =	sst s0  }
0x9: {  	[smem:$0x3FA9] =	sst s1  }
0xa: {  	[smem:$0x3FAA] =	sst s2  }
0xb: {  	[smem:$0x3FAB] =	sst s3  }
0xc: {  	[smem:$0x3FAC] =	sst s4  }
0xd: {  	[smem:$0x3FAD] =	sst s5  }
0xe: {  	[smem:$0x3FAE] =	sst s6  }
0xf: {  	[smem:$0x3FAF] =	sst s7  }
0x10: {  	[smem:$0x3FB0] =	sst s8  }
0x11: {  	[smem:$0x3FB1] =	sst s9;
	s0 =	simm.s32 @!p0 $0x0  }
0x12: {  	s1 =	sld [smem:$0x3F97];
	s0 =	simm.s32 @p0 $0x1  }
0x13: {  	[smem:$0x3FB2] =	sst s0;
	s0 =	simm.s32 @!p1 $0x0  }
0x14: {  	s2 =	sld [smem:$0x3F96];
	s0 =	simm.s32 @p1 $0x1  }
0x15: {  	[smem:$0x3FB3] =	sst s0;
	s0 =	simm.s32 @!p2 $0x0  }
0x16: {  	s3 =	sld [smem:$0x3FDB];
	s0 =	simm.s32 @p2 $0x1  }
0x17: {  	s4 =	simm.s32 $0x1BF5;
	[smem:$0x3FB5] =	sst s0  }
0x18: {  	s0 =	sld [smem:$0x3F98];
	_ =	swait.ge [sflag:s4], $0x0  }
0x19: {  	s7 =	sld [smem:$0x3F99]  }
0x1a: {  	s8 =	sadd.s32 $0xFFFFE003, lr  }
0x1b: {  	s9 =	sadd.s32 $0xFFFFFEF7, lr;
	s5 =	simm.s32 $0xFFFFFFFF;
	p2 =	slt.u32 s8, $0xFFFFF086  }
0x1c: {  	p1 =	slt.u32 s9, $0xF7A;
	s5 =	simm.s32 @!p2 $0x0  }
0x1d: {  	s5 =	simm.s32 @p1 $0x1;
	p0 =	seq.s32 s7, s2  }
0x1e: {  	s7 =	smul.u32 @!p0 $0xF7A, s2;
	p2 =	seq.s32 @!p0 s5, $0x0  }
0x1f: {  	s9 =	smul.u32 $0xF7A, s1;
	s8 =	simm.s32 @!p0 $0x1BF5;
	p2 =	por !p2, p0  }
0x20: {  	[sflag:s8] =	ssyncset.s32 @!p0 $0xFFFFF086;
	s6 =	sadd.s32 @!p0 s3, s7;
	s7 =	simm.s32 @!p0 $0x108  }
0x21: {  	s3 =	sadd.s32 s3, s9;
	s6 =	sadd.s32 @!p0 $0x88, s6;
	s7 =	simm.s32 @p2 $0x1082  }
0x22: {  	[simem:s7], [sflag:s8] =	dma.local @!p0 [hbm:s6], $0xF7A  }
0x23: {  	s9 =	sor.u32 $0xD0000000, s2;
	s6 =	simm.s32 $0x108;
	_ =	swait.ge @!p0 [sflag:s8], $0x0  }
0x24: {  	s3 =	sadd.s32 $0x88, s3;
	s6 =	simm.s32 @!p1 $0x1082;
	[sflag:s4] =	ssyncset.s32 $0xFFFFF086  }
0x25: {  	[simem:s6], [sflag:s4] =	dma.local [hbm:s3], $0xF7A  }
0x26: {  	[smem:$0x3F99] =	sst s1;
	(tag) =	ssettag s2;
	_ =	strace s9  }
0x27: {  	s1 =	sld [smem:$0x3FA9]  }
0x28: {  	s2 =	sld [smem:$0x3FAA]  }
0x29: {  	s4 =	sld [smem:$0x3FAC]  }
0x2a: {  	p0 =	seq.s32 s5, $0x0;
	s5 =	sld [smem:$0x3FAD]  }
0x2b: {  	s6 =	sld [smem:$0x3FAE]  }
0x2c: {  	s7 =	sld [smem:$0x3FAF]  }
0x2d: {  	s3 =	simm.s32 $0x108;
	s8 =	sld [smem:$0x3FB0]  }
0x2e: {  	s3 =	simm.s32 @!p0 $0x1082;
	s9 =	sld [smem:$0x3FB1]  }
0x2f: {  	lr =	sadd.s32 s0, s3;
	s0 =	sld [smem:$0x3FA8]  }
0x30: {  	s3 =	sld [smem:$0x3FAB]  }
0x31: {  	[smem:$0x3FB4] =	sst s10  }
0x32: {  	s10 =	sld [smem:$0x3FB2];
	_ =	sdelay $0x3  }
0x33: {  	p0 =	seq.s32 s10, $0x1;
	s10 =	sld [smem:$0x3FB4];
	_ =	sdelay $0x3  }
0x34: {  	[smem:$0x3FB4] =	sst s10  }
0x35: {  	s10 =	sld [smem:$0x3FB3];
	_ =	sdelay $0x3  }
0x36: {  	p1 =	seq.s32 s10, $0x1;
	s10 =	sld [smem:$0x3FB4];
	_ =	sdelay $0x3  }
0x37: {  	[smem:$0x3FB4] =	sst s10  }
0x38: {  	s10 =	sld [smem:$0x3FB5]  }
0x39: {  	_ = 	snop;
	(pc) =	sbr.ind lr, $3  }
0x3a: {  	_ = 	snop  }
0x3b: {  	_ = 	snop  }
0x3c: {  	p2 =	seq.s32 s10, $0x1;
	s10 =	sld [smem:$0x3FB4]  }
0x3d: {  	_ =	shalt  }
0x3e: {  	_ =	shalt  }
0x3f: {  	_ =	shalt  }
0x40: {  	_ =	shalt  }
0x41: {  	_ =	shalt  }
0x42: {  	_ =	shalt  }
0x43: {  	_ =	shalt  }
0x44: {  	_ =	shalt  }
0x45: {  	_ =	shalt  }
0x46: {  	_ =	shalt  }
0x47: {  	_ =	shalt  }
0x48: {  	_ =	shalt  }
0x49: {  	_ =	shalt  }
0x4a: {  	_ =	shalt  }
0x4b: {  	_ =	shalt  }
0x4c: {  	_ =	shalt  }
0x4d: {  	_ =	shalt  }
0x4e: {  	_ =	shalt  }
0x4f: {  	_ =	shalt  }
0x50: {  	_ =	shalt  }
0x51: {  	_ =	shalt  }
0x52: {  	_ =	shalt  }
0x53: {  	_ =	shalt  }
0x54: {  	_ =	shalt  }
0x55: {  	_ =	shalt  }
0x56: {  	_ =	shalt  }
0x57: {  	_ =	shalt  }
0x58: {  	_ =	shalt  }
0x59: {  	_ =	shalt  }
0x5a: {  	_ =	shalt  }
0x5b: {  	_ =	shalt  }
0x5c: {  	_ =	shalt  }
0x5d: {  	_ =	shalt  }
0x5e: {  	_ =	shalt  }
0x5f: {  	_ =	shalt  }
0x60: {  	_ =	shalt  }
0x61: {  	_ =	shalt  }
0x62: {  	_ =	shalt  }
0x63: {  	_ =	shalt  }
0x64: {  	_ =	shalt  }
0x65: {  	_ =	shalt  }
0x66: {  	_ =	shalt  }
0x67: {  	_ =	shalt  }
0x68: {  	_ =	shalt  }
0x69: {  	_ =	shalt  }
0x6a: {  	_ =	shalt  }
0x6b: {  	_ =	shalt  }
0x6c: {  	_ =	shalt  }
0x6d: {  	_ =	shalt  }
0x6e: {  	_ =	shalt  }
0x6f: {  	_ =	shalt  }
0x70: {  	_ =	shalt  }
0x71: {  	_ =	shalt  }
0x72: {  	_ =	shalt  }
0x73: {  	_ =	shalt  }
0x74: {  	_ =	shalt  }
0x75: {  	_ =	shalt  }
0x76: {  	_ =	shalt  }
0x77: {  	_ =	shalt  }
0x78: {  	_ =	shalt  }
0x79: {  	_ =	shalt  }
0x7a: {  	_ =	shalt  }
0x7b: {  	_ =	shalt  }
0x7c: {  	_ =	shalt  }
0x7d: {  	_ =	shalt  }
0x7e: {  	_ =	shalt  }
0x7f: {  	_ =	shalt  }
0x80: {  	_ =	shalt  }
0x81: {  	_ =	shalt  }
0x82: {  	_ =	shalt  }
0x83: {  	_ =	shalt  }
0x84: {  	_ =	shalt  }
0x85: {  	_ =	shalt  }
0x86: {  	_ =	shalt  }
0x87: {  	_ =	shalt  }
.Lfunc_end0:
.L_simem_size_0:
called_computation_lowered:
.L_overlay_start_0:
0x88: {  	s2 =	sld [smem:$0x3FD9]  }
0x89: {  	s3 =	sld [smem:$0x3FFE];
	_ =	sdelay $0x1  }
0x8a: {  	s1 =	srdreg.scid  }
0x8b: {  	s0 =	sand.u32 $0x1, s1  }
0x8c: {  	s14 =	sshll.u32 s0, $0xA;
	s2 =	sadd.s32 s3, s2  }
0x8d: {  	s2 =	sadd.s32 s2, s14  }
0x8e: {  	[smem:$0x3FC0] =	sst s2  }
0x8f: {  	_ = 	snop  }
0x90: {  	s2 =	sld [smem:$0x3FD0];
	_ =	sdelay $0x2  }
0x91: {  	s15 =	simm.s32 $0xA;
	s4 =	simm.s32 $0x10  }
0x92: {  	[smem:s4], [sflag:s15] =	dma.local [hbm:s2], $0x1  }
0x93: {  	_ =	swait.eq [sflag:s15], $0x1  }
0x94: {  	s16 =	sld [smem:$0x10];
	[sflag:s15] =	ssyncset.done $0x0  }
0x95: {  	s17 =	sld [smem:$0x11];
	[sflag:s15] =	ssyncadd.s32 $0xFFFFFFFF  }
0x96: {  	s18 =	sld [smem:$0x12];
	(tm) =	ssettm $0x1  }
0x97: {  	s5 =	sld [smem:$0x3FFB];
	_ =	sdelay $0x3  }
0x98: {  	_ =	strace s5  }
0x99: {  	s5 =	sld [smem:$0x3FFC];
	_ =	sdelay $0x3  }
0x9a: {  	_ =	strace s5  }
0x9b: {  	s5 =	sld [smem:$0x3FFD];
	_ =	sdelay $0x3  }
0x9c: {  	_ =	strace s5  }
0x9d: {  	_ =	strace $0x8FFFFFFF  }
0x9e: {  	s19 =	sld [smem:$0x3FDB];
	_ =	sdelay $0x1  }
0x9f: {  	s6 =	simm.s32 $_scs_section_size  }
0xa0: {  	s7 =	simm.s32 $_size__tile_overlayer_lowered;
	s8 =	simm.s32 $_tile_overlayer_lowered  }
0xa1: {  	s22 =	simm.s32 $0x1BFF;
	s21 =	sshll.u32 s8, $0x1;
	s5 =	sadd.s32 s6, s19  }
0xa2: {  	s9 =	simm.s32 $0x0;
	s20 =	sshll.u32 s7, $0x1;
	s7 =	sadd.s32 s21, s5  }
0xa3: {  	[timem:s9], [sflag:s22] =	dma.local [hbm:s7], s20  }
0xa4: {  	_ =	swait.ge [sflag:s22], s20  }
0xa5: {  	s6 =	ssub.s32 $0x0, s20;
	[sflag:s22] =	ssyncset.done $0x0  }
0xa6: {  	[sflag:s22] =	ssyncadd.s32 s6;
	_ =	sdelay $0x1  }
0xa7: {  	s23 =	simm.s32 $0x1B8B  }
0xa8: {  	_ =	swait.ge [sflag:s23], $0x1  }
0xa9: {  	[sflag:s23] =	ssyncset.done $0x0  }
0xaa: {  	s25 =	simm.s32 $0x1B8E;
	s24 =	sld [smem:$0x3FFE];
	[sflag:s23] =	ssyncadd.s32 $0xFFFFFFFF  }
0xab: {  	s26 =	simm.s32 $execute0_lowered;
	[smem:$0x3FD2] =	sst s25  }
0xac: {  	s7 =	sshll.u32 s26, $0x1;
	_ =	strace $0x80000046;
	[dreg:$0x1] =	wrdreg $0xFFFFFFFF  }
0xad: {  	s28 =	simm.s32 $_size_execute0_lowered;
	s5 =	sadd.s32 s5, s7;
	[dreg:$0x0] =	wrdreg $0x0  }
0xae: {  	s7 =	sshll.u32 s28, $0x1;
	[dreg:$0x2] =	wrdreg s5  }
0xaf: {  	[dreg:$0x3] =	wrdreg s7  }
0xb0: {  	[dreg:$0x4] =	wrdreg $0xC0  }
0xb1: {  	_ =	task [dreg:s9], $0x5FFFF  }
0xb2: {  	[dreg:$0x1] =	wrdreg $0xFFFFFFFF  }
0xb3: {  	[dreg:$0x0] =	wrdreg $0x60  }
0xb4: {  	[dreg:$0x2] =	wrdreg s24  }
0xb5: {  	[dreg:$0x3] =	wrdreg s17  }
0xb6: {  	[dreg:$0x4] =	wrdreg s18  }
0xb7: {  	[dreg:$0x5] =	wrdreg s16  }
0xb8: {  	[dreg:$0x6] =	wrdreg $0x2C000  }
0xb9: {  	[dreg:$0x7] =	wrdreg $0x9  }
0xba: {  	_ =	task.clear_ibuf [dreg:s9], $0x8FFFF;
	_ =	strace $0x90000046  }
0xbb: {  	s29 =	simm.s32 $0x9;
	_ =	strace $0x80000048  }
0xbc: {  	_ =	swait.ge [sflag:s29], $0x1  }
0xbd: {  	[sflag:s29] =	ssyncadd.s32 $0xFFFFFFFF  }
0xbe: {  	_ =	strace $0x90000048  }
0xbf: {  	_ =	sfence  }
0xc0: {  	s30 =	sld [smem:$0x0];
	_ =	sdelay $0x2  }
0xc1: {  	s31 =	sshll.u32 s1, $0xD;
	s1 =	sshrl.u32 s1, $0x2  }
0xc2: {  	s3 =	sand.u32 $0x4000, s31;
	s1 =	sadd.s32 s1, s30  }
0xc3: {  	s0 =	sor.u32 s3, s0;
	s1 =	sshll.u32 s1, $0x11  }
0xc4: {  	s0 =	sor.u32 s1, s0  }
0xc5: {  	s0 =	sadd.s32 $0x8F2B, s0  }
0xc6: {  	[sflag:s0] =	ssyncadd.remote.s32 $0x1  }
0xc7: {  	_ =	sfence.sel $0xFFFF  }
0xc8: {  	[dreg:$0x0] =	wrdreg $0xFFFFFFFF;
	(pc) =	sbr.abs _section_cstart, $3  }
0xc9: {  	[dreg:$0x1] =	wrdreg $0xFFFFFFFF  }
0xca: {  	_ =	task.clear_ibuf [dreg:s9], $0x2FFFF;
	_ =	strace $0x9FFFFFFF  }
0xcb: {  	(tm) =	ssettm $0x7FFFFFFF  }
tec
execute0_lowered:
.L_overlay_start_1:
0x0: {  	(tag) =	ssettag $0x1  }
0x1: {  	s5 =	rddreg [dreg:$0x0]  }
0x2: {  	s1 =	rddreg [dreg:$0x1]  }
0x3: {  	s6 =	rddreg [dreg:$0x2]  }
0x4: {  	s2 =	srdreg.scid;
	s8 =	rddreg [dreg:$0x3]  }
0x5: {  	s0 =	stileid.u32;
	s3 =	rddreg [dreg:$0x4]  }
0x6: {  	s4 =	simm.s32 $0x0;
	s13 =	simm.s32 $0x80;
	s14 =	simm.s32 $0x1  }
0x7: {  	s15 =	simm.s32 $0x0;
	s7 =	sand.u32 $0x1, s2;
	s26 =	sshll.u32 s0, $0x1  }
0x8: {  	s10 =	smul.u32 $0x1400, s0;
	[smem:$0x7FF] =	sst s4;
	s31 =	sshll.u32 s0, $0x6  }
0x9: {  	s2 =	sor.u32 s7, s26;
	s11 =	ssub.s32 $0x2, s7;
	s7 =	smul.u32 $0x14000, s7  }
0xa: {  	s9 =	smul.u32 $0x500, s2;
	s2 =	rddreg [dreg:$0x5];
	_ =	strace $0x80000047  }
0xb: {  	s12 =	sshrl.u32 s11, $0x1;
	s29 =	sshrl.u32 s10, $0x3;
	s30 =	sadd.s32 s10, s3  }
0xc: {  	s28 =	ssub.s32 s11, s12;
	s7 =	sadd.s32 s10, s7;
	s6 =	sadd.s32 s6, s29  }
0xd: {  	s10 =	simm.s32 $0x2800;
	s11 =	sor.u32 $0x1C02, s31;
	s12 =	sshrl.u32 s30, $0x3  }
0xe: {  	s5 =	sadd.s32 s9, s5;
	s7 =	sshrl.u32 s7, $0x3;
	s9 =	simm.s32 $0x2  }
0xf: {  	s5 =	sadd.s32 $0x2800, s5;
	s7 =	sadd.s32 s8, s7;
	s8 =	smax.u32 s28, $0x1  }
.LBB2_1:
0x10: {  	[tilespmem:s4], [sflag:$0x2] =	stream.linear.gather [hbm4b:s5+s4], $0x2800, $0x38;
	[tilespmem:$0x4000] =	vst v63  }
0x11: {  	_ =	swait.ge [sflag:s9], $0x2800  }
0x12: {  	[sflag:s9] =	ssyncset.done $0x0  }
0x13: {  	[sflag:s9] =	ssyncadd.s32 $0xFFFFD800  }
0x14: {  	[tilespmem:s10], [sflag:$0x2] =	stream.linear.gather [hbm4b:s1+s4], $0x400, $0x38;
	[tilespmem:$0x4000] =	vst v63  }
0x15: {  	_ =	swait.ge [sflag:s9], $0x400  }
0x16: {  	[sflag:s9] =	ssyncset.done $0x0  }
0x17: {  	[sflag:s9] =	ssyncadd.s32 $0xFFFFFC00  }
0x18: {  	[spmem:s12], [sflag:s11] =	dma.local [hbm:s6], $0x280  }
0x19: {  	_ =	swait.ge [sflag:s9], $0x280  }
0x1a: {  	[sflag:s9] =	ssyncset.done $0x0  }
0x1b: {  	[sflag:s9] =	ssyncadd.s32 $0xFFFFFD80  }
0x1c: {  	s16 =	simm.s32 $0x0;
	[bflag:$0x0] =	sbarrier.arrive $0xFFFF  }
.LBB2_2:
0x1d: {  	p0 =	sne.s32 s16, $0x9E00  }
.Ltmp0:
0x1e: {  	_ = 	snop;
	(pc) =	sbr.rel @p0 .LBB2_2-.Ltmp0, $3  }
0x1f: {  	_ =	sdelay $0x1  }
0x20: {  	s17 =	sshra.s32 s16, $0x2;
	s16 =	sadd.s32 $0x200, s16  }
0x21: {  	[spmem:s3] =	stream.indirect.scatter.add.f32 [tilespmem:s10], [sflag:$0x1], $0x8, s17, s13, $0xb8;
	[tilespmem:$0x4000] =	vst v63  }
0x22: {  	_ =	swait.ge [sflag:s14], $0x400  }
0x23: {  	s16 =	simm.s32 $0x4F;
	[sflag:s14] =	ssyncset.done $0x0  }
.LBB2_4:
0x24: {  	p0 =	sne.s32 s16, $0x1;
	s16 =	sadd.s32 $0xFFFFFFFF, s16;
	[sflag:s14] =	ssyncadd.s32 $0xFFFFFC00  }
.Ltmp1:
0x25: {  	(pc) =	sbr.rel @p0 .LBB2_4-.Ltmp1, $3  }
0x26: {  	_ =	sdelay $0x1  }
0x27: {  	_ =	swait.ge [sflag:s14], $0x400  }
0x28: {  	[sflag:s14] =	ssyncset.done $0x0  }
0x29: {  	s15 =	sadd.s32 $0x1, s15  }
0x2a: {  	[sflag:s14] =	ssyncadd.s32 $0xFFFFFC00;
	p0 =	sne.s32 s15, s8  }
.Ltmp2:
0x2b: {  	[bflag:$0x0] =	sbarrier.arrive $0xFFFF;
	(pc) =	sbr.rel @p0 .LBB2_1-.Ltmp2, $4  }
0x2c: {  	[hbm:s7], [sflag:s11] =	dma.local [spmem:s12], $0x280  }
0x2d: {  	_ =	swait.ge [sflag:s9], $0x280  }
0x2e: {  	[sflag:s9] =	ssyncset.done $0x0  }
0x2f: {  	[sflag:s9] =	ssyncadd.s32 $0xFFFFFD80  }
0x30: {  	_ =	sfence.sel $0x180000  }
0x31: {  	[bflag:$0x0] =	sbarrier.arrive $0xFFFF  }
0x32: {  	p0 =	sne.s32 s0, $0x0;
	_ =	strace $0x90000047  }
0x33: {  	s0 =	sadd.s32 @!p0 $0x100000, s2;
	[bflag:$0x2] =	sbarrier.arrive $0xFFFF  }
0x34: {  	[sflag:s0] =	ssyncadd.tile.s32 @!p0 $0x1;
	_ =	shalt  }
.Lfunc_end2:
_tile_overlayer_lowered:
.L_overlay_start_2:
0x35: {  	(tag) =	ssettag $0x2  }
0x36: {  	s0 =	rddreg [dreg:$0x0];
	s2 =	stileid.u32  }
0x37: {  	s1 =	rddreg [dreg:$0x1];
	p0 =	sne.s32 s2, $0x0  }
0x38: {  	s3 =	rddreg [dreg:$0x2];
	[bflag:$0x3] =	sbarrier.arrive $0xFFFF;
	s2 =	simm.s32 @!p0 $0x1C02  }
0x39: {  	[timem:s3], [sflag:s2] =	dma.local @!p0 [hbm:s0], s1  }
0x3a: {  	s0 =	simm.s32 @!p0 $0x2  }
0x3b: {  	_ =	swait.ge @!p0 [sflag:s0], s1  }
0x3c: {  	s1 =	ssub.s32 @!p0 $0x0, s1;
	[sflag:s0] =	ssyncset.done @!p0 $0x0  }
0x3d: {  	[sflag:s0] =	ssyncadd.s32 @!p0 s1  }
0x3e: {  	[bflag:$0x3] =	sbarrier.arrive $0xFFFF  }
0x3f: {  	_ =	shalt  }

</sc_bundles>
